<compile_context>
chip_gen: v7x
topology: tpu7x:2x2x1
jax: 0.10.2.dev20260603
libtpu: 0.0.44.dev20260713+nightly
codegen_flags: <defaults>
</compile_context>

<pallas_src>
import functools

import jax
import jax.numpy as jnp
from jax import lax
from jax.experimental import pallas as pl
from jax.experimental.pallas import tpu as pltpu
from jax.experimental.pallas import tpu_sc as plsc

NC = 2
NS = 16
NW = NC * NS

NBUF = 4
K = 2


@functools.partial(jax.jit, static_argnames=("batch", "hist", "emb_dim"))
def _gather_rows(tok_t, weight, *, batch, hist, emb_dim):
    bpw = batch // NW

    mesh = plsc.VectorSubcoreMesh(core_axis_name="c", subcore_axis_name="s")

    @functools.partial(
        pl.kernel,
        mesh=mesh,
        compiler_params=pltpu.CompilerParams(use_tc_tiling_on_sc=False),
        out_type=jax.ShapeDtypeStruct((batch, hist * emb_dim), jnp.float32),
        scratch_types=[
            pltpu.VMEM((hist, bpw), jnp.int32),
            pltpu.VMEM((NBUF, bpw, emb_dim), jnp.float32),
            pltpu.SemaphoreType.DMA,
            pltpu.SemaphoreType.DMA,
        ],
    )
    def k(tok_hbm, table_hbm, out_hbm, idx_hv, rows_v, gsem, ssem):
        wid = lax.axis_index("s") * NC + lax.axis_index("c")
        b0 = wid * bpw
        pltpu.sync_copy(tok_hbm.at[:, pl.ds(b0, bpw)], idx_hv)

        def gather(h):
            return pltpu.make_async_copy(
                table_hbm.at[idx_hv.at[h]], rows_v.at[h % NBUF], gsem)

        def store(h):
            return pltpu.make_async_copy(
                rows_v.at[h % NBUF],
                out_hbm.at[pl.ds(b0, bpw), pl.ds(h * emb_dim, emb_dim)],
                ssem)

        for t in range(K):
            gather(t).start()
        for h in range(hist):
            gather(h).wait()
            store(h).start()
            f = h + K
            if f < hist:
                if f >= NBUF:
                    store(f - NBUF).wait()
                gather(f).start()
        for h in range(max(hist - NBUF, 0), hist):
            store(h).wait()

    return k(tok_t, weight)


def kernel(token, weight):
    batch, hist = token.shape
    vocab, emb_dim = weight.shape
    out2 = _gather_rows(token.T, weight, batch=batch, hist=hist,
                        emb_dim=emb_dim)
    return out2.reshape(batch, hist, emb_dim)

# --- scband reference (transcript-rebuilt; emitter-appended) ---
"""Pipeline reference for scband-embedding-8942121910325 (READ-ONLY COPY).

The authoritative reference and input builder live on the scoring server;
editing this copy changes nothing except your own understanding.
"""

import jax, jax.numpy as jnp
import numpy as np

VOCAB = 1000000
EMB_DIM = 64
BATCH = 4096
HIST = 50

def setup_inputs(seed: int = 0) -> dict:
    key = jax.random.key(seed)
    k_tok, k_w = jax.random.split(key)
    token = jax.random.randint(k_tok, (BATCH, HIST), 0, VOCAB, dtype=jnp.int64 if jax.config.read('jax_enable_x64') else jnp.int32)
    weight = jax.random.normal(k_w, (VOCAB, EMB_DIM), dtype=jnp.float32) * 0.02
    return {"token": token, "weight": weight}

def reference(token, weight):
    # nn.Embedding forward: gather rows of weight by token ids
    return jnp.take(weight, token, axis=0)

if __name__ == "__main__":
    import jax
    _d = setup_inputs()
    print(jax.jit(kernel)(*tuple(_d.values())))

</pallas_src>

<mosaic_0001>
#map = affine_map<(d0, d1) -> (0, 0)>
module attributes {stable_mosaic.version = 14 : i64} {
  func.func @k(%arg0: i32, %arg1: i32, %arg2: memref<50x4096xi32, #tpu.memory_space<hbm>>, %arg3: memref<1000000x64xf32, #tpu.memory_space<hbm>>, %arg4: memref<4096x3200xf32, #tpu.memory_space<hbm>>, %arg5: memref<50x128xi32, #tpu.memory_space<vmem>>, %arg6: memref<4x128x64xf32, #tpu.memory_space<vmem>>, %arg7: memref<!tpu.dma_semaphore, #tpu.memory_space<semaphore_mem>>, %arg8: memref<!tpu.dma_semaphore, #tpu.memory_space<semaphore_mem>>) attributes {dimension_semantics = [#tpu.dimension_semantics<core_parallel>, #tpu.dimension_semantics<subcore_parallel>], iteration_bounds = array<i64: 2, 16>, scalar_prefetch = 0 : i64, scratch_operands = 4 : i64, tpu.core_type = #tpu.core_type<sc_vector_subcore>, window_params = [{transform_indices = #map}, {transform_indices = #map}, {transform_indices = #map}]} {
    %mul3A = arith.constant 2 : i32
    %mul3A_0 = arith.muli %arg1, %mul3A : i32
    %add3A = arith.addi %mul3A_0, %arg0 : i32
    %mul3A_1 = arith.constant 128 : i32
    %mul3A_2 = arith.muli %add3A, %mul3A_1 : i32
    "tpu.region"() ({
      %run_scoped3A = tpu.sem_alloc : memref<!tpu.dma_semaphore, #tpu.memory_space<semaphore_mem>>
      %dma_start3A_2501 = arith.constant 0 : i32
      %dma_start3A_2502 = tpu.memref_slice %arg2[%dma_start3A_2501, %mul3A_2] : memref<50x4096xi32, #tpu.memory_space<hbm>> -> memref<50x128xi32, #tpu.memory_space<hbm>>
      %dma_start3A_2503 = arith.constant 0 : i32
      %dma_start3A_2504 = tpu.memref_slice %arg2[%dma_start3A_2503, %mul3A_2] : memref<50x4096xi32, #tpu.memory_space<hbm>> -> memref<50x128xi32, #tpu.memory_space<hbm>>
      tpu.enqueue_dma source(%dma_start3A_2504 : memref<50x128xi32, #tpu.memory_space<hbm>>) target(%arg5 : memref<50x128xi32, #tpu.memory_space<vmem>>) target_semaphore(%run_scoped3A : memref<!tpu.dma_semaphore, #tpu.memory_space<semaphore_mem>>)
      %dma_wait3A_2505 = arith.constant 0 : i32
      %dma_wait3A_2506 = tpu.memref_slice %arg2[%dma_wait3A_2505, %mul3A_2] : memref<50x4096xi32, #tpu.memory_space<hbm>> -> memref<50x128xi32, #tpu.memory_space<hbm>>
      %dma_wait3A_2507 = arith.constant 0 : i32
      %dma_wait3A_2508 = tpu.memref_slice %arg2[%dma_wait3A_2507, %mul3A_2] : memref<50x4096xi32, #tpu.memory_space<hbm>> -> memref<50x128xi32, #tpu.memory_space<hbm>>
      tpu.wait_dma2 semaphore(%run_scoped3A : memref<!tpu.dma_semaphore, #tpu.memory_space<semaphore_mem>>) src(%dma_wait3A_2508 : memref<50x128xi32, #tpu.memory_space<hbm>>) dst(%arg5 : memref<50x128xi32, #tpu.memory_space<vmem>>)
      tpu.yield
    }) : () -> ()
    %dma_start3A = arith.constant 0 : i32
    %dma_start3A_3 = arith.constant 0 : i32
    %dma_start3A_4 = arith.constant 0 : i32
    %dma_start3A_5 = arith.constant 0 : i32
    %dma_start3A_6 = tpu.memref_slice %arg6[%dma_start3A_3, %dma_start3A_4, %dma_start3A_5] : memref<4x128x64xf32, #tpu.memory_space<vmem>> -> memref<1x128x64xf32, #tpu.memory_space<vmem>>
    %dma_start3A_7 = tpu.memref_squeeze %dma_start3A_6 : memref<1x128x64xf32, #tpu.memory_space<vmem>> -> memref<128x64xf32, #tpu.memory_space<vmem>>
    %dma_start3A_8 = arith.constant 0 : i32
    %dma_start3A_9 = tpu.memref_slice %arg5[%dma_start3A, %dma_start3A_8] : memref<50x128xi32, #tpu.memory_space<vmem>> -> memref<1x128xi32, #tpu.memory_space<vmem>>
    %dma_start3A_10 = tpu.memref_squeeze %dma_start3A_9 : memref<1x128xi32, #tpu.memory_space<vmem>> -> memref<128xi32, #tpu.memory_space<vmem>>
    %dma_start3A_11 = arith.constant 0 : i32
    %dma_start3A_12 = arith.constant 0 : i32
    %dma_start3A_13 = tpu.memref_slice %arg3[%dma_start3A_11, %dma_start3A_12] : memref<1000000x64xf32, #tpu.memory_space<hbm>> -> memref<1000000x64xf32, #tpu.memory_space<hbm>>
    tpu.enqueue_indirect_dma source(%dma_start3A_13 : memref<1000000x64xf32, #tpu.memory_space<hbm>>) target(%dma_start3A_7 : memref<128x64xf32, #tpu.memory_space<vmem>>) offsets(%dma_start3A_10 : memref<128xi32, #tpu.memory_space<vmem>>) semaphore(%arg7 : memref<!tpu.dma_semaphore, #tpu.memory_space<semaphore_mem>>)
    %dma_start3A_14 = arith.constant 1 : i32
    %dma_start3A_15 = arith.constant 1 : i32
    %dma_start3A_16 = arith.constant 0 : i32
    %dma_start3A_17 = arith.constant 0 : i32
    %dma_start3A_18 = tpu.memref_slice %arg6[%dma_start3A_15, %dma_start3A_16, %dma_start3A_17] : memref<4x128x64xf32, #tpu.memory_space<vmem>> -> memref<1x128x64xf32, #tpu.memory_space<vmem>>
    %dma_start3A_19 = tpu.memref_squeeze %dma_start3A_18 : memref<1x128x64xf32, #tpu.memory_space<vmem>> -> memref<128x64xf32, #tpu.memory_space<vmem>>
    %dma_start3A_20 = arith.constant 0 : i32
    %dma_start3A_21 = tpu.memref_slice %arg5[%dma_start3A_14, %dma_start3A_20] : memref<50x128xi32, #tpu.memory_space<vmem>> -> memref<1x128xi32, #tpu.memory_space<vmem>>
    %dma_start3A_22 = tpu.memref_squeeze %dma_start3A_21 : memref<1x128xi32, #tpu.memory_space<vmem>> -> memref<128xi32, #tpu.memory_space<vmem>>
    %dma_start3A_23 = arith.constant 0 : i32
    %dma_start3A_24 = arith.constant 0 : i32
    %dma_start3A_25 = tpu.memref_slice %arg3[%dma_start3A_23, %dma_start3A_24] : memref<1000000x64xf32, #tpu.memory_space<hbm>> -> memref<1000000x64xf32, #tpu.memory_space<hbm>>
    tpu.enqueue_indirect_dma source(%dma_start3A_25 : memref<1000000x64xf32, #tpu.memory_space<hbm>>) target(%dma_start3A_19 : memref<128x64xf32, #tpu.memory_space<vmem>>) offsets(%dma_start3A_22 : memref<128xi32, #tpu.memory_space<vmem>>) semaphore(%arg7 : memref<!tpu.dma_semaphore, #tpu.memory_space<semaphore_mem>>)
    %dma_wait3A = arith.constant 0 : i32
    %dma_wait3A_26 = arith.constant 0 : i32
    %dma_wait3A_27 = arith.constant 0 : i32
    %dma_wait3A_28 = arith.constant 0 : i32
    %dma_wait3A_29 = tpu.memref_slice %arg6[%dma_wait3A_26, %dma_wait3A_27, %dma_wait3A_28] : memref<4x128x64xf32, #tpu.memory_space<vmem>> -> memref<1x128x64xf32, #tpu.memory_space<vmem>>
    %dma_wait3A_30 = tpu.memref_squeeze %dma_wait3A_29 : memref<1x128x64xf32, #tpu.memory_space<vmem>> -> memref<128x64xf32, #tpu.memory_space<vmem>>
    %dma_wait3A_31 = arith.constant 0 : i32
    %dma_wait3A_32 = tpu.memref_slice %arg5[%dma_wait3A, %dma_wait3A_31] : memref<50x128xi32, #tpu.memory_space<vmem>> -> memref<1x128xi32, #tpu.memory_space<vmem>>
    %dma_wait3A_33 = tpu.memref_squeeze %dma_wait3A_32 : memref<1x128xi32, #tpu.memory_space<vmem>> -> memref<128xi32, #tpu.memory_space<vmem>>
    %dma_wait3A_34 = arith.constant 0 : i32
    %dma_wait3A_35 = arith.constant 0 : i32
    %dma_wait3A_36 = tpu.memref_slice %arg3[%dma_wait3A_34, %dma_wait3A_35] : memref<1000000x64xf32, #tpu.memory_space<hbm>> -> memref<1000000x64xf32, #tpu.memory_space<hbm>>
    tpu.wait_indirect_dma semaphore(%arg7 : memref<!tpu.dma_semaphore, #tpu.memory_space<semaphore_mem>>) src(%dma_wait3A_36 : memref<1000000x64xf32, #tpu.memory_space<hbm>>) dst(%dma_wait3A_30 : memref<128x64xf32, #tpu.memory_space<vmem>>)
    %dma_start3A_37 = arith.constant 0 : i32
    %dma_start3A_38 = arith.constant 0 : i32
    %dma_start3A_39 = arith.constant 0 : i32
    %dma_start3A_40 = tpu.memref_slice %arg6[%dma_start3A_37, %dma_start3A_38, %dma_start3A_39] : memref<4x128x64xf32, #tpu.memory_space<vmem>> -> memref<1x128x64xf32, #tpu.memory_space<vmem>>
    %dma_start3A_41 = tpu.memref_squeeze %dma_start3A_40 : memref<1x128x64xf32, #tpu.memory_space<vmem>> -> memref<128x64xf32, #tpu.memory_space<vmem>>
    %dma_start3A_42 = arith.constant 0 : i32
    %dma_start3A_43 = tpu.memref_slice %arg4[%mul3A_2, %dma_start3A_42] : memref<4096x3200xf32, #tpu.memory_space<hbm>> -> memref<128x64xf32, #tpu.memory_space<hbm>>
    %dma_start3A_44 = arith.constant 0 : i32
    %dma_start3A_45 = tpu.memref_slice %arg4[%mul3A_2, %dma_start3A_44] : memref<4096x3200xf32, #tpu.memory_space<hbm>> -> memref<128x64xf32, #tpu.memory_space<hbm>>
    %dma_start3A_46 = arith.constant 0 : i32
    %dma_start3A_47 = arith.constant 0 : i32
    %dma_start3A_48 = tpu.memref_slice %arg6[%dma_start3A_37, %dma_start3A_46, %dma_start3A_47] : memref<4x128x64xf32, #tpu.memory_space<vmem>> -> memref<1x128x64xf32, #tpu.memory_space<vmem>>
    %dma_start3A_49 = tpu.memref_squeeze %dma_start3A_48 : memref<1x128x64xf32, #tpu.memory_space<vmem>> -> memref<128x64xf32, #tpu.memory_space<vmem>>
    tpu.enqueue_dma source(%dma_start3A_49 : memref<128x64xf32, #tpu.memory_space<vmem>>) target(%dma_start3A_45 : memref<128x64xf32, #tpu.memory_space<hbm>>) target_semaphore(%arg8 : memref<!tpu.dma_semaphore, #tpu.memory_space<semaphore_mem>>)
    %dma_start3A_50 = arith.constant 2 : i32
    %dma_start3A_51 = arith.constant 2 : i32
    %dma_start3A_52 = arith.constant 0 : i32
    %dma_start3A_53 = arith.constant 0 : i32
    %dma_start3A_54 = tpu.memref_slice %arg6[%dma_start3A_51, %dma_start3A_52, %dma_start3A_53] : memref<4x128x64xf32, #tpu.memory_space<vmem>> -> memref<1x128x64xf32, #tpu.memory_space<vmem>>
    %dma_start3A_55 = tpu.memref_squeeze %dma_start3A_54 : memref<1x128x64xf32, #tpu.memory_space<vmem>> -> memref<128x64xf32, #tpu.memory_space<vmem>>
    %dma_start3A_56 = arith.constant 0 : i32
    %dma_start3A_57 = tpu.memref_slice %arg5[%dma_start3A_50, %dma_start3A_56] : memref<50x128xi32, #tpu.memory_space<vmem>> -> memref<1x128xi32, #tpu.memory_space<vmem>>
    %dma_start3A_58 = tpu.memref_squeeze %dma_start3A_57 : memref<1x128xi32, #tpu.memory_space<vmem>> -> memref<128xi32, #tpu.memory_space<vmem>>
    %dma_start3A_59 = arith.constant 0 : i32
    %dma_start3A_60 = arith.constant 0 : i32
    %dma_start3A_61 = tpu.memref_slice %arg3[%dma_start3A_59, %dma_start3A_60] : memref<1000000x64xf32, #tpu.memory_space<hbm>> -> memref<1000000x64xf32, #tpu.memory_space<hbm>>
    tpu.enqueue_indirect_dma source(%dma_start3A_61 : memref<1000000x64xf32, #tpu.memory_space<hbm>>) target(%dma_start3A_55 : memref<128x64xf32, #tpu.memory_space<vmem>>) offsets(%dma_start3A_58 : memref<128xi32, #tpu.memory_space<vmem>>) semaphore(%arg7 : memref<!tpu.dma_semaphore, #tpu.memory_space<semaphore_mem>>)
    %dma_wait3A_62 = arith.constant 1 : i32
    %dma_wait3A_63 = arith.constant 1 : i32
    %dma_wait3A_64 = arith.constant 0 : i32
    %dma_wait3A_65 = arith.constant 0 : i32
    %dma_wait3A_66 = tpu.memref_slice %arg6[%dma_wait3A_63, %dma_wait3A_64, %dma_wait3A_65] : memref<4x128x64xf32, #tpu.memory_space<vmem>> -> memref<1x128x64xf32, #tpu.memory_space<vmem>>
    %dma_wait3A_67 = tpu.memref_squeeze %dma_wait3A_66 : memref<1x128x64xf32, #tpu.memory_space<vmem>> -> memref<128x64xf32, #tpu.memory_space<vmem>>
    %dma_wait3A_68 = arith.constant 0 : i32
    %dma_wait3A_69 = tpu.memref_slice %arg5[%dma_wait3A_62, %dma_wait3A_68] : memref<50x128xi32, #tpu.memory_space<vmem>> -> memref<1x128xi32, #tpu.memory_space<vmem>>
    %dma_wait3A_70 = tpu.memref_squeeze %dma_wait3A_69 : memref<1x128xi32, #tpu.memory_space<vmem>> -> memref<128xi32, #tpu.memory_space<vmem>>
    %dma_wait3A_71 = arith.constant 0 : i32
    %dma_wait3A_72 = arith.constant 0 : i32
    %dma_wait3A_73 = tpu.memref_slice %arg3[%dma_wait3A_71, %dma_wait3A_72] : memref<1000000x64xf32, #tpu.memory_space<hbm>> -> memref<1000000x64xf32, #tpu.memory_space<hbm>>
    tpu.wait_indirect_dma semaphore(%arg7 : memref<!tpu.dma_semaphore, #tpu.memory_space<semaphore_mem>>) src(%dma_wait3A_73 : memref<1000000x64xf32, #tpu.memory_space<hbm>>) dst(%dma_wait3A_67 : memref<128x64xf32, #tpu.memory_space<vmem>>)
    %dma_start3A_74 = arith.constant 1 : i32
    %dma_start3A_75 = arith.constant 0 : i32
    %dma_start3A_76 = arith.constant 0 : i32
    %dma_start3A_77 = tpu.memref_slice %arg6[%dma_start3A_74, %dma_start3A_75, %dma_start3A_76] : memref<4x128x64xf32, #tpu.memory_space<vmem>> -> memref<1x128x64xf32, #tpu.memory_space<vmem>>
    %dma_start3A_78 = tpu.memref_squeeze %dma_start3A_77 : memref<1x128x64xf32, #tpu.memory_space<vmem>> -> memref<128x64xf32, #tpu.memory_space<vmem>>
    %dma_start3A_79 = arith.constant 64 : i32
    %dma_start3A_80 = tpu.memref_slice %arg4[%mul3A_2, %dma_start3A_79] : memref<4096x3200xf32, #tpu.memory_space<hbm>> -> memref<128x64xf32, #tpu.memory_space<hbm>>
    %dma_start3A_81 = arith.constant 64 : i32
    %dma_start3A_82 = tpu.memref_slice %arg4[%mul3A_2, %dma_start3A_81] : memref<4096x3200xf32, #tpu.memory_space<hbm>> -> memref<128x64xf32, #tpu.memory_space<hbm>>
    %dma_start3A_83 = arith.constant 0 : i32
    %dma_start3A_84 = arith.constant 0 : i32
    %dma_start3A_85 = tpu.memref_slice %arg6[%dma_start3A_74, %dma_start3A_83, %dma_start3A_84] : memref<4x128x64xf32, #tpu.memory_space<vmem>> -> memref<1x128x64xf32, #tpu.memory_space<vmem>>
    %dma_start3A_86 = tpu.memref_squeeze %dma_start3A_85 : memref<1x128x64xf32, #tpu.memory_space<vmem>> -> memref<128x64xf32, #tpu.memory_space<vmem>>
    tpu.enqueue_dma source(%dma_start3A_86 : memref<128x64xf32, #tpu.memory_space<vmem>>) target(%dma_start3A_82 : memref<128x64xf32, #tpu.memory_space<hbm>>) target_semaphore(%arg8 : memref<!tpu.dma_semaphore, #tpu.memory_space<semaphore_mem>>)
    %dma_start3A_87 = arith.constant 3 : i32
    %dma_start3A_88 = arith.constant 3 : i32
    %dma_start3A_89 = arith.constant 0 : i32
    %dma_start3A_90 = arith.constant 0 : i32
    %dma_start3A_91 = tpu.memref_slice %arg6[%dma_start3A_88, %dma_start3A_89, %dma_start3A_90] : memref<4x128x64xf32, #tpu.memory_space<vmem>> -> memref<1x128x64xf32, #tpu.memory_space<vmem>>
    %dma_start3A_92 = tpu.memref_squeeze %dma_start3A_91 : memref<1x128x64xf32, #tpu.memory_space<vmem>> -> memref<128x64xf32, #tpu.memory_space<vmem>>
    %dma_start3A_93 = arith.constant 0 : i32
    %dma_start3A_94 = tpu.memref_slice %arg5[%dma_start3A_87, %dma_start3A_93] : memref<50x128xi32, #tpu.memory_space<vmem>> -> memref<1x128xi32, #tpu.memory_space<vmem>>
    %dma_start3A_95 = tpu.memref_squeeze %dma_start3A_94 : memref<1x128xi32, #tpu.memory_space<vmem>> -> memref<128xi32, #tpu.memory_space<vmem>>
    %dma_start3A_96 = arith.constant 0 : i32
    %dma_start3A_97 = arith.constant 0 : i32
    %dma_start3A_98 = tpu.memref_slice %arg3[%dma_start3A_96, %dma_start3A_97] : memref<1000000x64xf32, #tpu.memory_space<hbm>> -> memref<1000000x64xf32, #tpu.memory_space<hbm>>
    tpu.enqueue_indirect_dma source(%dma_start3A_98 : memref<1000000x64xf32, #tpu.memory_space<hbm>>) target(%dma_start3A_92 : memref<128x64xf32, #tpu.memory_space<vmem>>) offsets(%dma_start3A_95 : memref<128xi32, #tpu.memory_space<vmem>>) semaphore(%arg7 : memref<!tpu.dma_semaphore, #tpu.memory_space<semaphore_mem>>)
    %dma_wait3A_99 = arith.constant 2 : i32
    %dma_wait3A_100 = arith.constant 2 : i32
    %dma_wait3A_101 = arith.constant 0 : i32
    %dma_wait3A_102 = arith.constant 0 : i32
    %dma_wait3A_103 = tpu.memref_slice %arg6[%dma_wait3A_100, %dma_wait3A_101, %dma_wait3A_102] : memref<4x128x64xf32, #tpu.memory_space<vmem>> -> memref<1x128x64xf32, #tpu.memory_space<vmem>>
    %dma_wait3A_104 = tpu.memref_squeeze %dma_wait3A_103 : memref<1x128x64xf32, #tpu.memory_space<vmem>> -> memref<128x64xf32, #tpu.memory_space<vmem>>
    %dma_wait3A_105 = arith.constant 0 : i32
    %dma_wait3A_106 = tpu.memref_slice %arg5[%dma_wait3A_99, %dma_wait3A_105] : memref<50x128xi32, #tpu.memory_space<vmem>> -> memref<1x128xi32, #tpu.memory_space<vmem>>
    %dma_wait3A_107 = tpu.memref_squeeze %dma_wait3A_106 : memref<1x128xi32, #tpu.memory_space<vmem>> -> memref<128xi32, #tpu.memory_space<vmem>>
    %dma_wait3A_108 = arith.constant 0 : i32
    %dma_wait3A_109 = arith.constant 0 : i32
    %dma_wait3A_110 = tpu.memref_slice %arg3[%dma_wait3A_108, %dma_wait3A_109] : memref<1000000x64xf32, #tpu.memory_space<hbm>> -> memref<1000000x64xf32, #tpu.memory_space<hbm>>
    tpu.wait_indirect_dma semaphore(%arg7 : memref<!tpu.dma_semaphore, #tpu.memory_space<semaphore_mem>>) src(%dma_wait3A_110 : memref<1000000x64xf32, #tpu.memory_space<hbm>>) dst(%dma_wait3A_104 : memref<128x64xf32, #tpu.memory_space<vmem>>)
    %dma_start3A_111 = arith.constant 2 : i32
    %dma_start3A_112 = arith.constant 0 : i32
    %dma_start3A_113 = arith.constant 0 : i32
    %dma_start3A_114 = tpu.memref_slice %arg6[%dma_start3A_111, %dma_start3A_112, %dma_start3A_113] : memref<4x128x64xf32, #tpu.memory_space<vmem>> -> memref<1x128x64xf32, #tpu.memory_space<vmem>>
    %dma_start3A_115 = tpu.memref_squeeze %dma_start3A_114 : memref<1x128x64xf32, #tpu.memory_space<vmem>> -> memref<128x64xf32, #tpu.memory_space<vmem>>
    %dma_start3A_116 = arith.constant 128 : i32
    %dma_start3A_117 = tpu.memref_slice %arg4[%mul3A_2, %dma_start3A_116] : memref<4096x3200xf32, #tpu.memory_space<hbm>> -> memref<128x64xf32, #tpu.memory_space<hbm>>
    %dma_start3A_118 = arith.constant 128 : i32
    %dma_start3A_119 = tpu.memref_slice %arg4[%mul3A_2, %dma_start3A_118] : memref<4096x3200xf32, #tpu.memory_space<hbm>> -> memref<128x64xf32, #tpu.memory_space<hbm>>
    %dma_start3A_120 = arith.constant 0 : i32
    %dma_start3A_121 = arith.constant 0 : i32
    %dma_start3A_122 = tpu.memref_slice %arg6[%dma_start3A_111, %dma_start3A_120, %dma_start3A_121] : memref<4x128x64xf32, #tpu.memory_space<vmem>> -> memref<1x128x64xf32, #tpu.memory_space<vmem>>
    %dma_start3A_123 = tpu.memref_squeeze %dma_start3A_122 : memref<1x128x64xf32, #tpu.memory_space<vmem>> -> memref<128x64xf32, #tpu.memory_space<vmem>>
    tpu.enqueue_dma source(%dma_start3A_123 : memref<128x64xf32, #tpu.memory_space<vmem>>) target(%dma_start3A_119 : memref<128x64xf32, #tpu.memory_space<hbm>>) target_semaphore(%arg8 : memref<!tpu.dma_semaphore, #tpu.memory_space<semaphore_mem>>)
    %dma_wait3A_124 = arith.constant 0 : i32
    %dma_wait3A_125 = arith.constant 0 : i32
    %dma_wait3A_126 = arith.constant 0 : i32
    %dma_wait3A_127 = tpu.memref_slice %arg6[%dma_wait3A_124, %dma_wait3A_125, %dma_wait3A_126] : memref<4x128x64xf32, #tpu.memory_space<vmem>> -> memref<1x128x64xf32, #tpu.memory_space<vmem>>
    %dma_wait3A_128 = tpu.memref_squeeze %dma_wait3A_127 : memref<1x128x64xf32, #tpu.memory_space<vmem>> -> memref<128x64xf32, #tpu.memory_space<vmem>>
    %dma_wait3A_129 = arith.constant 0 : i32
    %dma_wait3A_130 = tpu.memref_slice %arg4[%mul3A_2, %dma_wait3A_129] : memref<4096x3200xf32, #tpu.memory_space<hbm>> -> memref<128x64xf32, #tpu.memory_space<hbm>>
    %dma_wait3A_131 = arith.constant 0 : i32
    %dma_wait3A_132 = tpu.memref_slice %arg4[%mul3A_2, %dma_wait3A_131] : memref<4096x3200xf32, #tpu.memory_space<hbm>> -> memref<128x64xf32, #tpu.memory_space<hbm>>
    %dma_wait3A_133 = arith.constant 0 : i32
    %dma_wait3A_134 = arith.constant 0 : i32
    %dma_wait3A_135 = tpu.memref_slice %arg6[%dma_wait3A_124, %dma_wait3A_133, %dma_wait3A_134] : memref<4x128x64xf32, #tpu.memory_space<vmem>> -> memref<1x128x64xf32, #tpu.memory_space<vmem>>
    %dma_wait3A_136 = tpu.memref_squeeze %dma_wait3A_135 : memref<1x128x64xf32, #tpu.memory_space<vmem>> -> memref<128x64xf32, #tpu.memory_space<vmem>>
    tpu.wait_dma2 semaphore(%arg8 : memref<!tpu.dma_semaphore, #tpu.memory_space<semaphore_mem>>) src(%dma_wait3A_136 : memref<128x64xf32, #tpu.memory_space<vmem>>) dst(%dma_wait3A_132 : memref<128x64xf32, #tpu.memory_space<hbm>>)
    %dma_start3A_137 = arith.constant 4 : i32
    %dma_start3A_138 = arith.constant 0 : i32
    %dma_start3A_139 = arith.constant 0 : i32
    %dma_start3A_140 = arith.constant 0 : i32
    %dma_start3A_141 = tpu.memref_slice %arg6[%dma_start3A_138, %dma_start3A_139, %dma_start3A_140] : memref<4x128x64xf32, #tpu.memory_space<vmem>> -> memref<1x128x64xf32, #tpu.memory_space<vmem>>
    %dma_start3A_142 = tpu.memref_squeeze %dma_start3A_141 : memref<1x128x64xf32, #tpu.memory_space<vmem>> -> memref<128x64xf32, #tpu.memory_space<vmem>>
    %dma_start3A_143 = arith.constant 0 : i32
    %dma_start3A_144 = tpu.memref_slice %arg5[%dma_start3A_137, %dma_start3A_143] : memref<50x128xi32, #tpu.memory_space<vmem>> -> memref<1x128xi32, #tpu.memory_space<vmem>>
    %dma_start3A_145 = tpu.memref_squeeze %dma_start3A_144 : memref<1x128xi32, #tpu.memory_space<vmem>> -> memref<128xi32, #tpu.memory_space<vmem>>
    %dma_start3A_146 = arith.constant 0 : i32
    %dma_start3A_147 = arith.constant 0 : i32
    %dma_start3A_148 = tpu.memref_slice %arg3[%dma_start3A_146, %dma_start3A_147] : memref<1000000x64xf32, #tpu.memory_space<hbm>> -> memref<1000000x64xf32, #tpu.memory_space<hbm>>
    tpu.enqueue_indirect_dma source(%dma_start3A_148 : memref<1000000x64xf32, #tpu.memory_space<hbm>>) target(%dma_start3A_142 : memref<128x64xf32, #tpu.memory_space<vmem>>) offsets(%dma_start3A_145 : memref<128xi32, #tpu.memory_space<vmem>>) semaphore(%arg7 : memref<!tpu.dma_semaphore, #tpu.memory_space<semaphore_mem>>)
    %dma_wait3A_149 = arith.constant 3 : i32
    %dma_wait3A_150 = arith.constant 3 : i32
    %dma_wait3A_151 = arith.constant 0 : i32
    %dma_wait3A_152 = arith.constant 0 : i32
    %dma_wait3A_153 = tpu.memref_slice %arg6[%dma_wait3A_150, %dma_wait3A_151, %dma_wait3A_152] : memref<4x128x64xf32, #tpu.memory_space<vmem>> -> memref<1x128x64xf32, #tpu.memory_space<vmem>>
    %dma_wait3A_154 = tpu.memref_squeeze %dma_wait3A_153 : memref<1x128x64xf32, #tpu.memory_space<vmem>> -> memref<128x64xf32, #tpu.memory_space<vmem>>
    %dma_wait3A_155 = arith.constant 0 : i32
    %dma_wait3A_156 = tpu.memref_slice %arg5[%dma_wait3A_149, %dma_wait3A_155] : memref<50x128xi32, #tpu.memory_space<vmem>> -> memref<1x128xi32, #tpu.memory_space<vmem>>
    %dma_wait3A_157 = tpu.memref_squeeze %dma_wait3A_156 : memref<1x128xi32, #tpu.memory_space<vmem>> -> memref<128xi32, #tpu.memory_space<vmem>>
    %dma_wait3A_158 = arith.constant 0 : i32
    %dma_wait3A_159 = arith.constant 0 : i32
    %dma_wait3A_160 = tpu.memref_slice %arg3[%dma_wait3A_158, %dma_wait3A_159] : memref<1000000x64xf32, #tpu.memory_space<hbm>> -> memref<1000000x64xf32, #tpu.memory_space<hbm>>
    tpu.wait_indirect_dma semaphore(%arg7 : memref<!tpu.dma_semaphore, #tpu.memory_space<semaphore_mem>>) src(%dma_wait3A_160 : memref<1000000x64xf32, #tpu.memory_space<hbm>>) dst(%dma_wait3A_154 : memref<128x64xf32, #tpu.memory_space<vmem>>)
    %dma_start3A_161 = arith.constant 3 : i32
    %dma_start3A_162 = arith.constant 0 : i32
    %dma_start3A_163 = arith.constant 0 : i32
    %dma_start3A_164 = tpu.memref_slice %arg6[%dma_start3A_161, %dma_start3A_162, %dma_start3A_163] : memref<4x128x64xf32, #tpu.memory_space<vmem>> -> memref<1x128x64xf32, #tpu.memory_space<vmem>>
    %dma_start3A_165 = tpu.memref_squeeze %dma_start3A_164 : memref<1x128x64xf32, #tpu.memory_space<vmem>> -> memref<128x64xf32, #tpu.memory_space<vmem>>
    %dma_start3A_166 = arith.constant 192 : i32
    %dma_start3A_167 = tpu.memref_slice %arg4[%mul3A_2, %dma_start3A_166] : memref<4096x3200xf32, #tpu.memory_space<hbm>> -> memref<128x64xf32, #tpu.memory_space<hbm>>
    %dma_start3A_168 = arith.constant 192 : i32
    %dma_start3A_169 = tpu.memref_slice %arg4[%mul3A_2, %dma_start3A_168] : memref<4096x3200xf32, #tpu.memory_space<hbm>> -> memref<128x64xf32, #tpu.memory_space<hbm>>
    %dma_start3A_170 = arith.constant 0 : i32
    %dma_start3A_171 = arith.constant 0 : i32
    %dma_start3A_172 = tpu.memref_slice %arg6[%dma_start3A_161, %dma_start3A_170, %dma_start3A_171] : memref<4x128x64xf32, #tpu.memory_space<vmem>> -> memref<1x128x64xf32, #tpu.memory_space<vmem>>
    %dma_start3A_173 = tpu.memref_squeeze %dma_start3A_172 : memref<1x128x64xf32, #tpu.memory_space<vmem>> -> memref<128x64xf32, #tpu.memory_space<vmem>>
    tpu.enqueue_dma source(%dma_start3A_173 : memref<128x64xf32, #tpu.memory_space<vmem>>) target(%dma_start3A_169 : memref<128x64xf32, #tpu.memory_space<hbm>>) target_semaphore(%arg8 : memref<!tpu.dma_semaphore, #tpu.memory_space<semaphore_mem>>)
    %dma_wait3A_174 = arith.constant 1 : i32
    %dma_wait3A_175 = arith.constant 0 : i32
    %dma_wait3A_176 = arith.constant 0 : i32
    %dma_wait3A_177 = tpu.memref_slice %arg6[%dma_wait3A_174, %dma_wait3A_175, %dma_wait3A_176] : memref<4x128x64xf32, #tpu.memory_space<vmem>> -> memref<1x128x64xf32, #tpu.memory_space<vmem>>
    %dma_wait3A_178 = tpu.memref_squeeze %dma_wait3A_177 : memref<1x128x64xf32, #tpu.memory_space<vmem>> -> memref<128x64xf32, #tpu.memory_space<vmem>>
    %dma_wait3A_179 = arith.constant 64 : i32
    %dma_wait3A_180 = tpu.memref_slice %arg4[%mul3A_2, %dma_wait3A_179] : memref<4096x3200xf32, #tpu.memory_space<hbm>> -> memref<128x64xf32, #tpu.memory_space<hbm>>
    %dma_wait3A_181 = arith.constant 64 : i32
    %dma_wait3A_182 = tpu.memref_slice %arg4[%mul3A_2, %dma_wait3A_181] : memref<4096x3200xf32, #tpu.memory_space<hbm>> -> memref<128x64xf32, #tpu.memory_space<hbm>>
    %dma_wait3A_183 = arith.constant 0 : i32
    %dma_wait3A_184 = arith.constant 0 : i32
    %dma_wait3A_185 = tpu.memref_slice %arg6[%dma_wait3A_174, %dma_wait3A_183, %dma_wait3A_184] : memref<4x128x64xf32, #tpu.memory_space<vmem>> -> memref<1x128x64xf32, #tpu.memory_space<vmem>>
    %dma_wait3A_186 = tpu.memref_squeeze %dma_wait3A_185 : memref<1x128x64xf32, #tpu.memory_space<vmem>> -> memref<128x64xf32, #tpu.memory_space<vmem>>
    tpu.wait_dma2 semaphore(%arg8 : memref<!tpu.dma_semaphore, #tpu.memory_space<semaphore_mem>>) src(%dma_wait3A_186 : memref<128x64xf32, #tpu.memory_space<vmem>>) dst(%dma_wait3A_182 : memref<128x64xf32, #tpu.memory_space<hbm>>)
    %dma_start3A_187 = arith.constant 5 : i32
    %dma_start3A_188 = arith.constant 1 : i32
    %dma_start3A_189 = arith.constant 0 : i32
    %dma_start3A_190 = arith.constant 0 : i32
    %dma_start3A_191 = tpu.memref_slice %arg6[%dma_start3A_188, %dma_start3A_189, %dma_start3A_190] : memref<4x128x64xf32, #tpu.memory_space<vmem>> -> memref<1x128x64xf32, #tpu.memory_space<vmem>>
    %dma_start3A_192 = tpu.memref_squeeze %dma_start3A_191 : memref<1x128x64xf32, #tpu.memory_space<vmem>> -> memref<128x64xf32, #tpu.memory_space<vmem>>
    %dma_start3A_193 = arith.constant 0 : i32
    %dma_start3A_194 = tpu.memref_slice %arg5[%dma_start3A_187, %dma_start3A_193] : memref<50x128xi32, #tpu.memory_space<vmem>> -> memref<1x128xi32, #tpu.memory_space<vmem>>
    %dma_start3A_195 = tpu.memref_squeeze %dma_start3A_194 : memref<1x128xi32, #tpu.memory_space<vmem>> -> memref<128xi32, #tpu.memory_space<vmem>>
    %dma_start3A_196 = arith.constant 0 : i32
    %dma_start3A_197 = arith.constant 0 : i32
    %dma_start3A_198 = tpu.memref_slice %arg3[%dma_start3A_196, %dma_start3A_197] : memref<1000000x64xf32, #tpu.memory_space<hbm>> -> memref<1000000x64xf32, #tpu.memory_space<hbm>>
    tpu.enqueue_indirect_dma source(%dma_start3A_198 : memref<1000000x64xf32, #tpu.memory_space<hbm>>) target(%dma_start3A_192 : memref<128x64xf32, #tpu.memory_space<vmem>>) offsets(%dma_start3A_195 : memref<128xi32, #tpu.memory_space<vmem>>) semaphore(%arg7 : memref<!tpu.dma_semaphore, #tpu.memory_space<semaphore_mem>>)
    %dma_wait3A_199 = arith.constant 4 : i32
    %dma_wait3A_200 = arith.constant 0 : i32
    %dma_wait3A_201 = arith.constant 0 : i32
    %dma_wait3A_202 = arith.constant 0 : i32
    %dma_wait3A_203 = tpu.memref_slice %arg6[%dma_wait3A_200, %dma_wait3A_201, %dma_wait3A_202] : memref<4x128x64xf32, #tpu.memory_space<vmem>> -> memref<1x128x64xf32, #tpu.memory_space<vmem>>
    %dma_wait3A_204 = tpu.memref_squeeze %dma_wait3A_203 : memref<1x128x64xf32, #tpu.memory_space<vmem>> -> memref<128x64xf32, #tpu.memory_space<vmem>>
    %dma_wait3A_205 = arith.constant 0 : i32
    %dma_wait3A_206 = tpu.memref_slice %arg5[%dma_wait3A_199, %dma_wait3A_205] : memref<50x128xi32, #tpu.memory_space<vmem>> -> memref<1x128xi32, #tpu.memory_space<vmem>>
    %dma_wait3A_207 = tpu.memref_squeeze %dma_wait3A_206 : memref<1x128xi32, #tpu.memory_space<vmem>> -> memref<128xi32, #tpu.memory_space<vmem>>
    %dma_wait3A_208 = arith.constant 0 : i32
    %dma_wait3A_209 = arith.constant 0 : i32
    %dma_wait3A_210 = tpu.memref_slice %arg3[%dma_wait3A_208, %dma_wait3A_209] : memref<1000000x64xf32, #tpu.memory_space<hbm>> -> memref<1000000x64xf32, #tpu.memory_space<hbm>>
    tpu.wait_indirect_dma semaphore(%arg7 : memref<!tpu.dma_semaphore, #tpu.memory_space<semaphore_mem>>) src(%dma_wait3A_210 : memref<1000000x64xf32, #tpu.memory_space<hbm>>) dst(%dma_wait3A_204 : memref<128x64xf32, #tpu.memory_space<vmem>>)
    %dma_start3A_211 = arith.constant 0 : i32
    %dma_start3A_212 = arith.constant 0 : i32
    %dma_start3A_213 = arith.constant 0 : i32
    %dma_start3A_214 = tpu.memref_slice %arg6[%dma_start3A_211, %dma_start3A_212, %dma_start3A_213] : memref<4x128x64xf32, #tpu.memory_space<vmem>> -> memref<1x128x64xf32, #tpu.memory_space<vmem>>
    %dma_start3A_215 = tpu.memref_squeeze %dma_start3A_214 : memref<1x128x64xf32, #tpu.memory_space<vmem>> -> memref<128x64xf32, #tpu.memory_space<vmem>>
    %dma_start3A_216 = arith.constant 256 : i32
    %dma_start3A_217 = tpu.memref_slice %arg4[%mul3A_2, %dma_start3A_216] : memref<4096x3200xf32, #tpu.memory_space<hbm>> -> memref<128x64xf32, #tpu.memory_space<hbm>>
    %dma_start3A_218 = arith.constant 256 : i32
    %dma_start3A_219 = tpu.memref_slice %arg4[%mul3A_2, %dma_start3A_218] : memref<4096x3200xf32, #tpu.memory_space<hbm>> -> memref<128x64xf32, #tpu.memory_space<hbm>>
    %dma_start3A_220 = arith.constant 0 : i32
    %dma_start3A_221 = arith.constant 0 : i32
    %dma_start3A_222 = tpu.memref_slice %arg6[%dma_start3A_211, %dma_start3A_220, %dma_start3A_221] : memref<4x128x64xf32, #tpu.memory_space<vmem>> -> memref<1x128x64xf32, #tpu.memory_space<vmem>>
    %dma_start3A_223 = tpu.memref_squeeze %dma_start3A_222 : memref<1x128x64xf32, #tpu.memory_space<vmem>> -> memref<128x64xf32, #tpu.memory_space<vmem>>
    tpu.enqueue_dma source(%dma_start3A_223 : memref<128x64xf32, #tpu.memory_space<vmem>>) target(%dma_start3A_219 : memref<128x64xf32, #tpu.memory_space<hbm>>) target_semaphore(%arg8 : memref<!tpu.dma_semaphore, #tpu.memory_space<semaphore_mem>>)
    %dma_wait3A_224 = arith.constant 2 : i32
    %dma_wait3A_225 = arith.constant 0 : i32
    %dma_wait3A_226 = arith.constant 0 : i32
    %dma_wait3A_227 = tpu.memref_slice %arg6[%dma_wait3A_224, %dma_wait3A_225, %dma_wait3A_226] : memref<4x128x64xf32, #tpu.memory_space<vmem>> -> memref<1x128x64xf32, #tpu.memory_space<vmem>>
    %dma_wait3A_228 = tpu.memref_squeeze %dma_wait3A_227 : memref<1x128x64xf32, #tpu.memory_space<vmem>> -> memref<128x64xf32, #tpu.memory_space<vmem>>
    %dma_wait3A_229 = arith.constant 128 : i32
    %dma_wait3A_230 = tpu.memref_slice %arg4[%mul3A_2, %dma_wait3A_229] : memref<4096x3200xf32, #tpu.memory_space<hbm>> -> memref<128x64xf32, #tpu.memory_space<hbm>>
    %dma_wait3A_231 = arith.constant 128 : i32
    %dma_wait3A_232 = tpu.memref_slice %arg4[%mul3A_2, %dma_wait3A_231] : memref<4096x3200xf32, #tpu.memory_space<hbm>> -> memref<128x64xf32, #tpu.memory_space<hbm>>
    %dma_wait3A_233 = arith.constant 0 : i32
    %dma_wait3A_234 = arith.constant 0 : i32
    %dma_wait3A_235 = tpu.memref_slice %arg6[%dma_wait3A_224, %dma_wait3A_233, %dma_wait3A_234] : memref<4x128x64xf32, #tpu.memory_space<vmem>> -> memref<1x128x64xf32, #tpu.memory_space<vmem>>
    %dma_wait3A_236 = tpu.memref_squeeze %dma_wait3A_235 : memref<1x128x64xf32, #tpu.memory_space<vmem>> -> memref<128x64xf32, #tpu.memory_space<vmem>>
    tpu.wait_dma2 semaphore(%arg8 : memref<!tpu.dma_semaphore, #tpu.memory_space<semaphore_mem>>) src(%dma_wait3A_236 : memref<128x64xf32, #tpu.memory_space<vmem>>) dst(%dma_wait3A_232 : memref<128x64xf32, #tpu.memory_space<hbm>>)
    %dma_start3A_237 = arith.constant 6 : i32
    %dma_start3A_238 = arith.constant 2 : i32
    %dma_start3A_239 = arith.constant 0 : i32
    %dma_start3A_240 = arith.constant 0 : i32
    %dma_start3A_241 = tpu.memref_slice %arg6[%dma_start3A_238, %dma_start3A_239, %dma_start3A_240] : memref<4x128x64xf32, #tpu.memory_space<vmem>> -> memref<1x128x64xf32, #tpu.memory_space<vmem>>
    %dma_start3A_242 = tpu.memref_squeeze %dma_start3A_241 : memref<1x128x64xf32, #tpu.memory_space<vmem>> -> memref<128x64xf32, #tpu.memory_space<vmem>>
    %dma_start3A_243 = arith.constant 0 : i32
    %dma_start3A_244 = tpu.memref_slice %arg5[%dma_start3A_237, %dma_start3A_243] : memref<50x128xi32, #tpu.memory_space<vmem>> -> memref<1x128xi32, #tpu.memory_space<vmem>>
    %dma_start3A_245 = tpu.memref_squeeze %dma_start3A_244 : memref<1x128xi32, #tpu.memory_space<vmem>> -> memref<128xi32, #tpu.memory_space<vmem>>
    %dma_start3A_246 = arith.constant 0 : i32
    %dma_start3A_247 = arith.constant 0 : i32
    %dma_start3A_248 = tpu.memref_slice %arg3[%dma_start3A_246, %dma_start3A_247] : memref<1000000x64xf32, #tpu.memory_space<hbm>> -> memref<1000000x64xf32, #tpu.memory_space<hbm>>
    tpu.enqueue_indirect_dma source(%dma_start3A_248 : memref<1000000x64xf32, #tpu.memory_space<hbm>>) target(%dma_start3A_242 : memref<128x64xf32, #tpu.memory_space<vmem>>) offsets(%dma_start3A_245 : memref<128xi32, #tpu.memory_space<vmem>>) semaphore(%arg7 : memref<!tpu.dma_semaphore, #tpu.memory_space<semaphore_mem>>)
    %dma_wait3A_249 = arith.constant 5 : i32
    %dma_wait3A_250 = arith.constant 1 : i32
    %dma_wait3A_251 = arith.constant 0 : i32
    %dma_wait3A_252 = arith.constant 0 : i32
    %dma_wait3A_253 = tpu.memref_slice %arg6[%dma_wait3A_250, %dma_wait3A_251, %dma_wait3A_252] : memref<4x128x64xf32, #tpu.memory_space<vmem>> -> memref<1x128x64xf32, #tpu.memory_space<vmem>>
    %dma_wait3A_254 = tpu.memref_squeeze %dma_wait3A_253 : memref<1x128x64xf32, #tpu.memory_space<vmem>> -> memref<128x64xf32, #tpu.memory_space<vmem>>
    %dma_wait3A_255 = arith.constant 0 : i32
    %dma_wait3A_256 = tpu.memref_slice %arg5[%dma_wait3A_249, %dma_wait3A_255] : memref<50x128xi32, #tpu.memory_space<vmem>> -> memref<1x128xi32, #tpu.memory_space<vmem>>
    %dma_wait3A_257 = tpu.memref_squeeze %dma_wait3A_256 : memref<1x128xi32, #tpu.memory_space<vmem>> -> memref<128xi32, #tpu.memory_space<vmem>>
    %dma_wait3A_258 = arith.constant 0 : i32
    %dma_wait3A_259 = arith.constant 0 : i32
    %dma_wait3A_260 = tpu.memref_slice %arg3[%dma_wait3A_258, %dma_wait3A_259] : memref<1000000x64xf32, #tpu.memory_space<hbm>> -> memref<1000000x64xf32, #tpu.memory_space<hbm>>
    tpu.wait_indirect_dma semaphore(%arg7 : memref<!tpu.dma_semaphore, #tpu.memory_space<semaphore_mem>>) src(%dma_wait3A_260 : memref<1000000x64xf32, #tpu.memory_space<hbm>>) dst(%dma_wait3A_254 : memref<128x64xf32, #tpu.memory_space<vmem>>)
    %dma_start3A_261 = arith.constant 1 : i32
    %dma_start3A_262 = arith.constant 0 : i32
    %dma_start3A_263 = arith.constant 0 : i32
    %dma_start3A_264 = tpu.memref_slice %arg6[%dma_start3A_261, %dma_start3A_262, %dma_start3A_263] : memref<4x128x64xf32, #tpu.memory_space<vmem>> -> memref<1x128x64xf32, #tpu.memory_space<vmem>>
    %dma_start3A_265 = tpu.memref_squeeze %dma_start3A_264 : memref<1x128x64xf32, #tpu.memory_space<vmem>> -> memref<128x64xf32, #tpu.memory_space<vmem>>
    %dma_start3A_266 = arith.constant 320 : i32
    %dma_start3A_267 = tpu.memref_slice %arg4[%mul3A_2, %dma_start3A_266] : memref<4096x3200xf32, #tpu.memory_space<hbm>> -> memref<128x64xf32, #tpu.memory_space<hbm>>
    %dma_start3A_268 = arith.constant 320 : i32
    %dma_start3A_269 = tpu.memref_slice %arg4[%mul3A_2, %dma_start3A_268] : memref<4096x3200xf32, #tpu.memory_space<hbm>> -> memref<128x64xf32, #tpu.memory_space<hbm>>
    %dma_start3A_270 = arith.constant 0 : i32
    %dma_start3A_271 = arith.constant 0 : i32
    %dma_start3A_272 = tpu.memref_slice %arg6[%dma_start3A_261, %dma_start3A_270, %dma_start3A_271] : memref<4x128x64xf32, #tpu.memory_space<vmem>> -> memref<1x128x64xf32, #tpu.memory_space<vmem>>
    %dma_start3A_273 = tpu.memref_squeeze %dma_start3A_272 : memref<1x128x64xf32, #tpu.memory_space<vmem>> -> memref<128x64xf32, #tpu.memory_space<vmem>>
    tpu.enqueue_dma source(%dma_start3A_273 : memref<128x64xf32, #tpu.memory_space<vmem>>) target(%dma_start3A_269 : memref<128x64xf32, #tpu.memory_space<hbm>>) target_semaphore(%arg8 : memref<!tpu.dma_semaphore, #tpu.memory_space<semaphore_mem>>)
    %dma_wait3A_274 = arith.constant 3 : i32
    %dma_wait3A_275 = arith.constant 0 : i32
    %dma_wait3A_276 = arith.constant 0 : i32
    %dma_wait3A_277 = tpu.memref_slice %arg6[%dma_wait3A_274, %dma_wait3A_275, %dma_wait3A_276] : memref<4x128x64xf32, #tpu.memory_space<vmem>> -> memref<1x128x64xf32, #tpu.memory_space<vmem>>
    %dma_wait3A_278 = tpu.memref_squeeze %dma_wait3A_277 : memref<1x128x64xf32, #tpu.memory_space<vmem>> -> memref<128x64xf32, #tpu.memory_space<vmem>>
    %dma_wait3A_279 = arith.constant 192 : i32
    %dma_wait3A_280 = tpu.memref_slice %arg4[%mul3A_2, %dma_wait3A_279] : memref<4096x3200xf32, #tpu.memory_space<hbm>> -> memref<128x64xf32, #tpu.memory_space<hbm>>
    %dma_wait3A_281 = arith.constant 192 : i32
    %dma_wait3A_282 = tpu.memref_slice %arg4[%mul3A_2, %dma_wait3A_281] : memref<4096x3200xf32, #tpu.memory_space<hbm>> -> memref<128x64xf32, #tpu.memory_space<hbm>>
    %dma_wait3A_283 = arith.constant 0 : i32
    %dma_wait3A_284 = arith.constant 0 : i32
    %dma_wait3A_285 = tpu.memref_slice %arg6[%dma_wait3A_274, %dma_wait3A_283, %dma_wait3A_284] : memref<4x128x64xf32, #tpu.memory_space<vmem>> -> memref<1x128x64xf32, #tpu.memory_space<vmem>>
    %dma_wait3A_286 = tpu.memref_squeeze %dma_wait3A_285 : memref<1x128x64xf32, #tpu.memory_space<vmem>> -> memref<128x64xf32, #tpu.memory_space<vmem>>
    tpu.wait_dma2 semaphore(%arg8 : memref<!tpu.dma_semaphore, #tpu.memory_space<semaphore_mem>>) src(%dma_wait3A_286 : memref<128x64xf32, #tpu.memory_space<vmem>>) dst(%dma_wait3A_282 : memref<128x64xf32, #tpu.memory_space<hbm>>)
    %dma_start3A_287 = arith.constant 7 : i32
    %dma_start3A_288 = arith.constant 3 : i32
    %dma_start3A_289 = arith.constant 0 : i32
    %dma_start3A_290 = arith.constant 0 : i32
    %dma_start3A_291 = tpu.memref_slice %arg6[%dma_start3A_288, %dma_start3A_289, %dma_start3A_290] : memref<4x128x64xf32, #tpu.memory_space<vmem>> -> memref<1x128x64xf32, #tpu.memory_space<vmem>>
    %dma_start3A_292 = tpu.memref_squeeze %dma_start3A_291 : memref<1x128x64xf32, #tpu.memory_space<vmem>> -> memref<128x64xf32, #tpu.memory_space<vmem>>
    %dma_start3A_293 = arith.constant 0 : i32
    %dma_start3A_294 = tpu.memref_slice %arg5[%dma_start3A_287, %dma_start3A_293] : memref<50x128xi32, #tpu.memory_space<vmem>> -> memref<1x128xi32, #tpu.memory_space<vmem>>
    %dma_start3A_295 = tpu.memref_squeeze %dma_start3A_294 : memref<1x128xi32, #tpu.memory_space<vmem>> -> memref<128xi32, #tpu.memory_space<vmem>>
    %dma_start3A_296 = arith.constant 0 : i32
    %dma_start3A_297 = arith.constant 0 : i32
    %dma_start3A_298 = tpu.memref_slice %arg3[%dma_start3A_296, %dma_start3A_297] : memref<1000000x64xf32, #tpu.memory_space<hbm>> -> memref<1000000x64xf32, #tpu.memory_space<hbm>>
    tpu.enqueue_indirect_dma source(%dma_start3A_298 : memref<1000000x64xf32, #tpu.memory_space<hbm>>) target(%dma_start3A_292 : memref<128x64xf32, #tpu.memory_space<vmem>>) offsets(%dma_start3A_295 : memref<128xi32, #tpu.memory_space<vmem>>) semaphore(%arg7 : memref<!tpu.dma_semaphore, #tpu.memory_space<semaphore_mem>>)
    %dma_wait3A_299 = arith.constant 6 : i32
    %dma_wait3A_300 = arith.constant 2 : i32
    %dma_wait3A_301 = arith.constant 0 : i32
    %dma_wait3A_302 = arith.constant 0 : i32
    %dma_wait3A_303 = tpu.memref_slice %arg6[%dma_wait3A_300, %dma_wait3A_301, %dma_wait3A_302] : memref<4x128x64xf32, #tpu.memory_space<vmem>> -> memref<1x128x64xf32, #tpu.memory_space<vmem>>
    %dma_wait3A_304 = tpu.memref_squeeze %dma_wait3A_303 : memref<1x128x64xf32, #tpu.memory_space<vmem>> -> memref<128x64xf32, #tpu.memory_space<vmem>>
    %dma_wait3A_305 = arith.constant 0 : i32
    %dma_wait3A_306 = tpu.memref_slice %arg5[%dma_wait3A_299, %dma_wait3A_305] : memref<50x128xi32, #tpu.memory_space<vmem>> -> memref<1x128xi32, #tpu.memory_space<vmem>>
    %dma_wait3A_307 = tpu.memref_squeeze %dma_wait3A_306 : memref<1x128xi32, #tpu.memory_space<vmem>> -> memref<128xi32, #tpu.memory_space<vmem>>
    %dma_wait3A_308 = arith.constant 0 : i32
    %dma_wait3A_309 = arith.constant 0 : i32
    %dma_wait3A_310 = tpu.memref_slice %arg3[%dma_wait3A_308, %dma_wait3A_309] : memref<1000000x64xf32, #tpu.memory_space<hbm>> -> memref<1000000x64xf32, #tpu.memory_space<hbm>>
    tpu.wait_indirect_dma semaphore(%arg7 : memref<!tpu.dma_semaphore, #tpu.memory_space<semaphore_mem>>) src(%dma_wait3A_310 : memref<1000000x64xf32, #tpu.memory_space<hbm>>) dst(%dma_wait3A_304 : memref<128x64xf32, #tpu.memory_space<vmem>>)
    %dma_start3A_311 = arith.constant 2 : i32
    %dma_start3A_312 = arith.constant 0 : i32
    %dma_start3A_313 = arith.constant 0 : i32
    %dma_start3A_314 = tpu.memref_slice %arg6[%dma_start3A_311, %dma_start3A_312, %dma_start3A_313] : memref<4x128x64xf32, #tpu.memory_space<vmem>> -> memref<1x128x64xf32, #tpu.memory_space<vmem>>
    %dma_start3A_315 = tpu.memref_squeeze %dma_start3A_314 : memref<1x128x64xf32, #tpu.memory_space<vmem>> -> memref<128x64xf32, #tpu.memory_space<vmem>>
    %dma_start3A_316 = arith.constant 384 : i32
    %dma_start3A_317 = tpu.memref_slice %arg4[%mul3A_2, %dma_start3A_316] : memref<4096x3200xf32, #tpu.memory_space<hbm>> -> memref<128x64xf32, #tpu.memory_space<hbm>>
    %dma_start3A_318 = arith.constant 384 : i32
    %dma_start3A_319 = tpu.memref_slice %arg4[%mul3A_2, %dma_start3A_318] : memref<4096x3200xf32, #tpu.memory_space<hbm>> -> memref<128x64xf32, #tpu.memory_space<hbm>>
    %dma_start3A_320 = arith.constant 0 : i32
    %dma_start3A_321 = arith.constant 0 : i32
    %dma_start3A_322 = tpu.memref_slice %arg6[%dma_start3A_311, %dma_start3A_320, %dma_start3A_321] : memref<4x128x64xf32, #tpu.memory_space<vmem>> -> memref<1x128x64xf32, #tpu.memory_space<vmem>>
    %dma_start3A_323 = tpu.memref_squeeze %dma_start3A_322 : memref<1x128x64xf32, #tpu.memory_space<vmem>> -> memref<128x64xf32, #tpu.memory_space<vmem>>
    tpu.enqueue_dma source(%dma_start3A_323 : memref<128x64xf32, #tpu.memory_space<vmem>>) target(%dma_start3A_319 : memref<128x64xf32, #tpu.memory_space<hbm>>) target_semaphore(%arg8 : memref<!tpu.dma_semaphore, #tpu.memory_space<semaphore_mem>>)
    %dma_wait3A_324 = arith.constant 0 : i32
    %dma_wait3A_325 = arith.constant 0 : i32
    %dma_wait3A_326 = arith.constant 0 : i32
    %dma_wait3A_327 = tpu.memref_slice %arg6[%dma_wait3A_324, %dma_wait3A_325, %dma_wait3A_326] : memref<4x128x64xf32, #tpu.memory_space<vmem>> -> memref<1x128x64xf32, #tpu.memory_space<vmem>>
    %dma_wait3A_328 = tpu.memref_squeeze %dma_wait3A_327 : memref<1x128x64xf32, #tpu.memory_space<vmem>> -> memref<128x64xf32, #tpu.memory_space<vmem>>
    %dma_wait3A_329 = arith.constant 256 : i32
    %dma_wait3A_330 = tpu.memref_slice %arg4[%mul3A_2, %dma_wait3A_329] : memref<4096x3200xf32, #tpu.memory_space<hbm>> -> memref<128x64xf32, #tpu.memory_space<hbm>>
    %dma_wait3A_331 = arith.constant 256 : i32
    %dma_wait3A_332 = tpu.memref_slice %arg4[%mul3A_2, %dma_wait3A_331] : memref<4096x3200xf32, #tpu.memory_space<hbm>> -> memref<128x64xf32, #tpu.memory_space<hbm>>
    %dma_wait3A_333 = arith.constant 0 : i32
    %dma_wait3A_334 = arith.constant 0 : i32
    %dma_wait3A_335 = tpu.memref_slice %arg6[%dma_wait3A_324, %dma_wait3A_333, %dma_wait3A_334] : memref<4x128x64xf32, #tpu.memory_space<vmem>> -> memref<1x128x64xf32, #tpu.memory_space<vmem>>
    %dma_wait3A_336 = tpu.memref_squeeze %dma_wait3A_335 : memref<1x128x64xf32, #tpu.memory_space<vmem>> -> memref<128x64xf32, #tpu.memory_space<vmem>>
    tpu.wait_dma2 semaphore(%arg8 : memref<!tpu.dma_semaphore, #tpu.memory_space<semaphore_mem>>) src(%dma_wait3A_336 : memref<128x64xf32, #tpu.memory_space<vmem>>) dst(%dma_wait3A_332 : memref<128x64xf32, #tpu.memory_space<hbm>>)
    %dma_start3A_337 = arith.constant 8 : i32
    %dma_start3A_338 = arith.constant 0 : i32
    %dma_start3A_339 = arith.constant 0 : i32
    %dma_start3A_340 = arith.constant 0 : i32
    %dma_start3A_341 = tpu.memref_slice %arg6[%dma_start3A_338, %dma_start3A_339, %dma_start3A_340] : memref<4x128x64xf32, #tpu.memory_space<vmem>> -> memref<1x128x64xf32, #tpu.memory_space<vmem>>
    %dma_start3A_342 = tpu.memref_squeeze %dma_start3A_341 : memref<1x128x64xf32, #tpu.memory_space<vmem>> -> memref<128x64xf32, #tpu.memory_space<vmem>>
    %dma_start3A_343 = arith.constant 0 : i32
    %dma_start3A_344 = tpu.memref_slice %arg5[%dma_start3A_337, %dma_start3A_343] : memref<50x128xi32, #tpu.memory_space<vmem>> -> memref<1x128xi32, #tpu.memory_space<vmem>>
    %dma_start3A_345 = tpu.memref_squeeze %dma_start3A_344 : memref<1x128xi32, #tpu.memory_space<vmem>> -> memref<128xi32, #tpu.memory_space<vmem>>
    %dma_start3A_346 = arith.constant 0 : i32
    %dma_start3A_347 = arith.constant 0 : i32
    %dma_start3A_348 = tpu.memref_slice %arg3[%dma_start3A_346, %dma_start3A_347] : memref<1000000x64xf32, #tpu.memory_space<hbm>> -> memref<1000000x64xf32, #tpu.memory_space<hbm>>
    tpu.enqueue_indirect_dma source(%dma_start3A_348 : memref<1000000x64xf32, #tpu.memory_space<hbm>>) target(%dma_start3A_342 : memref<128x64xf32, #tpu.memory_space<vmem>>) offsets(%dma_start3A_345 : memref<128xi32, #tpu.memory_space<vmem>>) semaphore(%arg7 : memref<!tpu.dma_semaphore, #tpu.memory_space<semaphore_mem>>)
    %dma_wait3A_349 = arith.constant 7 : i32
    %dma_wait3A_350 = arith.constant 3 : i32
    %dma_wait3A_351 = arith.constant 0 : i32
    %dma_wait3A_352 = arith.constant 0 : i32
    %dma_wait3A_353 = tpu.memref_slice %arg6[%dma_wait3A_350, %dma_wait3A_351, %dma_wait3A_352] : memref<4x128x64xf32, #tpu.memory_space<vmem>> -> memref<1x128x64xf32, #tpu.memory_space<vmem>>
    %dma_wait3A_354 = tpu.memref_squeeze %dma_wait3A_353 : memref<1x128x64xf32, #tpu.memory_space<vmem>> -> memref<128x64xf32, #tpu.memory_space<vmem>>
    %dma_wait3A_355 = arith.constant 0 : i32
    %dma_wait3A_356 = tpu.memref_slice %arg5[%dma_wait3A_349, %dma_wait3A_355] : memref<50x128xi32, #tpu.memory_space<vmem>> -> memref<1x128xi32, #tpu.memory_space<vmem>>
    %dma_wait3A_357 = tpu.memref_squeeze %dma_wait3A_356 : memref<1x128xi32, #tpu.memory_space<vmem>> -> memref<128xi32, #tpu.memory_space<vmem>>
    %dma_wait3A_358 = arith.constant 0 : i32
    %dma_wait3A_359 = arith.constant 0 : i32
    %dma_wait3A_360 = tpu.memref_slice %arg3[%dma_wait3A_358, %dma_wait3A_359] : memref<1000000x64xf32, #tpu.memory_space<hbm>> -> memref<1000000x64xf32, #tpu.memory_space<hbm>>
    tpu.wait_indirect_dma semaphore(%arg7 : memref<!tpu.dma_semaphore, #tpu.memory_space<semaphore_mem>>) src(%dma_wait3A_360 : memref<1000000x64xf32, #tpu.memory_space<hbm>>) dst(%dma_wait3A_354 : memref<128x64xf32, #tpu.memory_space<vmem>>)
    %dma_start3A_361 = arith.constant 3 : i32
    %dma_start3A_362 = arith.constant 0 : i32
    %dma_start3A_363 = arith.constant 0 : i32
    %dma_start3A_364 = tpu.memref_slice %arg6[%dma_start3A_361, %dma_start3A_362, %dma_start3A_363] : memref<4x128x64xf32, #tpu.memory_space<vmem>> -> memref<1x128x64xf32, #tpu.memory_space<vmem>>
    %dma_start3A_365 = tpu.memref_squeeze %dma_start3A_364 : memref<1x128x64xf32, #tpu.memory_space<vmem>> -> memref<128x64xf32, #tpu.memory_space<vmem>>
    %dma_start3A_366 = arith.constant 448 : i32
    %dma_start3A_367 = tpu.memref_slice %arg4[%mul3A_2, %dma_start3A_366] : memref<4096x3200xf32, #tpu.memory_space<hbm>> -> memref<128x64xf32, #tpu.memory_space<hbm>>
    %dma_start3A_368 = arith.constant 448 : i32
    %dma_start3A_369 = tpu.memref_slice %arg4[%mul3A_2, %dma_start3A_368] : memref<4096x3200xf32, #tpu.memory_space<hbm>> -> memref<128x64xf32, #tpu.memory_space<hbm>>
    %dma_start3A_370 = arith.constant 0 : i32
    %dma_start3A_371 = arith.constant 0 : i32
    %dma_start3A_372 = tpu.memref_slice %arg6[%dma_start3A_361, %dma_start3A_370, %dma_start3A_371] : memref<4x128x64xf32, #tpu.memory_space<vmem>> -> memref<1x128x64xf32, #tpu.memory_space<vmem>>
    %dma_start3A_373 = tpu.memref_squeeze %dma_start3A_372 : memref<1x128x64xf32, #tpu.memory_space<vmem>> -> memref<128x64xf32, #tpu.memory_space<vmem>>
    tpu.enqueue_dma source(%dma_start3A_373 : memref<128x64xf32, #tpu.memory_space<vmem>>) target(%dma_start3A_369 : memref<128x64xf32, #tpu.memory_space<hbm>>) target_semaphore(%arg8 : memref<!tpu.dma_semaphore, #tpu.memory_space<semaphore_mem>>)
    %dma_wait3A_374 = arith.constant 1 : i32
    %dma_wait3A_375 = arith.constant 0 : i32
    %dma_wait3A_376 = arith.constant 0 : i32
    %dma_wait3A_377 = tpu.memref_slice %arg6[%dma_wait3A_374, %dma_wait3A_375, %dma_wait3A_376] : memref<4x128x64xf32, #tpu.memory_space<vmem>> -> memref<1x128x64xf32, #tpu.memory_space<vmem>>
    %dma_wait3A_378 = tpu.memref_squeeze %dma_wait3A_377 : memref<1x128x64xf32, #tpu.memory_space<vmem>> -> memref<128x64xf32, #tpu.memory_space<vmem>>
    %dma_wait3A_379 = arith.constant 320 : i32
    %dma_wait3A_380 = tpu.memref_slice %arg4[%mul3A_2, %dma_wait3A_379] : memref<4096x3200xf32, #tpu.memory_space<hbm>> -> memref<128x64xf32, #tpu.memory_space<hbm>>
    %dma_wait3A_381 = arith.constant 320 : i32
    %dma_wait3A_382 = tpu.memref_slice %arg4[%mul3A_2, %dma_wait3A_381] : memref<4096x3200xf32, #tpu.memory_space<hbm>> -> memref<128x64xf32, #tpu.memory_space<hbm>>
    %dma_wait3A_383 = arith.constant 0 : i32
    %dma_wait3A_384 = arith.constant 0 : i32
    %dma_wait3A_385 = tpu.memref_slice %arg6[%dma_wait3A_374, %dma_wait3A_383, %dma_wait3A_384] : memref<4x128x64xf32, #tpu.memory_space<vmem>> -> memref<1x128x64xf32, #tpu.memory_space<vmem>>
    %dma_wait3A_386 = tpu.memref_squeeze %dma_wait3A_385 : memref<1x128x64xf32, #tpu.memory_space<vmem>> -> memref<128x64xf32, #tpu.memory_space<vmem>>
    tpu.wait_dma2 semaphore(%arg8 : memref<!tpu.dma_semaphore, #tpu.memory_space<semaphore_mem>>) src(%dma_wait3A_386 : memref<128x64xf32, #tpu.memory_space<vmem>>) dst(%dma_wait3A_382 : memref<128x64xf32, #tpu.memory_space<hbm>>)
    %dma_start3A_387 = arith.constant 9 : i32
    %dma_start3A_388 = arith.constant 1 : i32
    %dma_start3A_389 = arith.constant 0 : i32
    %dma_start3A_390 = arith.constant 0 : i32
    %dma_start3A_391 = tpu.memref_slice %arg6[%dma_start3A_388, %dma_start3A_389, %dma_start3A_390] : memref<4x128x64xf32, #tpu.memory_space<vmem>> -> memref<1x128x64xf32, #tpu.memory_space<vmem>>
    %dma_start3A_392 = tpu.memref_squeeze %dma_start3A_391 : memref<1x128x64xf32, #tpu.memory_space<vmem>> -> memref<128x64xf32, #tpu.memory_space<vmem>>
    %dma_start3A_393 = arith.constant 0 : i32
    %dma_start3A_394 = tpu.memref_slice %arg5[%dma_start3A_387, %dma_start3A_393] : memref<50x128xi32, #tpu.memory_space<vmem>> -> memref<1x128xi32, #tpu.memory_space<vmem>>
    %dma_start3A_395 = tpu.memref_squeeze %dma_start3A_394 : memref<1x128xi32, #tpu.memory_space<vmem>> -> memref<128xi32, #tpu.memory_space<vmem>>
    %dma_start3A_396 = arith.constant 0 : i32
    %dma_start3A_397 = arith.constant 0 : i32
    %dma_start3A_398 = tpu.memref_slice %arg3[%dma_start3A_396, %dma_start3A_397] : memref<1000000x64xf32, #tpu.memory_space<hbm>> -> memref<1000000x64xf32, #tpu.memory_space<hbm>>
    tpu.enqueue_indirect_dma source(%dma_start3A_398 : memref<1000000x64xf32, #tpu.memory_space<hbm>>) target(%dma_start3A_392 : memref<128x64xf32, #tpu.memory_space<vmem>>) offsets(%dma_start3A_395 : memref<128xi32, #tpu.memory_space<vmem>>) semaphore(%arg7 : memref<!tpu.dma_semaphore, #tpu.memory_space<semaphore_mem>>)
    %dma_wait3A_399 = arith.constant 8 : i32
    %dma_wait3A_400 = arith.constant 0 : i32
    %dma_wait3A_401 = arith.constant 0 : i32
    %dma_wait3A_402 = arith.constant 0 : i32
    %dma_wait3A_403 = tpu.memref_slice %arg6[%dma_wait3A_400, %dma_wait3A_401, %dma_wait3A_402] : memref<4x128x64xf32, #tpu.memory_space<vmem>> -> memref<1x128x64xf32, #tpu.memory_space<vmem>>
    %dma_wait3A_404 = tpu.memref_squeeze %dma_wait3A_403 : memref<1x128x64xf32, #tpu.memory_space<vmem>> -> memref<128x64xf32, #tpu.memory_space<vmem>>
    %dma_wait3A_405 = arith.constant 0 : i32
    %dma_wait3A_406 = tpu.memref_slice %arg5[%dma_wait3A_399, %dma_wait3A_405] : memref<50x128xi32, #tpu.memory_space<vmem>> -> memref<1x128xi32, #tpu.memory_space<vmem>>
    %dma_wait3A_407 = tpu.memref_squeeze %dma_wait3A_406 : memref<1x128xi32, #tpu.memory_space<vmem>> -> memref<128xi32, #tpu.memory_space<vmem>>
    %dma_wait3A_408 = arith.constant 0 : i32
    %dma_wait3A_409 = arith.constant 0 : i32
    %dma_wait3A_410 = tpu.memref_slice %arg3[%dma_wait3A_408, %dma_wait3A_409] : memref<1000000x64xf32, #tpu.memory_space<hbm>> -> memref<1000000x64xf32, #tpu.memory_space<hbm>>
    tpu.wait_indirect_dma semaphore(%arg7 : memref<!tpu.dma_semaphore, #tpu.memory_space<semaphore_mem>>) src(%dma_wait3A_410 : memref<1000000x64xf32, #tpu.memory_space<hbm>>) dst(%dma_wait3A_404 : memref<128x64xf32, #tpu.memory_space<vmem>>)
    %dma_start3A_411 = arith.constant 0 : i32
    %dma_start3A_412 = arith.constant 0 : i32
    %dma_start3A_413 = arith.constant 0 : i32
    %dma_start3A_414 = tpu.memref_slice %arg6[%dma_start3A_411, %dma_start3A_412, %dma_start3A_413] : memref<4x128x64xf32, #tpu.memory_space<vmem>> -> memref<1x128x64xf32, #tpu.memory_space<vmem>>
    %dma_start3A_415 = tpu.memref_squeeze %dma_start3A_414 : memref<1x128x64xf32, #tpu.memory_space<vmem>> -> memref<128x64xf32, #tpu.memory_space<vmem>>
    %dma_start3A_416 = arith.constant 512 : i32
    %dma_start3A_417 = tpu.memref_slice %arg4[%mul3A_2, %dma_start3A_416] : memref<4096x3200xf32, #tpu.memory_space<hbm>> -> memref<128x64xf32, #tpu.memory_space<hbm>>
    %dma_start3A_418 = arith.constant 512 : i32
    %dma_start3A_419 = tpu.memref_slice %arg4[%mul3A_2, %dma_start3A_418] : memref<4096x3200xf32, #tpu.memory_space<hbm>> -> memref<128x64xf32, #tpu.memory_space<hbm>>
    %dma_start3A_420 = arith.constant 0 : i32
    %dma_start3A_421 = arith.constant 0 : i32
    %dma_start3A_422 = tpu.memref_slice %arg6[%dma_start3A_411, %dma_start3A_420, %dma_start3A_421] : memref<4x128x64xf32, #tpu.memory_space<vmem>> -> memref<1x128x64xf32, #tpu.memory_space<vmem>>
    %dma_start3A_423 = tpu.memref_squeeze %dma_start3A_422 : memref<1x128x64xf32, #tpu.memory_space<vmem>> -> memref<128x64xf32, #tpu.memory_space<vmem>>
    tpu.enqueue_dma source(%dma_start3A_423 : memref<128x64xf32, #tpu.memory_space<vmem>>) target(%dma_start3A_419 : memref<128x64xf32, #tpu.memory_space<hbm>>) target_semaphore(%arg8 : memref<!tpu.dma_semaphore, #tpu.memory_space<semaphore_mem>>)
    %dma_wait3A_424 = arith.constant 2 : i32
    %dma_wait3A_425 = arith.constant 0 : i32
    %dma_wait3A_426 = arith.constant 0 : i32
    %dma_wait3A_427 = tpu.memref_slice %arg6[%dma_wait3A_424, %dma_wait3A_425, %dma_wait3A_426] : memref<4x128x64xf32, #tpu.memory_space<vmem>> -> memref<1x128x64xf32, #tpu.memory_space<vmem>>
    %dma_wait3A_428 = tpu.memref_squeeze %dma_wait3A_427 : memref<1x128x64xf32, #tpu.memory_space<vmem>> -> memref<128x64xf32, #tpu.memory_space<vmem>>
    %dma_wait3A_429 = arith.constant 384 : i32
    %dma_wait3A_430 = tpu.memref_slice %arg4[%mul3A_2, %dma_wait3A_429] : memref<4096x3200xf32, #tpu.memory_space<hbm>> -> memref<128x64xf32, #tpu.memory_space<hbm>>
    %dma_wait3A_431 = arith.constant 384 : i32
    %dma_wait3A_432 = tpu.memref_slice %arg4[%mul3A_2, %dma_wait3A_431] : memref<4096x3200xf32, #tpu.memory_space<hbm>> -> memref<128x64xf32, #tpu.memory_space<hbm>>
    %dma_wait3A_433 = arith.constant 0 : i32
    %dma_wait3A_434 = arith.constant 0 : i32
    %dma_wait3A_435 = tpu.memref_slice %arg6[%dma_wait3A_424, %dma_wait3A_433, %dma_wait3A_434] : memref<4x128x64xf32, #tpu.memory_space<vmem>> -> memref<1x128x64xf32, #tpu.memory_space<vmem>>
    %dma_wait3A_436 = tpu.memref_squeeze %dma_wait3A_435 : memref<1x128x64xf32, #tpu.memory_space<vmem>> -> memref<128x64xf32, #tpu.memory_space<vmem>>
    tpu.wait_dma2 semaphore(%arg8 : memref<!tpu.dma_semaphore, #tpu.memory_space<semaphore_mem>>) src(%dma_wait3A_436 : memref<128x64xf32, #tpu.memory_space<vmem>>) dst(%dma_wait3A_432 : memref<128x64xf32, #tpu.memory_space<hbm>>)
    %dma_start3A_437 = arith.constant 10 : i32
    %dma_start3A_438 = arith.constant 2 : i32
    %dma_start3A_439 = arith.constant 0 : i32
    %dma_start3A_440 = arith.constant 0 : i32
    %dma_start3A_441 = tpu.memref_slice %arg6[%dma_start3A_438, %dma_start3A_439, %dma_start3A_440] : memref<4x128x64xf32, #tpu.memory_space<vmem>> -> memref<1x128x64xf32, #tpu.memory_space<vmem>>
    %dma_start3A_442 = tpu.memref_squeeze %dma_start3A_441 : memref<1x128x64xf32, #tpu.memory_space<vmem>> -> memref<128x64xf32, #tpu.memory_space<vmem>>
    %dma_start3A_443 = arith.constant 0 : i32
    %dma_start3A_444 = tpu.memref_slice %arg5[%dma_start3A_437, %dma_start3A_443] : memref<50x128xi32, #tpu.memory_space<vmem>> -> memref<1x128xi32, #tpu.memory_space<vmem>>
    %dma_start3A_445 = tpu.memref_squeeze %dma_start3A_444 : memref<1x128xi32, #tpu.memory_space<vmem>> -> memref<128xi32, #tpu.memory_space<vmem>>
    %dma_start3A_446 = arith.constant 0 : i32
    %dma_start3A_447 = arith.constant 0 : i32
    %dma_start3A_448 = tpu.memref_slice %arg3[%dma_start3A_446, %dma_start3A_447] : memref<1000000x64xf32, #tpu.memory_space<hbm>> -> memref<1000000x64xf32, #tpu.memory_space<hbm>>
    tpu.enqueue_indirect_dma source(%dma_start3A_448 : memref<1000000x64xf32, #tpu.memory_space<hbm>>) target(%dma_start3A_442 : memref<128x64xf32, #tpu.memory_space<vmem>>) offsets(%dma_start3A_445 : memref<128xi32, #tpu.memory_space<vmem>>) semaphore(%arg7 : memref<!tpu.dma_semaphore, #tpu.memory_space<semaphore_mem>>)
    %dma_wait3A_449 = arith.constant 9 : i32
    %dma_wait3A_450 = arith.constant 1 : i32
    %dma_wait3A_451 = arith.constant 0 : i32
    %dma_wait3A_452 = arith.constant 0 : i32
    %dma_wait3A_453 = tpu.memref_slice %arg6[%dma_wait3A_450, %dma_wait3A_451, %dma_wait3A_452] : memref<4x128x64xf32, #tpu.memory_space<vmem>> -> memref<1x128x64xf32, #tpu.memory_space<vmem>>
    %dma_wait3A_454 = tpu.memref_squeeze %dma_wait3A_453 : memref<1x128x64xf32, #tpu.memory_space<vmem>> -> memref<128x64xf32, #tpu.memory_space<vmem>>
    %dma_wait3A_455 = arith.constant 0 : i32
    %dma_wait3A_456 = tpu.memref_slice %arg5[%dma_wait3A_449, %dma_wait3A_455] : memref<50x128xi32, #tpu.memory_space<vmem>> -> memref<1x128xi32, #tpu.memory_space<vmem>>
    %dma_wait3A_457 = tpu.memref_squeeze %dma_wait3A_456 : memref<1x128xi32, #tpu.memory_space<vmem>> -> memref<128xi32, #tpu.memory_space<vmem>>
    %dma_wait3A_458 = arith.constant 0 : i32
    %dma_wait3A_459 = arith.constant 0 : i32
    %dma_wait3A_460 = tpu.memref_slice %arg3[%dma_wait3A_458, %dma_wait3A_459] : memref<1000000x64xf32, #tpu.memory_space<hbm>> -> memref<1000000x64xf32, #tpu.memory_space<hbm>>
    tpu.wait_indirect_dma semaphore(%arg7 : memref<!tpu.dma_semaphore, #tpu.memory_space<semaphore_mem>>) src(%dma_wait3A_460 : memref<1000000x64xf32, #tpu.memory_space<hbm>>) dst(%dma_wait3A_454 : memref<128x64xf32, #tpu.memory_space<vmem>>)
    %dma_start3A_461 = arith.constant 1 : i32
    %dma_start3A_462 = arith.constant 0 : i32
    %dma_start3A_463 = arith.constant 0 : i32
    %dma_start3A_464 = tpu.memref_slice %arg6[%dma_start3A_461, %dma_start3A_462, %dma_start3A_463] : memref<4x128x64xf32, #tpu.memory_space<vmem>> -> memref<1x128x64xf32, #tpu.memory_space<vmem>>
    %dma_start3A_465 = tpu.memref_squeeze %dma_start3A_464 : memref<1x128x64xf32, #tpu.memory_space<vmem>> -> memref<128x64xf32, #tpu.memory_space<vmem>>
    %dma_start3A_466 = arith.constant 576 : i32
    %dma_start3A_467 = tpu.memref_slice %arg4[%mul3A_2, %dma_start3A_466] : memref<4096x3200xf32, #tpu.memory_space<hbm>> -> memref<128x64xf32, #tpu.memory_space<hbm>>
    %dma_start3A_468 = arith.constant 576 : i32
    %dma_start3A_469 = tpu.memref_slice %arg4[%mul3A_2, %dma_start3A_468] : memref<4096x3200xf32, #tpu.memory_space<hbm>> -> memref<128x64xf32, #tpu.memory_space<hbm>>
    %dma_start3A_470 = arith.constant 0 : i32
    %dma_start3A_471 = arith.constant 0 : i32
    %dma_start3A_472 = tpu.memref_slice %arg6[%dma_start3A_461, %dma_start3A_470, %dma_start3A_471] : memref<4x128x64xf32, #tpu.memory_space<vmem>> -> memref<1x128x64xf32, #tpu.memory_space<vmem>>
    %dma_start3A_473 = tpu.memref_squeeze %dma_start3A_472 : memref<1x128x64xf32, #tpu.memory_space<vmem>> -> memref<128x64xf32, #tpu.memory_space<vmem>>
    tpu.enqueue_dma source(%dma_start3A_473 : memref<128x64xf32, #tpu.memory_space<vmem>>) target(%dma_start3A_469 : memref<128x64xf32, #tpu.memory_space<hbm>>) target_semaphore(%arg8 : memref<!tpu.dma_semaphore, #tpu.memory_space<semaphore_mem>>)
    %dma_wait3A_474 = arith.constant 3 : i32
    %dma_wait3A_475 = arith.constant 0 : i32
    %dma_wait3A_476 = arith.constant 0 : i32
    %dma_wait3A_477 = tpu.memref_slice %arg6[%dma_wait3A_474, %dma_wait3A_475, %dma_wait3A_476] : memref<4x128x64xf32, #tpu.memory_space<vmem>> -> memref<1x128x64xf32, #tpu.memory_space<vmem>>
    %dma_wait3A_478 = tpu.memref_squeeze %dma_wait3A_477 : memref<1x128x64xf32, #tpu.memory_space<vmem>> -> memref<128x64xf32, #tpu.memory_space<vmem>>
    %dma_wait3A_479 = arith.constant 448 : i32
    %dma_wait3A_480 = tpu.memref_slice %arg4[%mul3A_2, %dma_wait3A_479] : memref<4096x3200xf32, #tpu.memory_space<hbm>> -> memref<128x64xf32, #tpu.memory_space<hbm>>
    %dma_wait3A_481 = arith.constant 448 : i32
    %dma_wait3A_482 = tpu.memref_slice %arg4[%mul3A_2, %dma_wait3A_481] : memref<4096x3200xf32, #tpu.memory_space<hbm>> -> memref<128x64xf32, #tpu.memory_space<hbm>>
    %dma_wait3A_483 = arith.constant 0 : i32
    %dma_wait3A_484 = arith.constant 0 : i32
    %dma_wait3A_485 = tpu.memref_slice %arg6[%dma_wait3A_474, %dma_wait3A_483, %dma_wait3A_484] : memref<4x128x64xf32, #tpu.memory_space<vmem>> -> memref<1x128x64xf32, #tpu.memory_space<vmem>>
    %dma_wait3A_486 = tpu.memref_squeeze %dma_wait3A_485 : memref<1x128x64xf32, #tpu.memory_space<vmem>> -> memref<128x64xf32, #tpu.memory_space<vmem>>
    tpu.wait_dma2 semaphore(%arg8 : memref<!tpu.dma_semaphore, #tpu.memory_space<semaphore_mem>>) src(%dma_wait3A_486 : memref<128x64xf32, #tpu.memory_space<vmem>>) dst(%dma_wait3A_482 : memref<128x64xf32, #tpu.memory_space<hbm>>)
    %dma_start3A_487 = arith.constant 11 : i32
    %dma_start3A_488 = arith.constant 3 : i32
    %dma_start3A_489 = arith.constant 0 : i32
    %dma_start3A_490 = arith.constant 0 : i32
    %dma_start3A_491 = tpu.memref_slice %arg6[%dma_start3A_488, %dma_start3A_489, %dma_start3A_490] : memref<4x128x64xf32, #tpu.memory_space<vmem>> -> memref<1x128x64xf32, #tpu.memory_space<vmem>>
    %dma_start3A_492 = tpu.memref_squeeze %dma_start3A_491 : memref<1x128x64xf32, #tpu.memory_space<vmem>> -> memref<128x64xf32, #tpu.memory_space<vmem>>
    %dma_start3A_493 = arith.constant 0 : i32
    %dma_start3A_494 = tpu.memref_slice %arg5[%dma_start3A_487, %dma_start3A_493] : memref<50x128xi32, #tpu.memory_space<vmem>> -> memref<1x128xi32, #tpu.memory_space<vmem>>
    %dma_start3A_495 = tpu.memref_squeeze %dma_start3A_494 : memref<1x128xi32, #tpu.memory_space<vmem>> -> memref<128xi32, #tpu.memory_space<vmem>>
    %dma_start3A_496 = arith.constant 0 : i32
    %dma_start3A_497 = arith.constant 0 : i32
    %dma_start3A_498 = tpu.memref_slice %arg3[%dma_start3A_496, %dma_start3A_497] : memref<1000000x64xf32, #tpu.memory_space<hbm>> -> memref<1000000x64xf32, #tpu.memory_space<hbm>>
    tpu.enqueue_indirect_dma source(%dma_start3A_498 : memref<1000000x64xf32, #tpu.memory_space<hbm>>) target(%dma_start3A_492 : memref<128x64xf32, #tpu.memory_space<vmem>>) offsets(%dma_start3A_495 : memref<128xi32, #tpu.memory_space<vmem>>) semaphore(%arg7 : memref<!tpu.dma_semaphore, #tpu.memory_space<semaphore_mem>>)
    %dma_wait3A_499 = arith.constant 10 : i32
    %dma_wait3A_500 = arith.constant 2 : i32
    %dma_wait3A_501 = arith.constant 0 : i32
    %dma_wait3A_502 = arith.constant 0 : i32
    %dma_wait3A_503 = tpu.memref_slice %arg6[%dma_wait3A_500, %dma_wait3A_501, %dma_wait3A_502] : memref<4x128x64xf32, #tpu.memory_space<vmem>> -> memref<1x128x64xf32, #tpu.memory_space<vmem>>
    %dma_wait3A_504 = tpu.memref_squeeze %dma_wait3A_503 : memref<1x128x64xf32, #tpu.memory_space<vmem>> -> memref<128x64xf32, #tpu.memory_space<vmem>>
    %dma_wait3A_505 = arith.constant 0 : i32
    %dma_wait3A_506 = tpu.memref_slice %arg5[%dma_wait3A_499, %dma_wait3A_505] : memref<50x128xi32, #tpu.memory_space<vmem>> -> memref<1x128xi32, #tpu.memory_space<vmem>>
    %dma_wait3A_507 = tpu.memref_squeeze %dma_wait3A_506 : memref<1x128xi32, #tpu.memory_space<vmem>> -> memref<128xi32, #tpu.memory_space<vmem>>
    %dma_wait3A_508 = arith.constant 0 : i32
    %dma_wait3A_509 = arith.constant 0 : i32
    %dma_wait3A_510 = tpu.memref_slice %arg3[%dma_wait3A_508, %dma_wait3A_509] : memref<1000000x64xf32, #tpu.memory_space<hbm>> -> memref<1000000x64xf32, #tpu.memory_space<hbm>>
    tpu.wait_indirect_dma semaphore(%arg7 : memref<!tpu.dma_semaphore, #tpu.memory_space<semaphore_mem>>) src(%dma_wait3A_510 : memref<1000000x64xf32, #tpu.memory_space<hbm>>) dst(%dma_wait3A_504 : memref<128x64xf32, #tpu.memory_space<vmem>>)
    %dma_start3A_511 = arith.constant 2 : i32
    %dma_start3A_512 = arith.constant 0 : i32
    %dma_start3A_513 = arith.constant 0 : i32
    %dma_start3A_514 = tpu.memref_slice %arg6[%dma_start3A_511, %dma_start3A_512, %dma_start3A_513] : memref<4x128x64xf32, #tpu.memory_space<vmem>> -> memref<1x128x64xf32, #tpu.memory_space<vmem>>
    %dma_start3A_515 = tpu.memref_squeeze %dma_start3A_514 : memref<1x128x64xf32, #tpu.memory_space<vmem>> -> memref<128x64xf32, #tpu.memory_space<vmem>>
    %dma_start3A_516 = arith.constant 640 : i32
    %dma_start3A_517 = tpu.memref_slice %arg4[%mul3A_2, %dma_start3A_516] : memref<4096x3200xf32, #tpu.memory_space<hbm>> -> memref<128x64xf32, #tpu.memory_space<hbm>>
    %dma_start3A_518 = arith.constant 640 : i32
    %dma_start3A_519 = tpu.memref_slice %arg4[%mul3A_2, %dma_start3A_518] : memref<4096x3200xf32, #tpu.memory_space<hbm>> -> memref<128x64xf32, #tpu.memory_space<hbm>>
    %dma_start3A_520 = arith.constant 0 : i32
    %dma_start3A_521 = arith.constant 0 : i32
    %dma_start3A_522 = tpu.memref_slice %arg6[%dma_start3A_511, %dma_start3A_520, %dma_start3A_521] : memref<4x128x64xf32, #tpu.memory_space<vmem>> -> memref<1x128x64xf32, #tpu.memory_space<vmem>>
    %dma_start3A_523 = tpu.memref_squeeze %dma_start3A_522 : memref<1x128x64xf32, #tpu.memory_space<vmem>> -> memref<128x64xf32, #tpu.memory_space<vmem>>
    tpu.enqueue_dma source(%dma_start3A_523 : memref<128x64xf32, #tpu.memory_space<vmem>>) target(%dma_start3A_519 : memref<128x64xf32, #tpu.memory_space<hbm>>) target_semaphore(%arg8 : memref<!tpu.dma_semaphore, #tpu.memory_space<semaphore_mem>>)
    %dma_wait3A_524 = arith.constant 0 : i32
    %dma_wait3A_525 = arith.constant 0 : i32
    %dma_wait3A_526 = arith.constant 0 : i32
    %dma_wait3A_527 = tpu.memref_slice %arg6[%dma_wait3A_524, %dma_wait3A_525, %dma_wait3A_526] : memref<4x128x64xf32, #tpu.memory_space<vmem>> -> memref<1x128x64xf32, #tpu.memory_space<vmem>>
    %dma_wait3A_528 = tpu.memref_squeeze %dma_wait3A_527 : memref<1x128x64xf32, #tpu.memory_space<vmem>> -> memref<128x64xf32, #tpu.memory_space<vmem>>
    %dma_wait3A_529 = arith.constant 512 : i32
    %dma_wait3A_530 = tpu.memref_slice %arg4[%mul3A_2, %dma_wait3A_529] : memref<4096x3200xf32, #tpu.memory_space<hbm>> -> memref<128x64xf32, #tpu.memory_space<hbm>>
    %dma_wait3A_531 = arith.constant 512 : i32
    %dma_wait3A_532 = tpu.memref_slice %arg4[%mul3A_2, %dma_wait3A_531] : memref<4096x3200xf32, #tpu.memory_space<hbm>> -> memref<128x64xf32, #tpu.memory_space<hbm>>
    %dma_wait3A_533 = arith.constant 0 : i32
    %dma_wait3A_534 = arith.constant 0 : i32
    %dma_wait3A_535 = tpu.memref_slice %arg6[%dma_wait3A_524, %dma_wait3A_533, %dma_wait3A_534] : memref<4x128x64xf32, #tpu.memory_space<vmem>> -> memref<1x128x64xf32, #tpu.memory_space<vmem>>
    %dma_wait3A_536 = tpu.memref_squeeze %dma_wait3A_535 : memref<1x128x64xf32, #tpu.memory_space<vmem>> -> memref<128x64xf32, #tpu.memory_space<vmem>>
    tpu.wait_dma2 semaphore(%arg8 : memref<!tpu.dma_semaphore, #tpu.memory_space<semaphore_mem>>) src(%dma_wait3A_536 : memref<128x64xf32, #tpu.memory_space<vmem>>) dst(%dma_wait3A_532 : memref<128x64xf32, #tpu.memory_space<hbm>>)
    %dma_start3A_537 = arith.constant 12 : i32
    %dma_start3A_538 = arith.constant 0 : i32
    %dma_start3A_539 = arith.constant 0 : i32
    %dma_start3A_540 = arith.constant 0 : i32
    %dma_start3A_541 = tpu.memref_slice %arg6[%dma_start3A_538, %dma_start3A_539, %dma_start3A_540] : memref<4x128x64xf32, #tpu.memory_space<vmem>> -> memref<1x128x64xf32, #tpu.memory_space<vmem>>
    %dma_start3A_542 = tpu.memref_squeeze %dma_start3A_541 : memref<1x128x64xf32, #tpu.memory_space<vmem>> -> memref<128x64xf32, #tpu.memory_space<vmem>>
    %dma_start3A_543 = arith.constant 0 : i32
    %dma_start3A_544 = tpu.memref_slice %arg5[%dma_start3A_537, %dma_start3A_543] : memref<50x128xi32, #tpu.memory_space<vmem>> -> memref<1x128xi32, #tpu.memory_space<vmem>>
    %dma_start3A_545 = tpu.memref_squeeze %dma_start3A_544 : memref<1x128xi32, #tpu.memory_space<vmem>> -> memref<128xi32, #tpu.memory_space<vmem>>
    %dma_start3A_546 = arith.constant 0 : i32
    %dma_start3A_547 = arith.constant 0 : i32
    %dma_start3A_548 = tpu.memref_slice %arg3[%dma_start3A_546, %dma_start3A_547] : memref<1000000x64xf32, #tpu.memory_space<hbm>> -> memref<1000000x64xf32, #tpu.memory_space<hbm>>
    tpu.enqueue_indirect_dma source(%dma_start3A_548 : memref<1000000x64xf32, #tpu.memory_space<hbm>>) target(%dma_start3A_542 : memref<128x64xf32, #tpu.memory_space<vmem>>) offsets(%dma_start3A_545 : memref<128xi32, #tpu.memory_space<vmem>>) semaphore(%arg7 : memref<!tpu.dma_semaphore, #tpu.memory_space<semaphore_mem>>)
    %dma_wait3A_549 = arith.constant 11 : i32
    %dma_wait3A_550 = arith.constant 3 : i32
    %dma_wait3A_551 = arith.constant 0 : i32
    %dma_wait3A_552 = arith.constant 0 : i32
    %dma_wait3A_553 = tpu.memref_slice %arg6[%dma_wait3A_550, %dma_wait3A_551, %dma_wait3A_552] : memref<4x128x64xf32, #tpu.memory_space<vmem>> -> memref<1x128x64xf32, #tpu.memory_space<vmem>>
    %dma_wait3A_554 = tpu.memref_squeeze %dma_wait3A_553 : memref<1x128x64xf32, #tpu.memory_space<vmem>> -> memref<128x64xf32, #tpu.memory_space<vmem>>
    %dma_wait3A_555 = arith.constant 0 : i32
    %dma_wait3A_556 = tpu.memref_slice %arg5[%dma_wait3A_549, %dma_wait3A_555] : memref<50x128xi32, #tpu.memory_space<vmem>> -> memref<1x128xi32, #tpu.memory_space<vmem>>
    %dma_wait3A_557 = tpu.memref_squeeze %dma_wait3A_556 : memref<1x128xi32, #tpu.memory_space<vmem>> -> memref<128xi32, #tpu.memory_space<vmem>>
    %dma_wait3A_558 = arith.constant 0 : i32
    %dma_wait3A_559 = arith.constant 0 : i32
    %dma_wait3A_560 = tpu.memref_slice %arg3[%dma_wait3A_558, %dma_wait3A_559] : memref<1000000x64xf32, #tpu.memory_space<hbm>> -> memref<1000000x64xf32, #tpu.memory_space<hbm>>
    tpu.wait_indirect_dma semaphore(%arg7 : memref<!tpu.dma_semaphore, #tpu.memory_space<semaphore_mem>>) src(%dma_wait3A_560 : memref<1000000x64xf32, #tpu.memory_space<hbm>>) dst(%dma_wait3A_554 : memref<128x64xf32, #tpu.memory_space<vmem>>)
    %dma_start3A_561 = arith.constant 3 : i32
    %dma_start3A_562 = arith.constant 0 : i32
    %dma_start3A_563 = arith.constant 0 : i32
    %dma_start3A_564 = tpu.memref_slice %arg6[%dma_start3A_561, %dma_start3A_562, %dma_start3A_563] : memref<4x128x64xf32, #tpu.memory_space<vmem>> -> memref<1x128x64xf32, #tpu.memory_space<vmem>>
    %dma_start3A_565 = tpu.memref_squeeze %dma_start3A_564 : memref<1x128x64xf32, #tpu.memory_space<vmem>> -> memref<128x64xf32, #tpu.memory_space<vmem>>
    %dma_start3A_566 = arith.constant 704 : i32
    %dma_start3A_567 = tpu.memref_slice %arg4[%mul3A_2, %dma_start3A_566] : memref<4096x3200xf32, #tpu.memory_space<hbm>> -> memref<128x64xf32, #tpu.memory_space<hbm>>
    %dma_start3A_568 = arith.constant 704 : i32
    %dma_start3A_569 = tpu.memref_slice %arg4[%mul3A_2, %dma_start3A_568] : memref<4096x3200xf32, #tpu.memory_space<hbm>> -> memref<128x64xf32, #tpu.memory_space<hbm>>
    %dma_start3A_570 = arith.constant 0 : i32
    %dma_start3A_571 = arith.constant 0 : i32
    %dma_start3A_572 = tpu.memref_slice %arg6[%dma_start3A_561, %dma_start3A_570, %dma_start3A_571] : memref<4x128x64xf32, #tpu.memory_space<vmem>> -> memref<1x128x64xf32, #tpu.memory_space<vmem>>
    %dma_start3A_573 = tpu.memref_squeeze %dma_start3A_572 : memref<1x128x64xf32, #tpu.memory_space<vmem>> -> memref<128x64xf32, #tpu.memory_space<vmem>>
    tpu.enqueue_dma source(%dma_start3A_573 : memref<128x64xf32, #tpu.memory_space<vmem>>) target(%dma_start3A_569 : memref<128x64xf32, #tpu.memory_space<hbm>>) target_semaphore(%arg8 : memref<!tpu.dma_semaphore, #tpu.memory_space<semaphore_mem>>)
    %dma_wait3A_574 = arith.constant 1 : i32
    %dma_wait3A_575 = arith.constant 0 : i32
    %dma_wait3A_576 = arith.constant 0 : i32
    %dma_wait3A_577 = tpu.memref_slice %arg6[%dma_wait3A_574, %dma_wait3A_575, %dma_wait3A_576] : memref<4x128x64xf32, #tpu.memory_space<vmem>> -> memref<1x128x64xf32, #tpu.memory_space<vmem>>
    %dma_wait3A_578 = tpu.memref_squeeze %dma_wait3A_577 : memref<1x128x64xf32, #tpu.memory_space<vmem>> -> memref<128x64xf32, #tpu.memory_space<vmem>>
    %dma_wait3A_579 = arith.constant 576 : i32
    %dma_wait3A_580 = tpu.memref_slice %arg4[%mul3A_2, %dma_wait3A_579] : memref<4096x3200xf32, #tpu.memory_space<hbm>> -> memref<128x64xf32, #tpu.memory_space<hbm>>
    %dma_wait3A_581 = arith.constant 576 : i32
    %dma_wait3A_582 = tpu.memref_slice %arg4[%mul3A_2, %dma_wait3A_581] : memref<4096x3200xf32, #tpu.memory_space<hbm>> -> memref<128x64xf32, #tpu.memory_space<hbm>>
    %dma_wait3A_583 = arith.constant 0 : i32
    %dma_wait3A_584 = arith.constant 0 : i32
    %dma_wait3A_585 = tpu.memref_slice %arg6[%dma_wait3A_574, %dma_wait3A_583, %dma_wait3A_584] : memref<4x128x64xf32, #tpu.memory_space<vmem>> -> memref<1x128x64xf32, #tpu.memory_space<vmem>>
    %dma_wait3A_586 = tpu.memref_squeeze %dma_wait3A_585 : memref<1x128x64xf32, #tpu.memory_space<vmem>> -> memref<128x64xf32, #tpu.memory_space<vmem>>
    tpu.wait_dma2 semaphore(%arg8 : memref<!tpu.dma_semaphore, #tpu.memory_space<semaphore_mem>>) src(%dma_wait3A_586 : memref<128x64xf32, #tpu.memory_space<vmem>>) dst(%dma_wait3A_582 : memref<128x64xf32, #tpu.memory_space<hbm>>)
    %dma_start3A_587 = arith.constant 13 : i32
    %dma_start3A_588 = arith.constant 1 : i32
    %dma_start3A_589 = arith.constant 0 : i32
    %dma_start3A_590 = arith.constant 0 : i32
    %dma_start3A_591 = tpu.memref_slice %arg6[%dma_start3A_588, %dma_start3A_589, %dma_start3A_590] : memref<4x128x64xf32, #tpu.memory_space<vmem>> -> memref<1x128x64xf32, #tpu.memory_space<vmem>>
    %dma_start3A_592 = tpu.memref_squeeze %dma_start3A_591 : memref<1x128x64xf32, #tpu.memory_space<vmem>> -> memref<128x64xf32, #tpu.memory_space<vmem>>
    %dma_start3A_593 = arith.constant 0 : i32
    %dma_start3A_594 = tpu.memref_slice %arg5[%dma_start3A_587, %dma_start3A_593] : memref<50x128xi32, #tpu.memory_space<vmem>> -> memref<1x128xi32, #tpu.memory_space<vmem>>
    %dma_start3A_595 = tpu.memref_squeeze %dma_start3A_594 : memref<1x128xi32, #tpu.memory_space<vmem>> -> memref<128xi32, #tpu.memory_space<vmem>>
    %dma_start3A_596 = arith.constant 0 : i32
    %dma_start3A_597 = arith.constant 0 : i32
    %dma_start3A_598 = tpu.memref_slice %arg3[%dma_start3A_596, %dma_start3A_597] : memref<1000000x64xf32, #tpu.memory_space<hbm>> -> memref<1000000x64xf32, #tpu.memory_space<hbm>>
    tpu.enqueue_indirect_dma source(%dma_start3A_598 : memref<1000000x64xf32, #tpu.memory_space<hbm>>) target(%dma_start3A_592 : memref<128x64xf32, #tpu.memory_space<vmem>>) offsets(%dma_start3A_595 : memref<128xi32, #tpu.memory_space<vmem>>) semaphore(%arg7 : memref<!tpu.dma_semaphore, #tpu.memory_space<semaphore_mem>>)
    %dma_wait3A_599 = arith.constant 12 : i32
    %dma_wait3A_600 = arith.constant 0 : i32
    %dma_wait3A_601 = arith.constant 0 : i32
    %dma_wait3A_602 = arith.constant 0 : i32
    %dma_wait3A_603 = tpu.memref_slice %arg6[%dma_wait3A_600, %dma_wait3A_601, %dma_wait3A_602] : memref<4x128x64xf32, #tpu.memory_space<vmem>> -> memref<1x128x64xf32, #tpu.memory_space<vmem>>
    %dma_wait3A_604 = tpu.memref_squeeze %dma_wait3A_603 : memref<1x128x64xf32, #tpu.memory_space<vmem>> -> memref<128x64xf32, #tpu.memory_space<vmem>>
    %dma_wait3A_605 = arith.constant 0 : i32
    %dma_wait3A_606 = tpu.memref_slice %arg5[%dma_wait3A_599, %dma_wait3A_605] : memref<50x128xi32, #tpu.memory_space<vmem>> -> memref<1x128xi32, #tpu.memory_space<vmem>>
    %dma_wait3A_607 = tpu.memref_squeeze %dma_wait3A_606 : memref<1x128xi32, #tpu.memory_space<vmem>> -> memref<128xi32, #tpu.memory_space<vmem>>
    %dma_wait3A_608 = arith.constant 0 : i32
    %dma_wait3A_609 = arith.constant 0 : i32
    %dma_wait3A_610 = tpu.memref_slice %arg3[%dma_wait3A_608, %dma_wait3A_609] : memref<1000000x64xf32, #tpu.memory_space<hbm>> -> memref<1000000x64xf32, #tpu.memory_space<hbm>>
    tpu.wait_indirect_dma semaphore(%arg7 : memref<!tpu.dma_semaphore, #tpu.memory_space<semaphore_mem>>) src(%dma_wait3A_610 : memref<1000000x64xf32, #tpu.memory_space<hbm>>) dst(%dma_wait3A_604 : memref<128x64xf32, #tpu.memory_space<vmem>>)
    %dma_start3A_611 = arith.constant 0 : i32
    %dma_start3A_612 = arith.constant 0 : i32
    %dma_start3A_613 = arith.constant 0 : i32
    %dma_start3A_614 = tpu.memref_slice %arg6[%dma_start3A_611, %dma_start3A_612, %dma_start3A_613] : memref<4x128x64xf32, #tpu.memory_space<vmem>> -> memref<1x128x64xf32, #tpu.memory_space<vmem>>
    %dma_start3A_615 = tpu.memref_squeeze %dma_start3A_614 : memref<1x128x64xf32, #tpu.memory_space<vmem>> -> memref<128x64xf32, #tpu.memory_space<vmem>>
    %dma_start3A_616 = arith.constant 768 : i32
    %dma_start3A_617 = tpu.memref_slice %arg4[%mul3A_2, %dma_start3A_616] : memref<4096x3200xf32, #tpu.memory_space<hbm>> -> memref<128x64xf32, #tpu.memory_space<hbm>>
    %dma_start3A_618 = arith.constant 768 : i32
    %dma_start3A_619 = tpu.memref_slice %arg4[%mul3A_2, %dma_start3A_618] : memref<4096x3200xf32, #tpu.memory_space<hbm>> -> memref<128x64xf32, #tpu.memory_space<hbm>>
    %dma_start3A_620 = arith.constant 0 : i32
    %dma_start3A_621 = arith.constant 0 : i32
    %dma_start3A_622 = tpu.memref_slice %arg6[%dma_start3A_611, %dma_start3A_620, %dma_start3A_621] : memref<4x128x64xf32, #tpu.memory_space<vmem>> -> memref<1x128x64xf32, #tpu.memory_space<vmem>>
    %dma_start3A_623 = tpu.memref_squeeze %dma_start3A_622 : memref<1x128x64xf32, #tpu.memory_space<vmem>> -> memref<128x64xf32, #tpu.memory_space<vmem>>
    tpu.enqueue_dma source(%dma_start3A_623 : memref<128x64xf32, #tpu.memory_space<vmem>>) target(%dma_start3A_619 : memref<128x64xf32, #tpu.memory_space<hbm>>) target_semaphore(%arg8 : memref<!tpu.dma_semaphore, #tpu.memory_space<semaphore_mem>>)
    %dma_wait3A_624 = arith.constant 2 : i32
    %dma_wait3A_625 = arith.constant 0 : i32
    %dma_wait3A_626 = arith.constant 0 : i32
    %dma_wait3A_627 = tpu.memref_slice %arg6[%dma_wait3A_624, %dma_wait3A_625, %dma_wait3A_626] : memref<4x128x64xf32, #tpu.memory_space<vmem>> -> memref<1x128x64xf32, #tpu.memory_space<vmem>>
    %dma_wait3A_628 = tpu.memref_squeeze %dma_wait3A_627 : memref<1x128x64xf32, #tpu.memory_space<vmem>> -> memref<128x64xf32, #tpu.memory_space<vmem>>
    %dma_wait3A_629 = arith.constant 640 : i32
    %dma_wait3A_630 = tpu.memref_slice %arg4[%mul3A_2, %dma_wait3A_629] : memref<4096x3200xf32, #tpu.memory_space<hbm>> -> memref<128x64xf32, #tpu.memory_space<hbm>>
    %dma_wait3A_631 = arith.constant 640 : i32
    %dma_wait3A_632 = tpu.memref_slice %arg4[%mul3A_2, %dma_wait3A_631] : memref<4096x3200xf32, #tpu.memory_space<hbm>> -> memref<128x64xf32, #tpu.memory_space<hbm>>
    %dma_wait3A_633 = arith.constant 0 : i32
    %dma_wait3A_634 = arith.constant 0 : i32
    %dma_wait3A_635 = tpu.memref_slice %arg6[%dma_wait3A_624, %dma_wait3A_633, %dma_wait3A_634] : memref<4x128x64xf32, #tpu.memory_space<vmem>> -> memref<1x128x64xf32, #tpu.memory_space<vmem>>
    %dma_wait3A_636 = tpu.memref_squeeze %dma_wait3A_635 : memref<1x128x64xf32, #tpu.memory_space<vmem>> -> memref<128x64xf32, #tpu.memory_space<vmem>>
    tpu.wait_dma2 semaphore(%arg8 : memref<!tpu.dma_semaphore, #tpu.memory_space<semaphore_mem>>) src(%dma_wait3A_636 : memref<128x64xf32, #tpu.memory_space<vmem>>) dst(%dma_wait3A_632 : memref<128x64xf32, #tpu.memory_space<hbm>>)
    %dma_start3A_637 = arith.constant 14 : i32
    %dma_start3A_638 = arith.constant 2 : i32
    %dma_start3A_639 = arith.constant 0 : i32
    %dma_start3A_640 = arith.constant 0 : i32
    %dma_start3A_641 = tpu.memref_slice %arg6[%dma_start3A_638, %dma_start3A_639, %dma_start3A_640] : memref<4x128x64xf32, #tpu.memory_space<vmem>> -> memref<1x128x64xf32, #tpu.memory_space<vmem>>
    %dma_start3A_642 = tpu.memref_squeeze %dma_start3A_641 : memref<1x128x64xf32, #tpu.memory_space<vmem>> -> memref<128x64xf32, #tpu.memory_space<vmem>>
    %dma_start3A_643 = arith.constant 0 : i32
    %dma_start3A_644 = tpu.memref_slice %arg5[%dma_start3A_637, %dma_start3A_643] : memref<50x128xi32, #tpu.memory_space<vmem>> -> memref<1x128xi32, #tpu.memory_space<vmem>>
    %dma_start3A_645 = tpu.memref_squeeze %dma_start3A_644 : memref<1x128xi32, #tpu.memory_space<vmem>> -> memref<128xi32, #tpu.memory_space<vmem>>
    %dma_start3A_646 = arith.constant 0 : i32
    %dma_start3A_647 = arith.constant 0 : i32
    %dma_start3A_648 = tpu.memref_slice %arg3[%dma_start3A_646, %dma_start3A_647] : memref<1000000x64xf32, #tpu.memory_space<hbm>> -> memref<1000000x64xf32, #tpu.memory_space<hbm>>
    tpu.enqueue_indirect_dma source(%dma_start3A_648 : memref<1000000x64xf32, #tpu.memory_space<hbm>>) target(%dma_start3A_642 : memref<128x64xf32, #tpu.memory_space<vmem>>) offsets(%dma_start3A_645 : memref<128xi32, #tpu.memory_space<vmem>>) semaphore(%arg7 : memref<!tpu.dma_semaphore, #tpu.memory_space<semaphore_mem>>)
    %dma_wait3A_649 = arith.constant 13 : i32
    %dma_wait3A_650 = arith.constant 1 : i32
    %dma_wait3A_651 = arith.constant 0 : i32
    %dma_wait3A_652 = arith.constant 0 : i32
    %dma_wait3A_653 = tpu.memref_slice %arg6[%dma_wait3A_650, %dma_wait3A_651, %dma_wait3A_652] : memref<4x128x64xf32, #tpu.memory_space<vmem>> -> memref<1x128x64xf32, #tpu.memory_space<vmem>>
    %dma_wait3A_654 = tpu.memref_squeeze %dma_wait3A_653 : memref<1x128x64xf32, #tpu.memory_space<vmem>> -> memref<128x64xf32, #tpu.memory_space<vmem>>
    %dma_wait3A_655 = arith.constant 0 : i32
    %dma_wait3A_656 = tpu.memref_slice %arg5[%dma_wait3A_649, %dma_wait3A_655] : memref<50x128xi32, #tpu.memory_space<vmem>> -> memref<1x128xi32, #tpu.memory_space<vmem>>
    %dma_wait3A_657 = tpu.memref_squeeze %dma_wait3A_656 : memref<1x128xi32, #tpu.memory_space<vmem>> -> memref<128xi32, #tpu.memory_space<vmem>>
    %dma_wait3A_658 = arith.constant 0 : i32
    %dma_wait3A_659 = arith.constant 0 : i32
    %dma_wait3A_660 = tpu.memref_slice %arg3[%dma_wait3A_658, %dma_wait3A_659] : memref<1000000x64xf32, #tpu.memory_space<hbm>> -> memref<1000000x64xf32, #tpu.memory_space<hbm>>
    tpu.wait_indirect_dma semaphore(%arg7 : memref<!tpu.dma_semaphore, #tpu.memory_space<semaphore_mem>>) src(%dma_wait3A_660 : memref<1000000x64xf32, #tpu.memory_space<hbm>>) dst(%dma_wait3A_654 : memref<128x64xf32, #tpu.memory_space<vmem>>)
    %dma_start3A_661 = arith.constant 1 : i32
    %dma_start3A_662 = arith.constant 0 : i32
    %dma_start3A_663 = arith.constant 0 : i32
    %dma_start3A_664 = tpu.memref_slice %arg6[%dma_start3A_661, %dma_start3A_662, %dma_start3A_663] : memref<4x128x64xf32, #tpu.memory_space<vmem>> -> memref<1x128x64xf32, #tpu.memory_space<vmem>>
    %dma_start3A_665 = tpu.memref_squeeze %dma_start3A_664 : memref<1x128x64xf32, #tpu.memory_space<vmem>> -> memref<128x64xf32, #tpu.memory_space<vmem>>
    %dma_start3A_666 = arith.constant 832 : i32
    %dma_start3A_667 = tpu.memref_slice %arg4[%mul3A_2, %dma_start3A_666] : memref<4096x3200xf32, #tpu.memory_space<hbm>> -> memref<128x64xf32, #tpu.memory_space<hbm>>
    %dma_start3A_668 = arith.constant 832 : i32
    %dma_start3A_669 = tpu.memref_slice %arg4[%mul3A_2, %dma_start3A_668] : memref<4096x3200xf32, #tpu.memory_space<hbm>> -> memref<128x64xf32, #tpu.memory_space<hbm>>
    %dma_start3A_670 = arith.constant 0 : i32
    %dma_start3A_671 = arith.constant 0 : i32
    %dma_start3A_672 = tpu.memref_slice %arg6[%dma_start3A_661, %dma_start3A_670, %dma_start3A_671] : memref<4x128x64xf32, #tpu.memory_space<vmem>> -> memref<1x128x64xf32, #tpu.memory_space<vmem>>
    %dma_start3A_673 = tpu.memref_squeeze %dma_start3A_672 : memref<1x128x64xf32, #tpu.memory_space<vmem>> -> memref<128x64xf32, #tpu.memory_space<vmem>>
    tpu.enqueue_dma source(%dma_start3A_673 : memref<128x64xf32, #tpu.memory_space<vmem>>) target(%dma_start3A_669 : memref<128x64xf32, #tpu.memory_space<hbm>>) target_semaphore(%arg8 : memref<!tpu.dma_semaphore, #tpu.memory_space<semaphore_mem>>)
    %dma_wait3A_674 = arith.constant 3 : i32
    %dma_wait3A_675 = arith.constant 0 : i32
    %dma_wait3A_676 = arith.constant 0 : i32
    %dma_wait3A_677 = tpu.memref_slice %arg6[%dma_wait3A_674, %dma_wait3A_675, %dma_wait3A_676] : memref<4x128x64xf32, #tpu.memory_space<vmem>> -> memref<1x128x64xf32, #tpu.memory_space<vmem>>
    %dma_wait3A_678 = tpu.memref_squeeze %dma_wait3A_677 : memref<1x128x64xf32, #tpu.memory_space<vmem>> -> memref<128x64xf32, #tpu.memory_space<vmem>>
    %dma_wait3A_679 = arith.constant 704 : i32
    %dma_wait3A_680 = tpu.memref_slice %arg4[%mul3A_2, %dma_wait3A_679] : memref<4096x3200xf32, #tpu.memory_space<hbm>> -> memref<128x64xf32, #tpu.memory_space<hbm>>
    %dma_wait3A_681 = arith.constant 704 : i32
    %dma_wait3A_682 = tpu.memref_slice %arg4[%mul3A_2, %dma_wait3A_681] : memref<4096x3200xf32, #tpu.memory_space<hbm>> -> memref<128x64xf32, #tpu.memory_space<hbm>>
    %dma_wait3A_683 = arith.constant 0 : i32
    %dma_wait3A_684 = arith.constant 0 : i32
    %dma_wait3A_685 = tpu.memref_slice %arg6[%dma_wait3A_674, %dma_wait3A_683, %dma_wait3A_684] : memref<4x128x64xf32, #tpu.memory_space<vmem>> -> memref<1x128x64xf32, #tpu.memory_space<vmem>>
    %dma_wait3A_686 = tpu.memref_squeeze %dma_wait3A_685 : memref<1x128x64xf32, #tpu.memory_space<vmem>> -> memref<128x64xf32, #tpu.memory_space<vmem>>
    tpu.wait_dma2 semaphore(%arg8 : memref<!tpu.dma_semaphore, #tpu.memory_space<semaphore_mem>>) src(%dma_wait3A_686 : memref<128x64xf32, #tpu.memory_space<vmem>>) dst(%dma_wait3A_682 : memref<128x64xf32, #tpu.memory_space<hbm>>)
    %dma_start3A_687 = arith.constant 15 : i32
    %dma_start3A_688 = arith.constant 3 : i32
    %dma_start3A_689 = arith.constant 0 : i32
    %dma_start3A_690 = arith.constant 0 : i32
    %dma_start3A_691 = tpu.memref_slice %arg6[%dma_start3A_688, %dma_start3A_689, %dma_start3A_690] : memref<4x128x64xf32, #tpu.memory_space<vmem>> -> memref<1x128x64xf32, #tpu.memory_space<vmem>>
    %dma_start3A_692 = tpu.memref_squeeze %dma_start3A_691 : memref<1x128x64xf32, #tpu.memory_space<vmem>> -> memref<128x64xf32, #tpu.memory_space<vmem>>
    %dma_start3A_693 = arith.constant 0 : i32
    %dma_start3A_694 = tpu.memref_slice %arg5[%dma_start3A_687, %dma_start3A_693] : memref<50x128xi32, #tpu.memory_space<vmem>> -> memref<1x128xi32, #tpu.memory_space<vmem>>
    %dma_start3A_695 = tpu.memref_squeeze %dma_start3A_694 : memref<1x128xi32, #tpu.memory_space<vmem>> -> memref<128xi32, #tpu.memory_space<vmem>>
    %dma_start3A_696 = arith.constant 0 : i32
    %dma_start3A_697 = arith.constant 0 : i32
    %dma_start3A_698 = tpu.memref_slice %arg3[%dma_start3A_696, %dma_start3A_697] : memref<1000000x64xf32, #tpu.memory_space<hbm>> -> memref<1000000x64xf32, #tpu.memory_space<hbm>>
    tpu.enqueue_indirect_dma source(%dma_start3A_698 : memref<1000000x64xf32, #tpu.memory_space<hbm>>) target(%dma_start3A_692 : memref<128x64xf32, #tpu.memory_space<vmem>>) offsets(%dma_start3A_695 : memref<128xi32, #tpu.memory_space<vmem>>) semaphore(%arg7 : memref<!tpu.dma_semaphore, #tpu.memory_space<semaphore_mem>>)
    %dma_wait3A_699 = arith.constant 14 : i32
    %dma_wait3A_700 = arith.constant 2 : i32
    %dma_wait3A_701 = arith.constant 0 : i32
    %dma_wait3A_702 = arith.constant 0 : i32
    %dma_wait3A_703 = tpu.memref_slice %arg6[%dma_wait3A_700, %dma_wait3A_701, %dma_wait3A_702] : memref<4x128x64xf32, #tpu.memory_space<vmem>> -> memref<1x128x64xf32, #tpu.memory_space<vmem>>
    %dma_wait3A_704 = tpu.memref_squeeze %dma_wait3A_703 : memref<1x128x64xf32, #tpu.memory_space<vmem>> -> memref<128x64xf32, #tpu.memory_space<vmem>>
    %dma_wait3A_705 = arith.constant 0 : i32
    %dma_wait3A_706 = tpu.memref_slice %arg5[%dma_wait3A_699, %dma_wait3A_705] : memref<50x128xi32, #tpu.memory_space<vmem>> -> memref<1x128xi32, #tpu.memory_space<vmem>>
    %dma_wait3A_707 = tpu.memref_squeeze %dma_wait3A_706 : memref<1x128xi32, #tpu.memory_space<vmem>> -> memref<128xi32, #tpu.memory_space<vmem>>
    %dma_wait3A_708 = arith.constant 0 : i32
    %dma_wait3A_709 = arith.constant 0 : i32
    %dma_wait3A_710 = tpu.memref_slice %arg3[%dma_wait3A_708, %dma_wait3A_709] : memref<1000000x64xf32, #tpu.memory_space<hbm>> -> memref<1000000x64xf32, #tpu.memory_space<hbm>>
    tpu.wait_indirect_dma semaphore(%arg7 : memref<!tpu.dma_semaphore, #tpu.memory_space<semaphore_mem>>) src(%dma_wait3A_710 : memref<1000000x64xf32, #tpu.memory_space<hbm>>) dst(%dma_wait3A_704 : memref<128x64xf32, #tpu.memory_space<vmem>>)
    %dma_start3A_711 = arith.constant 2 : i32
    %dma_start3A_712 = arith.constant 0 : i32
    %dma_start3A_713 = arith.constant 0 : i32
    %dma_start3A_714 = tpu.memref_slice %arg6[%dma_start3A_711, %dma_start3A_712, %dma_start3A_713] : memref<4x128x64xf32, #tpu.memory_space<vmem>> -> memref<1x128x64xf32, #tpu.memory_space<vmem>>
    %dma_start3A_715 = tpu.memref_squeeze %dma_start3A_714 : memref<1x128x64xf32, #tpu.memory_space<vmem>> -> memref<128x64xf32, #tpu.memory_space<vmem>>
    %dma_start3A_716 = arith.constant 896 : i32
    %dma_start3A_717 = tpu.memref_slice %arg4[%mul3A_2, %dma_start3A_716] : memref<4096x3200xf32, #tpu.memory_space<hbm>> -> memref<128x64xf32, #tpu.memory_space<hbm>>
    %dma_start3A_718 = arith.constant 896 : i32
    %dma_start3A_719 = tpu.memref_slice %arg4[%mul3A_2, %dma_start3A_718] : memref<4096x3200xf32, #tpu.memory_space<hbm>> -> memref<128x64xf32, #tpu.memory_space<hbm>>
    %dma_start3A_720 = arith.constant 0 : i32
    %dma_start3A_721 = arith.constant 0 : i32
    %dma_start3A_722 = tpu.memref_slice %arg6[%dma_start3A_711, %dma_start3A_720, %dma_start3A_721] : memref<4x128x64xf32, #tpu.memory_space<vmem>> -> memref<1x128x64xf32, #tpu.memory_space<vmem>>
    %dma_start3A_723 = tpu.memref_squeeze %dma_start3A_722 : memref<1x128x64xf32, #tpu.memory_space<vmem>> -> memref<128x64xf32, #tpu.memory_space<vmem>>
    tpu.enqueue_dma source(%dma_start3A_723 : memref<128x64xf32, #tpu.memory_space<vmem>>) target(%dma_start3A_719 : memref<128x64xf32, #tpu.memory_space<hbm>>) target_semaphore(%arg8 : memref<!tpu.dma_semaphore, #tpu.memory_space<semaphore_mem>>)
    %dma_wait3A_724 = arith.constant 0 : i32
    %dma_wait3A_725 = arith.constant 0 : i32
    %dma_wait3A_726 = arith.constant 0 : i32
    %dma_wait3A_727 = tpu.memref_slice %arg6[%dma_wait3A_724, %dma_wait3A_725, %dma_wait3A_726] : memref<4x128x64xf32, #tpu.memory_space<vmem>> -> memref<1x128x64xf32, #tpu.memory_space<vmem>>
    %dma_wait3A_728 = tpu.memref_squeeze %dma_wait3A_727 : memref<1x128x64xf32, #tpu.memory_space<vmem>> -> memref<128x64xf32, #tpu.memory_space<vmem>>
    %dma_wait3A_729 = arith.constant 768 : i32
    %dma_wait3A_730 = tpu.memref_slice %arg4[%mul3A_2, %dma_wait3A_729] : memref<4096x3200xf32, #tpu.memory_space<hbm>> -> memref<128x64xf32, #tpu.memory_space<hbm>>
    %dma_wait3A_731 = arith.constant 768 : i32
    %dma_wait3A_732 = tpu.memref_slice %arg4[%mul3A_2, %dma_wait3A_731] : memref<4096x3200xf32, #tpu.memory_space<hbm>> -> memref<128x64xf32, #tpu.memory_space<hbm>>
    %dma_wait3A_733 = arith.constant 0 : i32
    %dma_wait3A_734 = arith.constant 0 : i32
    %dma_wait3A_735 = tpu.memref_slice %arg6[%dma_wait3A_724, %dma_wait3A_733, %dma_wait3A_734] : memref<4x128x64xf32, #tpu.memory_space<vmem>> -> memref<1x128x64xf32, #tpu.memory_space<vmem>>
    %dma_wait3A_736 = tpu.memref_squeeze %dma_wait3A_735 : memref<1x128x64xf32, #tpu.memory_space<vmem>> -> memref<128x64xf32, #tpu.memory_space<vmem>>
    tpu.wait_dma2 semaphore(%arg8 : memref<!tpu.dma_semaphore, #tpu.memory_space<semaphore_mem>>) src(%dma_wait3A_736 : memref<128x64xf32, #tpu.memory_space<vmem>>) dst(%dma_wait3A_732 : memref<128x64xf32, #tpu.memory_space<hbm>>)
    %dma_start3A_737 = arith.constant 16 : i32
    %dma_start3A_738 = arith.constant 0 : i32
    %dma_start3A_739 = arith.constant 0 : i32
    %dma_start3A_740 = arith.constant 0 : i32
    %dma_start3A_741 = tpu.memref_slice %arg6[%dma_start3A_738, %dma_start3A_739, %dma_start3A_740] : memref<4x128x64xf32, #tpu.memory_space<vmem>> -> memref<1x128x64xf32, #tpu.memory_space<vmem>>
    %dma_start3A_742 = tpu.memref_squeeze %dma_start3A_741 : memref<1x128x64xf32, #tpu.memory_space<vmem>> -> memref<128x64xf32, #tpu.memory_space<vmem>>
    %dma_start3A_743 = arith.constant 0 : i32
    %dma_start3A_744 = tpu.memref_slice %arg5[%dma_start3A_737, %dma_start3A_743] : memref<50x128xi32, #tpu.memory_space<vmem>> -> memref<1x128xi32, #tpu.memory_space<vmem>>
    %dma_start3A_745 = tpu.memref_squeeze %dma_start3A_744 : memref<1x128xi32, #tpu.memory_space<vmem>> -> memref<128xi32, #tpu.memory_space<vmem>>
    %dma_start3A_746 = arith.constant 0 : i32
    %dma_start3A_747 = arith.constant 0 : i32
    %dma_start3A_748 = tpu.memref_slice %arg3[%dma_start3A_746, %dma_start3A_747] : memref<1000000x64xf32, #tpu.memory_space<hbm>> -> memref<1000000x64xf32, #tpu.memory_space<hbm>>
    tpu.enqueue_indirect_dma source(%dma_start3A_748 : memref<1000000x64xf32, #tpu.memory_space<hbm>>) target(%dma_start3A_742 : memref<128x64xf32, #tpu.memory_space<vmem>>) offsets(%dma_start3A_745 : memref<128xi32, #tpu.memory_space<vmem>>) semaphore(%arg7 : memref<!tpu.dma_semaphore, #tpu.memory_space<semaphore_mem>>)
    %dma_wait3A_749 = arith.constant 15 : i32
    %dma_wait3A_750 = arith.constant 3 : i32
    %dma_wait3A_751 = arith.constant 0 : i32
    %dma_wait3A_752 = arith.constant 0 : i32
    %dma_wait3A_753 = tpu.memref_slice %arg6[%dma_wait3A_750, %dma_wait3A_751, %dma_wait3A_752] : memref<4x128x64xf32, #tpu.memory_space<vmem>> -> memref<1x128x64xf32, #tpu.memory_space<vmem>>
    %dma_wait3A_754 = tpu.memref_squeeze %dma_wait3A_753 : memref<1x128x64xf32, #tpu.memory_space<vmem>> -> memref<128x64xf32, #tpu.memory_space<vmem>>
    %dma_wait3A_755 = arith.constant 0 : i32
    %dma_wait3A_756 = tpu.memref_slice %arg5[%dma_wait3A_749, %dma_wait3A_755] : memref<50x128xi32, #tpu.memory_space<vmem>> -> memref<1x128xi32, #tpu.memory_space<vmem>>
    %dma_wait3A_757 = tpu.memref_squeeze %dma_wait3A_756 : memref<1x128xi32, #tpu.memory_space<vmem>> -> memref<128xi32, #tpu.memory_space<vmem>>
    %dma_wait3A_758 = arith.constant 0 : i32
    %dma_wait3A_759 = arith.constant 0 : i32
    %dma_wait3A_760 = tpu.memref_slice %arg3[%dma_wait3A_758, %dma_wait3A_759] : memref<1000000x64xf32, #tpu.memory_space<hbm>> -> memref<1000000x64xf32, #tpu.memory_space<hbm>>
    tpu.wait_indirect_dma semaphore(%arg7 : memref<!tpu.dma_semaphore, #tpu.memory_space<semaphore_mem>>) src(%dma_wait3A_760 : memref<1000000x64xf32, #tpu.memory_space<hbm>>) dst(%dma_wait3A_754 : memref<128x64xf32, #tpu.memory_space<vmem>>)
    %dma_start3A_761 = arith.constant 3 : i32
    %dma_start3A_762 = arith.constant 0 : i32
    %dma_start3A_763 = arith.constant 0 : i32
    %dma_start3A_764 = tpu.memref_slice %arg6[%dma_start3A_761, %dma_start3A_762, %dma_start3A_763] : memref<4x128x64xf32, #tpu.memory_space<vmem>> -> memref<1x128x64xf32, #tpu.memory_space<vmem>>
    %dma_start3A_765 = tpu.memref_squeeze %dma_start3A_764 : memref<1x128x64xf32, #tpu.memory_space<vmem>> -> memref<128x64xf32, #tpu.memory_space<vmem>>
    %dma_start3A_766 = arith.constant 960 : i32
    %dma_start3A_767 = tpu.memref_slice %arg4[%mul3A_2, %dma_start3A_766] : memref<4096x3200xf32, #tpu.memory_space<hbm>> -> memref<128x64xf32, #tpu.memory_space<hbm>>
    %dma_start3A_768 = arith.constant 960 : i32
    %dma_start3A_769 = tpu.memref_slice %arg4[%mul3A_2, %dma_start3A_768] : memref<4096x3200xf32, #tpu.memory_space<hbm>> -> memref<128x64xf32, #tpu.memory_space<hbm>>
    %dma_start3A_770 = arith.constant 0 : i32
    %dma_start3A_771 = arith.constant 0 : i32
    %dma_start3A_772 = tpu.memref_slice %arg6[%dma_start3A_761, %dma_start3A_770, %dma_start3A_771] : memref<4x128x64xf32, #tpu.memory_space<vmem>> -> memref<1x128x64xf32, #tpu.memory_space<vmem>>
    %dma_start3A_773 = tpu.memref_squeeze %dma_start3A_772 : memref<1x128x64xf32, #tpu.memory_space<vmem>> -> memref<128x64xf32, #tpu.memory_space<vmem>>
    tpu.enqueue_dma source(%dma_start3A_773 : memref<128x64xf32, #tpu.memory_space<vmem>>) target(%dma_start3A_769 : memref<128x64xf32, #tpu.memory_space<hbm>>) target_semaphore(%arg8 : memref<!tpu.dma_semaphore, #tpu.memory_space<semaphore_mem>>)
    %dma_wait3A_774 = arith.constant 1 : i32
    %dma_wait3A_775 = arith.constant 0 : i32
    %dma_wait3A_776 = arith.constant 0 : i32
    %dma_wait3A_777 = tpu.memref_slice %arg6[%dma_wait3A_774, %dma_wait3A_775, %dma_wait3A_776] : memref<4x128x64xf32, #tpu.memory_space<vmem>> -> memref<1x128x64xf32, #tpu.memory_space<vmem>>
    %dma_wait3A_778 = tpu.memref_squeeze %dma_wait3A_777 : memref<1x128x64xf32, #tpu.memory_space<vmem>> -> memref<128x64xf32, #tpu.memory_space<vmem>>
    %dma_wait3A_779 = arith.constant 832 : i32
    %dma_wait3A_780 = tpu.memref_slice %arg4[%mul3A_2, %dma_wait3A_779] : memref<4096x3200xf32, #tpu.memory_space<hbm>> -> memref<128x64xf32, #tpu.memory_space<hbm>>
    %dma_wait3A_781 = arith.constant 832 : i32
    %dma_wait3A_782 = tpu.memref_slice %arg4[%mul3A_2, %dma_wait3A_781] : memref<4096x3200xf32, #tpu.memory_space<hbm>> -> memref<128x64xf32, #tpu.memory_space<hbm>>
    %dma_wait3A_783 = arith.constant 0 : i32
    %dma_wait3A_784 = arith.constant 0 : i32
    %dma_wait3A_785 = tpu.memref_slice %arg6[%dma_wait3A_774, %dma_wait3A_783, %dma_wait3A_784] : memref<4x128x64xf32, #tpu.memory_space<vmem>> -> memref<1x128x64xf32, #tpu.memory_space<vmem>>
    %dma_wait3A_786 = tpu.memref_squeeze %dma_wait3A_785 : memref<1x128x64xf32, #tpu.memory_space<vmem>> -> memref<128x64xf32, #tpu.memory_space<vmem>>
    tpu.wait_dma2 semaphore(%arg8 : memref<!tpu.dma_semaphore, #tpu.memory_space<semaphore_mem>>) src(%dma_wait3A_786 : memref<128x64xf32, #tpu.memory_space<vmem>>) dst(%dma_wait3A_782 : memref<128x64xf32, #tpu.memory_space<hbm>>)
    %dma_start3A_787 = arith.constant 17 : i32
    %dma_start3A_788 = arith.constant 1 : i32
    %dma_start3A_789 = arith.constant 0 : i32
    %dma_start3A_790 = arith.constant 0 : i32
    %dma_start3A_791 = tpu.memref_slice %arg6[%dma_start3A_788, %dma_start3A_789, %dma_start3A_790] : memref<4x128x64xf32, #tpu.memory_space<vmem>> -> memref<1x128x64xf32, #tpu.memory_space<vmem>>
    %dma_start3A_792 = tpu.memref_squeeze %dma_start3A_791 : memref<1x128x64xf32, #tpu.memory_space<vmem>> -> memref<128x64xf32, #tpu.memory_space<vmem>>
    %dma_start3A_793 = arith.constant 0 : i32
    %dma_start3A_794 = tpu.memref_slice %arg5[%dma_start3A_787, %dma_start3A_793] : memref<50x128xi32, #tpu.memory_space<vmem>> -> memref<1x128xi32, #tpu.memory_space<vmem>>
    %dma_start3A_795 = tpu.memref_squeeze %dma_start3A_794 : memref<1x128xi32, #tpu.memory_space<vmem>> -> memref<128xi32, #tpu.memory_space<vmem>>
    %dma_start3A_796 = arith.constant 0 : i32
    %dma_start3A_797 = arith.constant 0 : i32
    %dma_start3A_798 = tpu.memref_slice %arg3[%dma_start3A_796, %dma_start3A_797] : memref<1000000x64xf32, #tpu.memory_space<hbm>> -> memref<1000000x64xf32, #tpu.memory_space<hbm>>
    tpu.enqueue_indirect_dma source(%dma_start3A_798 : memref<1000000x64xf32, #tpu.memory_space<hbm>>) target(%dma_start3A_792 : memref<128x64xf32, #tpu.memory_space<vmem>>) offsets(%dma_start3A_795 : memref<128xi32, #tpu.memory_space<vmem>>) semaphore(%arg7 : memref<!tpu.dma_semaphore, #tpu.memory_space<semaphore_mem>>)
    %dma_wait3A_799 = arith.constant 16 : i32
    %dma_wait3A_800 = arith.constant 0 : i32
    %dma_wait3A_801 = arith.constant 0 : i32
    %dma_wait3A_802 = arith.constant 0 : i32
    %dma_wait3A_803 = tpu.memref_slice %arg6[%dma_wait3A_800, %dma_wait3A_801, %dma_wait3A_802] : memref<4x128x64xf32, #tpu.memory_space<vmem>> -> memref<1x128x64xf32, #tpu.memory_space<vmem>>
    %dma_wait3A_804 = tpu.memref_squeeze %dma_wait3A_803 : memref<1x128x64xf32, #tpu.memory_space<vmem>> -> memref<128x64xf32, #tpu.memory_space<vmem>>
    %dma_wait3A_805 = arith.constant 0 : i32
    %dma_wait3A_806 = tpu.memref_slice %arg5[%dma_wait3A_799, %dma_wait3A_805] : memref<50x128xi32, #tpu.memory_space<vmem>> -> memref<1x128xi32, #tpu.memory_space<vmem>>
    %dma_wait3A_807 = tpu.memref_squeeze %dma_wait3A_806 : memref<1x128xi32, #tpu.memory_space<vmem>> -> memref<128xi32, #tpu.memory_space<vmem>>
    %dma_wait3A_808 = arith.constant 0 : i32
    %dma_wait3A_809 = arith.constant 0 : i32
    %dma_wait3A_810 = tpu.memref_slice %arg3[%dma_wait3A_808, %dma_wait3A_809] : memref<1000000x64xf32, #tpu.memory_space<hbm>> -> memref<1000000x64xf32, #tpu.memory_space<hbm>>
    tpu.wait_indirect_dma semaphore(%arg7 : memref<!tpu.dma_semaphore, #tpu.memory_space<semaphore_mem>>) src(%dma_wait3A_810 : memref<1000000x64xf32, #tpu.memory_space<hbm>>) dst(%dma_wait3A_804 : memref<128x64xf32, #tpu.memory_space<vmem>>)
    %dma_start3A_811 = arith.constant 0 : i32
    %dma_start3A_812 = arith.constant 0 : i32
    %dma_start3A_813 = arith.constant 0 : i32
    %dma_start3A_814 = tpu.memref_slice %arg6[%dma_start3A_811, %dma_start3A_812, %dma_start3A_813] : memref<4x128x64xf32, #tpu.memory_space<vmem>> -> memref<1x128x64xf32, #tpu.memory_space<vmem>>
    %dma_start3A_815 = tpu.memref_squeeze %dma_start3A_814 : memref<1x128x64xf32, #tpu.memory_space<vmem>> -> memref<128x64xf32, #tpu.memory_space<vmem>>
    %dma_start3A_816 = arith.constant 1024 : i32
    %dma_start3A_817 = tpu.memref_slice %arg4[%mul3A_2, %dma_start3A_816] : memref<4096x3200xf32, #tpu.memory_space<hbm>> -> memref<128x64xf32, #tpu.memory_space<hbm>>
    %dma_start3A_818 = arith.constant 1024 : i32
    %dma_start3A_819 = tpu.memref_slice %arg4[%mul3A_2, %dma_start3A_818] : memref<4096x3200xf32, #tpu.memory_space<hbm>> -> memref<128x64xf32, #tpu.memory_space<hbm>>
    %dma_start3A_820 = arith.constant 0 : i32
    %dma_start3A_821 = arith.constant 0 : i32
    %dma_start3A_822 = tpu.memref_slice %arg6[%dma_start3A_811, %dma_start3A_820, %dma_start3A_821] : memref<4x128x64xf32, #tpu.memory_space<vmem>> -> memref<1x128x64xf32, #tpu.memory_space<vmem>>
    %dma_start3A_823 = tpu.memref_squeeze %dma_start3A_822 : memref<1x128x64xf32, #tpu.memory_space<vmem>> -> memref<128x64xf32, #tpu.memory_space<vmem>>
    tpu.enqueue_dma source(%dma_start3A_823 : memref<128x64xf32, #tpu.memory_space<vmem>>) target(%dma_start3A_819 : memref<128x64xf32, #tpu.memory_space<hbm>>) target_semaphore(%arg8 : memref<!tpu.dma_semaphore, #tpu.memory_space<semaphore_mem>>)
    %dma_wait3A_824 = arith.constant 2 : i32
    %dma_wait3A_825 = arith.constant 0 : i32
    %dma_wait3A_826 = arith.constant 0 : i32
    %dma_wait3A_827 = tpu.memref_slice %arg6[%dma_wait3A_824, %dma_wait3A_825, %dma_wait3A_826] : memref<4x128x64xf32, #tpu.memory_space<vmem>> -> memref<1x128x64xf32, #tpu.memory_space<vmem>>
    %dma_wait3A_828 = tpu.memref_squeeze %dma_wait3A_827 : memref<1x128x64xf32, #tpu.memory_space<vmem>> -> memref<128x64xf32, #tpu.memory_space<vmem>>
    %dma_wait3A_829 = arith.constant 896 : i32
    %dma_wait3A_830 = tpu.memref_slice %arg4[%mul3A_2, %dma_wait3A_829] : memref<4096x3200xf32, #tpu.memory_space<hbm>> -> memref<128x64xf32, #tpu.memory_space<hbm>>
    %dma_wait3A_831 = arith.constant 896 : i32
    %dma_wait3A_832 = tpu.memref_slice %arg4[%mul3A_2, %dma_wait3A_831] : memref<4096x3200xf32, #tpu.memory_space<hbm>> -> memref<128x64xf32, #tpu.memory_space<hbm>>
    %dma_wait3A_833 = arith.constant 0 : i32
    %dma_wait3A_834 = arith.constant 0 : i32
    %dma_wait3A_835 = tpu.memref_slice %arg6[%dma_wait3A_824, %dma_wait3A_833, %dma_wait3A_834] : memref<4x128x64xf32, #tpu.memory_space<vmem>> -> memref<1x128x64xf32, #tpu.memory_space<vmem>>
    %dma_wait3A_836 = tpu.memref_squeeze %dma_wait3A_835 : memref<1x128x64xf32, #tpu.memory_space<vmem>> -> memref<128x64xf32, #tpu.memory_space<vmem>>
    tpu.wait_dma2 semaphore(%arg8 : memref<!tpu.dma_semaphore, #tpu.memory_space<semaphore_mem>>) src(%dma_wait3A_836 : memref<128x64xf32, #tpu.memory_space<vmem>>) dst(%dma_wait3A_832 : memref<128x64xf32, #tpu.memory_space<hbm>>)
    %dma_start3A_837 = arith.constant 18 : i32
    %dma_start3A_838 = arith.constant 2 : i32
    %dma_start3A_839 = arith.constant 0 : i32
    %dma_start3A_840 = arith.constant 0 : i32
    %dma_start3A_841 = tpu.memref_slice %arg6[%dma_start3A_838, %dma_start3A_839, %dma_start3A_840] : memref<4x128x64xf32, #tpu.memory_space<vmem>> -> memref<1x128x64xf32, #tpu.memory_space<vmem>>
    %dma_start3A_842 = tpu.memref_squeeze %dma_start3A_841 : memref<1x128x64xf32, #tpu.memory_space<vmem>> -> memref<128x64xf32, #tpu.memory_space<vmem>>
    %dma_start3A_843 = arith.constant 0 : i32
    %dma_start3A_844 = tpu.memref_slice %arg5[%dma_start3A_837, %dma_start3A_843] : memref<50x128xi32, #tpu.memory_space<vmem>> -> memref<1x128xi32, #tpu.memory_space<vmem>>
    %dma_start3A_845 = tpu.memref_squeeze %dma_start3A_844 : memref<1x128xi32, #tpu.memory_space<vmem>> -> memref<128xi32, #tpu.memory_space<vmem>>
    %dma_start3A_846 = arith.constant 0 : i32
    %dma_start3A_847 = arith.constant 0 : i32
    %dma_start3A_848 = tpu.memref_slice %arg3[%dma_start3A_846, %dma_start3A_847] : memref<1000000x64xf32, #tpu.memory_space<hbm>> -> memref<1000000x64xf32, #tpu.memory_space<hbm>>
    tpu.enqueue_indirect_dma source(%dma_start3A_848 : memref<1000000x64xf32, #tpu.memory_space<hbm>>) target(%dma_start3A_842 : memref<128x64xf32, #tpu.memory_space<vmem>>) offsets(%dma_start3A_845 : memref<128xi32, #tpu.memory_space<vmem>>) semaphore(%arg7 : memref<!tpu.dma_semaphore, #tpu.memory_space<semaphore_mem>>)
    %dma_wait3A_849 = arith.constant 17 : i32
    %dma_wait3A_850 = arith.constant 1 : i32
    %dma_wait3A_851 = arith.constant 0 : i32
    %dma_wait3A_852 = arith.constant 0 : i32
    %dma_wait3A_853 = tpu.memref_slice %arg6[%dma_wait3A_850, %dma_wait3A_851, %dma_wait3A_852] : memref<4x128x64xf32, #tpu.memory_space<vmem>> -> memref<1x128x64xf32, #tpu.memory_space<vmem>>
    %dma_wait3A_854 = tpu.memref_squeeze %dma_wait3A_853 : memref<1x128x64xf32, #tpu.memory_space<vmem>> -> memref<128x64xf32, #tpu.memory_space<vmem>>
    %dma_wait3A_855 = arith.constant 0 : i32
    %dma_wait3A_856 = tpu.memref_slice %arg5[%dma_wait3A_849, %dma_wait3A_855] : memref<50x128xi32, #tpu.memory_space<vmem>> -> memref<1x128xi32, #tpu.memory_space<vmem>>
    %dma_wait3A_857 = tpu.memref_squeeze %dma_wait3A_856 : memref<1x128xi32, #tpu.memory_space<vmem>> -> memref<128xi32, #tpu.memory_space<vmem>>
    %dma_wait3A_858 = arith.constant 0 : i32
    %dma_wait3A_859 = arith.constant 0 : i32
    %dma_wait3A_860 = tpu.memref_slice %arg3[%dma_wait3A_858, %dma_wait3A_859] : memref<1000000x64xf32, #tpu.memory_space<hbm>> -> memref<1000000x64xf32, #tpu.memory_space<hbm>>
    tpu.wait_indirect_dma semaphore(%arg7 : memref<!tpu.dma_semaphore, #tpu.memory_space<semaphore_mem>>) src(%dma_wait3A_860 : memref<1000000x64xf32, #tpu.memory_space<hbm>>) dst(%dma_wait3A_854 : memref<128x64xf32, #tpu.memory_space<vmem>>)
    %dma_start3A_861 = arith.constant 1 : i32
    %dma_start3A_862 = arith.constant 0 : i32
    %dma_start3A_863 = arith.constant 0 : i32
    %dma_start3A_864 = tpu.memref_slice %arg6[%dma_start3A_861, %dma_start3A_862, %dma_start3A_863] : memref<4x128x64xf32, #tpu.memory_space<vmem>> -> memref<1x128x64xf32, #tpu.memory_space<vmem>>
    %dma_start3A_865 = tpu.memref_squeeze %dma_start3A_864 : memref<1x128x64xf32, #tpu.memory_space<vmem>> -> memref<128x64xf32, #tpu.memory_space<vmem>>
    %dma_start3A_866 = arith.constant 1088 : i32
    %dma_start3A_867 = tpu.memref_slice %arg4[%mul3A_2, %dma_start3A_866] : memref<4096x3200xf32, #tpu.memory_space<hbm>> -> memref<128x64xf32, #tpu.memory_space<hbm>>
    %dma_start3A_868 = arith.constant 1088 : i32
    %dma_start3A_869 = tpu.memref_slice %arg4[%mul3A_2, %dma_start3A_868] : memref<4096x3200xf32, #tpu.memory_space<hbm>> -> memref<128x64xf32, #tpu.memory_space<hbm>>
    %dma_start3A_870 = arith.constant 0 : i32
    %dma_start3A_871 = arith.constant 0 : i32
    %dma_start3A_872 = tpu.memref_slice %arg6[%dma_start3A_861, %dma_start3A_870, %dma_start3A_871] : memref<4x128x64xf32, #tpu.memory_space<vmem>> -> memref<1x128x64xf32, #tpu.memory_space<vmem>>
    %dma_start3A_873 = tpu.memref_squeeze %dma_start3A_872 : memref<1x128x64xf32, #tpu.memory_space<vmem>> -> memref<128x64xf32, #tpu.memory_space<vmem>>
    tpu.enqueue_dma source(%dma_start3A_873 : memref<128x64xf32, #tpu.memory_space<vmem>>) target(%dma_start3A_869 : memref<128x64xf32, #tpu.memory_space<hbm>>) target_semaphore(%arg8 : memref<!tpu.dma_semaphore, #tpu.memory_space<semaphore_mem>>)
    %dma_wait3A_874 = arith.constant 3 : i32
    %dma_wait3A_875 = arith.constant 0 : i32
    %dma_wait3A_876 = arith.constant 0 : i32
    %dma_wait3A_877 = tpu.memref_slice %arg6[%dma_wait3A_874, %dma_wait3A_875, %dma_wait3A_876] : memref<4x128x64xf32, #tpu.memory_space<vmem>> -> memref<1x128x64xf32, #tpu.memory_space<vmem>>
    %dma_wait3A_878 = tpu.memref_squeeze %dma_wait3A_877 : memref<1x128x64xf32, #tpu.memory_space<vmem>> -> memref<128x64xf32, #tpu.memory_space<vmem>>
    %dma_wait3A_879 = arith.constant 960 : i32
    %dma_wait3A_880 = tpu.memref_slice %arg4[%mul3A_2, %dma_wait3A_879] : memref<4096x3200xf32, #tpu.memory_space<hbm>> -> memref<128x64xf32, #tpu.memory_space<hbm>>
    %dma_wait3A_881 = arith.constant 960 : i32
    %dma_wait3A_882 = tpu.memref_slice %arg4[%mul3A_2, %dma_wait3A_881] : memref<4096x3200xf32, #tpu.memory_space<hbm>> -> memref<128x64xf32, #tpu.memory_space<hbm>>
    %dma_wait3A_883 = arith.constant 0 : i32
    %dma_wait3A_884 = arith.constant 0 : i32
    %dma_wait3A_885 = tpu.memref_slice %arg6[%dma_wait3A_874, %dma_wait3A_883, %dma_wait3A_884] : memref<4x128x64xf32, #tpu.memory_space<vmem>> -> memref<1x128x64xf32, #tpu.memory_space<vmem>>
    %dma_wait3A_886 = tpu.memref_squeeze %dma_wait3A_885 : memref<1x128x64xf32, #tpu.memory_space<vmem>> -> memref<128x64xf32, #tpu.memory_space<vmem>>
    tpu.wait_dma2 semaphore(%arg8 : memref<!tpu.dma_semaphore, #tpu.memory_space<semaphore_mem>>) src(%dma_wait3A_886 : memref<128x64xf32, #tpu.memory_space<vmem>>) dst(%dma_wait3A_882 : memref<128x64xf32, #tpu.memory_space<hbm>>)
    %dma_start3A_887 = arith.constant 19 : i32
    %dma_start3A_888 = arith.constant 3 : i32
    %dma_start3A_889 = arith.constant 0 : i32
    %dma_start3A_890 = arith.constant 0 : i32
    %dma_start3A_891 = tpu.memref_slice %arg6[%dma_start3A_888, %dma_start3A_889, %dma_start3A_890] : memref<4x128x64xf32, #tpu.memory_space<vmem>> -> memref<1x128x64xf32, #tpu.memory_space<vmem>>
    %dma_start3A_892 = tpu.memref_squeeze %dma_start3A_891 : memref<1x128x64xf32, #tpu.memory_space<vmem>> -> memref<128x64xf32, #tpu.memory_space<vmem>>
    %dma_start3A_893 = arith.constant 0 : i32
    %dma_start3A_894 = tpu.memref_slice %arg5[%dma_start3A_887, %dma_start3A_893] : memref<50x128xi32, #tpu.memory_space<vmem>> -> memref<1x128xi32, #tpu.memory_space<vmem>>
    %dma_start3A_895 = tpu.memref_squeeze %dma_start3A_894 : memref<1x128xi32, #tpu.memory_space<vmem>> -> memref<128xi32, #tpu.memory_space<vmem>>
    %dma_start3A_896 = arith.constant 0 : i32
    %dma_start3A_897 = arith.constant 0 : i32
    %dma_start3A_898 = tpu.memref_slice %arg3[%dma_start3A_896, %dma_start3A_897] : memref<1000000x64xf32, #tpu.memory_space<hbm>> -> memref<1000000x64xf32, #tpu.memory_space<hbm>>
    tpu.enqueue_indirect_dma source(%dma_start3A_898 : memref<1000000x64xf32, #tpu.memory_space<hbm>>) target(%dma_start3A_892 : memref<128x64xf32, #tpu.memory_space<vmem>>) offsets(%dma_start3A_895 : memref<128xi32, #tpu.memory_space<vmem>>) semaphore(%arg7 : memref<!tpu.dma_semaphore, #tpu.memory_space<semaphore_mem>>)
    %dma_wait3A_899 = arith.constant 18 : i32
    %dma_wait3A_900 = arith.constant 2 : i32
    %dma_wait3A_901 = arith.constant 0 : i32
    %dma_wait3A_902 = arith.constant 0 : i32
    %dma_wait3A_903 = tpu.memref_slice %arg6[%dma_wait3A_900, %dma_wait3A_901, %dma_wait3A_902] : memref<4x128x64xf32, #tpu.memory_space<vmem>> -> memref<1x128x64xf32, #tpu.memory_space<vmem>>
    %dma_wait3A_904 = tpu.memref_squeeze %dma_wait3A_903 : memref<1x128x64xf32, #tpu.memory_space<vmem>> -> memref<128x64xf32, #tpu.memory_space<vmem>>
    %dma_wait3A_905 = arith.constant 0 : i32
    %dma_wait3A_906 = tpu.memref_slice %arg5[%dma_wait3A_899, %dma_wait3A_905] : memref<50x128xi32, #tpu.memory_space<vmem>> -> memref<1x128xi32, #tpu.memory_space<vmem>>
    %dma_wait3A_907 = tpu.memref_squeeze %dma_wait3A_906 : memref<1x128xi32, #tpu.memory_space<vmem>> -> memref<128xi32, #tpu.memory_space<vmem>>
    %dma_wait3A_908 = arith.constant 0 : i32
    %dma_wait3A_909 = arith.constant 0 : i32
    %dma_wait3A_910 = tpu.memref_slice %arg3[%dma_wait3A_908, %dma_wait3A_909] : memref<1000000x64xf32, #tpu.memory_space<hbm>> -> memref<1000000x64xf32, #tpu.memory_space<hbm>>
    tpu.wait_indirect_dma semaphore(%arg7 : memref<!tpu.dma_semaphore, #tpu.memory_space<semaphore_mem>>) src(%dma_wait3A_910 : memref<1000000x64xf32, #tpu.memory_space<hbm>>) dst(%dma_wait3A_904 : memref<128x64xf32, #tpu.memory_space<vmem>>)
    %dma_start3A_911 = arith.constant 2 : i32
    %dma_start3A_912 = arith.constant 0 : i32
    %dma_start3A_913 = arith.constant 0 : i32
    %dma_start3A_914 = tpu.memref_slice %arg6[%dma_start3A_911, %dma_start3A_912, %dma_start3A_913] : memref<4x128x64xf32, #tpu.memory_space<vmem>> -> memref<1x128x64xf32, #tpu.memory_space<vmem>>
    %dma_start3A_915 = tpu.memref_squeeze %dma_start3A_914 : memref<1x128x64xf32, #tpu.memory_space<vmem>> -> memref<128x64xf32, #tpu.memory_space<vmem>>
    %dma_start3A_916 = arith.constant 1152 : i32
    %dma_start3A_917 = tpu.memref_slice %arg4[%mul3A_2, %dma_start3A_916] : memref<4096x3200xf32, #tpu.memory_space<hbm>> -> memref<128x64xf32, #tpu.memory_space<hbm>>
    %dma_start3A_918 = arith.constant 1152 : i32
    %dma_start3A_919 = tpu.memref_slice %arg4[%mul3A_2, %dma_start3A_918] : memref<4096x3200xf32, #tpu.memory_space<hbm>> -> memref<128x64xf32, #tpu.memory_space<hbm>>
    %dma_start3A_920 = arith.constant 0 : i32
    %dma_start3A_921 = arith.constant 0 : i32
    %dma_start3A_922 = tpu.memref_slice %arg6[%dma_start3A_911, %dma_start3A_920, %dma_start3A_921] : memref<4x128x64xf32, #tpu.memory_space<vmem>> -> memref<1x128x64xf32, #tpu.memory_space<vmem>>
    %dma_start3A_923 = tpu.memref_squeeze %dma_start3A_922 : memref<1x128x64xf32, #tpu.memory_space<vmem>> -> memref<128x64xf32, #tpu.memory_space<vmem>>
    tpu.enqueue_dma source(%dma_start3A_923 : memref<128x64xf32, #tpu.memory_space<vmem>>) target(%dma_start3A_919 : memref<128x64xf32, #tpu.memory_space<hbm>>) target_semaphore(%arg8 : memref<!tpu.dma_semaphore, #tpu.memory_space<semaphore_mem>>)
    %dma_wait3A_924 = arith.constant 0 : i32
    %dma_wait3A_925 = arith.constant 0 : i32
    %dma_wait3A_926 = arith.constant 0 : i32
    %dma_wait3A_927 = tpu.memref_slice %arg6[%dma_wait3A_924, %dma_wait3A_925, %dma_wait3A_926] : memref<4x128x64xf32, #tpu.memory_space<vmem>> -> memref<1x128x64xf32, #tpu.memory_space<vmem>>
    %dma_wait3A_928 = tpu.memref_squeeze %dma_wait3A_927 : memref<1x128x64xf32, #tpu.memory_space<vmem>> -> memref<128x64xf32, #tpu.memory_space<vmem>>
    %dma_wait3A_929 = arith.constant 1024 : i32
    %dma_wait3A_930 = tpu.memref_slice %arg4[%mul3A_2, %dma_wait3A_929] : memref<4096x3200xf32, #tpu.memory_space<hbm>> -> memref<128x64xf32, #tpu.memory_space<hbm>>
    %dma_wait3A_931 = arith.constant 1024 : i32
    %dma_wait3A_932 = tpu.memref_slice %arg4[%mul3A_2, %dma_wait3A_931] : memref<4096x3200xf32, #tpu.memory_space<hbm>> -> memref<128x64xf32, #tpu.memory_space<hbm>>
    %dma_wait3A_933 = arith.constant 0 : i32
    %dma_wait3A_934 = arith.constant 0 : i32
    %dma_wait3A_935 = tpu.memref_slice %arg6[%dma_wait3A_924, %dma_wait3A_933, %dma_wait3A_934] : memref<4x128x64xf32, #tpu.memory_space<vmem>> -> memref<1x128x64xf32, #tpu.memory_space<vmem>>
    %dma_wait3A_936 = tpu.memref_squeeze %dma_wait3A_935 : memref<1x128x64xf32, #tpu.memory_space<vmem>> -> memref<128x64xf32, #tpu.memory_space<vmem>>
    tpu.wait_dma2 semaphore(%arg8 : memref<!tpu.dma_semaphore, #tpu.memory_space<semaphore_mem>>) src(%dma_wait3A_936 : memref<128x64xf32, #tpu.memory_space<vmem>>) dst(%dma_wait3A_932 : memref<128x64xf32, #tpu.memory_space<hbm>>)
    %dma_start3A_937 = arith.constant 20 : i32
    %dma_start3A_938 = arith.constant 0 : i32
    %dma_start3A_939 = arith.constant 0 : i32
    %dma_start3A_940 = arith.constant 0 : i32
    %dma_start3A_941 = tpu.memref_slice %arg6[%dma_start3A_938, %dma_start3A_939, %dma_start3A_940] : memref<4x128x64xf32, #tpu.memory_space<vmem>> -> memref<1x128x64xf32, #tpu.memory_space<vmem>>
    %dma_start3A_942 = tpu.memref_squeeze %dma_start3A_941 : memref<1x128x64xf32, #tpu.memory_space<vmem>> -> memref<128x64xf32, #tpu.memory_space<vmem>>
    %dma_start3A_943 = arith.constant 0 : i32
    %dma_start3A_944 = tpu.memref_slice %arg5[%dma_start3A_937, %dma_start3A_943] : memref<50x128xi32, #tpu.memory_space<vmem>> -> memref<1x128xi32, #tpu.memory_space<vmem>>
    %dma_start3A_945 = tpu.memref_squeeze %dma_start3A_944 : memref<1x128xi32, #tpu.memory_space<vmem>> -> memref<128xi32, #tpu.memory_space<vmem>>
    %dma_start3A_946 = arith.constant 0 : i32
    %dma_start3A_947 = arith.constant 0 : i32
    %dma_start3A_948 = tpu.memref_slice %arg3[%dma_start3A_946, %dma_start3A_947] : memref<1000000x64xf32, #tpu.memory_space<hbm>> -> memref<1000000x64xf32, #tpu.memory_space<hbm>>
    tpu.enqueue_indirect_dma source(%dma_start3A_948 : memref<1000000x64xf32, #tpu.memory_space<hbm>>) target(%dma_start3A_942 : memref<128x64xf32, #tpu.memory_space<vmem>>) offsets(%dma_start3A_945 : memref<128xi32, #tpu.memory_space<vmem>>) semaphore(%arg7 : memref<!tpu.dma_semaphore, #tpu.memory_space<semaphore_mem>>)
    %dma_wait3A_949 = arith.constant 19 : i32
    %dma_wait3A_950 = arith.constant 3 : i32
    %dma_wait3A_951 = arith.constant 0 : i32
    %dma_wait3A_952 = arith.constant 0 : i32
    %dma_wait3A_953 = tpu.memref_slice %arg6[%dma_wait3A_950, %dma_wait3A_951, %dma_wait3A_952] : memref<4x128x64xf32, #tpu.memory_space<vmem>> -> memref<1x128x64xf32, #tpu.memory_space<vmem>>
    %dma_wait3A_954 = tpu.memref_squeeze %dma_wait3A_953 : memref<1x128x64xf32, #tpu.memory_space<vmem>> -> memref<128x64xf32, #tpu.memory_space<vmem>>
    %dma_wait3A_955 = arith.constant 0 : i32
    %dma_wait3A_956 = tpu.memref_slice %arg5[%dma_wait3A_949, %dma_wait3A_955] : memref<50x128xi32, #tpu.memory_space<vmem>> -> memref<1x128xi32, #tpu.memory_space<vmem>>
    %dma_wait3A_957 = tpu.memref_squeeze %dma_wait3A_956 : memref<1x128xi32, #tpu.memory_space<vmem>> -> memref<128xi32, #tpu.memory_space<vmem>>
    %dma_wait3A_958 = arith.constant 0 : i32
    %dma_wait3A_959 = arith.constant 0 : i32
    %dma_wait3A_960 = tpu.memref_slice %arg3[%dma_wait3A_958, %dma_wait3A_959] : memref<1000000x64xf32, #tpu.memory_space<hbm>> -> memref<1000000x64xf32, #tpu.memory_space<hbm>>
    tpu.wait_indirect_dma semaphore(%arg7 : memref<!tpu.dma_semaphore, #tpu.memory_space<semaphore_mem>>) src(%dma_wait3A_960 : memref<1000000x64xf32, #tpu.memory_space<hbm>>) dst(%dma_wait3A_954 : memref<128x64xf32, #tpu.memory_space<vmem>>)
    %dma_start3A_961 = arith.constant 3 : i32
    %dma_start3A_962 = arith.constant 0 : i32
    %dma_start3A_963 = arith.constant 0 : i32
    %dma_start3A_964 = tpu.memref_slice %arg6[%dma_start3A_961, %dma_start3A_962, %dma_start3A_963] : memref<4x128x64xf32, #tpu.memory_space<vmem>> -> memref<1x128x64xf32, #tpu.memory_space<vmem>>
    %dma_start3A_965 = tpu.memref_squeeze %dma_start3A_964 : memref<1x128x64xf32, #tpu.memory_space<vmem>> -> memref<128x64xf32, #tpu.memory_space<vmem>>
    %dma_start3A_966 = arith.constant 1216 : i32
    %dma_start3A_967 = tpu.memref_slice %arg4[%mul3A_2, %dma_start3A_966] : memref<4096x3200xf32, #tpu.memory_space<hbm>> -> memref<128x64xf32, #tpu.memory_space<hbm>>
    %dma_start3A_968 = arith.constant 1216 : i32
    %dma_start3A_969 = tpu.memref_slice %arg4[%mul3A_2, %dma_start3A_968] : memref<4096x3200xf32, #tpu.memory_space<hbm>> -> memref<128x64xf32, #tpu.memory_space<hbm>>
    %dma_start3A_970 = arith.constant 0 : i32
    %dma_start3A_971 = arith.constant 0 : i32
    %dma_start3A_972 = tpu.memref_slice %arg6[%dma_start3A_961, %dma_start3A_970, %dma_start3A_971] : memref<4x128x64xf32, #tpu.memory_space<vmem>> -> memref<1x128x64xf32, #tpu.memory_space<vmem>>
    %dma_start3A_973 = tpu.memref_squeeze %dma_start3A_972 : memref<1x128x64xf32, #tpu.memory_space<vmem>> -> memref<128x64xf32, #tpu.memory_space<vmem>>
    tpu.enqueue_dma source(%dma_start3A_973 : memref<128x64xf32, #tpu.memory_space<vmem>>) target(%dma_start3A_969 : memref<128x64xf32, #tpu.memory_space<hbm>>) target_semaphore(%arg8 : memref<!tpu.dma_semaphore, #tpu.memory_space<semaphore_mem>>)
    %dma_wait3A_974 = arith.constant 1 : i32
    %dma_wait3A_975 = arith.constant 0 : i32
    %dma_wait3A_976 = arith.constant 0 : i32
    %dma_wait3A_977 = tpu.memref_slice %arg6[%dma_wait3A_974, %dma_wait3A_975, %dma_wait3A_976] : memref<4x128x64xf32, #tpu.memory_space<vmem>> -> memref<1x128x64xf32, #tpu.memory_space<vmem>>
    %dma_wait3A_978 = tpu.memref_squeeze %dma_wait3A_977 : memref<1x128x64xf32, #tpu.memory_space<vmem>> -> memref<128x64xf32, #tpu.memory_space<vmem>>
    %dma_wait3A_979 = arith.constant 1088 : i32
    %dma_wait3A_980 = tpu.memref_slice %arg4[%mul3A_2, %dma_wait3A_979] : memref<4096x3200xf32, #tpu.memory_space<hbm>> -> memref<128x64xf32, #tpu.memory_space<hbm>>
    %dma_wait3A_981 = arith.constant 1088 : i32
    %dma_wait3A_982 = tpu.memref_slice %arg4[%mul3A_2, %dma_wait3A_981] : memref<4096x3200xf32, #tpu.memory_space<hbm>> -> memref<128x64xf32, #tpu.memory_space<hbm>>
    %dma_wait3A_983 = arith.constant 0 : i32
    %dma_wait3A_984 = arith.constant 0 : i32
    %dma_wait3A_985 = tpu.memref_slice %arg6[%dma_wait3A_974, %dma_wait3A_983, %dma_wait3A_984] : memref<4x128x64xf32, #tpu.memory_space<vmem>> -> memref<1x128x64xf32, #tpu.memory_space<vmem>>
    %dma_wait3A_986 = tpu.memref_squeeze %dma_wait3A_985 : memref<1x128x64xf32, #tpu.memory_space<vmem>> -> memref<128x64xf32, #tpu.memory_space<vmem>>
    tpu.wait_dma2 semaphore(%arg8 : memref<!tpu.dma_semaphore, #tpu.memory_space<semaphore_mem>>) src(%dma_wait3A_986 : memref<128x64xf32, #tpu.memory_space<vmem>>) dst(%dma_wait3A_982 : memref<128x64xf32, #tpu.memory_space<hbm>>)
    %dma_start3A_987 = arith.constant 21 : i32
    %dma_start3A_988 = arith.constant 1 : i32
    %dma_start3A_989 = arith.constant 0 : i32
    %dma_start3A_990 = arith.constant 0 : i32
    %dma_start3A_991 = tpu.memref_slice %arg6[%dma_start3A_988, %dma_start3A_989, %dma_start3A_990] : memref<4x128x64xf32, #tpu.memory_space<vmem>> -> memref<1x128x64xf32, #tpu.memory_space<vmem>>
    %dma_start3A_992 = tpu.memref_squeeze %dma_start3A_991 : memref<1x128x64xf32, #tpu.memory_space<vmem>> -> memref<128x64xf32, #tpu.memory_space<vmem>>
    %dma_start3A_993 = arith.constant 0 : i32
    %dma_start3A_994 = tpu.memref_slice %arg5[%dma_start3A_987, %dma_start3A_993] : memref<50x128xi32, #tpu.memory_space<vmem>> -> memref<1x128xi32, #tpu.memory_space<vmem>>
    %dma_start3A_995 = tpu.memref_squeeze %dma_start3A_994 : memref<1x128xi32, #tpu.memory_space<vmem>> -> memref<128xi32, #tpu.memory_space<vmem>>
    %dma_start3A_996 = arith.constant 0 : i32
    %dma_start3A_997 = arith.constant 0 : i32
    %dma_start3A_998 = tpu.memref_slice %arg3[%dma_start3A_996, %dma_start3A_997] : memref<1000000x64xf32, #tpu.memory_space<hbm>> -> memref<1000000x64xf32, #tpu.memory_space<hbm>>
    tpu.enqueue_indirect_dma source(%dma_start3A_998 : memref<1000000x64xf32, #tpu.memory_space<hbm>>) target(%dma_start3A_992 : memref<128x64xf32, #tpu.memory_space<vmem>>) offsets(%dma_start3A_995 : memref<128xi32, #tpu.memory_space<vmem>>) semaphore(%arg7 : memref<!tpu.dma_semaphore, #tpu.memory_space<semaphore_mem>>)
    %dma_wait3A_999 = arith.constant 20 : i32
    %dma_wait3A_1000 = arith.constant 0 : i32
    %dma_wait3A_1001 = arith.constant 0 : i32
    %dma_wait3A_1002 = arith.constant 0 : i32
    %dma_wait3A_1003 = tpu.memref_slice %arg6[%dma_wait3A_1000, %dma_wait3A_1001, %dma_wait3A_1002] : memref<4x128x64xf32, #tpu.memory_space<vmem>> -> memref<1x128x64xf32, #tpu.memory_space<vmem>>
    %dma_wait3A_1004 = tpu.memref_squeeze %dma_wait3A_1003 : memref<1x128x64xf32, #tpu.memory_space<vmem>> -> memref<128x64xf32, #tpu.memory_space<vmem>>
    %dma_wait3A_1005 = arith.constant 0 : i32
    %dma_wait3A_1006 = tpu.memref_slice %arg5[%dma_wait3A_999, %dma_wait3A_1005] : memref<50x128xi32, #tpu.memory_space<vmem>> -> memref<1x128xi32, #tpu.memory_space<vmem>>
    %dma_wait3A_1007 = tpu.memref_squeeze %dma_wait3A_1006 : memref<1x128xi32, #tpu.memory_space<vmem>> -> memref<128xi32, #tpu.memory_space<vmem>>
    %dma_wait3A_1008 = arith.constant 0 : i32
    %dma_wait3A_1009 = arith.constant 0 : i32
    %dma_wait3A_1010 = tpu.memref_slice %arg3[%dma_wait3A_1008, %dma_wait3A_1009] : memref<1000000x64xf32, #tpu.memory_space<hbm>> -> memref<1000000x64xf32, #tpu.memory_space<hbm>>
    tpu.wait_indirect_dma semaphore(%arg7 : memref<!tpu.dma_semaphore, #tpu.memory_space<semaphore_mem>>) src(%dma_wait3A_1010 : memref<1000000x64xf32, #tpu.memory_space<hbm>>) dst(%dma_wait3A_1004 : memref<128x64xf32, #tpu.memory_space<vmem>>)
    %dma_start3A_1011 = arith.constant 0 : i32
    %dma_start3A_1012 = arith.constant 0 : i32
    %dma_start3A_1013 = arith.constant 0 : i32
    %dma_start3A_1014 = tpu.memref_slice %arg6[%dma_start3A_1011, %dma_start3A_1012, %dma_start3A_1013] : memref<4x128x64xf32, #tpu.memory_space<vmem>> -> memref<1x128x64xf32, #tpu.memory_space<vmem>>
    %dma_start3A_1015 = tpu.memref_squeeze %dma_start3A_1014 : memref<1x128x64xf32, #tpu.memory_space<vmem>> -> memref<128x64xf32, #tpu.memory_space<vmem>>
    %dma_start3A_1016 = arith.constant 1280 : i32
    %dma_start3A_1017 = tpu.memref_slice %arg4[%mul3A_2, %dma_start3A_1016] : memref<4096x3200xf32, #tpu.memory_space<hbm>> -> memref<128x64xf32, #tpu.memory_space<hbm>>
    %dma_start3A_1018 = arith.constant 1280 : i32
    %dma_start3A_1019 = tpu.memref_slice %arg4[%mul3A_2, %dma_start3A_1018] : memref<4096x3200xf32, #tpu.memory_space<hbm>> -> memref<128x64xf32, #tpu.memory_space<hbm>>
    %dma_start3A_1020 = arith.constant 0 : i32
    %dma_start3A_1021 = arith.constant 0 : i32
    %dma_start3A_1022 = tpu.memref_slice %arg6[%dma_start3A_1011, %dma_start3A_1020, %dma_start3A_1021] : memref<4x128x64xf32, #tpu.memory_space<vmem>> -> memref<1x128x64xf32, #tpu.memory_space<vmem>>
    %dma_start3A_1023 = tpu.memref_squeeze %dma_start3A_1022 : memref<1x128x64xf32, #tpu.memory_space<vmem>> -> memref<128x64xf32, #tpu.memory_space<vmem>>
    tpu.enqueue_dma source(%dma_start3A_1023 : memref<128x64xf32, #tpu.memory_space<vmem>>) target(%dma_start3A_1019 : memref<128x64xf32, #tpu.memory_space<hbm>>) target_semaphore(%arg8 : memref<!tpu.dma_semaphore, #tpu.memory_space<semaphore_mem>>)
    %dma_wait3A_1024 = arith.constant 2 : i32
    %dma_wait3A_1025 = arith.constant 0 : i32
    %dma_wait3A_1026 = arith.constant 0 : i32
    %dma_wait3A_1027 = tpu.memref_slice %arg6[%dma_wait3A_1024, %dma_wait3A_1025, %dma_wait3A_1026] : memref<4x128x64xf32, #tpu.memory_space<vmem>> -> memref<1x128x64xf32, #tpu.memory_space<vmem>>
    %dma_wait3A_1028 = tpu.memref_squeeze %dma_wait3A_1027 : memref<1x128x64xf32, #tpu.memory_space<vmem>> -> memref<128x64xf32, #tpu.memory_space<vmem>>
    %dma_wait3A_1029 = arith.constant 1152 : i32
    %dma_wait3A_1030 = tpu.memref_slice %arg4[%mul3A_2, %dma_wait3A_1029] : memref<4096x3200xf32, #tpu.memory_space<hbm>> -> memref<128x64xf32, #tpu.memory_space<hbm>>
    %dma_wait3A_1031 = arith.constant 1152 : i32
    %dma_wait3A_1032 = tpu.memref_slice %arg4[%mul3A_2, %dma_wait3A_1031] : memref<4096x3200xf32, #tpu.memory_space<hbm>> -> memref<128x64xf32, #tpu.memory_space<hbm>>
    %dma_wait3A_1033 = arith.constant 0 : i32
    %dma_wait3A_1034 = arith.constant 0 : i32
    %dma_wait3A_1035 = tpu.memref_slice %arg6[%dma_wait3A_1024, %dma_wait3A_1033, %dma_wait3A_1034] : memref<4x128x64xf32, #tpu.memory_space<vmem>> -> memref<1x128x64xf32, #tpu.memory_space<vmem>>
    %dma_wait3A_1036 = tpu.memref_squeeze %dma_wait3A_1035 : memref<1x128x64xf32, #tpu.memory_space<vmem>> -> memref<128x64xf32, #tpu.memory_space<vmem>>
    tpu.wait_dma2 semaphore(%arg8 : memref<!tpu.dma_semaphore, #tpu.memory_space<semaphore_mem>>) src(%dma_wait3A_1036 : memref<128x64xf32, #tpu.memory_space<vmem>>) dst(%dma_wait3A_1032 : memref<128x64xf32, #tpu.memory_space<hbm>>)
    %dma_start3A_1037 = arith.constant 22 : i32
    %dma_start3A_1038 = arith.constant 2 : i32
    %dma_start3A_1039 = arith.constant 0 : i32
    %dma_start3A_1040 = arith.constant 0 : i32
    %dma_start3A_1041 = tpu.memref_slice %arg6[%dma_start3A_1038, %dma_start3A_1039, %dma_start3A_1040] : memref<4x128x64xf32, #tpu.memory_space<vmem>> -> memref<1x128x64xf32, #tpu.memory_space<vmem>>
    %dma_start3A_1042 = tpu.memref_squeeze %dma_start3A_1041 : memref<1x128x64xf32, #tpu.memory_space<vmem>> -> memref<128x64xf32, #tpu.memory_space<vmem>>
    %dma_start3A_1043 = arith.constant 0 : i32
    %dma_start3A_1044 = tpu.memref_slice %arg5[%dma_start3A_1037, %dma_start3A_1043] : memref<50x128xi32, #tpu.memory_space<vmem>> -> memref<1x128xi32, #tpu.memory_space<vmem>>
    %dma_start3A_1045 = tpu.memref_squeeze %dma_start3A_1044 : memref<1x128xi32, #tpu.memory_space<vmem>> -> memref<128xi32, #tpu.memory_space<vmem>>
    %dma_start3A_1046 = arith.constant 0 : i32
    %dma_start3A_1047 = arith.constant 0 : i32
    %dma_start3A_1048 = tpu.memref_slice %arg3[%dma_start3A_1046, %dma_start3A_1047] : memref<1000000x64xf32, #tpu.memory_space<hbm>> -> memref<1000000x64xf32, #tpu.memory_space<hbm>>
    tpu.enqueue_indirect_dma source(%dma_start3A_1048 : memref<1000000x64xf32, #tpu.memory_space<hbm>>) target(%dma_start3A_1042 : memref<128x64xf32, #tpu.memory_space<vmem>>) offsets(%dma_start3A_1045 : memref<128xi32, #tpu.memory_space<vmem>>) semaphore(%arg7 : memref<!tpu.dma_semaphore, #tpu.memory_space<semaphore_mem>>)
    %dma_wait3A_1049 = arith.constant 21 : i32
    %dma_wait3A_1050 = arith.constant 1 : i32
    %dma_wait3A_1051 = arith.constant 0 : i32
    %dma_wait3A_1052 = arith.constant 0 : i32
    %dma_wait3A_1053 = tpu.memref_slice %arg6[%dma_wait3A_1050, %dma_wait3A_1051, %dma_wait3A_1052] : memref<4x128x64xf32, #tpu.memory_space<vmem>> -> memref<1x128x64xf32, #tpu.memory_space<vmem>>
    %dma_wait3A_1054 = tpu.memref_squeeze %dma_wait3A_1053 : memref<1x128x64xf32, #tpu.memory_space<vmem>> -> memref<128x64xf32, #tpu.memory_space<vmem>>
    %dma_wait3A_1055 = arith.constant 0 : i32
    %dma_wait3A_1056 = tpu.memref_slice %arg5[%dma_wait3A_1049, %dma_wait3A_1055] : memref<50x128xi32, #tpu.memory_space<vmem>> -> memref<1x128xi32, #tpu.memory_space<vmem>>
    %dma_wait3A_1057 = tpu.memref_squeeze %dma_wait3A_1056 : memref<1x128xi32, #tpu.memory_space<vmem>> -> memref<128xi32, #tpu.memory_space<vmem>>
    %dma_wait3A_1058 = arith.constant 0 : i32
    %dma_wait3A_1059 = arith.constant 0 : i32
    %dma_wait3A_1060 = tpu.memref_slice %arg3[%dma_wait3A_1058, %dma_wait3A_1059] : memref<1000000x64xf32, #tpu.memory_space<hbm>> -> memref<1000000x64xf32, #tpu.memory_space<hbm>>
    tpu.wait_indirect_dma semaphore(%arg7 : memref<!tpu.dma_semaphore, #tpu.memory_space<semaphore_mem>>) src(%dma_wait3A_1060 : memref<1000000x64xf32, #tpu.memory_space<hbm>>) dst(%dma_wait3A_1054 : memref<128x64xf32, #tpu.memory_space<vmem>>)
    %dma_start3A_1061 = arith.constant 1 : i32
    %dma_start3A_1062 = arith.constant 0 : i32
    %dma_start3A_1063 = arith.constant 0 : i32
    %dma_start3A_1064 = tpu.memref_slice %arg6[%dma_start3A_1061, %dma_start3A_1062, %dma_start3A_1063] : memref<4x128x64xf32, #tpu.memory_space<vmem>> -> memref<1x128x64xf32, #tpu.memory_space<vmem>>
    %dma_start3A_1065 = tpu.memref_squeeze %dma_start3A_1064 : memref<1x128x64xf32, #tpu.memory_space<vmem>> -> memref<128x64xf32, #tpu.memory_space<vmem>>
    %dma_start3A_1066 = arith.constant 1344 : i32
    %dma_start3A_1067 = tpu.memref_slice %arg4[%mul3A_2, %dma_start3A_1066] : memref<4096x3200xf32, #tpu.memory_space<hbm>> -> memref<128x64xf32, #tpu.memory_space<hbm>>
    %dma_start3A_1068 = arith.constant 1344 : i32
    %dma_start3A_1069 = tpu.memref_slice %arg4[%mul3A_2, %dma_start3A_1068] : memref<4096x3200xf32, #tpu.memory_space<hbm>> -> memref<128x64xf32, #tpu.memory_space<hbm>>
    %dma_start3A_1070 = arith.constant 0 : i32
    %dma_start3A_1071 = arith.constant 0 : i32
    %dma_start3A_1072 = tpu.memref_slice %arg6[%dma_start3A_1061, %dma_start3A_1070, %dma_start3A_1071] : memref<4x128x64xf32, #tpu.memory_space<vmem>> -> memref<1x128x64xf32, #tpu.memory_space<vmem>>
    %dma_start3A_1073 = tpu.memref_squeeze %dma_start3A_1072 : memref<1x128x64xf32, #tpu.memory_space<vmem>> -> memref<128x64xf32, #tpu.memory_space<vmem>>
    tpu.enqueue_dma source(%dma_start3A_1073 : memref<128x64xf32, #tpu.memory_space<vmem>>) target(%dma_start3A_1069 : memref<128x64xf32, #tpu.memory_space<hbm>>) target_semaphore(%arg8 : memref<!tpu.dma_semaphore, #tpu.memory_space<semaphore_mem>>)
    %dma_wait3A_1074 = arith.constant 3 : i32
    %dma_wait3A_1075 = arith.constant 0 : i32
    %dma_wait3A_1076 = arith.constant 0 : i32
    %dma_wait3A_1077 = tpu.memref_slice %arg6[%dma_wait3A_1074, %dma_wait3A_1075, %dma_wait3A_1076] : memref<4x128x64xf32, #tpu.memory_space<vmem>> -> memref<1x128x64xf32, #tpu.memory_space<vmem>>
    %dma_wait3A_1078 = tpu.memref_squeeze %dma_wait3A_1077 : memref<1x128x64xf32, #tpu.memory_space<vmem>> -> memref<128x64xf32, #tpu.memory_space<vmem>>
    %dma_wait3A_1079 = arith.constant 1216 : i32
    %dma_wait3A_1080 = tpu.memref_slice %arg4[%mul3A_2, %dma_wait3A_1079] : memref<4096x3200xf32, #tpu.memory_space<hbm>> -> memref<128x64xf32, #tpu.memory_space<hbm>>
    %dma_wait3A_1081 = arith.constant 1216 : i32
    %dma_wait3A_1082 = tpu.memref_slice %arg4[%mul3A_2, %dma_wait3A_1081] : memref<4096x3200xf32, #tpu.memory_space<hbm>> -> memref<128x64xf32, #tpu.memory_space<hbm>>
    %dma_wait3A_1083 = arith.constant 0 : i32
    %dma_wait3A_1084 = arith.constant 0 : i32
    %dma_wait3A_1085 = tpu.memref_slice %arg6[%dma_wait3A_1074, %dma_wait3A_1083, %dma_wait3A_1084] : memref<4x128x64xf32, #tpu.memory_space<vmem>> -> memref<1x128x64xf32, #tpu.memory_space<vmem>>
    %dma_wait3A_1086 = tpu.memref_squeeze %dma_wait3A_1085 : memref<1x128x64xf32, #tpu.memory_space<vmem>> -> memref<128x64xf32, #tpu.memory_space<vmem>>
    tpu.wait_dma2 semaphore(%arg8 : memref<!tpu.dma_semaphore, #tpu.memory_space<semaphore_mem>>) src(%dma_wait3A_1086 : memref<128x64xf32, #tpu.memory_space<vmem>>) dst(%dma_wait3A_1082 : memref<128x64xf32, #tpu.memory_space<hbm>>)
    %dma_start3A_1087 = arith.constant 23 : i32
    %dma_start3A_1088 = arith.constant 3 : i32
    %dma_start3A_1089 = arith.constant 0 : i32
    %dma_start3A_1090 = arith.constant 0 : i32
    %dma_start3A_1091 = tpu.memref_slice %arg6[%dma_start3A_1088, %dma_start3A_1089, %dma_start3A_1090] : memref<4x128x64xf32, #tpu.memory_space<vmem>> -> memref<1x128x64xf32, #tpu.memory_space<vmem>>
    %dma_start3A_1092 = tpu.memref_squeeze %dma_start3A_1091 : memref<1x128x64xf32, #tpu.memory_space<vmem>> -> memref<128x64xf32, #tpu.memory_space<vmem>>
    %dma_start3A_1093 = arith.constant 0 : i32
    %dma_start3A_1094 = tpu.memref_slice %arg5[%dma_start3A_1087, %dma_start3A_1093] : memref<50x128xi32, #tpu.memory_space<vmem>> -> memref<1x128xi32, #tpu.memory_space<vmem>>
    %dma_start3A_1095 = tpu.memref_squeeze %dma_start3A_1094 : memref<1x128xi32, #tpu.memory_space<vmem>> -> memref<128xi32, #tpu.memory_space<vmem>>
    %dma_start3A_1096 = arith.constant 0 : i32
    %dma_start3A_1097 = arith.constant 0 : i32
    %dma_start3A_1098 = tpu.memref_slice %arg3[%dma_start3A_1096, %dma_start3A_1097] : memref<1000000x64xf32, #tpu.memory_space<hbm>> -> memref<1000000x64xf32, #tpu.memory_space<hbm>>
    tpu.enqueue_indirect_dma source(%dma_start3A_1098 : memref<1000000x64xf32, #tpu.memory_space<hbm>>) target(%dma_start3A_1092 : memref<128x64xf32, #tpu.memory_space<vmem>>) offsets(%dma_start3A_1095 : memref<128xi32, #tpu.memory_space<vmem>>) semaphore(%arg7 : memref<!tpu.dma_semaphore, #tpu.memory_space<semaphore_mem>>)
    %dma_wait3A_1099 = arith.constant 22 : i32
    %dma_wait3A_1100 = arith.constant 2 : i32
    %dma_wait3A_1101 = arith.constant 0 : i32
    %dma_wait3A_1102 = arith.constant 0 : i32
    %dma_wait3A_1103 = tpu.memref_slice %arg6[%dma_wait3A_1100, %dma_wait3A_1101, %dma_wait3A_1102] : memref<4x128x64xf32, #tpu.memory_space<vmem>> -> memref<1x128x64xf32, #tpu.memory_space<vmem>>
    %dma_wait3A_1104 = tpu.memref_squeeze %dma_wait3A_1103 : memref<1x128x64xf32, #tpu.memory_space<vmem>> -> memref<128x64xf32, #tpu.memory_space<vmem>>
    %dma_wait3A_1105 = arith.constant 0 : i32
    %dma_wait3A_1106 = tpu.memref_slice %arg5[%dma_wait3A_1099, %dma_wait3A_1105] : memref<50x128xi32, #tpu.memory_space<vmem>> -> memref<1x128xi32, #tpu.memory_space<vmem>>
    %dma_wait3A_1107 = tpu.memref_squeeze %dma_wait3A_1106 : memref<1x128xi32, #tpu.memory_space<vmem>> -> memref<128xi32, #tpu.memory_space<vmem>>
    %dma_wait3A_1108 = arith.constant 0 : i32
    %dma_wait3A_1109 = arith.constant 0 : i32
    %dma_wait3A_1110 = tpu.memref_slice %arg3[%dma_wait3A_1108, %dma_wait3A_1109] : memref<1000000x64xf32, #tpu.memory_space<hbm>> -> memref<1000000x64xf32, #tpu.memory_space<hbm>>
    tpu.wait_indirect_dma semaphore(%arg7 : memref<!tpu.dma_semaphore, #tpu.memory_space<semaphore_mem>>) src(%dma_wait3A_1110 : memref<1000000x64xf32, #tpu.memory_space<hbm>>) dst(%dma_wait3A_1104 : memref<128x64xf32, #tpu.memory_space<vmem>>)
    %dma_start3A_1111 = arith.constant 2 : i32
    %dma_start3A_1112 = arith.constant 0 : i32
    %dma_start3A_1113 = arith.constant 0 : i32
    %dma_start3A_1114 = tpu.memref_slice %arg6[%dma_start3A_1111, %dma_start3A_1112, %dma_start3A_1113] : memref<4x128x64xf32, #tpu.memory_space<vmem>> -> memref<1x128x64xf32, #tpu.memory_space<vmem>>
    %dma_start3A_1115 = tpu.memref_squeeze %dma_start3A_1114 : memref<1x128x64xf32, #tpu.memory_space<vmem>> -> memref<128x64xf32, #tpu.memory_space<vmem>>
    %dma_start3A_1116 = arith.constant 1408 : i32
    %dma_start3A_1117 = tpu.memref_slice %arg4[%mul3A_2, %dma_start3A_1116] : memref<4096x3200xf32, #tpu.memory_space<hbm>> -> memref<128x64xf32, #tpu.memory_space<hbm>>
    %dma_start3A_1118 = arith.constant 1408 : i32
    %dma_start3A_1119 = tpu.memref_slice %arg4[%mul3A_2, %dma_start3A_1118] : memref<4096x3200xf32, #tpu.memory_space<hbm>> -> memref<128x64xf32, #tpu.memory_space<hbm>>
    %dma_start3A_1120 = arith.constant 0 : i32
    %dma_start3A_1121 = arith.constant 0 : i32
    %dma_start3A_1122 = tpu.memref_slice %arg6[%dma_start3A_1111, %dma_start3A_1120, %dma_start3A_1121] : memref<4x128x64xf32, #tpu.memory_space<vmem>> -> memref<1x128x64xf32, #tpu.memory_space<vmem>>
    %dma_start3A_1123 = tpu.memref_squeeze %dma_start3A_1122 : memref<1x128x64xf32, #tpu.memory_space<vmem>> -> memref<128x64xf32, #tpu.memory_space<vmem>>
    tpu.enqueue_dma source(%dma_start3A_1123 : memref<128x64xf32, #tpu.memory_space<vmem>>) target(%dma_start3A_1119 : memref<128x64xf32, #tpu.memory_space<hbm>>) target_semaphore(%arg8 : memref<!tpu.dma_semaphore, #tpu.memory_space<semaphore_mem>>)
    %dma_wait3A_1124 = arith.constant 0 : i32
    %dma_wait3A_1125 = arith.constant 0 : i32
    %dma_wait3A_1126 = arith.constant 0 : i32
    %dma_wait3A_1127 = tpu.memref_slice %arg6[%dma_wait3A_1124, %dma_wait3A_1125, %dma_wait3A_1126] : memref<4x128x64xf32, #tpu.memory_space<vmem>> -> memref<1x128x64xf32, #tpu.memory_space<vmem>>
    %dma_wait3A_1128 = tpu.memref_squeeze %dma_wait3A_1127 : memref<1x128x64xf32, #tpu.memory_space<vmem>> -> memref<128x64xf32, #tpu.memory_space<vmem>>
    %dma_wait3A_1129 = arith.constant 1280 : i32
    %dma_wait3A_1130 = tpu.memref_slice %arg4[%mul3A_2, %dma_wait3A_1129] : memref<4096x3200xf32, #tpu.memory_space<hbm>> -> memref<128x64xf32, #tpu.memory_space<hbm>>
    %dma_wait3A_1131 = arith.constant 1280 : i32
    %dma_wait3A_1132 = tpu.memref_slice %arg4[%mul3A_2, %dma_wait3A_1131] : memref<4096x3200xf32, #tpu.memory_space<hbm>> -> memref<128x64xf32, #tpu.memory_space<hbm>>
    %dma_wait3A_1133 = arith.constant 0 : i32
    %dma_wait3A_1134 = arith.constant 0 : i32
    %dma_wait3A_1135 = tpu.memref_slice %arg6[%dma_wait3A_1124, %dma_wait3A_1133, %dma_wait3A_1134] : memref<4x128x64xf32, #tpu.memory_space<vmem>> -> memref<1x128x64xf32, #tpu.memory_space<vmem>>
    %dma_wait3A_1136 = tpu.memref_squeeze %dma_wait3A_1135 : memref<1x128x64xf32, #tpu.memory_space<vmem>> -> memref<128x64xf32, #tpu.memory_space<vmem>>
    tpu.wait_dma2 semaphore(%arg8 : memref<!tpu.dma_semaphore, #tpu.memory_space<semaphore_mem>>) src(%dma_wait3A_1136 : memref<128x64xf32, #tpu.memory_space<vmem>>) dst(%dma_wait3A_1132 : memref<128x64xf32, #tpu.memory_space<hbm>>)
    %dma_start3A_1137 = arith.constant 24 : i32
    %dma_start3A_1138 = arith.constant 0 : i32
    %dma_start3A_1139 = arith.constant 0 : i32
    %dma_start3A_1140 = arith.constant 0 : i32
    %dma_start3A_1141 = tpu.memref_slice %arg6[%dma_start3A_1138, %dma_start3A_1139, %dma_start3A_1140] : memref<4x128x64xf32, #tpu.memory_space<vmem>> -> memref<1x128x64xf32, #tpu.memory_space<vmem>>
    %dma_start3A_1142 = tpu.memref_squeeze %dma_start3A_1141 : memref<1x128x64xf32, #tpu.memory_space<vmem>> -> memref<128x64xf32, #tpu.memory_space<vmem>>
    %dma_start3A_1143 = arith.constant 0 : i32
    %dma_start3A_1144 = tpu.memref_slice %arg5[%dma_start3A_1137, %dma_start3A_1143] : memref<50x128xi32, #tpu.memory_space<vmem>> -> memref<1x128xi32, #tpu.memory_space<vmem>>
    %dma_start3A_1145 = tpu.memref_squeeze %dma_start3A_1144 : memref<1x128xi32, #tpu.memory_space<vmem>> -> memref<128xi32, #tpu.memory_space<vmem>>
    %dma_start3A_1146 = arith.constant 0 : i32
    %dma_start3A_1147 = arith.constant 0 : i32
    %dma_start3A_1148 = tpu.memref_slice %arg3[%dma_start3A_1146, %dma_start3A_1147] : memref<1000000x64xf32, #tpu.memory_space<hbm>> -> memref<1000000x64xf32, #tpu.memory_space<hbm>>
    tpu.enqueue_indirect_dma source(%dma_start3A_1148 : memref<1000000x64xf32, #tpu.memory_space<hbm>>) target(%dma_start3A_1142 : memref<128x64xf32, #tpu.memory_space<vmem>>) offsets(%dma_start3A_1145 : memref<128xi32, #tpu.memory_space<vmem>>) semaphore(%arg7 : memref<!tpu.dma_semaphore, #tpu.memory_space<semaphore_mem>>)
    %dma_wait3A_1149 = arith.constant 23 : i32
    %dma_wait3A_1150 = arith.constant 3 : i32
    %dma_wait3A_1151 = arith.constant 0 : i32
    %dma_wait3A_1152 = arith.constant 0 : i32
    %dma_wait3A_1153 = tpu.memref_slice %arg6[%dma_wait3A_1150, %dma_wait3A_1151, %dma_wait3A_1152] : memref<4x128x64xf32, #tpu.memory_space<vmem>> -> memref<1x128x64xf32, #tpu.memory_space<vmem>>
    %dma_wait3A_1154 = tpu.memref_squeeze %dma_wait3A_1153 : memref<1x128x64xf32, #tpu.memory_space<vmem>> -> memref<128x64xf32, #tpu.memory_space<vmem>>
    %dma_wait3A_1155 = arith.constant 0 : i32
    %dma_wait3A_1156 = tpu.memref_slice %arg5[%dma_wait3A_1149, %dma_wait3A_1155] : memref<50x128xi32, #tpu.memory_space<vmem>> -> memref<1x128xi32, #tpu.memory_space<vmem>>
    %dma_wait3A_1157 = tpu.memref_squeeze %dma_wait3A_1156 : memref<1x128xi32, #tpu.memory_space<vmem>> -> memref<128xi32, #tpu.memory_space<vmem>>
    %dma_wait3A_1158 = arith.constant 0 : i32
    %dma_wait3A_1159 = arith.constant 0 : i32
    %dma_wait3A_1160 = tpu.memref_slice %arg3[%dma_wait3A_1158, %dma_wait3A_1159] : memref<1000000x64xf32, #tpu.memory_space<hbm>> -> memref<1000000x64xf32, #tpu.memory_space<hbm>>
    tpu.wait_indirect_dma semaphore(%arg7 : memref<!tpu.dma_semaphore, #tpu.memory_space<semaphore_mem>>) src(%dma_wait3A_1160 : memref<1000000x64xf32, #tpu.memory_space<hbm>>) dst(%dma_wait3A_1154 : memref<128x64xf32, #tpu.memory_space<vmem>>)
    %dma_start3A_1161 = arith.constant 3 : i32
    %dma_start3A_1162 = arith.constant 0 : i32
    %dma_start3A_1163 = arith.constant 0 : i32
    %dma_start3A_1164 = tpu.memref_slice %arg6[%dma_start3A_1161, %dma_start3A_1162, %dma_start3A_1163] : memref<4x128x64xf32, #tpu.memory_space<vmem>> -> memref<1x128x64xf32, #tpu.memory_space<vmem>>
    %dma_start3A_1165 = tpu.memref_squeeze %dma_start3A_1164 : memref<1x128x64xf32, #tpu.memory_space<vmem>> -> memref<128x64xf32, #tpu.memory_space<vmem>>
    %dma_start3A_1166 = arith.constant 1472 : i32
    %dma_start3A_1167 = tpu.memref_slice %arg4[%mul3A_2, %dma_start3A_1166] : memref<4096x3200xf32, #tpu.memory_space<hbm>> -> memref<128x64xf32, #tpu.memory_space<hbm>>
    %dma_start3A_1168 = arith.constant 1472 : i32
    %dma_start3A_1169 = tpu.memref_slice %arg4[%mul3A_2, %dma_start3A_1168] : memref<4096x3200xf32, #tpu.memory_space<hbm>> -> memref<128x64xf32, #tpu.memory_space<hbm>>
    %dma_start3A_1170 = arith.constant 0 : i32
    %dma_start3A_1171 = arith.constant 0 : i32
    %dma_start3A_1172 = tpu.memref_slice %arg6[%dma_start3A_1161, %dma_start3A_1170, %dma_start3A_1171] : memref<4x128x64xf32, #tpu.memory_space<vmem>> -> memref<1x128x64xf32, #tpu.memory_space<vmem>>
    %dma_start3A_1173 = tpu.memref_squeeze %dma_start3A_1172 : memref<1x128x64xf32, #tpu.memory_space<vmem>> -> memref<128x64xf32, #tpu.memory_space<vmem>>
    tpu.enqueue_dma source(%dma_start3A_1173 : memref<128x64xf32, #tpu.memory_space<vmem>>) target(%dma_start3A_1169 : memref<128x64xf32, #tpu.memory_space<hbm>>) target_semaphore(%arg8 : memref<!tpu.dma_semaphore, #tpu.memory_space<semaphore_mem>>)
    %dma_wait3A_1174 = arith.constant 1 : i32
    %dma_wait3A_1175 = arith.constant 0 : i32
    %dma_wait3A_1176 = arith.constant 0 : i32
    %dma_wait3A_1177 = tpu.memref_slice %arg6[%dma_wait3A_1174, %dma_wait3A_1175, %dma_wait3A_1176] : memref<4x128x64xf32, #tpu.memory_space<vmem>> -> memref<1x128x64xf32, #tpu.memory_space<vmem>>
    %dma_wait3A_1178 = tpu.memref_squeeze %dma_wait3A_1177 : memref<1x128x64xf32, #tpu.memory_space<vmem>> -> memref<128x64xf32, #tpu.memory_space<vmem>>
    %dma_wait3A_1179 = arith.constant 1344 : i32
    %dma_wait3A_1180 = tpu.memref_slice %arg4[%mul3A_2, %dma_wait3A_1179] : memref<4096x3200xf32, #tpu.memory_space<hbm>> -> memref<128x64xf32, #tpu.memory_space<hbm>>
    %dma_wait3A_1181 = arith.constant 1344 : i32
    %dma_wait3A_1182 = tpu.memref_slice %arg4[%mul3A_2, %dma_wait3A_1181] : memref<4096x3200xf32, #tpu.memory_space<hbm>> -> memref<128x64xf32, #tpu.memory_space<hbm>>
    %dma_wait3A_1183 = arith.constant 0 : i32
    %dma_wait3A_1184 = arith.constant 0 : i32
    %dma_wait3A_1185 = tpu.memref_slice %arg6[%dma_wait3A_1174, %dma_wait3A_1183, %dma_wait3A_1184] : memref<4x128x64xf32, #tpu.memory_space<vmem>> -> memref<1x128x64xf32, #tpu.memory_space<vmem>>
    %dma_wait3A_1186 = tpu.memref_squeeze %dma_wait3A_1185 : memref<1x128x64xf32, #tpu.memory_space<vmem>> -> memref<128x64xf32, #tpu.memory_space<vmem>>
    tpu.wait_dma2 semaphore(%arg8 : memref<!tpu.dma_semaphore, #tpu.memory_space<semaphore_mem>>) src(%dma_wait3A_1186 : memref<128x64xf32, #tpu.memory_space<vmem>>) dst(%dma_wait3A_1182 : memref<128x64xf32, #tpu.memory_space<hbm>>)
    %dma_start3A_1187 = arith.constant 25 : i32
    %dma_start3A_1188 = arith.constant 1 : i32
    %dma_start3A_1189 = arith.constant 0 : i32
    %dma_start3A_1190 = arith.constant 0 : i32
    %dma_start3A_1191 = tpu.memref_slice %arg6[%dma_start3A_1188, %dma_start3A_1189, %dma_start3A_1190] : memref<4x128x64xf32, #tpu.memory_space<vmem>> -> memref<1x128x64xf32, #tpu.memory_space<vmem>>
    %dma_start3A_1192 = tpu.memref_squeeze %dma_start3A_1191 : memref<1x128x64xf32, #tpu.memory_space<vmem>> -> memref<128x64xf32, #tpu.memory_space<vmem>>
    %dma_start3A_1193 = arith.constant 0 : i32
    %dma_start3A_1194 = tpu.memref_slice %arg5[%dma_start3A_1187, %dma_start3A_1193] : memref<50x128xi32, #tpu.memory_space<vmem>> -> memref<1x128xi32, #tpu.memory_space<vmem>>
    %dma_start3A_1195 = tpu.memref_squeeze %dma_start3A_1194 : memref<1x128xi32, #tpu.memory_space<vmem>> -> memref<128xi32, #tpu.memory_space<vmem>>
    %dma_start3A_1196 = arith.constant 0 : i32
    %dma_start3A_1197 = arith.constant 0 : i32
    %dma_start3A_1198 = tpu.memref_slice %arg3[%dma_start3A_1196, %dma_start3A_1197] : memref<1000000x64xf32, #tpu.memory_space<hbm>> -> memref<1000000x64xf32, #tpu.memory_space<hbm>>
    tpu.enqueue_indirect_dma source(%dma_start3A_1198 : memref<1000000x64xf32, #tpu.memory_space<hbm>>) target(%dma_start3A_1192 : memref<128x64xf32, #tpu.memory_space<vmem>>) offsets(%dma_start3A_1195 : memref<128xi32, #tpu.memory_space<vmem>>) semaphore(%arg7 : memref<!tpu.dma_semaphore, #tpu.memory_space<semaphore_mem>>)
    %dma_wait3A_1199 = arith.constant 24 : i32
    %dma_wait3A_1200 = arith.constant 0 : i32
    %dma_wait3A_1201 = arith.constant 0 : i32
    %dma_wait3A_1202 = arith.constant 0 : i32
    %dma_wait3A_1203 = tpu.memref_slice %arg6[%dma_wait3A_1200, %dma_wait3A_1201, %dma_wait3A_1202] : memref<4x128x64xf32, #tpu.memory_space<vmem>> -> memref<1x128x64xf32, #tpu.memory_space<vmem>>
    %dma_wait3A_1204 = tpu.memref_squeeze %dma_wait3A_1203 : memref<1x128x64xf32, #tpu.memory_space<vmem>> -> memref<128x64xf32, #tpu.memory_space<vmem>>
    %dma_wait3A_1205 = arith.constant 0 : i32
    %dma_wait3A_1206 = tpu.memref_slice %arg5[%dma_wait3A_1199, %dma_wait3A_1205] : memref<50x128xi32, #tpu.memory_space<vmem>> -> memref<1x128xi32, #tpu.memory_space<vmem>>
    %dma_wait3A_1207 = tpu.memref_squeeze %dma_wait3A_1206 : memref<1x128xi32, #tpu.memory_space<vmem>> -> memref<128xi32, #tpu.memory_space<vmem>>
    %dma_wait3A_1208 = arith.constant 0 : i32
    %dma_wait3A_1209 = arith.constant 0 : i32
    %dma_wait3A_1210 = tpu.memref_slice %arg3[%dma_wait3A_1208, %dma_wait3A_1209] : memref<1000000x64xf32, #tpu.memory_space<hbm>> -> memref<1000000x64xf32, #tpu.memory_space<hbm>>
    tpu.wait_indirect_dma semaphore(%arg7 : memref<!tpu.dma_semaphore, #tpu.memory_space<semaphore_mem>>) src(%dma_wait3A_1210 : memref<1000000x64xf32, #tpu.memory_space<hbm>>) dst(%dma_wait3A_1204 : memref<128x64xf32, #tpu.memory_space<vmem>>)
    %dma_start3A_1211 = arith.constant 0 : i32
    %dma_start3A_1212 = arith.constant 0 : i32
    %dma_start3A_1213 = arith.constant 0 : i32
    %dma_start3A_1214 = tpu.memref_slice %arg6[%dma_start3A_1211, %dma_start3A_1212, %dma_start3A_1213] : memref<4x128x64xf32, #tpu.memory_space<vmem>> -> memref<1x128x64xf32, #tpu.memory_space<vmem>>
    %dma_start3A_1215 = tpu.memref_squeeze %dma_start3A_1214 : memref<1x128x64xf32, #tpu.memory_space<vmem>> -> memref<128x64xf32, #tpu.memory_space<vmem>>
    %dma_start3A_1216 = arith.constant 1536 : i32
    %dma_start3A_1217 = tpu.memref_slice %arg4[%mul3A_2, %dma_start3A_1216] : memref<4096x3200xf32, #tpu.memory_space<hbm>> -> memref<128x64xf32, #tpu.memory_space<hbm>>
    %dma_start3A_1218 = arith.constant 1536 : i32
    %dma_start3A_1219 = tpu.memref_slice %arg4[%mul3A_2, %dma_start3A_1218] : memref<4096x3200xf32, #tpu.memory_space<hbm>> -> memref<128x64xf32, #tpu.memory_space<hbm>>
    %dma_start3A_1220 = arith.constant 0 : i32
    %dma_start3A_1221 = arith.constant 0 : i32
    %dma_start3A_1222 = tpu.memref_slice %arg6[%dma_start3A_1211, %dma_start3A_1220, %dma_start3A_1221] : memref<4x128x64xf32, #tpu.memory_space<vmem>> -> memref<1x128x64xf32, #tpu.memory_space<vmem>>
    %dma_start3A_1223 = tpu.memref_squeeze %dma_start3A_1222 : memref<1x128x64xf32, #tpu.memory_space<vmem>> -> memref<128x64xf32, #tpu.memory_space<vmem>>
    tpu.enqueue_dma source(%dma_start3A_1223 : memref<128x64xf32, #tpu.memory_space<vmem>>) target(%dma_start3A_1219 : memref<128x64xf32, #tpu.memory_space<hbm>>) target_semaphore(%arg8 : memref<!tpu.dma_semaphore, #tpu.memory_space<semaphore_mem>>)
    %dma_wait3A_1224 = arith.constant 2 : i32
    %dma_wait3A_1225 = arith.constant 0 : i32
    %dma_wait3A_1226 = arith.constant 0 : i32
    %dma_wait3A_1227 = tpu.memref_slice %arg6[%dma_wait3A_1224, %dma_wait3A_1225, %dma_wait3A_1226] : memref<4x128x64xf32, #tpu.memory_space<vmem>> -> memref<1x128x64xf32, #tpu.memory_space<vmem>>
    %dma_wait3A_1228 = tpu.memref_squeeze %dma_wait3A_1227 : memref<1x128x64xf32, #tpu.memory_space<vmem>> -> memref<128x64xf32, #tpu.memory_space<vmem>>
    %dma_wait3A_1229 = arith.constant 1408 : i32
    %dma_wait3A_1230 = tpu.memref_slice %arg4[%mul3A_2, %dma_wait3A_1229] : memref<4096x3200xf32, #tpu.memory_space<hbm>> -> memref<128x64xf32, #tpu.memory_space<hbm>>
    %dma_wait3A_1231 = arith.constant 1408 : i32
    %dma_wait3A_1232 = tpu.memref_slice %arg4[%mul3A_2, %dma_wait3A_1231] : memref<4096x3200xf32, #tpu.memory_space<hbm>> -> memref<128x64xf32, #tpu.memory_space<hbm>>
    %dma_wait3A_1233 = arith.constant 0 : i32
    %dma_wait3A_1234 = arith.constant 0 : i32
    %dma_wait3A_1235 = tpu.memref_slice %arg6[%dma_wait3A_1224, %dma_wait3A_1233, %dma_wait3A_1234] : memref<4x128x64xf32, #tpu.memory_space<vmem>> -> memref<1x128x64xf32, #tpu.memory_space<vmem>>
    %dma_wait3A_1236 = tpu.memref_squeeze %dma_wait3A_1235 : memref<1x128x64xf32, #tpu.memory_space<vmem>> -> memref<128x64xf32, #tpu.memory_space<vmem>>
    tpu.wait_dma2 semaphore(%arg8 : memref<!tpu.dma_semaphore, #tpu.memory_space<semaphore_mem>>) src(%dma_wait3A_1236 : memref<128x64xf32, #tpu.memory_space<vmem>>) dst(%dma_wait3A_1232 : memref<128x64xf32, #tpu.memory_space<hbm>>)
    %dma_start3A_1237 = arith.constant 26 : i32
    %dma_start3A_1238 = arith.constant 2 : i32
    %dma_start3A_1239 = arith.constant 0 : i32
    %dma_start3A_1240 = arith.constant 0 : i32
    %dma_start3A_1241 = tpu.memref_slice %arg6[%dma_start3A_1238, %dma_start3A_1239, %dma_start3A_1240] : memref<4x128x64xf32, #tpu.memory_space<vmem>> -> memref<1x128x64xf32, #tpu.memory_space<vmem>>
    %dma_start3A_1242 = tpu.memref_squeeze %dma_start3A_1241 : memref<1x128x64xf32, #tpu.memory_space<vmem>> -> memref<128x64xf32, #tpu.memory_space<vmem>>
    %dma_start3A_1243 = arith.constant 0 : i32
    %dma_start3A_1244 = tpu.memref_slice %arg5[%dma_start3A_1237, %dma_start3A_1243] : memref<50x128xi32, #tpu.memory_space<vmem>> -> memref<1x128xi32, #tpu.memory_space<vmem>>
    %dma_start3A_1245 = tpu.memref_squeeze %dma_start3A_1244 : memref<1x128xi32, #tpu.memory_space<vmem>> -> memref<128xi32, #tpu.memory_space<vmem>>
    %dma_start3A_1246 = arith.constant 0 : i32
    %dma_start3A_1247 = arith.constant 0 : i32
    %dma_start3A_1248 = tpu.memref_slice %arg3[%dma_start3A_1246, %dma_start3A_1247] : memref<1000000x64xf32, #tpu.memory_space<hbm>> -> memref<1000000x64xf32, #tpu.memory_space<hbm>>
    tpu.enqueue_indirect_dma source(%dma_start3A_1248 : memref<1000000x64xf32, #tpu.memory_space<hbm>>) target(%dma_start3A_1242 : memref<128x64xf32, #tpu.memory_space<vmem>>) offsets(%dma_start3A_1245 : memref<128xi32, #tpu.memory_space<vmem>>) semaphore(%arg7 : memref<!tpu.dma_semaphore, #tpu.memory_space<semaphore_mem>>)
    %dma_wait3A_1249 = arith.constant 25 : i32
    %dma_wait3A_1250 = arith.constant 1 : i32
    %dma_wait3A_1251 = arith.constant 0 : i32
    %dma_wait3A_1252 = arith.constant 0 : i32
    %dma_wait3A_1253 = tpu.memref_slice %arg6[%dma_wait3A_1250, %dma_wait3A_1251, %dma_wait3A_1252] : memref<4x128x64xf32, #tpu.memory_space<vmem>> -> memref<1x128x64xf32, #tpu.memory_space<vmem>>
    %dma_wait3A_1254 = tpu.memref_squeeze %dma_wait3A_1253 : memref<1x128x64xf32, #tpu.memory_space<vmem>> -> memref<128x64xf32, #tpu.memory_space<vmem>>
    %dma_wait3A_1255 = arith.constant 0 : i32
    %dma_wait3A_1256 = tpu.memref_slice %arg5[%dma_wait3A_1249, %dma_wait3A_1255] : memref<50x128xi32, #tpu.memory_space<vmem>> -> memref<1x128xi32, #tpu.memory_space<vmem>>
    %dma_wait3A_1257 = tpu.memref_squeeze %dma_wait3A_1256 : memref<1x128xi32, #tpu.memory_space<vmem>> -> memref<128xi32, #tpu.memory_space<vmem>>
    %dma_wait3A_1258 = arith.constant 0 : i32
    %dma_wait3A_1259 = arith.constant 0 : i32
    %dma_wait3A_1260 = tpu.memref_slice %arg3[%dma_wait3A_1258, %dma_wait3A_1259] : memref<1000000x64xf32, #tpu.memory_space<hbm>> -> memref<1000000x64xf32, #tpu.memory_space<hbm>>
    tpu.wait_indirect_dma semaphore(%arg7 : memref<!tpu.dma_semaphore, #tpu.memory_space<semaphore_mem>>) src(%dma_wait3A_1260 : memref<1000000x64xf32, #tpu.memory_space<hbm>>) dst(%dma_wait3A_1254 : memref<128x64xf32, #tpu.memory_space<vmem>>)
    %dma_start3A_1261 = arith.constant 1 : i32
    %dma_start3A_1262 = arith.constant 0 : i32
    %dma_start3A_1263 = arith.constant 0 : i32
    %dma_start3A_1264 = tpu.memref_slice %arg6[%dma_start3A_1261, %dma_start3A_1262, %dma_start3A_1263] : memref<4x128x64xf32, #tpu.memory_space<vmem>> -> memref<1x128x64xf32, #tpu.memory_space<vmem>>
    %dma_start3A_1265 = tpu.memref_squeeze %dma_start3A_1264 : memref<1x128x64xf32, #tpu.memory_space<vmem>> -> memref<128x64xf32, #tpu.memory_space<vmem>>
    %dma_start3A_1266 = arith.constant 1600 : i32
    %dma_start3A_1267 = tpu.memref_slice %arg4[%mul3A_2, %dma_start3A_1266] : memref<4096x3200xf32, #tpu.memory_space<hbm>> -> memref<128x64xf32, #tpu.memory_space<hbm>>
    %dma_start3A_1268 = arith.constant 1600 : i32
    %dma_start3A_1269 = tpu.memref_slice %arg4[%mul3A_2, %dma_start3A_1268] : memref<4096x3200xf32, #tpu.memory_space<hbm>> -> memref<128x64xf32, #tpu.memory_space<hbm>>
    %dma_start3A_1270 = arith.constant 0 : i32
    %dma_start3A_1271 = arith.constant 0 : i32
    %dma_start3A_1272 = tpu.memref_slice %arg6[%dma_start3A_1261, %dma_start3A_1270, %dma_start3A_1271] : memref<4x128x64xf32, #tpu.memory_space<vmem>> -> memref<1x128x64xf32, #tpu.memory_space<vmem>>
    %dma_start3A_1273 = tpu.memref_squeeze %dma_start3A_1272 : memref<1x128x64xf32, #tpu.memory_space<vmem>> -> memref<128x64xf32, #tpu.memory_space<vmem>>
    tpu.enqueue_dma source(%dma_start3A_1273 : memref<128x64xf32, #tpu.memory_space<vmem>>) target(%dma_start3A_1269 : memref<128x64xf32, #tpu.memory_space<hbm>>) target_semaphore(%arg8 : memref<!tpu.dma_semaphore, #tpu.memory_space<semaphore_mem>>)
    %dma_wait3A_1274 = arith.constant 3 : i32
    %dma_wait3A_1275 = arith.constant 0 : i32
    %dma_wait3A_1276 = arith.constant 0 : i32
    %dma_wait3A_1277 = tpu.memref_slice %arg6[%dma_wait3A_1274, %dma_wait3A_1275, %dma_wait3A_1276] : memref<4x128x64xf32, #tpu.memory_space<vmem>> -> memref<1x128x64xf32, #tpu.memory_space<vmem>>
    %dma_wait3A_1278 = tpu.memref_squeeze %dma_wait3A_1277 : memref<1x128x64xf32, #tpu.memory_space<vmem>> -> memref<128x64xf32, #tpu.memory_space<vmem>>
    %dma_wait3A_1279 = arith.constant 1472 : i32
    %dma_wait3A_1280 = tpu.memref_slice %arg4[%mul3A_2, %dma_wait3A_1279] : memref<4096x3200xf32, #tpu.memory_space<hbm>> -> memref<128x64xf32, #tpu.memory_space<hbm>>
    %dma_wait3A_1281 = arith.constant 1472 : i32
    %dma_wait3A_1282 = tpu.memref_slice %arg4[%mul3A_2, %dma_wait3A_1281] : memref<4096x3200xf32, #tpu.memory_space<hbm>> -> memref<128x64xf32, #tpu.memory_space<hbm>>
    %dma_wait3A_1283 = arith.constant 0 : i32
    %dma_wait3A_1284 = arith.constant 0 : i32
    %dma_wait3A_1285 = tpu.memref_slice %arg6[%dma_wait3A_1274, %dma_wait3A_1283, %dma_wait3A_1284] : memref<4x128x64xf32, #tpu.memory_space<vmem>> -> memref<1x128x64xf32, #tpu.memory_space<vmem>>
    %dma_wait3A_1286 = tpu.memref_squeeze %dma_wait3A_1285 : memref<1x128x64xf32, #tpu.memory_space<vmem>> -> memref<128x64xf32, #tpu.memory_space<vmem>>
    tpu.wait_dma2 semaphore(%arg8 : memref<!tpu.dma_semaphore, #tpu.memory_space<semaphore_mem>>) src(%dma_wait3A_1286 : memref<128x64xf32, #tpu.memory_space<vmem>>) dst(%dma_wait3A_1282 : memref<128x64xf32, #tpu.memory_space<hbm>>)
    %dma_start3A_1287 = arith.constant 27 : i32
    %dma_start3A_1288 = arith.constant 3 : i32
    %dma_start3A_1289 = arith.constant 0 : i32
    %dma_start3A_1290 = arith.constant 0 : i32
    %dma_start3A_1291 = tpu.memref_slice %arg6[%dma_start3A_1288, %dma_start3A_1289, %dma_start3A_1290] : memref<4x128x64xf32, #tpu.memory_space<vmem>> -> memref<1x128x64xf32, #tpu.memory_space<vmem>>
    %dma_start3A_1292 = tpu.memref_squeeze %dma_start3A_1291 : memref<1x128x64xf32, #tpu.memory_space<vmem>> -> memref<128x64xf32, #tpu.memory_space<vmem>>
    %dma_start3A_1293 = arith.constant 0 : i32
    %dma_start3A_1294 = tpu.memref_slice %arg5[%dma_start3A_1287, %dma_start3A_1293] : memref<50x128xi32, #tpu.memory_space<vmem>> -> memref<1x128xi32, #tpu.memory_space<vmem>>
    %dma_start3A_1295 = tpu.memref_squeeze %dma_start3A_1294 : memref<1x128xi32, #tpu.memory_space<vmem>> -> memref<128xi32, #tpu.memory_space<vmem>>
    %dma_start3A_1296 = arith.constant 0 : i32
    %dma_start3A_1297 = arith.constant 0 : i32
    %dma_start3A_1298 = tpu.memref_slice %arg3[%dma_start3A_1296, %dma_start3A_1297] : memref<1000000x64xf32, #tpu.memory_space<hbm>> -> memref<1000000x64xf32, #tpu.memory_space<hbm>>
    tpu.enqueue_indirect_dma source(%dma_start3A_1298 : memref<1000000x64xf32, #tpu.memory_space<hbm>>) target(%dma_start3A_1292 : memref<128x64xf32, #tpu.memory_space<vmem>>) offsets(%dma_start3A_1295 : memref<128xi32, #tpu.memory_space<vmem>>) semaphore(%arg7 : memref<!tpu.dma_semaphore, #tpu.memory_space<semaphore_mem>>)
    %dma_wait3A_1299 = arith.constant 26 : i32
    %dma_wait3A_1300 = arith.constant 2 : i32
    %dma_wait3A_1301 = arith.constant 0 : i32
    %dma_wait3A_1302 = arith.constant 0 : i32
    %dma_wait3A_1303 = tpu.memref_slice %arg6[%dma_wait3A_1300, %dma_wait3A_1301, %dma_wait3A_1302] : memref<4x128x64xf32, #tpu.memory_space<vmem>> -> memref<1x128x64xf32, #tpu.memory_space<vmem>>
    %dma_wait3A_1304 = tpu.memref_squeeze %dma_wait3A_1303 : memref<1x128x64xf32, #tpu.memory_space<vmem>> -> memref<128x64xf32, #tpu.memory_space<vmem>>
    %dma_wait3A_1305 = arith.constant 0 : i32
    %dma_wait3A_1306 = tpu.memref_slice %arg5[%dma_wait3A_1299, %dma_wait3A_1305] : memref<50x128xi32, #tpu.memory_space<vmem>> -> memref<1x128xi32, #tpu.memory_space<vmem>>
    %dma_wait3A_1307 = tpu.memref_squeeze %dma_wait3A_1306 : memref<1x128xi32, #tpu.memory_space<vmem>> -> memref<128xi32, #tpu.memory_space<vmem>>
    %dma_wait3A_1308 = arith.constant 0 : i32
    %dma_wait3A_1309 = arith.constant 0 : i32
    %dma_wait3A_1310 = tpu.memref_slice %arg3[%dma_wait3A_1308, %dma_wait3A_1309] : memref<1000000x64xf32, #tpu.memory_space<hbm>> -> memref<1000000x64xf32, #tpu.memory_space<hbm>>
    tpu.wait_indirect_dma semaphore(%arg7 : memref<!tpu.dma_semaphore, #tpu.memory_space<semaphore_mem>>) src(%dma_wait3A_1310 : memref<1000000x64xf32, #tpu.memory_space<hbm>>) dst(%dma_wait3A_1304 : memref<128x64xf32, #tpu.memory_space<vmem>>)
    %dma_start3A_1311 = arith.constant 2 : i32
    %dma_start3A_1312 = arith.constant 0 : i32
    %dma_start3A_1313 = arith.constant 0 : i32
    %dma_start3A_1314 = tpu.memref_slice %arg6[%dma_start3A_1311, %dma_start3A_1312, %dma_start3A_1313] : memref<4x128x64xf32, #tpu.memory_space<vmem>> -> memref<1x128x64xf32, #tpu.memory_space<vmem>>
    %dma_start3A_1315 = tpu.memref_squeeze %dma_start3A_1314 : memref<1x128x64xf32, #tpu.memory_space<vmem>> -> memref<128x64xf32, #tpu.memory_space<vmem>>
    %dma_start3A_1316 = arith.constant 1664 : i32
    %dma_start3A_1317 = tpu.memref_slice %arg4[%mul3A_2, %dma_start3A_1316] : memref<4096x3200xf32, #tpu.memory_space<hbm>> -> memref<128x64xf32, #tpu.memory_space<hbm>>
    %dma_start3A_1318 = arith.constant 1664 : i32
    %dma_start3A_1319 = tpu.memref_slice %arg4[%mul3A_2, %dma_start3A_1318] : memref<4096x3200xf32, #tpu.memory_space<hbm>> -> memref<128x64xf32, #tpu.memory_space<hbm>>
    %dma_start3A_1320 = arith.constant 0 : i32
    %dma_start3A_1321 = arith.constant 0 : i32
    %dma_start3A_1322 = tpu.memref_slice %arg6[%dma_start3A_1311, %dma_start3A_1320, %dma_start3A_1321] : memref<4x128x64xf32, #tpu.memory_space<vmem>> -> memref<1x128x64xf32, #tpu.memory_space<vmem>>
    %dma_start3A_1323 = tpu.memref_squeeze %dma_start3A_1322 : memref<1x128x64xf32, #tpu.memory_space<vmem>> -> memref<128x64xf32, #tpu.memory_space<vmem>>
    tpu.enqueue_dma source(%dma_start3A_1323 : memref<128x64xf32, #tpu.memory_space<vmem>>) target(%dma_start3A_1319 : memref<128x64xf32, #tpu.memory_space<hbm>>) target_semaphore(%arg8 : memref<!tpu.dma_semaphore, #tpu.memory_space<semaphore_mem>>)
    %dma_wait3A_1324 = arith.constant 0 : i32
    %dma_wait3A_1325 = arith.constant 0 : i32
    %dma_wait3A_1326 = arith.constant 0 : i32
    %dma_wait3A_1327 = tpu.memref_slice %arg6[%dma_wait3A_1324, %dma_wait3A_1325, %dma_wait3A_1326] : memref<4x128x64xf32, #tpu.memory_space<vmem>> -> memref<1x128x64xf32, #tpu.memory_space<vmem>>
    %dma_wait3A_1328 = tpu.memref_squeeze %dma_wait3A_1327 : memref<1x128x64xf32, #tpu.memory_space<vmem>> -> memref<128x64xf32, #tpu.memory_space<vmem>>
    %dma_wait3A_1329 = arith.constant 1536 : i32
    %dma_wait3A_1330 = tpu.memref_slice %arg4[%mul3A_2, %dma_wait3A_1329] : memref<4096x3200xf32, #tpu.memory_space<hbm>> -> memref<128x64xf32, #tpu.memory_space<hbm>>
    %dma_wait3A_1331 = arith.constant 1536 : i32
    %dma_wait3A_1332 = tpu.memref_slice %arg4[%mul3A_2, %dma_wait3A_1331] : memref<4096x3200xf32, #tpu.memory_space<hbm>> -> memref<128x64xf32, #tpu.memory_space<hbm>>
    %dma_wait3A_1333 = arith.constant 0 : i32
    %dma_wait3A_1334 = arith.constant 0 : i32
    %dma_wait3A_1335 = tpu.memref_slice %arg6[%dma_wait3A_1324, %dma_wait3A_1333, %dma_wait3A_1334] : memref<4x128x64xf32, #tpu.memory_space<vmem>> -> memref<1x128x64xf32, #tpu.memory_space<vmem>>
    %dma_wait3A_1336 = tpu.memref_squeeze %dma_wait3A_1335 : memref<1x128x64xf32, #tpu.memory_space<vmem>> -> memref<128x64xf32, #tpu.memory_space<vmem>>
    tpu.wait_dma2 semaphore(%arg8 : memref<!tpu.dma_semaphore, #tpu.memory_space<semaphore_mem>>) src(%dma_wait3A_1336 : memref<128x64xf32, #tpu.memory_space<vmem>>) dst(%dma_wait3A_1332 : memref<128x64xf32, #tpu.memory_space<hbm>>)
    %dma_start3A_1337 = arith.constant 28 : i32
    %dma_start3A_1338 = arith.constant 0 : i32
    %dma_start3A_1339 = arith.constant 0 : i32
    %dma_start3A_1340 = arith.constant 0 : i32
    %dma_start3A_1341 = tpu.memref_slice %arg6[%dma_start3A_1338, %dma_start3A_1339, %dma_start3A_1340] : memref<4x128x64xf32, #tpu.memory_space<vmem>> -> memref<1x128x64xf32, #tpu.memory_space<vmem>>
    %dma_start3A_1342 = tpu.memref_squeeze %dma_start3A_1341 : memref<1x128x64xf32, #tpu.memory_space<vmem>> -> memref<128x64xf32, #tpu.memory_space<vmem>>
    %dma_start3A_1343 = arith.constant 0 : i32
    %dma_start3A_1344 = tpu.memref_slice %arg5[%dma_start3A_1337, %dma_start3A_1343] : memref<50x128xi32, #tpu.memory_space<vmem>> -> memref<1x128xi32, #tpu.memory_space<vmem>>
    %dma_start3A_1345 = tpu.memref_squeeze %dma_start3A_1344 : memref<1x128xi32, #tpu.memory_space<vmem>> -> memref<128xi32, #tpu.memory_space<vmem>>
    %dma_start3A_1346 = arith.constant 0 : i32
    %dma_start3A_1347 = arith.constant 0 : i32
    %dma_start3A_1348 = tpu.memref_slice %arg3[%dma_start3A_1346, %dma_start3A_1347] : memref<1000000x64xf32, #tpu.memory_space<hbm>> -> memref<1000000x64xf32, #tpu.memory_space<hbm>>
    tpu.enqueue_indirect_dma source(%dma_start3A_1348 : memref<1000000x64xf32, #tpu.memory_space<hbm>>) target(%dma_start3A_1342 : memref<128x64xf32, #tpu.memory_space<vmem>>) offsets(%dma_start3A_1345 : memref<128xi32, #tpu.memory_space<vmem>>) semaphore(%arg7 : memref<!tpu.dma_semaphore, #tpu.memory_space<semaphore_mem>>)
    %dma_wait3A_1349 = arith.constant 27 : i32
    %dma_wait3A_1350 = arith.constant 3 : i32
    %dma_wait3A_1351 = arith.constant 0 : i32
    %dma_wait3A_1352 = arith.constant 0 : i32
    %dma_wait3A_1353 = tpu.memref_slice %arg6[%dma_wait3A_1350, %dma_wait3A_1351, %dma_wait3A_1352] : memref<4x128x64xf32, #tpu.memory_space<vmem>> -> memref<1x128x64xf32, #tpu.memory_space<vmem>>
    %dma_wait3A_1354 = tpu.memref_squeeze %dma_wait3A_1353 : memref<1x128x64xf32, #tpu.memory_space<vmem>> -> memref<128x64xf32, #tpu.memory_space<vmem>>
    %dma_wait3A_1355 = arith.constant 0 : i32
    %dma_wait3A_1356 = tpu.memref_slice %arg5[%dma_wait3A_1349, %dma_wait3A_1355] : memref<50x128xi32, #tpu.memory_space<vmem>> -> memref<1x128xi32, #tpu.memory_space<vmem>>
    %dma_wait3A_1357 = tpu.memref_squeeze %dma_wait3A_1356 : memref<1x128xi32, #tpu.memory_space<vmem>> -> memref<128xi32, #tpu.memory_space<vmem>>
    %dma_wait3A_1358 = arith.constant 0 : i32
    %dma_wait3A_1359 = arith.constant 0 : i32
    %dma_wait3A_1360 = tpu.memref_slice %arg3[%dma_wait3A_1358, %dma_wait3A_1359] : memref<1000000x64xf32, #tpu.memory_space<hbm>> -> memref<1000000x64xf32, #tpu.memory_space<hbm>>
    tpu.wait_indirect_dma semaphore(%arg7 : memref<!tpu.dma_semaphore, #tpu.memory_space<semaphore_mem>>) src(%dma_wait3A_1360 : memref<1000000x64xf32, #tpu.memory_space<hbm>>) dst(%dma_wait3A_1354 : memref<128x64xf32, #tpu.memory_space<vmem>>)
    %dma_start3A_1361 = arith.constant 3 : i32
    %dma_start3A_1362 = arith.constant 0 : i32
    %dma_start3A_1363 = arith.constant 0 : i32
    %dma_start3A_1364 = tpu.memref_slice %arg6[%dma_start3A_1361, %dma_start3A_1362, %dma_start3A_1363] : memref<4x128x64xf32, #tpu.memory_space<vmem>> -> memref<1x128x64xf32, #tpu.memory_space<vmem>>
    %dma_start3A_1365 = tpu.memref_squeeze %dma_start3A_1364 : memref<1x128x64xf32, #tpu.memory_space<vmem>> -> memref<128x64xf32, #tpu.memory_space<vmem>>
    %dma_start3A_1366 = arith.constant 1728 : i32
    %dma_start3A_1367 = tpu.memref_slice %arg4[%mul3A_2, %dma_start3A_1366] : memref<4096x3200xf32, #tpu.memory_space<hbm>> -> memref<128x64xf32, #tpu.memory_space<hbm>>
    %dma_start3A_1368 = arith.constant 1728 : i32
    %dma_start3A_1369 = tpu.memref_slice %arg4[%mul3A_2, %dma_start3A_1368] : memref<4096x3200xf32, #tpu.memory_space<hbm>> -> memref<128x64xf32, #tpu.memory_space<hbm>>
    %dma_start3A_1370 = arith.constant 0 : i32
    %dma_start3A_1371 = arith.constant 0 : i32
    %dma_start3A_1372 = tpu.memref_slice %arg6[%dma_start3A_1361, %dma_start3A_1370, %dma_start3A_1371] : memref<4x128x64xf32, #tpu.memory_space<vmem>> -> memref<1x128x64xf32, #tpu.memory_space<vmem>>
    %dma_start3A_1373 = tpu.memref_squeeze %dma_start3A_1372 : memref<1x128x64xf32, #tpu.memory_space<vmem>> -> memref<128x64xf32, #tpu.memory_space<vmem>>
    tpu.enqueue_dma source(%dma_start3A_1373 : memref<128x64xf32, #tpu.memory_space<vmem>>) target(%dma_start3A_1369 : memref<128x64xf32, #tpu.memory_space<hbm>>) target_semaphore(%arg8 : memref<!tpu.dma_semaphore, #tpu.memory_space<semaphore_mem>>)
    %dma_wait3A_1374 = arith.constant 1 : i32
    %dma_wait3A_1375 = arith.constant 0 : i32
    %dma_wait3A_1376 = arith.constant 0 : i32
    %dma_wait3A_1377 = tpu.memref_slice %arg6[%dma_wait3A_1374, %dma_wait3A_1375, %dma_wait3A_1376] : memref<4x128x64xf32, #tpu.memory_space<vmem>> -> memref<1x128x64xf32, #tpu.memory_space<vmem>>
    %dma_wait3A_1378 = tpu.memref_squeeze %dma_wait3A_1377 : memref<1x128x64xf32, #tpu.memory_space<vmem>> -> memref<128x64xf32, #tpu.memory_space<vmem>>
    %dma_wait3A_1379 = arith.constant 1600 : i32
    %dma_wait3A_1380 = tpu.memref_slice %arg4[%mul3A_2, %dma_wait3A_1379] : memref<4096x3200xf32, #tpu.memory_space<hbm>> -> memref<128x64xf32, #tpu.memory_space<hbm>>
    %dma_wait3A_1381 = arith.constant 1600 : i32
    %dma_wait3A_1382 = tpu.memref_slice %arg4[%mul3A_2, %dma_wait3A_1381] : memref<4096x3200xf32, #tpu.memory_space<hbm>> -> memref<128x64xf32, #tpu.memory_space<hbm>>
    %dma_wait3A_1383 = arith.constant 0 : i32
    %dma_wait3A_1384 = arith.constant 0 : i32
    %dma_wait3A_1385 = tpu.memref_slice %arg6[%dma_wait3A_1374, %dma_wait3A_1383, %dma_wait3A_1384] : memref<4x128x64xf32, #tpu.memory_space<vmem>> -> memref<1x128x64xf32, #tpu.memory_space<vmem>>
    %dma_wait3A_1386 = tpu.memref_squeeze %dma_wait3A_1385 : memref<1x128x64xf32, #tpu.memory_space<vmem>> -> memref<128x64xf32, #tpu.memory_space<vmem>>
    tpu.wait_dma2 semaphore(%arg8 : memref<!tpu.dma_semaphore, #tpu.memory_space<semaphore_mem>>) src(%dma_wait3A_1386 : memref<128x64xf32, #tpu.memory_space<vmem>>) dst(%dma_wait3A_1382 : memref<128x64xf32, #tpu.memory_space<hbm>>)
    %dma_start3A_1387 = arith.constant 29 : i32
    %dma_start3A_1388 = arith.constant 1 : i32
    %dma_start3A_1389 = arith.constant 0 : i32
    %dma_start3A_1390 = arith.constant 0 : i32
    %dma_start3A_1391 = tpu.memref_slice %arg6[%dma_start3A_1388, %dma_start3A_1389, %dma_start3A_1390] : memref<4x128x64xf32, #tpu.memory_space<vmem>> -> memref<1x128x64xf32, #tpu.memory_space<vmem>>
    %dma_start3A_1392 = tpu.memref_squeeze %dma_start3A_1391 : memref<1x128x64xf32, #tpu.memory_space<vmem>> -> memref<128x64xf32, #tpu.memory_space<vmem>>
    %dma_start3A_1393 = arith.constant 0 : i32
    %dma_start3A_1394 = tpu.memref_slice %arg5[%dma_start3A_1387, %dma_start3A_1393] : memref<50x128xi32, #tpu.memory_space<vmem>> -> memref<1x128xi32, #tpu.memory_space<vmem>>
    %dma_start3A_1395 = tpu.memref_squeeze %dma_start3A_1394 : memref<1x128xi32, #tpu.memory_space<vmem>> -> memref<128xi32, #tpu.memory_space<vmem>>
    %dma_start3A_1396 = arith.constant 0 : i32
    %dma_start3A_1397 = arith.constant 0 : i32
    %dma_start3A_1398 = tpu.memref_slice %arg3[%dma_start3A_1396, %dma_start3A_1397] : memref<1000000x64xf32, #tpu.memory_space<hbm>> -> memref<1000000x64xf32, #tpu.memory_space<hbm>>
    tpu.enqueue_indirect_dma source(%dma_start3A_1398 : memref<1000000x64xf32, #tpu.memory_space<hbm>>) target(%dma_start3A_1392 : memref<128x64xf32, #tpu.memory_space<vmem>>) offsets(%dma_start3A_1395 : memref<128xi32, #tpu.memory_space<vmem>>) semaphore(%arg7 : memref<!tpu.dma_semaphore, #tpu.memory_space<semaphore_mem>>)
    %dma_wait3A_1399 = arith.constant 28 : i32
    %dma_wait3A_1400 = arith.constant 0 : i32
    %dma_wait3A_1401 = arith.constant 0 : i32
    %dma_wait3A_1402 = arith.constant 0 : i32
    %dma_wait3A_1403 = tpu.memref_slice %arg6[%dma_wait3A_1400, %dma_wait3A_1401, %dma_wait3A_1402] : memref<4x128x64xf32, #tpu.memory_space<vmem>> -> memref<1x128x64xf32, #tpu.memory_space<vmem>>
    %dma_wait3A_1404 = tpu.memref_squeeze %dma_wait3A_1403 : memref<1x128x64xf32, #tpu.memory_space<vmem>> -> memref<128x64xf32, #tpu.memory_space<vmem>>
    %dma_wait3A_1405 = arith.constant 0 : i32
    %dma_wait3A_1406 = tpu.memref_slice %arg5[%dma_wait3A_1399, %dma_wait3A_1405] : memref<50x128xi32, #tpu.memory_space<vmem>> -> memref<1x128xi32, #tpu.memory_space<vmem>>
    %dma_wait3A_1407 = tpu.memref_squeeze %dma_wait3A_1406 : memref<1x128xi32, #tpu.memory_space<vmem>> -> memref<128xi32, #tpu.memory_space<vmem>>
    %dma_wait3A_1408 = arith.constant 0 : i32
    %dma_wait3A_1409 = arith.constant 0 : i32
    %dma_wait3A_1410 = tpu.memref_slice %arg3[%dma_wait3A_1408, %dma_wait3A_1409] : memref<1000000x64xf32, #tpu.memory_space<hbm>> -> memref<1000000x64xf32, #tpu.memory_space<hbm>>
    tpu.wait_indirect_dma semaphore(%arg7 : memref<!tpu.dma_semaphore, #tpu.memory_space<semaphore_mem>>) src(%dma_wait3A_1410 : memref<1000000x64xf32, #tpu.memory_space<hbm>>) dst(%dma_wait3A_1404 : memref<128x64xf32, #tpu.memory_space<vmem>>)
    %dma_start3A_1411 = arith.constant 0 : i32
    %dma_start3A_1412 = arith.constant 0 : i32
    %dma_start3A_1413 = arith.constant 0 : i32
    %dma_start3A_1414 = tpu.memref_slice %arg6[%dma_start3A_1411, %dma_start3A_1412, %dma_start3A_1413] : memref<4x128x64xf32, #tpu.memory_space<vmem>> -> memref<1x128x64xf32, #tpu.memory_space<vmem>>
    %dma_start3A_1415 = tpu.memref_squeeze %dma_start3A_1414 : memref<1x128x64xf32, #tpu.memory_space<vmem>> -> memref<128x64xf32, #tpu.memory_space<vmem>>
    %dma_start3A_1416 = arith.constant 1792 : i32
    %dma_start3A_1417 = tpu.memref_slice %arg4[%mul3A_2, %dma_start3A_1416] : memref<4096x3200xf32, #tpu.memory_space<hbm>> -> memref<128x64xf32, #tpu.memory_space<hbm>>
    %dma_start3A_1418 = arith.constant 1792 : i32
    %dma_start3A_1419 = tpu.memref_slice %arg4[%mul3A_2, %dma_start3A_1418] : memref<4096x3200xf32, #tpu.memory_space<hbm>> -> memref<128x64xf32, #tpu.memory_space<hbm>>
    %dma_start3A_1420 = arith.constant 0 : i32
    %dma_start3A_1421 = arith.constant 0 : i32
    %dma_start3A_1422 = tpu.memref_slice %arg6[%dma_start3A_1411, %dma_start3A_1420, %dma_start3A_1421] : memref<4x128x64xf32, #tpu.memory_space<vmem>> -> memref<1x128x64xf32, #tpu.memory_space<vmem>>
    %dma_start3A_1423 = tpu.memref_squeeze %dma_start3A_1422 : memref<1x128x64xf32, #tpu.memory_space<vmem>> -> memref<128x64xf32, #tpu.memory_space<vmem>>
    tpu.enqueue_dma source(%dma_start3A_1423 : memref<128x64xf32, #tpu.memory_space<vmem>>) target(%dma_start3A_1419 : memref<128x64xf32, #tpu.memory_space<hbm>>) target_semaphore(%arg8 : memref<!tpu.dma_semaphore, #tpu.memory_space<semaphore_mem>>)
    %dma_wait3A_1424 = arith.constant 2 : i32
    %dma_wait3A_1425 = arith.constant 0 : i32
    %dma_wait3A_1426 = arith.constant 0 : i32
    %dma_wait3A_1427 = tpu.memref_slice %arg6[%dma_wait3A_1424, %dma_wait3A_1425, %dma_wait3A_1426] : memref<4x128x64xf32, #tpu.memory_space<vmem>> -> memref<1x128x64xf32, #tpu.memory_space<vmem>>
    %dma_wait3A_1428 = tpu.memref_squeeze %dma_wait3A_1427 : memref<1x128x64xf32, #tpu.memory_space<vmem>> -> memref<128x64xf32, #tpu.memory_space<vmem>>
    %dma_wait3A_1429 = arith.constant 1664 : i32
    %dma_wait3A_1430 = tpu.memref_slice %arg4[%mul3A_2, %dma_wait3A_1429] : memref<4096x3200xf32, #tpu.memory_space<hbm>> -> memref<128x64xf32, #tpu.memory_space<hbm>>
    %dma_wait3A_1431 = arith.constant 1664 : i32
    %dma_wait3A_1432 = tpu.memref_slice %arg4[%mul3A_2, %dma_wait3A_1431] : memref<4096x3200xf32, #tpu.memory_space<hbm>> -> memref<128x64xf32, #tpu.memory_space<hbm>>
    %dma_wait3A_1433 = arith.constant 0 : i32
    %dma_wait3A_1434 = arith.constant 0 : i32
    %dma_wait3A_1435 = tpu.memref_slice %arg6[%dma_wait3A_1424, %dma_wait3A_1433, %dma_wait3A_1434] : memref<4x128x64xf32, #tpu.memory_space<vmem>> -> memref<1x128x64xf32, #tpu.memory_space<vmem>>
    %dma_wait3A_1436 = tpu.memref_squeeze %dma_wait3A_1435 : memref<1x128x64xf32, #tpu.memory_space<vmem>> -> memref<128x64xf32, #tpu.memory_space<vmem>>
    tpu.wait_dma2 semaphore(%arg8 : memref<!tpu.dma_semaphore, #tpu.memory_space<semaphore_mem>>) src(%dma_wait3A_1436 : memref<128x64xf32, #tpu.memory_space<vmem>>) dst(%dma_wait3A_1432 : memref<128x64xf32, #tpu.memory_space<hbm>>)
    %dma_start3A_1437 = arith.constant 30 : i32
    %dma_start3A_1438 = arith.constant 2 : i32
    %dma_start3A_1439 = arith.constant 0 : i32
    %dma_start3A_1440 = arith.constant 0 : i32
    %dma_start3A_1441 = tpu.memref_slice %arg6[%dma_start3A_1438, %dma_start3A_1439, %dma_start3A_1440] : memref<4x128x64xf32, #tpu.memory_space<vmem>> -> memref<1x128x64xf32, #tpu.memory_space<vmem>>
    %dma_start3A_1442 = tpu.memref_squeeze %dma_start3A_1441 : memref<1x128x64xf32, #tpu.memory_space<vmem>> -> memref<128x64xf32, #tpu.memory_space<vmem>>
    %dma_start3A_1443 = arith.constant 0 : i32
    %dma_start3A_1444 = tpu.memref_slice %arg5[%dma_start3A_1437, %dma_start3A_1443] : memref<50x128xi32, #tpu.memory_space<vmem>> -> memref<1x128xi32, #tpu.memory_space<vmem>>
    %dma_start3A_1445 = tpu.memref_squeeze %dma_start3A_1444 : memref<1x128xi32, #tpu.memory_space<vmem>> -> memref<128xi32, #tpu.memory_space<vmem>>
    %dma_start3A_1446 = arith.constant 0 : i32
    %dma_start3A_1447 = arith.constant 0 : i32
    %dma_start3A_1448 = tpu.memref_slice %arg3[%dma_start3A_1446, %dma_start3A_1447] : memref<1000000x64xf32, #tpu.memory_space<hbm>> -> memref<1000000x64xf32, #tpu.memory_space<hbm>>
    tpu.enqueue_indirect_dma source(%dma_start3A_1448 : memref<1000000x64xf32, #tpu.memory_space<hbm>>) target(%dma_start3A_1442 : memref<128x64xf32, #tpu.memory_space<vmem>>) offsets(%dma_start3A_1445 : memref<128xi32, #tpu.memory_space<vmem>>) semaphore(%arg7 : memref<!tpu.dma_semaphore, #tpu.memory_space<semaphore_mem>>)
    %dma_wait3A_1449 = arith.constant 29 : i32
    %dma_wait3A_1450 = arith.constant 1 : i32
    %dma_wait3A_1451 = arith.constant 0 : i32
    %dma_wait3A_1452 = arith.constant 0 : i32
    %dma_wait3A_1453 = tpu.memref_slice %arg6[%dma_wait3A_1450, %dma_wait3A_1451, %dma_wait3A_1452] : memref<4x128x64xf32, #tpu.memory_space<vmem>> -> memref<1x128x64xf32, #tpu.memory_space<vmem>>
    %dma_wait3A_1454 = tpu.memref_squeeze %dma_wait3A_1453 : memref<1x128x64xf32, #tpu.memory_space<vmem>> -> memref<128x64xf32, #tpu.memory_space<vmem>>
    %dma_wait3A_1455 = arith.constant 0 : i32
    %dma_wait3A_1456 = tpu.memref_slice %arg5[%dma_wait3A_1449, %dma_wait3A_1455] : memref<50x128xi32, #tpu.memory_space<vmem>> -> memref<1x128xi32, #tpu.memory_space<vmem>>
    %dma_wait3A_1457 = tpu.memref_squeeze %dma_wait3A_1456 : memref<1x128xi32, #tpu.memory_space<vmem>> -> memref<128xi32, #tpu.memory_space<vmem>>
    %dma_wait3A_1458 = arith.constant 0 : i32
    %dma_wait3A_1459 = arith.constant 0 : i32
    %dma_wait3A_1460 = tpu.memref_slice %arg3[%dma_wait3A_1458, %dma_wait3A_1459] : memref<1000000x64xf32, #tpu.memory_space<hbm>> -> memref<1000000x64xf32, #tpu.memory_space<hbm>>
    tpu.wait_indirect_dma semaphore(%arg7 : memref<!tpu.dma_semaphore, #tpu.memory_space<semaphore_mem>>) src(%dma_wait3A_1460 : memref<1000000x64xf32, #tpu.memory_space<hbm>>) dst(%dma_wait3A_1454 : memref<128x64xf32, #tpu.memory_space<vmem>>)
    %dma_start3A_1461 = arith.constant 1 : i32
    %dma_start3A_1462 = arith.constant 0 : i32
    %dma_start3A_1463 = arith.constant 0 : i32
    %dma_start3A_1464 = tpu.memref_slice %arg6[%dma_start3A_1461, %dma_start3A_1462, %dma_start3A_1463] : memref<4x128x64xf32, #tpu.memory_space<vmem>> -> memref<1x128x64xf32, #tpu.memory_space<vmem>>
    %dma_start3A_1465 = tpu.memref_squeeze %dma_start3A_1464 : memref<1x128x64xf32, #tpu.memory_space<vmem>> -> memref<128x64xf32, #tpu.memory_space<vmem>>
    %dma_start3A_1466 = arith.constant 1856 : i32
    %dma_start3A_1467 = tpu.memref_slice %arg4[%mul3A_2, %dma_start3A_1466] : memref<4096x3200xf32, #tpu.memory_space<hbm>> -> memref<128x64xf32, #tpu.memory_space<hbm>>
    %dma_start3A_1468 = arith.constant 1856 : i32
    %dma_start3A_1469 = tpu.memref_slice %arg4[%mul3A_2, %dma_start3A_1468] : memref<4096x3200xf32, #tpu.memory_space<hbm>> -> memref<128x64xf32, #tpu.memory_space<hbm>>
    %dma_start3A_1470 = arith.constant 0 : i32
    %dma_start3A_1471 = arith.constant 0 : i32
    %dma_start3A_1472 = tpu.memref_slice %arg6[%dma_start3A_1461, %dma_start3A_1470, %dma_start3A_1471] : memref<4x128x64xf32, #tpu.memory_space<vmem>> -> memref<1x128x64xf32, #tpu.memory_space<vmem>>
    %dma_start3A_1473 = tpu.memref_squeeze %dma_start3A_1472 : memref<1x128x64xf32, #tpu.memory_space<vmem>> -> memref<128x64xf32, #tpu.memory_space<vmem>>
    tpu.enqueue_dma source(%dma_start3A_1473 : memref<128x64xf32, #tpu.memory_space<vmem>>) target(%dma_start3A_1469 : memref<128x64xf32, #tpu.memory_space<hbm>>) target_semaphore(%arg8 : memref<!tpu.dma_semaphore, #tpu.memory_space<semaphore_mem>>)
    %dma_wait3A_1474 = arith.constant 3 : i32
    %dma_wait3A_1475 = arith.constant 0 : i32
    %dma_wait3A_1476 = arith.constant 0 : i32
    %dma_wait3A_1477 = tpu.memref_slice %arg6[%dma_wait3A_1474, %dma_wait3A_1475, %dma_wait3A_1476] : memref<4x128x64xf32, #tpu.memory_space<vmem>> -> memref<1x128x64xf32, #tpu.memory_space<vmem>>
    %dma_wait3A_1478 = tpu.memref_squeeze %dma_wait3A_1477 : memref<1x128x64xf32, #tpu.memory_space<vmem>> -> memref<128x64xf32, #tpu.memory_space<vmem>>
    %dma_wait3A_1479 = arith.constant 1728 : i32
    %dma_wait3A_1480 = tpu.memref_slice %arg4[%mul3A_2, %dma_wait3A_1479] : memref<4096x3200xf32, #tpu.memory_space<hbm>> -> memref<128x64xf32, #tpu.memory_space<hbm>>
    %dma_wait3A_1481 = arith.constant 1728 : i32
    %dma_wait3A_1482 = tpu.memref_slice %arg4[%mul3A_2, %dma_wait3A_1481] : memref<4096x3200xf32, #tpu.memory_space<hbm>> -> memref<128x64xf32, #tpu.memory_space<hbm>>
    %dma_wait3A_1483 = arith.constant 0 : i32
    %dma_wait3A_1484 = arith.constant 0 : i32
    %dma_wait3A_1485 = tpu.memref_slice %arg6[%dma_wait3A_1474, %dma_wait3A_1483, %dma_wait3A_1484] : memref<4x128x64xf32, #tpu.memory_space<vmem>> -> memref<1x128x64xf32, #tpu.memory_space<vmem>>
    %dma_wait3A_1486 = tpu.memref_squeeze %dma_wait3A_1485 : memref<1x128x64xf32, #tpu.memory_space<vmem>> -> memref<128x64xf32, #tpu.memory_space<vmem>>
    tpu.wait_dma2 semaphore(%arg8 : memref<!tpu.dma_semaphore, #tpu.memory_space<semaphore_mem>>) src(%dma_wait3A_1486 : memref<128x64xf32, #tpu.memory_space<vmem>>) dst(%dma_wait3A_1482 : memref<128x64xf32, #tpu.memory_space<hbm>>)
    %dma_start3A_1487 = arith.constant 31 : i32
    %dma_start3A_1488 = arith.constant 3 : i32
    %dma_start3A_1489 = arith.constant 0 : i32
    %dma_start3A_1490 = arith.constant 0 : i32
    %dma_start3A_1491 = tpu.memref_slice %arg6[%dma_start3A_1488, %dma_start3A_1489, %dma_start3A_1490] : memref<4x128x64xf32, #tpu.memory_space<vmem>> -> memref<1x128x64xf32, #tpu.memory_space<vmem>>
    %dma_start3A_1492 = tpu.memref_squeeze %dma_start3A_1491 : memref<1x128x64xf32, #tpu.memory_space<vmem>> -> memref<128x64xf32, #tpu.memory_space<vmem>>
    %dma_start3A_1493 = arith.constant 0 : i32
    %dma_start3A_1494 = tpu.memref_slice %arg5[%dma_start3A_1487, %dma_start3A_1493] : memref<50x128xi32, #tpu.memory_space<vmem>> -> memref<1x128xi32, #tpu.memory_space<vmem>>
    %dma_start3A_1495 = tpu.memref_squeeze %dma_start3A_1494 : memref<1x128xi32, #tpu.memory_space<vmem>> -> memref<128xi32, #tpu.memory_space<vmem>>
    %dma_start3A_1496 = arith.constant 0 : i32
    %dma_start3A_1497 = arith.constant 0 : i32
    %dma_start3A_1498 = tpu.memref_slice %arg3[%dma_start3A_1496, %dma_start3A_1497] : memref<1000000x64xf32, #tpu.memory_space<hbm>> -> memref<1000000x64xf32, #tpu.memory_space<hbm>>
    tpu.enqueue_indirect_dma source(%dma_start3A_1498 : memref<1000000x64xf32, #tpu.memory_space<hbm>>) target(%dma_start3A_1492 : memref<128x64xf32, #tpu.memory_space<vmem>>) offsets(%dma_start3A_1495 : memref<128xi32, #tpu.memory_space<vmem>>) semaphore(%arg7 : memref<!tpu.dma_semaphore, #tpu.memory_space<semaphore_mem>>)
    %dma_wait3A_1499 = arith.constant 30 : i32
    %dma_wait3A_1500 = arith.constant 2 : i32
    %dma_wait3A_1501 = arith.constant 0 : i32
    %dma_wait3A_1502 = arith.constant 0 : i32
    %dma_wait3A_1503 = tpu.memref_slice %arg6[%dma_wait3A_1500, %dma_wait3A_1501, %dma_wait3A_1502] : memref<4x128x64xf32, #tpu.memory_space<vmem>> -> memref<1x128x64xf32, #tpu.memory_space<vmem>>
    %dma_wait3A_1504 = tpu.memref_squeeze %dma_wait3A_1503 : memref<1x128x64xf32, #tpu.memory_space<vmem>> -> memref<128x64xf32, #tpu.memory_space<vmem>>
    %dma_wait3A_1505 = arith.constant 0 : i32
    %dma_wait3A_1506 = tpu.memref_slice %arg5[%dma_wait3A_1499, %dma_wait3A_1505] : memref<50x128xi32, #tpu.memory_space<vmem>> -> memref<1x128xi32, #tpu.memory_space<vmem>>
    %dma_wait3A_1507 = tpu.memref_squeeze %dma_wait3A_1506 : memref<1x128xi32, #tpu.memory_space<vmem>> -> memref<128xi32, #tpu.memory_space<vmem>>
    %dma_wait3A_1508 = arith.constant 0 : i32
    %dma_wait3A_1509 = arith.constant 0 : i32
    %dma_wait3A_1510 = tpu.memref_slice %arg3[%dma_wait3A_1508, %dma_wait3A_1509] : memref<1000000x64xf32, #tpu.memory_space<hbm>> -> memref<1000000x64xf32, #tpu.memory_space<hbm>>
    tpu.wait_indirect_dma semaphore(%arg7 : memref<!tpu.dma_semaphore, #tpu.memory_space<semaphore_mem>>) src(%dma_wait3A_1510 : memref<1000000x64xf32, #tpu.memory_space<hbm>>) dst(%dma_wait3A_1504 : memref<128x64xf32, #tpu.memory_space<vmem>>)
    %dma_start3A_1511 = arith.constant 2 : i32
    %dma_start3A_1512 = arith.constant 0 : i32
    %dma_start3A_1513 = arith.constant 0 : i32
    %dma_start3A_1514 = tpu.memref_slice %arg6[%dma_start3A_1511, %dma_start3A_1512, %dma_start3A_1513] : memref<4x128x64xf32, #tpu.memory_space<vmem>> -> memref<1x128x64xf32, #tpu.memory_space<vmem>>
    %dma_start3A_1515 = tpu.memref_squeeze %dma_start3A_1514 : memref<1x128x64xf32, #tpu.memory_space<vmem>> -> memref<128x64xf32, #tpu.memory_space<vmem>>
    %dma_start3A_1516 = arith.constant 1920 : i32
    %dma_start3A_1517 = tpu.memref_slice %arg4[%mul3A_2, %dma_start3A_1516] : memref<4096x3200xf32, #tpu.memory_space<hbm>> -> memref<128x64xf32, #tpu.memory_space<hbm>>
    %dma_start3A_1518 = arith.constant 1920 : i32
    %dma_start3A_1519 = tpu.memref_slice %arg4[%mul3A_2, %dma_start3A_1518] : memref<4096x3200xf32, #tpu.memory_space<hbm>> -> memref<128x64xf32, #tpu.memory_space<hbm>>
    %dma_start3A_1520 = arith.constant 0 : i32
    %dma_start3A_1521 = arith.constant 0 : i32
    %dma_start3A_1522 = tpu.memref_slice %arg6[%dma_start3A_1511, %dma_start3A_1520, %dma_start3A_1521] : memref<4x128x64xf32, #tpu.memory_space<vmem>> -> memref<1x128x64xf32, #tpu.memory_space<vmem>>
    %dma_start3A_1523 = tpu.memref_squeeze %dma_start3A_1522 : memref<1x128x64xf32, #tpu.memory_space<vmem>> -> memref<128x64xf32, #tpu.memory_space<vmem>>
    tpu.enqueue_dma source(%dma_start3A_1523 : memref<128x64xf32, #tpu.memory_space<vmem>>) target(%dma_start3A_1519 : memref<128x64xf32, #tpu.memory_space<hbm>>) target_semaphore(%arg8 : memref<!tpu.dma_semaphore, #tpu.memory_space<semaphore_mem>>)
    %dma_wait3A_1524 = arith.constant 0 : i32
    %dma_wait3A_1525 = arith.constant 0 : i32
    %dma_wait3A_1526 = arith.constant 0 : i32
    %dma_wait3A_1527 = tpu.memref_slice %arg6[%dma_wait3A_1524, %dma_wait3A_1525, %dma_wait3A_1526] : memref<4x128x64xf32, #tpu.memory_space<vmem>> -> memref<1x128x64xf32, #tpu.memory_space<vmem>>
    %dma_wait3A_1528 = tpu.memref_squeeze %dma_wait3A_1527 : memref<1x128x64xf32, #tpu.memory_space<vmem>> -> memref<128x64xf32, #tpu.memory_space<vmem>>
    %dma_wait3A_1529 = arith.constant 1792 : i32
    %dma_wait3A_1530 = tpu.memref_slice %arg4[%mul3A_2, %dma_wait3A_1529] : memref<4096x3200xf32, #tpu.memory_space<hbm>> -> memref<128x64xf32, #tpu.memory_space<hbm>>
    %dma_wait3A_1531 = arith.constant 1792 : i32
    %dma_wait3A_1532 = tpu.memref_slice %arg4[%mul3A_2, %dma_wait3A_1531] : memref<4096x3200xf32, #tpu.memory_space<hbm>> -> memref<128x64xf32, #tpu.memory_space<hbm>>
    %dma_wait3A_1533 = arith.constant 0 : i32
    %dma_wait3A_1534 = arith.constant 0 : i32
    %dma_wait3A_1535 = tpu.memref_slice %arg6[%dma_wait3A_1524, %dma_wait3A_1533, %dma_wait3A_1534] : memref<4x128x64xf32, #tpu.memory_space<vmem>> -> memref<1x128x64xf32, #tpu.memory_space<vmem>>
    %dma_wait3A_1536 = tpu.memref_squeeze %dma_wait3A_1535 : memref<1x128x64xf32, #tpu.memory_space<vmem>> -> memref<128x64xf32, #tpu.memory_space<vmem>>
    tpu.wait_dma2 semaphore(%arg8 : memref<!tpu.dma_semaphore, #tpu.memory_space<semaphore_mem>>) src(%dma_wait3A_1536 : memref<128x64xf32, #tpu.memory_space<vmem>>) dst(%dma_wait3A_1532 : memref<128x64xf32, #tpu.memory_space<hbm>>)
    %dma_start3A_1537 = arith.constant 32 : i32
    %dma_start3A_1538 = arith.constant 0 : i32
    %dma_start3A_1539 = arith.constant 0 : i32
    %dma_start3A_1540 = arith.constant 0 : i32
    %dma_start3A_1541 = tpu.memref_slice %arg6[%dma_start3A_1538, %dma_start3A_1539, %dma_start3A_1540] : memref<4x128x64xf32, #tpu.memory_space<vmem>> -> memref<1x128x64xf32, #tpu.memory_space<vmem>>
    %dma_start3A_1542 = tpu.memref_squeeze %dma_start3A_1541 : memref<1x128x64xf32, #tpu.memory_space<vmem>> -> memref<128x64xf32, #tpu.memory_space<vmem>>
    %dma_start3A_1543 = arith.constant 0 : i32
    %dma_start3A_1544 = tpu.memref_slice %arg5[%dma_start3A_1537, %dma_start3A_1543] : memref<50x128xi32, #tpu.memory_space<vmem>> -> memref<1x128xi32, #tpu.memory_space<vmem>>
    %dma_start3A_1545 = tpu.memref_squeeze %dma_start3A_1544 : memref<1x128xi32, #tpu.memory_space<vmem>> -> memref<128xi32, #tpu.memory_space<vmem>>
    %dma_start3A_1546 = arith.constant 0 : i32
    %dma_start3A_1547 = arith.constant 0 : i32
    %dma_start3A_1548 = tpu.memref_slice %arg3[%dma_start3A_1546, %dma_start3A_1547] : memref<1000000x64xf32, #tpu.memory_space<hbm>> -> memref<1000000x64xf32, #tpu.memory_space<hbm>>
    tpu.enqueue_indirect_dma source(%dma_start3A_1548 : memref<1000000x64xf32, #tpu.memory_space<hbm>>) target(%dma_start3A_1542 : memref<128x64xf32, #tpu.memory_space<vmem>>) offsets(%dma_start3A_1545 : memref<128xi32, #tpu.memory_space<vmem>>) semaphore(%arg7 : memref<!tpu.dma_semaphore, #tpu.memory_space<semaphore_mem>>)
    %dma_wait3A_1549 = arith.constant 31 : i32
    %dma_wait3A_1550 = arith.constant 3 : i32
    %dma_wait3A_1551 = arith.constant 0 : i32
    %dma_wait3A_1552 = arith.constant 0 : i32
    %dma_wait3A_1553 = tpu.memref_slice %arg6[%dma_wait3A_1550, %dma_wait3A_1551, %dma_wait3A_1552] : memref<4x128x64xf32, #tpu.memory_space<vmem>> -> memref<1x128x64xf32, #tpu.memory_space<vmem>>
    %dma_wait3A_1554 = tpu.memref_squeeze %dma_wait3A_1553 : memref<1x128x64xf32, #tpu.memory_space<vmem>> -> memref<128x64xf32, #tpu.memory_space<vmem>>
    %dma_wait3A_1555 = arith.constant 0 : i32
    %dma_wait3A_1556 = tpu.memref_slice %arg5[%dma_wait3A_1549, %dma_wait3A_1555] : memref<50x128xi32, #tpu.memory_space<vmem>> -> memref<1x128xi32, #tpu.memory_space<vmem>>
    %dma_wait3A_1557 = tpu.memref_squeeze %dma_wait3A_1556 : memref<1x128xi32, #tpu.memory_space<vmem>> -> memref<128xi32, #tpu.memory_space<vmem>>
    %dma_wait3A_1558 = arith.constant 0 : i32
    %dma_wait3A_1559 = arith.constant 0 : i32
    %dma_wait3A_1560 = tpu.memref_slice %arg3[%dma_wait3A_1558, %dma_wait3A_1559] : memref<1000000x64xf32, #tpu.memory_space<hbm>> -> memref<1000000x64xf32, #tpu.memory_space<hbm>>
    tpu.wait_indirect_dma semaphore(%arg7 : memref<!tpu.dma_semaphore, #tpu.memory_space<semaphore_mem>>) src(%dma_wait3A_1560 : memref<1000000x64xf32, #tpu.memory_space<hbm>>) dst(%dma_wait3A_1554 : memref<128x64xf32, #tpu.memory_space<vmem>>)
    %dma_start3A_1561 = arith.constant 3 : i32
    %dma_start3A_1562 = arith.constant 0 : i32
    %dma_start3A_1563 = arith.constant 0 : i32
    %dma_start3A_1564 = tpu.memref_slice %arg6[%dma_start3A_1561, %dma_start3A_1562, %dma_start3A_1563] : memref<4x128x64xf32, #tpu.memory_space<vmem>> -> memref<1x128x64xf32, #tpu.memory_space<vmem>>
    %dma_start3A_1565 = tpu.memref_squeeze %dma_start3A_1564 : memref<1x128x64xf32, #tpu.memory_space<vmem>> -> memref<128x64xf32, #tpu.memory_space<vmem>>
    %dma_start3A_1566 = arith.constant 1984 : i32
    %dma_start3A_1567 = tpu.memref_slice %arg4[%mul3A_2, %dma_start3A_1566] : memref<4096x3200xf32, #tpu.memory_space<hbm>> -> memref<128x64xf32, #tpu.memory_space<hbm>>
    %dma_start3A_1568 = arith.constant 1984 : i32
    %dma_start3A_1569 = tpu.memref_slice %arg4[%mul3A_2, %dma_start3A_1568] : memref<4096x3200xf32, #tpu.memory_space<hbm>> -> memref<128x64xf32, #tpu.memory_space<hbm>>
    %dma_start3A_1570 = arith.constant 0 : i32
    %dma_start3A_1571 = arith.constant 0 : i32
    %dma_start3A_1572 = tpu.memref_slice %arg6[%dma_start3A_1561, %dma_start3A_1570, %dma_start3A_1571] : memref<4x128x64xf32, #tpu.memory_space<vmem>> -> memref<1x128x64xf32, #tpu.memory_space<vmem>>
    %dma_start3A_1573 = tpu.memref_squeeze %dma_start3A_1572 : memref<1x128x64xf32, #tpu.memory_space<vmem>> -> memref<128x64xf32, #tpu.memory_space<vmem>>
    tpu.enqueue_dma source(%dma_start3A_1573 : memref<128x64xf32, #tpu.memory_space<vmem>>) target(%dma_start3A_1569 : memref<128x64xf32, #tpu.memory_space<hbm>>) target_semaphore(%arg8 : memref<!tpu.dma_semaphore, #tpu.memory_space<semaphore_mem>>)
    %dma_wait3A_1574 = arith.constant 1 : i32
    %dma_wait3A_1575 = arith.constant 0 : i32
    %dma_wait3A_1576 = arith.constant 0 : i32
    %dma_wait3A_1577 = tpu.memref_slice %arg6[%dma_wait3A_1574, %dma_wait3A_1575, %dma_wait3A_1576] : memref<4x128x64xf32, #tpu.memory_space<vmem>> -> memref<1x128x64xf32, #tpu.memory_space<vmem>>
    %dma_wait3A_1578 = tpu.memref_squeeze %dma_wait3A_1577 : memref<1x128x64xf32, #tpu.memory_space<vmem>> -> memref<128x64xf32, #tpu.memory_space<vmem>>
    %dma_wait3A_1579 = arith.constant 1856 : i32
    %dma_wait3A_1580 = tpu.memref_slice %arg4[%mul3A_2, %dma_wait3A_1579] : memref<4096x3200xf32, #tpu.memory_space<hbm>> -> memref<128x64xf32, #tpu.memory_space<hbm>>
    %dma_wait3A_1581 = arith.constant 1856 : i32
    %dma_wait3A_1582 = tpu.memref_slice %arg4[%mul3A_2, %dma_wait3A_1581] : memref<4096x3200xf32, #tpu.memory_space<hbm>> -> memref<128x64xf32, #tpu.memory_space<hbm>>
    %dma_wait3A_1583 = arith.constant 0 : i32
    %dma_wait3A_1584 = arith.constant 0 : i32
    %dma_wait3A_1585 = tpu.memref_slice %arg6[%dma_wait3A_1574, %dma_wait3A_1583, %dma_wait3A_1584] : memref<4x128x64xf32, #tpu.memory_space<vmem>> -> memref<1x128x64xf32, #tpu.memory_space<vmem>>
    %dma_wait3A_1586 = tpu.memref_squeeze %dma_wait3A_1585 : memref<1x128x64xf32, #tpu.memory_space<vmem>> -> memref<128x64xf32, #tpu.memory_space<vmem>>
    tpu.wait_dma2 semaphore(%arg8 : memref<!tpu.dma_semaphore, #tpu.memory_space<semaphore_mem>>) src(%dma_wait3A_1586 : memref<128x64xf32, #tpu.memory_space<vmem>>) dst(%dma_wait3A_1582 : memref<128x64xf32, #tpu.memory_space<hbm>>)
    %dma_start3A_1587 = arith.constant 33 : i32
    %dma_start3A_1588 = arith.constant 1 : i32
    %dma_start3A_1589 = arith.constant 0 : i32
    %dma_start3A_1590 = arith.constant 0 : i32
    %dma_start3A_1591 = tpu.memref_slice %arg6[%dma_start3A_1588, %dma_start3A_1589, %dma_start3A_1590] : memref<4x128x64xf32, #tpu.memory_space<vmem>> -> memref<1x128x64xf32, #tpu.memory_space<vmem>>
    %dma_start3A_1592 = tpu.memref_squeeze %dma_start3A_1591 : memref<1x128x64xf32, #tpu.memory_space<vmem>> -> memref<128x64xf32, #tpu.memory_space<vmem>>
    %dma_start3A_1593 = arith.constant 0 : i32
    %dma_start3A_1594 = tpu.memref_slice %arg5[%dma_start3A_1587, %dma_start3A_1593] : memref<50x128xi32, #tpu.memory_space<vmem>> -> memref<1x128xi32, #tpu.memory_space<vmem>>
    %dma_start3A_1595 = tpu.memref_squeeze %dma_start3A_1594 : memref<1x128xi32, #tpu.memory_space<vmem>> -> memref<128xi32, #tpu.memory_space<vmem>>
    %dma_start3A_1596 = arith.constant 0 : i32
    %dma_start3A_1597 = arith.constant 0 : i32
    %dma_start3A_1598 = tpu.memref_slice %arg3[%dma_start3A_1596, %dma_start3A_1597] : memref<1000000x64xf32, #tpu.memory_space<hbm>> -> memref<1000000x64xf32, #tpu.memory_space<hbm>>
    tpu.enqueue_indirect_dma source(%dma_start3A_1598 : memref<1000000x64xf32, #tpu.memory_space<hbm>>) target(%dma_start3A_1592 : memref<128x64xf32, #tpu.memory_space<vmem>>) offsets(%dma_start3A_1595 : memref<128xi32, #tpu.memory_space<vmem>>) semaphore(%arg7 : memref<!tpu.dma_semaphore, #tpu.memory_space<semaphore_mem>>)
    %dma_wait3A_1599 = arith.constant 32 : i32
    %dma_wait3A_1600 = arith.constant 0 : i32
    %dma_wait3A_1601 = arith.constant 0 : i32
    %dma_wait3A_1602 = arith.constant 0 : i32
    %dma_wait3A_1603 = tpu.memref_slice %arg6[%dma_wait3A_1600, %dma_wait3A_1601, %dma_wait3A_1602] : memref<4x128x64xf32, #tpu.memory_space<vmem>> -> memref<1x128x64xf32, #tpu.memory_space<vmem>>
    %dma_wait3A_1604 = tpu.memref_squeeze %dma_wait3A_1603 : memref<1x128x64xf32, #tpu.memory_space<vmem>> -> memref<128x64xf32, #tpu.memory_space<vmem>>
    %dma_wait3A_1605 = arith.constant 0 : i32
    %dma_wait3A_1606 = tpu.memref_slice %arg5[%dma_wait3A_1599, %dma_wait3A_1605] : memref<50x128xi32, #tpu.memory_space<vmem>> -> memref<1x128xi32, #tpu.memory_space<vmem>>
    %dma_wait3A_1607 = tpu.memref_squeeze %dma_wait3A_1606 : memref<1x128xi32, #tpu.memory_space<vmem>> -> memref<128xi32, #tpu.memory_space<vmem>>
    %dma_wait3A_1608 = arith.constant 0 : i32
    %dma_wait3A_1609 = arith.constant 0 : i32
    %dma_wait3A_1610 = tpu.memref_slice %arg3[%dma_wait3A_1608, %dma_wait3A_1609] : memref<1000000x64xf32, #tpu.memory_space<hbm>> -> memref<1000000x64xf32, #tpu.memory_space<hbm>>
    tpu.wait_indirect_dma semaphore(%arg7 : memref<!tpu.dma_semaphore, #tpu.memory_space<semaphore_mem>>) src(%dma_wait3A_1610 : memref<1000000x64xf32, #tpu.memory_space<hbm>>) dst(%dma_wait3A_1604 : memref<128x64xf32, #tpu.memory_space<vmem>>)
    %dma_start3A_1611 = arith.constant 0 : i32
    %dma_start3A_1612 = arith.constant 0 : i32
    %dma_start3A_1613 = arith.constant 0 : i32
    %dma_start3A_1614 = tpu.memref_slice %arg6[%dma_start3A_1611, %dma_start3A_1612, %dma_start3A_1613] : memref<4x128x64xf32, #tpu.memory_space<vmem>> -> memref<1x128x64xf32, #tpu.memory_space<vmem>>
    %dma_start3A_1615 = tpu.memref_squeeze %dma_start3A_1614 : memref<1x128x64xf32, #tpu.memory_space<vmem>> -> memref<128x64xf32, #tpu.memory_space<vmem>>
    %dma_start3A_1616 = arith.constant 2048 : i32
    %dma_start3A_1617 = tpu.memref_slice %arg4[%mul3A_2, %dma_start3A_1616] : memref<4096x3200xf32, #tpu.memory_space<hbm>> -> memref<128x64xf32, #tpu.memory_space<hbm>>
    %dma_start3A_1618 = arith.constant 2048 : i32
    %dma_start3A_1619 = tpu.memref_slice %arg4[%mul3A_2, %dma_start3A_1618] : memref<4096x3200xf32, #tpu.memory_space<hbm>> -> memref<128x64xf32, #tpu.memory_space<hbm>>
    %dma_start3A_1620 = arith.constant 0 : i32
    %dma_start3A_1621 = arith.constant 0 : i32
    %dma_start3A_1622 = tpu.memref_slice %arg6[%dma_start3A_1611, %dma_start3A_1620, %dma_start3A_1621] : memref<4x128x64xf32, #tpu.memory_space<vmem>> -> memref<1x128x64xf32, #tpu.memory_space<vmem>>
    %dma_start3A_1623 = tpu.memref_squeeze %dma_start3A_1622 : memref<1x128x64xf32, #tpu.memory_space<vmem>> -> memref<128x64xf32, #tpu.memory_space<vmem>>
    tpu.enqueue_dma source(%dma_start3A_1623 : memref<128x64xf32, #tpu.memory_space<vmem>>) target(%dma_start3A_1619 : memref<128x64xf32, #tpu.memory_space<hbm>>) target_semaphore(%arg8 : memref<!tpu.dma_semaphore, #tpu.memory_space<semaphore_mem>>)
    %dma_wait3A_1624 = arith.constant 2 : i32
    %dma_wait3A_1625 = arith.constant 0 : i32
    %dma_wait3A_1626 = arith.constant 0 : i32
    %dma_wait3A_1627 = tpu.memref_slice %arg6[%dma_wait3A_1624, %dma_wait3A_1625, %dma_wait3A_1626] : memref<4x128x64xf32, #tpu.memory_space<vmem>> -> memref<1x128x64xf32, #tpu.memory_space<vmem>>
    %dma_wait3A_1628 = tpu.memref_squeeze %dma_wait3A_1627 : memref<1x128x64xf32, #tpu.memory_space<vmem>> -> memref<128x64xf32, #tpu.memory_space<vmem>>
    %dma_wait3A_1629 = arith.constant 1920 : i32
    %dma_wait3A_1630 = tpu.memref_slice %arg4[%mul3A_2, %dma_wait3A_1629] : memref<4096x3200xf32, #tpu.memory_space<hbm>> -> memref<128x64xf32, #tpu.memory_space<hbm>>
    %dma_wait3A_1631 = arith.constant 1920 : i32
    %dma_wait3A_1632 = tpu.memref_slice %arg4[%mul3A_2, %dma_wait3A_1631] : memref<4096x3200xf32, #tpu.memory_space<hbm>> -> memref<128x64xf32, #tpu.memory_space<hbm>>
    %dma_wait3A_1633 = arith.constant 0 : i32
    %dma_wait3A_1634 = arith.constant 0 : i32
    %dma_wait3A_1635 = tpu.memref_slice %arg6[%dma_wait3A_1624, %dma_wait3A_1633, %dma_wait3A_1634] : memref<4x128x64xf32, #tpu.memory_space<vmem>> -> memref<1x128x64xf32, #tpu.memory_space<vmem>>
    %dma_wait3A_1636 = tpu.memref_squeeze %dma_wait3A_1635 : memref<1x128x64xf32, #tpu.memory_space<vmem>> -> memref<128x64xf32, #tpu.memory_space<vmem>>
    tpu.wait_dma2 semaphore(%arg8 : memref<!tpu.dma_semaphore, #tpu.memory_space<semaphore_mem>>) src(%dma_wait3A_1636 : memref<128x64xf32, #tpu.memory_space<vmem>>) dst(%dma_wait3A_1632 : memref<128x64xf32, #tpu.memory_space<hbm>>)
    %dma_start3A_1637 = arith.constant 34 : i32
    %dma_start3A_1638 = arith.constant 2 : i32
    %dma_start3A_1639 = arith.constant 0 : i32
    %dma_start3A_1640 = arith.constant 0 : i32
    %dma_start3A_1641 = tpu.memref_slice %arg6[%dma_start3A_1638, %dma_start3A_1639, %dma_start3A_1640] : memref<4x128x64xf32, #tpu.memory_space<vmem>> -> memref<1x128x64xf32, #tpu.memory_space<vmem>>
    %dma_start3A_1642 = tpu.memref_squeeze %dma_start3A_1641 : memref<1x128x64xf32, #tpu.memory_space<vmem>> -> memref<128x64xf32, #tpu.memory_space<vmem>>
    %dma_start3A_1643 = arith.constant 0 : i32
    %dma_start3A_1644 = tpu.memref_slice %arg5[%dma_start3A_1637, %dma_start3A_1643] : memref<50x128xi32, #tpu.memory_space<vmem>> -> memref<1x128xi32, #tpu.memory_space<vmem>>
    %dma_start3A_1645 = tpu.memref_squeeze %dma_start3A_1644 : memref<1x128xi32, #tpu.memory_space<vmem>> -> memref<128xi32, #tpu.memory_space<vmem>>
    %dma_start3A_1646 = arith.constant 0 : i32
    %dma_start3A_1647 = arith.constant 0 : i32
    %dma_start3A_1648 = tpu.memref_slice %arg3[%dma_start3A_1646, %dma_start3A_1647] : memref<1000000x64xf32, #tpu.memory_space<hbm>> -> memref<1000000x64xf32, #tpu.memory_space<hbm>>
    tpu.enqueue_indirect_dma source(%dma_start3A_1648 : memref<1000000x64xf32, #tpu.memory_space<hbm>>) target(%dma_start3A_1642 : memref<128x64xf32, #tpu.memory_space<vmem>>) offsets(%dma_start3A_1645 : memref<128xi32, #tpu.memory_space<vmem>>) semaphore(%arg7 : memref<!tpu.dma_semaphore, #tpu.memory_space<semaphore_mem>>)
    %dma_wait3A_1649 = arith.constant 33 : i32
    %dma_wait3A_1650 = arith.constant 1 : i32
    %dma_wait3A_1651 = arith.constant 0 : i32
    %dma_wait3A_1652 = arith.constant 0 : i32
    %dma_wait3A_1653 = tpu.memref_slice %arg6[%dma_wait3A_1650, %dma_wait3A_1651, %dma_wait3A_1652] : memref<4x128x64xf32, #tpu.memory_space<vmem>> -> memref<1x128x64xf32, #tpu.memory_space<vmem>>
    %dma_wait3A_1654 = tpu.memref_squeeze %dma_wait3A_1653 : memref<1x128x64xf32, #tpu.memory_space<vmem>> -> memref<128x64xf32, #tpu.memory_space<vmem>>
    %dma_wait3A_1655 = arith.constant 0 : i32
    %dma_wait3A_1656 = tpu.memref_slice %arg5[%dma_wait3A_1649, %dma_wait3A_1655] : memref<50x128xi32, #tpu.memory_space<vmem>> -> memref<1x128xi32, #tpu.memory_space<vmem>>
    %dma_wait3A_1657 = tpu.memref_squeeze %dma_wait3A_1656 : memref<1x128xi32, #tpu.memory_space<vmem>> -> memref<128xi32, #tpu.memory_space<vmem>>
    %dma_wait3A_1658 = arith.constant 0 : i32
    %dma_wait3A_1659 = arith.constant 0 : i32
    %dma_wait3A_1660 = tpu.memref_slice %arg3[%dma_wait3A_1658, %dma_wait3A_1659] : memref<1000000x64xf32, #tpu.memory_space<hbm>> -> memref<1000000x64xf32, #tpu.memory_space<hbm>>
    tpu.wait_indirect_dma semaphore(%arg7 : memref<!tpu.dma_semaphore, #tpu.memory_space<semaphore_mem>>) src(%dma_wait3A_1660 : memref<1000000x64xf32, #tpu.memory_space<hbm>>) dst(%dma_wait3A_1654 : memref<128x64xf32, #tpu.memory_space<vmem>>)
    %dma_start3A_1661 = arith.constant 1 : i32
    %dma_start3A_1662 = arith.constant 0 : i32
    %dma_start3A_1663 = arith.constant 0 : i32
    %dma_start3A_1664 = tpu.memref_slice %arg6[%dma_start3A_1661, %dma_start3A_1662, %dma_start3A_1663] : memref<4x128x64xf32, #tpu.memory_space<vmem>> -> memref<1x128x64xf32, #tpu.memory_space<vmem>>
    %dma_start3A_1665 = tpu.memref_squeeze %dma_start3A_1664 : memref<1x128x64xf32, #tpu.memory_space<vmem>> -> memref<128x64xf32, #tpu.memory_space<vmem>>
    %dma_start3A_1666 = arith.constant 2112 : i32
    %dma_start3A_1667 = tpu.memref_slice %arg4[%mul3A_2, %dma_start3A_1666] : memref<4096x3200xf32, #tpu.memory_space<hbm>> -> memref<128x64xf32, #tpu.memory_space<hbm>>
    %dma_start3A_1668 = arith.constant 2112 : i32
    %dma_start3A_1669 = tpu.memref_slice %arg4[%mul3A_2, %dma_start3A_1668] : memref<4096x3200xf32, #tpu.memory_space<hbm>> -> memref<128x64xf32, #tpu.memory_space<hbm>>
    %dma_start3A_1670 = arith.constant 0 : i32
    %dma_start3A_1671 = arith.constant 0 : i32
    %dma_start3A_1672 = tpu.memref_slice %arg6[%dma_start3A_1661, %dma_start3A_1670, %dma_start3A_1671] : memref<4x128x64xf32, #tpu.memory_space<vmem>> -> memref<1x128x64xf32, #tpu.memory_space<vmem>>
    %dma_start3A_1673 = tpu.memref_squeeze %dma_start3A_1672 : memref<1x128x64xf32, #tpu.memory_space<vmem>> -> memref<128x64xf32, #tpu.memory_space<vmem>>
    tpu.enqueue_dma source(%dma_start3A_1673 : memref<128x64xf32, #tpu.memory_space<vmem>>) target(%dma_start3A_1669 : memref<128x64xf32, #tpu.memory_space<hbm>>) target_semaphore(%arg8 : memref<!tpu.dma_semaphore, #tpu.memory_space<semaphore_mem>>)
    %dma_wait3A_1674 = arith.constant 3 : i32
    %dma_wait3A_1675 = arith.constant 0 : i32
    %dma_wait3A_1676 = arith.constant 0 : i32
    %dma_wait3A_1677 = tpu.memref_slice %arg6[%dma_wait3A_1674, %dma_wait3A_1675, %dma_wait3A_1676] : memref<4x128x64xf32, #tpu.memory_space<vmem>> -> memref<1x128x64xf32, #tpu.memory_space<vmem>>
    %dma_wait3A_1678 = tpu.memref_squeeze %dma_wait3A_1677 : memref<1x128x64xf32, #tpu.memory_space<vmem>> -> memref<128x64xf32, #tpu.memory_space<vmem>>
    %dma_wait3A_1679 = arith.constant 1984 : i32
    %dma_wait3A_1680 = tpu.memref_slice %arg4[%mul3A_2, %dma_wait3A_1679] : memref<4096x3200xf32, #tpu.memory_space<hbm>> -> memref<128x64xf32, #tpu.memory_space<hbm>>
    %dma_wait3A_1681 = arith.constant 1984 : i32
    %dma_wait3A_1682 = tpu.memref_slice %arg4[%mul3A_2, %dma_wait3A_1681] : memref<4096x3200xf32, #tpu.memory_space<hbm>> -> memref<128x64xf32, #tpu.memory_space<hbm>>
    %dma_wait3A_1683 = arith.constant 0 : i32
    %dma_wait3A_1684 = arith.constant 0 : i32
    %dma_wait3A_1685 = tpu.memref_slice %arg6[%dma_wait3A_1674, %dma_wait3A_1683, %dma_wait3A_1684] : memref<4x128x64xf32, #tpu.memory_space<vmem>> -> memref<1x128x64xf32, #tpu.memory_space<vmem>>
    %dma_wait3A_1686 = tpu.memref_squeeze %dma_wait3A_1685 : memref<1x128x64xf32, #tpu.memory_space<vmem>> -> memref<128x64xf32, #tpu.memory_space<vmem>>
    tpu.wait_dma2 semaphore(%arg8 : memref<!tpu.dma_semaphore, #tpu.memory_space<semaphore_mem>>) src(%dma_wait3A_1686 : memref<128x64xf32, #tpu.memory_space<vmem>>) dst(%dma_wait3A_1682 : memref<128x64xf32, #tpu.memory_space<hbm>>)
    %dma_start3A_1687 = arith.constant 35 : i32
    %dma_start3A_1688 = arith.constant 3 : i32
    %dma_start3A_1689 = arith.constant 0 : i32
    %dma_start3A_1690 = arith.constant 0 : i32
    %dma_start3A_1691 = tpu.memref_slice %arg6[%dma_start3A_1688, %dma_start3A_1689, %dma_start3A_1690] : memref<4x128x64xf32, #tpu.memory_space<vmem>> -> memref<1x128x64xf32, #tpu.memory_space<vmem>>
    %dma_start3A_1692 = tpu.memref_squeeze %dma_start3A_1691 : memref<1x128x64xf32, #tpu.memory_space<vmem>> -> memref<128x64xf32, #tpu.memory_space<vmem>>
    %dma_start3A_1693 = arith.constant 0 : i32
    %dma_start3A_1694 = tpu.memref_slice %arg5[%dma_start3A_1687, %dma_start3A_1693] : memref<50x128xi32, #tpu.memory_space<vmem>> -> memref<1x128xi32, #tpu.memory_space<vmem>>
    %dma_start3A_1695 = tpu.memref_squeeze %dma_start3A_1694 : memref<1x128xi32, #tpu.memory_space<vmem>> -> memref<128xi32, #tpu.memory_space<vmem>>
    %dma_start3A_1696 = arith.constant 0 : i32
    %dma_start3A_1697 = arith.constant 0 : i32
    %dma_start3A_1698 = tpu.memref_slice %arg3[%dma_start3A_1696, %dma_start3A_1697] : memref<1000000x64xf32, #tpu.memory_space<hbm>> -> memref<1000000x64xf32, #tpu.memory_space<hbm>>
    tpu.enqueue_indirect_dma source(%dma_start3A_1698 : memref<1000000x64xf32, #tpu.memory_space<hbm>>) target(%dma_start3A_1692 : memref<128x64xf32, #tpu.memory_space<vmem>>) offsets(%dma_start3A_1695 : memref<128xi32, #tpu.memory_space<vmem>>) semaphore(%arg7 : memref<!tpu.dma_semaphore, #tpu.memory_space<semaphore_mem>>)
    %dma_wait3A_1699 = arith.constant 34 : i32
    %dma_wait3A_1700 = arith.constant 2 : i32
    %dma_wait3A_1701 = arith.constant 0 : i32
    %dma_wait3A_1702 = arith.constant 0 : i32
    %dma_wait3A_1703 = tpu.memref_slice %arg6[%dma_wait3A_1700, %dma_wait3A_1701, %dma_wait3A_1702] : memref<4x128x64xf32, #tpu.memory_space<vmem>> -> memref<1x128x64xf32, #tpu.memory_space<vmem>>
    %dma_wait3A_1704 = tpu.memref_squeeze %dma_wait3A_1703 : memref<1x128x64xf32, #tpu.memory_space<vmem>> -> memref<128x64xf32, #tpu.memory_space<vmem>>
    %dma_wait3A_1705 = arith.constant 0 : i32
    %dma_wait3A_1706 = tpu.memref_slice %arg5[%dma_wait3A_1699, %dma_wait3A_1705] : memref<50x128xi32, #tpu.memory_space<vmem>> -> memref<1x128xi32, #tpu.memory_space<vmem>>
    %dma_wait3A_1707 = tpu.memref_squeeze %dma_wait3A_1706 : memref<1x128xi32, #tpu.memory_space<vmem>> -> memref<128xi32, #tpu.memory_space<vmem>>
    %dma_wait3A_1708 = arith.constant 0 : i32
    %dma_wait3A_1709 = arith.constant 0 : i32
    %dma_wait3A_1710 = tpu.memref_slice %arg3[%dma_wait3A_1708, %dma_wait3A_1709] : memref<1000000x64xf32, #tpu.memory_space<hbm>> -> memref<1000000x64xf32, #tpu.memory_space<hbm>>
    tpu.wait_indirect_dma semaphore(%arg7 : memref<!tpu.dma_semaphore, #tpu.memory_space<semaphore_mem>>) src(%dma_wait3A_1710 : memref<1000000x64xf32, #tpu.memory_space<hbm>>) dst(%dma_wait3A_1704 : memref<128x64xf32, #tpu.memory_space<vmem>>)
    %dma_start3A_1711 = arith.constant 2 : i32
    %dma_start3A_1712 = arith.constant 0 : i32
    %dma_start3A_1713 = arith.constant 0 : i32
    %dma_start3A_1714 = tpu.memref_slice %arg6[%dma_start3A_1711, %dma_start3A_1712, %dma_start3A_1713] : memref<4x128x64xf32, #tpu.memory_space<vmem>> -> memref<1x128x64xf32, #tpu.memory_space<vmem>>
    %dma_start3A_1715 = tpu.memref_squeeze %dma_start3A_1714 : memref<1x128x64xf32, #tpu.memory_space<vmem>> -> memref<128x64xf32, #tpu.memory_space<vmem>>
    %dma_start3A_1716 = arith.constant 2176 : i32
    %dma_start3A_1717 = tpu.memref_slice %arg4[%mul3A_2, %dma_start3A_1716] : memref<4096x3200xf32, #tpu.memory_space<hbm>> -> memref<128x64xf32, #tpu.memory_space<hbm>>
    %dma_start3A_1718 = arith.constant 2176 : i32
    %dma_start3A_1719 = tpu.memref_slice %arg4[%mul3A_2, %dma_start3A_1718] : memref<4096x3200xf32, #tpu.memory_space<hbm>> -> memref<128x64xf32, #tpu.memory_space<hbm>>
    %dma_start3A_1720 = arith.constant 0 : i32
    %dma_start3A_1721 = arith.constant 0 : i32
    %dma_start3A_1722 = tpu.memref_slice %arg6[%dma_start3A_1711, %dma_start3A_1720, %dma_start3A_1721] : memref<4x128x64xf32, #tpu.memory_space<vmem>> -> memref<1x128x64xf32, #tpu.memory_space<vmem>>
    %dma_start3A_1723 = tpu.memref_squeeze %dma_start3A_1722 : memref<1x128x64xf32, #tpu.memory_space<vmem>> -> memref<128x64xf32, #tpu.memory_space<vmem>>
    tpu.enqueue_dma source(%dma_start3A_1723 : memref<128x64xf32, #tpu.memory_space<vmem>>) target(%dma_start3A_1719 : memref<128x64xf32, #tpu.memory_space<hbm>>) target_semaphore(%arg8 : memref<!tpu.dma_semaphore, #tpu.memory_space<semaphore_mem>>)
    %dma_wait3A_1724 = arith.constant 0 : i32
    %dma_wait3A_1725 = arith.constant 0 : i32
    %dma_wait3A_1726 = arith.constant 0 : i32
    %dma_wait3A_1727 = tpu.memref_slice %arg6[%dma_wait3A_1724, %dma_wait3A_1725, %dma_wait3A_1726] : memref<4x128x64xf32, #tpu.memory_space<vmem>> -> memref<1x128x64xf32, #tpu.memory_space<vmem>>
    %dma_wait3A_1728 = tpu.memref_squeeze %dma_wait3A_1727 : memref<1x128x64xf32, #tpu.memory_space<vmem>> -> memref<128x64xf32, #tpu.memory_space<vmem>>
    %dma_wait3A_1729 = arith.constant 2048 : i32
    %dma_wait3A_1730 = tpu.memref_slice %arg4[%mul3A_2, %dma_wait3A_1729] : memref<4096x3200xf32, #tpu.memory_space<hbm>> -> memref<128x64xf32, #tpu.memory_space<hbm>>
    %dma_wait3A_1731 = arith.constant 2048 : i32
    %dma_wait3A_1732 = tpu.memref_slice %arg4[%mul3A_2, %dma_wait3A_1731] : memref<4096x3200xf32, #tpu.memory_space<hbm>> -> memref<128x64xf32, #tpu.memory_space<hbm>>
    %dma_wait3A_1733 = arith.constant 0 : i32
    %dma_wait3A_1734 = arith.constant 0 : i32
    %dma_wait3A_1735 = tpu.memref_slice %arg6[%dma_wait3A_1724, %dma_wait3A_1733, %dma_wait3A_1734] : memref<4x128x64xf32, #tpu.memory_space<vmem>> -> memref<1x128x64xf32, #tpu.memory_space<vmem>>
    %dma_wait3A_1736 = tpu.memref_squeeze %dma_wait3A_1735 : memref<1x128x64xf32, #tpu.memory_space<vmem>> -> memref<128x64xf32, #tpu.memory_space<vmem>>
    tpu.wait_dma2 semaphore(%arg8 : memref<!tpu.dma_semaphore, #tpu.memory_space<semaphore_mem>>) src(%dma_wait3A_1736 : memref<128x64xf32, #tpu.memory_space<vmem>>) dst(%dma_wait3A_1732 : memref<128x64xf32, #tpu.memory_space<hbm>>)
    %dma_start3A_1737 = arith.constant 36 : i32
    %dma_start3A_1738 = arith.constant 0 : i32
    %dma_start3A_1739 = arith.constant 0 : i32
    %dma_start3A_1740 = arith.constant 0 : i32
    %dma_start3A_1741 = tpu.memref_slice %arg6[%dma_start3A_1738, %dma_start3A_1739, %dma_start3A_1740] : memref<4x128x64xf32, #tpu.memory_space<vmem>> -> memref<1x128x64xf32, #tpu.memory_space<vmem>>
    %dma_start3A_1742 = tpu.memref_squeeze %dma_start3A_1741 : memref<1x128x64xf32, #tpu.memory_space<vmem>> -> memref<128x64xf32, #tpu.memory_space<vmem>>
    %dma_start3A_1743 = arith.constant 0 : i32
    %dma_start3A_1744 = tpu.memref_slice %arg5[%dma_start3A_1737, %dma_start3A_1743] : memref<50x128xi32, #tpu.memory_space<vmem>> -> memref<1x128xi32, #tpu.memory_space<vmem>>
    %dma_start3A_1745 = tpu.memref_squeeze %dma_start3A_1744 : memref<1x128xi32, #tpu.memory_space<vmem>> -> memref<128xi32, #tpu.memory_space<vmem>>
    %dma_start3A_1746 = arith.constant 0 : i32
    %dma_start3A_1747 = arith.constant 0 : i32
    %dma_start3A_1748 = tpu.memref_slice %arg3[%dma_start3A_1746, %dma_start3A_1747] : memref<1000000x64xf32, #tpu.memory_space<hbm>> -> memref<1000000x64xf32, #tpu.memory_space<hbm>>
    tpu.enqueue_indirect_dma source(%dma_start3A_1748 : memref<1000000x64xf32, #tpu.memory_space<hbm>>) target(%dma_start3A_1742 : memref<128x64xf32, #tpu.memory_space<vmem>>) offsets(%dma_start3A_1745 : memref<128xi32, #tpu.memory_space<vmem>>) semaphore(%arg7 : memref<!tpu.dma_semaphore, #tpu.memory_space<semaphore_mem>>)
    %dma_wait3A_1749 = arith.constant 35 : i32
    %dma_wait3A_1750 = arith.constant 3 : i32
    %dma_wait3A_1751 = arith.constant 0 : i32
    %dma_wait3A_1752 = arith.constant 0 : i32
    %dma_wait3A_1753 = tpu.memref_slice %arg6[%dma_wait3A_1750, %dma_wait3A_1751, %dma_wait3A_1752] : memref<4x128x64xf32, #tpu.memory_space<vmem>> -> memref<1x128x64xf32, #tpu.memory_space<vmem>>
    %dma_wait3A_1754 = tpu.memref_squeeze %dma_wait3A_1753 : memref<1x128x64xf32, #tpu.memory_space<vmem>> -> memref<128x64xf32, #tpu.memory_space<vmem>>
    %dma_wait3A_1755 = arith.constant 0 : i32
    %dma_wait3A_1756 = tpu.memref_slice %arg5[%dma_wait3A_1749, %dma_wait3A_1755] : memref<50x128xi32, #tpu.memory_space<vmem>> -> memref<1x128xi32, #tpu.memory_space<vmem>>
    %dma_wait3A_1757 = tpu.memref_squeeze %dma_wait3A_1756 : memref<1x128xi32, #tpu.memory_space<vmem>> -> memref<128xi32, #tpu.memory_space<vmem>>
    %dma_wait3A_1758 = arith.constant 0 : i32
    %dma_wait3A_1759 = arith.constant 0 : i32
    %dma_wait3A_1760 = tpu.memref_slice %arg3[%dma_wait3A_1758, %dma_wait3A_1759] : memref<1000000x64xf32, #tpu.memory_space<hbm>> -> memref<1000000x64xf32, #tpu.memory_space<hbm>>
    tpu.wait_indirect_dma semaphore(%arg7 : memref<!tpu.dma_semaphore, #tpu.memory_space<semaphore_mem>>) src(%dma_wait3A_1760 : memref<1000000x64xf32, #tpu.memory_space<hbm>>) dst(%dma_wait3A_1754 : memref<128x64xf32, #tpu.memory_space<vmem>>)
    %dma_start3A_1761 = arith.constant 3 : i32
    %dma_start3A_1762 = arith.constant 0 : i32
    %dma_start3A_1763 = arith.constant 0 : i32
    %dma_start3A_1764 = tpu.memref_slice %arg6[%dma_start3A_1761, %dma_start3A_1762, %dma_start3A_1763] : memref<4x128x64xf32, #tpu.memory_space<vmem>> -> memref<1x128x64xf32, #tpu.memory_space<vmem>>
    %dma_start3A_1765 = tpu.memref_squeeze %dma_start3A_1764 : memref<1x128x64xf32, #tpu.memory_space<vmem>> -> memref<128x64xf32, #tpu.memory_space<vmem>>
    %dma_start3A_1766 = arith.constant 2240 : i32
    %dma_start3A_1767 = tpu.memref_slice %arg4[%mul3A_2, %dma_start3A_1766] : memref<4096x3200xf32, #tpu.memory_space<hbm>> -> memref<128x64xf32, #tpu.memory_space<hbm>>
    %dma_start3A_1768 = arith.constant 2240 : i32
    %dma_start3A_1769 = tpu.memref_slice %arg4[%mul3A_2, %dma_start3A_1768] : memref<4096x3200xf32, #tpu.memory_space<hbm>> -> memref<128x64xf32, #tpu.memory_space<hbm>>
    %dma_start3A_1770 = arith.constant 0 : i32
    %dma_start3A_1771 = arith.constant 0 : i32
    %dma_start3A_1772 = tpu.memref_slice %arg6[%dma_start3A_1761, %dma_start3A_1770, %dma_start3A_1771] : memref<4x128x64xf32, #tpu.memory_space<vmem>> -> memref<1x128x64xf32, #tpu.memory_space<vmem>>
    %dma_start3A_1773 = tpu.memref_squeeze %dma_start3A_1772 : memref<1x128x64xf32, #tpu.memory_space<vmem>> -> memref<128x64xf32, #tpu.memory_space<vmem>>
    tpu.enqueue_dma source(%dma_start3A_1773 : memref<128x64xf32, #tpu.memory_space<vmem>>) target(%dma_start3A_1769 : memref<128x64xf32, #tpu.memory_space<hbm>>) target_semaphore(%arg8 : memref<!tpu.dma_semaphore, #tpu.memory_space<semaphore_mem>>)
    %dma_wait3A_1774 = arith.constant 1 : i32
    %dma_wait3A_1775 = arith.constant 0 : i32
    %dma_wait3A_1776 = arith.constant 0 : i32
    %dma_wait3A_1777 = tpu.memref_slice %arg6[%dma_wait3A_1774, %dma_wait3A_1775, %dma_wait3A_1776] : memref<4x128x64xf32, #tpu.memory_space<vmem>> -> memref<1x128x64xf32, #tpu.memory_space<vmem>>
    %dma_wait3A_1778 = tpu.memref_squeeze %dma_wait3A_1777 : memref<1x128x64xf32, #tpu.memory_space<vmem>> -> memref<128x64xf32, #tpu.memory_space<vmem>>
    %dma_wait3A_1779 = arith.constant 2112 : i32
    %dma_wait3A_1780 = tpu.memref_slice %arg4[%mul3A_2, %dma_wait3A_1779] : memref<4096x3200xf32, #tpu.memory_space<hbm>> -> memref<128x64xf32, #tpu.memory_space<hbm>>
    %dma_wait3A_1781 = arith.constant 2112 : i32
    %dma_wait3A_1782 = tpu.memref_slice %arg4[%mul3A_2, %dma_wait3A_1781] : memref<4096x3200xf32, #tpu.memory_space<hbm>> -> memref<128x64xf32, #tpu.memory_space<hbm>>
    %dma_wait3A_1783 = arith.constant 0 : i32
    %dma_wait3A_1784 = arith.constant 0 : i32
    %dma_wait3A_1785 = tpu.memref_slice %arg6[%dma_wait3A_1774, %dma_wait3A_1783, %dma_wait3A_1784] : memref<4x128x64xf32, #tpu.memory_space<vmem>> -> memref<1x128x64xf32, #tpu.memory_space<vmem>>
    %dma_wait3A_1786 = tpu.memref_squeeze %dma_wait3A_1785 : memref<1x128x64xf32, #tpu.memory_space<vmem>> -> memref<128x64xf32, #tpu.memory_space<vmem>>
    tpu.wait_dma2 semaphore(%arg8 : memref<!tpu.dma_semaphore, #tpu.memory_space<semaphore_mem>>) src(%dma_wait3A_1786 : memref<128x64xf32, #tpu.memory_space<vmem>>) dst(%dma_wait3A_1782 : memref<128x64xf32, #tpu.memory_space<hbm>>)
    %dma_start3A_1787 = arith.constant 37 : i32
    %dma_start3A_1788 = arith.constant 1 : i32
    %dma_start3A_1789 = arith.constant 0 : i32
    %dma_start3A_1790 = arith.constant 0 : i32
    %dma_start3A_1791 = tpu.memref_slice %arg6[%dma_start3A_1788, %dma_start3A_1789, %dma_start3A_1790] : memref<4x128x64xf32, #tpu.memory_space<vmem>> -> memref<1x128x64xf32, #tpu.memory_space<vmem>>
    %dma_start3A_1792 = tpu.memref_squeeze %dma_start3A_1791 : memref<1x128x64xf32, #tpu.memory_space<vmem>> -> memref<128x64xf32, #tpu.memory_space<vmem>>
    %dma_start3A_1793 = arith.constant 0 : i32
    %dma_start3A_1794 = tpu.memref_slice %arg5[%dma_start3A_1787, %dma_start3A_1793] : memref<50x128xi32, #tpu.memory_space<vmem>> -> memref<1x128xi32, #tpu.memory_space<vmem>>
    %dma_start3A_1795 = tpu.memref_squeeze %dma_start3A_1794 : memref<1x128xi32, #tpu.memory_space<vmem>> -> memref<128xi32, #tpu.memory_space<vmem>>
    %dma_start3A_1796 = arith.constant 0 : i32
    %dma_start3A_1797 = arith.constant 0 : i32
    %dma_start3A_1798 = tpu.memref_slice %arg3[%dma_start3A_1796, %dma_start3A_1797] : memref<1000000x64xf32, #tpu.memory_space<hbm>> -> memref<1000000x64xf32, #tpu.memory_space<hbm>>
    tpu.enqueue_indirect_dma source(%dma_start3A_1798 : memref<1000000x64xf32, #tpu.memory_space<hbm>>) target(%dma_start3A_1792 : memref<128x64xf32, #tpu.memory_space<vmem>>) offsets(%dma_start3A_1795 : memref<128xi32, #tpu.memory_space<vmem>>) semaphore(%arg7 : memref<!tpu.dma_semaphore, #tpu.memory_space<semaphore_mem>>)
    %dma_wait3A_1799 = arith.constant 36 : i32
    %dma_wait3A_1800 = arith.constant 0 : i32
    %dma_wait3A_1801 = arith.constant 0 : i32
    %dma_wait3A_1802 = arith.constant 0 : i32
    %dma_wait3A_1803 = tpu.memref_slice %arg6[%dma_wait3A_1800, %dma_wait3A_1801, %dma_wait3A_1802] : memref<4x128x64xf32, #tpu.memory_space<vmem>> -> memref<1x128x64xf32, #tpu.memory_space<vmem>>
    %dma_wait3A_1804 = tpu.memref_squeeze %dma_wait3A_1803 : memref<1x128x64xf32, #tpu.memory_space<vmem>> -> memref<128x64xf32, #tpu.memory_space<vmem>>
    %dma_wait3A_1805 = arith.constant 0 : i32
    %dma_wait3A_1806 = tpu.memref_slice %arg5[%dma_wait3A_1799, %dma_wait3A_1805] : memref<50x128xi32, #tpu.memory_space<vmem>> -> memref<1x128xi32, #tpu.memory_space<vmem>>
    %dma_wait3A_1807 = tpu.memref_squeeze %dma_wait3A_1806 : memref<1x128xi32, #tpu.memory_space<vmem>> -> memref<128xi32, #tpu.memory_space<vmem>>
    %dma_wait3A_1808 = arith.constant 0 : i32
    %dma_wait3A_1809 = arith.constant 0 : i32
    %dma_wait3A_1810 = tpu.memref_slice %arg3[%dma_wait3A_1808, %dma_wait3A_1809] : memref<1000000x64xf32, #tpu.memory_space<hbm>> -> memref<1000000x64xf32, #tpu.memory_space<hbm>>
    tpu.wait_indirect_dma semaphore(%arg7 : memref<!tpu.dma_semaphore, #tpu.memory_space<semaphore_mem>>) src(%dma_wait3A_1810 : memref<1000000x64xf32, #tpu.memory_space<hbm>>) dst(%dma_wait3A_1804 : memref<128x64xf32, #tpu.memory_space<vmem>>)
    %dma_start3A_1811 = arith.constant 0 : i32
    %dma_start3A_1812 = arith.constant 0 : i32
    %dma_start3A_1813 = arith.constant 0 : i32
    %dma_start3A_1814 = tpu.memref_slice %arg6[%dma_start3A_1811, %dma_start3A_1812, %dma_start3A_1813] : memref<4x128x64xf32, #tpu.memory_space<vmem>> -> memref<1x128x64xf32, #tpu.memory_space<vmem>>
    %dma_start3A_1815 = tpu.memref_squeeze %dma_start3A_1814 : memref<1x128x64xf32, #tpu.memory_space<vmem>> -> memref<128x64xf32, #tpu.memory_space<vmem>>
    %dma_start3A_1816 = arith.constant 2304 : i32
    %dma_start3A_1817 = tpu.memref_slice %arg4[%mul3A_2, %dma_start3A_1816] : memref<4096x3200xf32, #tpu.memory_space<hbm>> -> memref<128x64xf32, #tpu.memory_space<hbm>>
    %dma_start3A_1818 = arith.constant 2304 : i32
    %dma_start3A_1819 = tpu.memref_slice %arg4[%mul3A_2, %dma_start3A_1818] : memref<4096x3200xf32, #tpu.memory_space<hbm>> -> memref<128x64xf32, #tpu.memory_space<hbm>>
    %dma_start3A_1820 = arith.constant 0 : i32
    %dma_start3A_1821 = arith.constant 0 : i32
    %dma_start3A_1822 = tpu.memref_slice %arg6[%dma_start3A_1811, %dma_start3A_1820, %dma_start3A_1821] : memref<4x128x64xf32, #tpu.memory_space<vmem>> -> memref<1x128x64xf32, #tpu.memory_space<vmem>>
    %dma_start3A_1823 = tpu.memref_squeeze %dma_start3A_1822 : memref<1x128x64xf32, #tpu.memory_space<vmem>> -> memref<128x64xf32, #tpu.memory_space<vmem>>
    tpu.enqueue_dma source(%dma_start3A_1823 : memref<128x64xf32, #tpu.memory_space<vmem>>) target(%dma_start3A_1819 : memref<128x64xf32, #tpu.memory_space<hbm>>) target_semaphore(%arg8 : memref<!tpu.dma_semaphore, #tpu.memory_space<semaphore_mem>>)
    %dma_wait3A_1824 = arith.constant 2 : i32
    %dma_wait3A_1825 = arith.constant 0 : i32
    %dma_wait3A_1826 = arith.constant 0 : i32
    %dma_wait3A_1827 = tpu.memref_slice %arg6[%dma_wait3A_1824, %dma_wait3A_1825, %dma_wait3A_1826] : memref<4x128x64xf32, #tpu.memory_space<vmem>> -> memref<1x128x64xf32, #tpu.memory_space<vmem>>
    %dma_wait3A_1828 = tpu.memref_squeeze %dma_wait3A_1827 : memref<1x128x64xf32, #tpu.memory_space<vmem>> -> memref<128x64xf32, #tpu.memory_space<vmem>>
    %dma_wait3A_1829 = arith.constant 2176 : i32
    %dma_wait3A_1830 = tpu.memref_slice %arg4[%mul3A_2, %dma_wait3A_1829] : memref<4096x3200xf32, #tpu.memory_space<hbm>> -> memref<128x64xf32, #tpu.memory_space<hbm>>
    %dma_wait3A_1831 = arith.constant 2176 : i32
    %dma_wait3A_1832 = tpu.memref_slice %arg4[%mul3A_2, %dma_wait3A_1831] : memref<4096x3200xf32, #tpu.memory_space<hbm>> -> memref<128x64xf32, #tpu.memory_space<hbm>>
    %dma_wait3A_1833 = arith.constant 0 : i32
    %dma_wait3A_1834 = arith.constant 0 : i32
    %dma_wait3A_1835 = tpu.memref_slice %arg6[%dma_wait3A_1824, %dma_wait3A_1833, %dma_wait3A_1834] : memref<4x128x64xf32, #tpu.memory_space<vmem>> -> memref<1x128x64xf32, #tpu.memory_space<vmem>>
    %dma_wait3A_1836 = tpu.memref_squeeze %dma_wait3A_1835 : memref<1x128x64xf32, #tpu.memory_space<vmem>> -> memref<128x64xf32, #tpu.memory_space<vmem>>
    tpu.wait_dma2 semaphore(%arg8 : memref<!tpu.dma_semaphore, #tpu.memory_space<semaphore_mem>>) src(%dma_wait3A_1836 : memref<128x64xf32, #tpu.memory_space<vmem>>) dst(%dma_wait3A_1832 : memref<128x64xf32, #tpu.memory_space<hbm>>)
    %dma_start3A_1837 = arith.constant 38 : i32
    %dma_start3A_1838 = arith.constant 2 : i32
    %dma_start3A_1839 = arith.constant 0 : i32
    %dma_start3A_1840 = arith.constant 0 : i32
    %dma_start3A_1841 = tpu.memref_slice %arg6[%dma_start3A_1838, %dma_start3A_1839, %dma_start3A_1840] : memref<4x128x64xf32, #tpu.memory_space<vmem>> -> memref<1x128x64xf32, #tpu.memory_space<vmem>>
    %dma_start3A_1842 = tpu.memref_squeeze %dma_start3A_1841 : memref<1x128x64xf32, #tpu.memory_space<vmem>> -> memref<128x64xf32, #tpu.memory_space<vmem>>
    %dma_start3A_1843 = arith.constant 0 : i32
    %dma_start3A_1844 = tpu.memref_slice %arg5[%dma_start3A_1837, %dma_start3A_1843] : memref<50x128xi32, #tpu.memory_space<vmem>> -> memref<1x128xi32, #tpu.memory_space<vmem>>
    %dma_start3A_1845 = tpu.memref_squeeze %dma_start3A_1844 : memref<1x128xi32, #tpu.memory_space<vmem>> -> memref<128xi32, #tpu.memory_space<vmem>>
    %dma_start3A_1846 = arith.constant 0 : i32
    %dma_start3A_1847 = arith.constant 0 : i32
    %dma_start3A_1848 = tpu.memref_slice %arg3[%dma_start3A_1846, %dma_start3A_1847] : memref<1000000x64xf32, #tpu.memory_space<hbm>> -> memref<1000000x64xf32, #tpu.memory_space<hbm>>
    tpu.enqueue_indirect_dma source(%dma_start3A_1848 : memref<1000000x64xf32, #tpu.memory_space<hbm>>) target(%dma_start3A_1842 : memref<128x64xf32, #tpu.memory_space<vmem>>) offsets(%dma_start3A_1845 : memref<128xi32, #tpu.memory_space<vmem>>) semaphore(%arg7 : memref<!tpu.dma_semaphore, #tpu.memory_space<semaphore_mem>>)
    %dma_wait3A_1849 = arith.constant 37 : i32
    %dma_wait3A_1850 = arith.constant 1 : i32
    %dma_wait3A_1851 = arith.constant 0 : i32
    %dma_wait3A_1852 = arith.constant 0 : i32
    %dma_wait3A_1853 = tpu.memref_slice %arg6[%dma_wait3A_1850, %dma_wait3A_1851, %dma_wait3A_1852] : memref<4x128x64xf32, #tpu.memory_space<vmem>> -> memref<1x128x64xf32, #tpu.memory_space<vmem>>
    %dma_wait3A_1854 = tpu.memref_squeeze %dma_wait3A_1853 : memref<1x128x64xf32, #tpu.memory_space<vmem>> -> memref<128x64xf32, #tpu.memory_space<vmem>>
    %dma_wait3A_1855 = arith.constant 0 : i32
    %dma_wait3A_1856 = tpu.memref_slice %arg5[%dma_wait3A_1849, %dma_wait3A_1855] : memref<50x128xi32, #tpu.memory_space<vmem>> -> memref<1x128xi32, #tpu.memory_space<vmem>>
    %dma_wait3A_1857 = tpu.memref_squeeze %dma_wait3A_1856 : memref<1x128xi32, #tpu.memory_space<vmem>> -> memref<128xi32, #tpu.memory_space<vmem>>
    %dma_wait3A_1858 = arith.constant 0 : i32
    %dma_wait3A_1859 = arith.constant 0 : i32
    %dma_wait3A_1860 = tpu.memref_slice %arg3[%dma_wait3A_1858, %dma_wait3A_1859] : memref<1000000x64xf32, #tpu.memory_space<hbm>> -> memref<1000000x64xf32, #tpu.memory_space<hbm>>
    tpu.wait_indirect_dma semaphore(%arg7 : memref<!tpu.dma_semaphore, #tpu.memory_space<semaphore_mem>>) src(%dma_wait3A_1860 : memref<1000000x64xf32, #tpu.memory_space<hbm>>) dst(%dma_wait3A_1854 : memref<128x64xf32, #tpu.memory_space<vmem>>)
    %dma_start3A_1861 = arith.constant 1 : i32
    %dma_start3A_1862 = arith.constant 0 : i32
    %dma_start3A_1863 = arith.constant 0 : i32
    %dma_start3A_1864 = tpu.memref_slice %arg6[%dma_start3A_1861, %dma_start3A_1862, %dma_start3A_1863] : memref<4x128x64xf32, #tpu.memory_space<vmem>> -> memref<1x128x64xf32, #tpu.memory_space<vmem>>
    %dma_start3A_1865 = tpu.memref_squeeze %dma_start3A_1864 : memref<1x128x64xf32, #tpu.memory_space<vmem>> -> memref<128x64xf32, #tpu.memory_space<vmem>>
    %dma_start3A_1866 = arith.constant 2368 : i32
    %dma_start3A_1867 = tpu.memref_slice %arg4[%mul3A_2, %dma_start3A_1866] : memref<4096x3200xf32, #tpu.memory_space<hbm>> -> memref<128x64xf32, #tpu.memory_space<hbm>>
    %dma_start3A_1868 = arith.constant 2368 : i32
    %dma_start3A_1869 = tpu.memref_slice %arg4[%mul3A_2, %dma_start3A_1868] : memref<4096x3200xf32, #tpu.memory_space<hbm>> -> memref<128x64xf32, #tpu.memory_space<hbm>>
    %dma_start3A_1870 = arith.constant 0 : i32
    %dma_start3A_1871 = arith.constant 0 : i32
    %dma_start3A_1872 = tpu.memref_slice %arg6[%dma_start3A_1861, %dma_start3A_1870, %dma_start3A_1871] : memref<4x128x64xf32, #tpu.memory_space<vmem>> -> memref<1x128x64xf32, #tpu.memory_space<vmem>>
    %dma_start3A_1873 = tpu.memref_squeeze %dma_start3A_1872 : memref<1x128x64xf32, #tpu.memory_space<vmem>> -> memref<128x64xf32, #tpu.memory_space<vmem>>
    tpu.enqueue_dma source(%dma_start3A_1873 : memref<128x64xf32, #tpu.memory_space<vmem>>) target(%dma_start3A_1869 : memref<128x64xf32, #tpu.memory_space<hbm>>) target_semaphore(%arg8 : memref<!tpu.dma_semaphore, #tpu.memory_space<semaphore_mem>>)
    %dma_wait3A_1874 = arith.constant 3 : i32
    %dma_wait3A_1875 = arith.constant 0 : i32
    %dma_wait3A_1876 = arith.constant 0 : i32
    %dma_wait3A_1877 = tpu.memref_slice %arg6[%dma_wait3A_1874, %dma_wait3A_1875, %dma_wait3A_1876] : memref<4x128x64xf32, #tpu.memory_space<vmem>> -> memref<1x128x64xf32, #tpu.memory_space<vmem>>
    %dma_wait3A_1878 = tpu.memref_squeeze %dma_wait3A_1877 : memref<1x128x64xf32, #tpu.memory_space<vmem>> -> memref<128x64xf32, #tpu.memory_space<vmem>>
    %dma_wait3A_1879 = arith.constant 2240 : i32
    %dma_wait3A_1880 = tpu.memref_slice %arg4[%mul3A_2, %dma_wait3A_1879] : memref<4096x3200xf32, #tpu.memory_space<hbm>> -> memref<128x64xf32, #tpu.memory_space<hbm>>
    %dma_wait3A_1881 = arith.constant 2240 : i32
    %dma_wait3A_1882 = tpu.memref_slice %arg4[%mul3A_2, %dma_wait3A_1881] : memref<4096x3200xf32, #tpu.memory_space<hbm>> -> memref<128x64xf32, #tpu.memory_space<hbm>>
    %dma_wait3A_1883 = arith.constant 0 : i32
    %dma_wait3A_1884 = arith.constant 0 : i32
    %dma_wait3A_1885 = tpu.memref_slice %arg6[%dma_wait3A_1874, %dma_wait3A_1883, %dma_wait3A_1884] : memref<4x128x64xf32, #tpu.memory_space<vmem>> -> memref<1x128x64xf32, #tpu.memory_space<vmem>>
    %dma_wait3A_1886 = tpu.memref_squeeze %dma_wait3A_1885 : memref<1x128x64xf32, #tpu.memory_space<vmem>> -> memref<128x64xf32, #tpu.memory_space<vmem>>
    tpu.wait_dma2 semaphore(%arg8 : memref<!tpu.dma_semaphore, #tpu.memory_space<semaphore_mem>>) src(%dma_wait3A_1886 : memref<128x64xf32, #tpu.memory_space<vmem>>) dst(%dma_wait3A_1882 : memref<128x64xf32, #tpu.memory_space<hbm>>)
    %dma_start3A_1887 = arith.constant 39 : i32
    %dma_start3A_1888 = arith.constant 3 : i32
    %dma_start3A_1889 = arith.constant 0 : i32
    %dma_start3A_1890 = arith.constant 0 : i32
    %dma_start3A_1891 = tpu.memref_slice %arg6[%dma_start3A_1888, %dma_start3A_1889, %dma_start3A_1890] : memref<4x128x64xf32, #tpu.memory_space<vmem>> -> memref<1x128x64xf32, #tpu.memory_space<vmem>>
    %dma_start3A_1892 = tpu.memref_squeeze %dma_start3A_1891 : memref<1x128x64xf32, #tpu.memory_space<vmem>> -> memref<128x64xf32, #tpu.memory_space<vmem>>
    %dma_start3A_1893 = arith.constant 0 : i32
    %dma_start3A_1894 = tpu.memref_slice %arg5[%dma_start3A_1887, %dma_start3A_1893] : memref<50x128xi32, #tpu.memory_space<vmem>> -> memref<1x128xi32, #tpu.memory_space<vmem>>
    %dma_start3A_1895 = tpu.memref_squeeze %dma_start3A_1894 : memref<1x128xi32, #tpu.memory_space<vmem>> -> memref<128xi32, #tpu.memory_space<vmem>>
    %dma_start3A_1896 = arith.constant 0 : i32
    %dma_start3A_1897 = arith.constant 0 : i32
    %dma_start3A_1898 = tpu.memref_slice %arg3[%dma_start3A_1896, %dma_start3A_1897] : memref<1000000x64xf32, #tpu.memory_space<hbm>> -> memref<1000000x64xf32, #tpu.memory_space<hbm>>
    tpu.enqueue_indirect_dma source(%dma_start3A_1898 : memref<1000000x64xf32, #tpu.memory_space<hbm>>) target(%dma_start3A_1892 : memref<128x64xf32, #tpu.memory_space<vmem>>) offsets(%dma_start3A_1895 : memref<128xi32, #tpu.memory_space<vmem>>) semaphore(%arg7 : memref<!tpu.dma_semaphore, #tpu.memory_space<semaphore_mem>>)
    %dma_wait3A_1899 = arith.constant 38 : i32
    %dma_wait3A_1900 = arith.constant 2 : i32
    %dma_wait3A_1901 = arith.constant 0 : i32
    %dma_wait3A_1902 = arith.constant 0 : i32
    %dma_wait3A_1903 = tpu.memref_slice %arg6[%dma_wait3A_1900, %dma_wait3A_1901, %dma_wait3A_1902] : memref<4x128x64xf32, #tpu.memory_space<vmem>> -> memref<1x128x64xf32, #tpu.memory_space<vmem>>
    %dma_wait3A_1904 = tpu.memref_squeeze %dma_wait3A_1903 : memref<1x128x64xf32, #tpu.memory_space<vmem>> -> memref<128x64xf32, #tpu.memory_space<vmem>>
    %dma_wait3A_1905 = arith.constant 0 : i32
    %dma_wait3A_1906 = tpu.memref_slice %arg5[%dma_wait3A_1899, %dma_wait3A_1905] : memref<50x128xi32, #tpu.memory_space<vmem>> -> memref<1x128xi32, #tpu.memory_space<vmem>>
    %dma_wait3A_1907 = tpu.memref_squeeze %dma_wait3A_1906 : memref<1x128xi32, #tpu.memory_space<vmem>> -> memref<128xi32, #tpu.memory_space<vmem>>
    %dma_wait3A_1908 = arith.constant 0 : i32
    %dma_wait3A_1909 = arith.constant 0 : i32
    %dma_wait3A_1910 = tpu.memref_slice %arg3[%dma_wait3A_1908, %dma_wait3A_1909] : memref<1000000x64xf32, #tpu.memory_space<hbm>> -> memref<1000000x64xf32, #tpu.memory_space<hbm>>
    tpu.wait_indirect_dma semaphore(%arg7 : memref<!tpu.dma_semaphore, #tpu.memory_space<semaphore_mem>>) src(%dma_wait3A_1910 : memref<1000000x64xf32, #tpu.memory_space<hbm>>) dst(%dma_wait3A_1904 : memref<128x64xf32, #tpu.memory_space<vmem>>)
    %dma_start3A_1911 = arith.constant 2 : i32
    %dma_start3A_1912 = arith.constant 0 : i32
    %dma_start3A_1913 = arith.constant 0 : i32
    %dma_start3A_1914 = tpu.memref_slice %arg6[%dma_start3A_1911, %dma_start3A_1912, %dma_start3A_1913] : memref<4x128x64xf32, #tpu.memory_space<vmem>> -> memref<1x128x64xf32, #tpu.memory_space<vmem>>
    %dma_start3A_1915 = tpu.memref_squeeze %dma_start3A_1914 : memref<1x128x64xf32, #tpu.memory_space<vmem>> -> memref<128x64xf32, #tpu.memory_space<vmem>>
    %dma_start3A_1916 = arith.constant 2432 : i32
    %dma_start3A_1917 = tpu.memref_slice %arg4[%mul3A_2, %dma_start3A_1916] : memref<4096x3200xf32, #tpu.memory_space<hbm>> -> memref<128x64xf32, #tpu.memory_space<hbm>>
    %dma_start3A_1918 = arith.constant 2432 : i32
    %dma_start3A_1919 = tpu.memref_slice %arg4[%mul3A_2, %dma_start3A_1918] : memref<4096x3200xf32, #tpu.memory_space<hbm>> -> memref<128x64xf32, #tpu.memory_space<hbm>>
    %dma_start3A_1920 = arith.constant 0 : i32
    %dma_start3A_1921 = arith.constant 0 : i32
    %dma_start3A_1922 = tpu.memref_slice %arg6[%dma_start3A_1911, %dma_start3A_1920, %dma_start3A_1921] : memref<4x128x64xf32, #tpu.memory_space<vmem>> -> memref<1x128x64xf32, #tpu.memory_space<vmem>>
    %dma_start3A_1923 = tpu.memref_squeeze %dma_start3A_1922 : memref<1x128x64xf32, #tpu.memory_space<vmem>> -> memref<128x64xf32, #tpu.memory_space<vmem>>
    tpu.enqueue_dma source(%dma_start3A_1923 : memref<128x64xf32, #tpu.memory_space<vmem>>) target(%dma_start3A_1919 : memref<128x64xf32, #tpu.memory_space<hbm>>) target_semaphore(%arg8 : memref<!tpu.dma_semaphore, #tpu.memory_space<semaphore_mem>>)
    %dma_wait3A_1924 = arith.constant 0 : i32
    %dma_wait3A_1925 = arith.constant 0 : i32
    %dma_wait3A_1926 = arith.constant 0 : i32
    %dma_wait3A_1927 = tpu.memref_slice %arg6[%dma_wait3A_1924, %dma_wait3A_1925, %dma_wait3A_1926] : memref<4x128x64xf32, #tpu.memory_space<vmem>> -> memref<1x128x64xf32, #tpu.memory_space<vmem>>
    %dma_wait3A_1928 = tpu.memref_squeeze %dma_wait3A_1927 : memref<1x128x64xf32, #tpu.memory_space<vmem>> -> memref<128x64xf32, #tpu.memory_space<vmem>>
    %dma_wait3A_1929 = arith.constant 2304 : i32
    %dma_wait3A_1930 = tpu.memref_slice %arg4[%mul3A_2, %dma_wait3A_1929] : memref<4096x3200xf32, #tpu.memory_space<hbm>> -> memref<128x64xf32, #tpu.memory_space<hbm>>
    %dma_wait3A_1931 = arith.constant 2304 : i32
    %dma_wait3A_1932 = tpu.memref_slice %arg4[%mul3A_2, %dma_wait3A_1931] : memref<4096x3200xf32, #tpu.memory_space<hbm>> -> memref<128x64xf32, #tpu.memory_space<hbm>>
    %dma_wait3A_1933 = arith.constant 0 : i32
    %dma_wait3A_1934 = arith.constant 0 : i32
    %dma_wait3A_1935 = tpu.memref_slice %arg6[%dma_wait3A_1924, %dma_wait3A_1933, %dma_wait3A_1934] : memref<4x128x64xf32, #tpu.memory_space<vmem>> -> memref<1x128x64xf32, #tpu.memory_space<vmem>>
    %dma_wait3A_1936 = tpu.memref_squeeze %dma_wait3A_1935 : memref<1x128x64xf32, #tpu.memory_space<vmem>> -> memref<128x64xf32, #tpu.memory_space<vmem>>
    tpu.wait_dma2 semaphore(%arg8 : memref<!tpu.dma_semaphore, #tpu.memory_space<semaphore_mem>>) src(%dma_wait3A_1936 : memref<128x64xf32, #tpu.memory_space<vmem>>) dst(%dma_wait3A_1932 : memref<128x64xf32, #tpu.memory_space<hbm>>)
    %dma_start3A_1937 = arith.constant 40 : i32
    %dma_start3A_1938 = arith.constant 0 : i32
    %dma_start3A_1939 = arith.constant 0 : i32
    %dma_start3A_1940 = arith.constant 0 : i32
    %dma_start3A_1941 = tpu.memref_slice %arg6[%dma_start3A_1938, %dma_start3A_1939, %dma_start3A_1940] : memref<4x128x64xf32, #tpu.memory_space<vmem>> -> memref<1x128x64xf32, #tpu.memory_space<vmem>>
    %dma_start3A_1942 = tpu.memref_squeeze %dma_start3A_1941 : memref<1x128x64xf32, #tpu.memory_space<vmem>> -> memref<128x64xf32, #tpu.memory_space<vmem>>
    %dma_start3A_1943 = arith.constant 0 : i32
    %dma_start3A_1944 = tpu.memref_slice %arg5[%dma_start3A_1937, %dma_start3A_1943] : memref<50x128xi32, #tpu.memory_space<vmem>> -> memref<1x128xi32, #tpu.memory_space<vmem>>
    %dma_start3A_1945 = tpu.memref_squeeze %dma_start3A_1944 : memref<1x128xi32, #tpu.memory_space<vmem>> -> memref<128xi32, #tpu.memory_space<vmem>>
    %dma_start3A_1946 = arith.constant 0 : i32
    %dma_start3A_1947 = arith.constant 0 : i32
    %dma_start3A_1948 = tpu.memref_slice %arg3[%dma_start3A_1946, %dma_start3A_1947] : memref<1000000x64xf32, #tpu.memory_space<hbm>> -> memref<1000000x64xf32, #tpu.memory_space<hbm>>
    tpu.enqueue_indirect_dma source(%dma_start3A_1948 : memref<1000000x64xf32, #tpu.memory_space<hbm>>) target(%dma_start3A_1942 : memref<128x64xf32, #tpu.memory_space<vmem>>) offsets(%dma_start3A_1945 : memref<128xi32, #tpu.memory_space<vmem>>) semaphore(%arg7 : memref<!tpu.dma_semaphore, #tpu.memory_space<semaphore_mem>>)
    %dma_wait3A_1949 = arith.constant 39 : i32
    %dma_wait3A_1950 = arith.constant 3 : i32
    %dma_wait3A_1951 = arith.constant 0 : i32
    %dma_wait3A_1952 = arith.constant 0 : i32
    %dma_wait3A_1953 = tpu.memref_slice %arg6[%dma_wait3A_1950, %dma_wait3A_1951, %dma_wait3A_1952] : memref<4x128x64xf32, #tpu.memory_space<vmem>> -> memref<1x128x64xf32, #tpu.memory_space<vmem>>
    %dma_wait3A_1954 = tpu.memref_squeeze %dma_wait3A_1953 : memref<1x128x64xf32, #tpu.memory_space<vmem>> -> memref<128x64xf32, #tpu.memory_space<vmem>>
    %dma_wait3A_1955 = arith.constant 0 : i32
    %dma_wait3A_1956 = tpu.memref_slice %arg5[%dma_wait3A_1949, %dma_wait3A_1955] : memref<50x128xi32, #tpu.memory_space<vmem>> -> memref<1x128xi32, #tpu.memory_space<vmem>>
    %dma_wait3A_1957 = tpu.memref_squeeze %dma_wait3A_1956 : memref<1x128xi32, #tpu.memory_space<vmem>> -> memref<128xi32, #tpu.memory_space<vmem>>
    %dma_wait3A_1958 = arith.constant 0 : i32
    %dma_wait3A_1959 = arith.constant 0 : i32
    %dma_wait3A_1960 = tpu.memref_slice %arg3[%dma_wait3A_1958, %dma_wait3A_1959] : memref<1000000x64xf32, #tpu.memory_space<hbm>> -> memref<1000000x64xf32, #tpu.memory_space<hbm>>
    tpu.wait_indirect_dma semaphore(%arg7 : memref<!tpu.dma_semaphore, #tpu.memory_space<semaphore_mem>>) src(%dma_wait3A_1960 : memref<1000000x64xf32, #tpu.memory_space<hbm>>) dst(%dma_wait3A_1954 : memref<128x64xf32, #tpu.memory_space<vmem>>)
    %dma_start3A_1961 = arith.constant 3 : i32
    %dma_start3A_1962 = arith.constant 0 : i32
    %dma_start3A_1963 = arith.constant 0 : i32
    %dma_start3A_1964 = tpu.memref_slice %arg6[%dma_start3A_1961, %dma_start3A_1962, %dma_start3A_1963] : memref<4x128x64xf32, #tpu.memory_space<vmem>> -> memref<1x128x64xf32, #tpu.memory_space<vmem>>
    %dma_start3A_1965 = tpu.memref_squeeze %dma_start3A_1964 : memref<1x128x64xf32, #tpu.memory_space<vmem>> -> memref<128x64xf32, #tpu.memory_space<vmem>>
    %dma_start3A_1966 = arith.constant 2496 : i32
    %dma_start3A_1967 = tpu.memref_slice %arg4[%mul3A_2, %dma_start3A_1966] : memref<4096x3200xf32, #tpu.memory_space<hbm>> -> memref<128x64xf32, #tpu.memory_space<hbm>>
    %dma_start3A_1968 = arith.constant 2496 : i32
    %dma_start3A_1969 = tpu.memref_slice %arg4[%mul3A_2, %dma_start3A_1968] : memref<4096x3200xf32, #tpu.memory_space<hbm>> -> memref<128x64xf32, #tpu.memory_space<hbm>>
    %dma_start3A_1970 = arith.constant 0 : i32
    %dma_start3A_1971 = arith.constant 0 : i32
    %dma_start3A_1972 = tpu.memref_slice %arg6[%dma_start3A_1961, %dma_start3A_1970, %dma_start3A_1971] : memref<4x128x64xf32, #tpu.memory_space<vmem>> -> memref<1x128x64xf32, #tpu.memory_space<vmem>>
    %dma_start3A_1973 = tpu.memref_squeeze %dma_start3A_1972 : memref<1x128x64xf32, #tpu.memory_space<vmem>> -> memref<128x64xf32, #tpu.memory_space<vmem>>
    tpu.enqueue_dma source(%dma_start3A_1973 : memref<128x64xf32, #tpu.memory_space<vmem>>) target(%dma_start3A_1969 : memref<128x64xf32, #tpu.memory_space<hbm>>) target_semaphore(%arg8 : memref<!tpu.dma_semaphore, #tpu.memory_space<semaphore_mem>>)
    %dma_wait3A_1974 = arith.constant 1 : i32
    %dma_wait3A_1975 = arith.constant 0 : i32
    %dma_wait3A_1976 = arith.constant 0 : i32
    %dma_wait3A_1977 = tpu.memref_slice %arg6[%dma_wait3A_1974, %dma_wait3A_1975, %dma_wait3A_1976] : memref<4x128x64xf32, #tpu.memory_space<vmem>> -> memref<1x128x64xf32, #tpu.memory_space<vmem>>
    %dma_wait3A_1978 = tpu.memref_squeeze %dma_wait3A_1977 : memref<1x128x64xf32, #tpu.memory_space<vmem>> -> memref<128x64xf32, #tpu.memory_space<vmem>>
    %dma_wait3A_1979 = arith.constant 2368 : i32
    %dma_wait3A_1980 = tpu.memref_slice %arg4[%mul3A_2, %dma_wait3A_1979] : memref<4096x3200xf32, #tpu.memory_space<hbm>> -> memref<128x64xf32, #tpu.memory_space<hbm>>
    %dma_wait3A_1981 = arith.constant 2368 : i32
    %dma_wait3A_1982 = tpu.memref_slice %arg4[%mul3A_2, %dma_wait3A_1981] : memref<4096x3200xf32, #tpu.memory_space<hbm>> -> memref<128x64xf32, #tpu.memory_space<hbm>>
    %dma_wait3A_1983 = arith.constant 0 : i32
    %dma_wait3A_1984 = arith.constant 0 : i32
    %dma_wait3A_1985 = tpu.memref_slice %arg6[%dma_wait3A_1974, %dma_wait3A_1983, %dma_wait3A_1984] : memref<4x128x64xf32, #tpu.memory_space<vmem>> -> memref<1x128x64xf32, #tpu.memory_space<vmem>>
    %dma_wait3A_1986 = tpu.memref_squeeze %dma_wait3A_1985 : memref<1x128x64xf32, #tpu.memory_space<vmem>> -> memref<128x64xf32, #tpu.memory_space<vmem>>
    tpu.wait_dma2 semaphore(%arg8 : memref<!tpu.dma_semaphore, #tpu.memory_space<semaphore_mem>>) src(%dma_wait3A_1986 : memref<128x64xf32, #tpu.memory_space<vmem>>) dst(%dma_wait3A_1982 : memref<128x64xf32, #tpu.memory_space<hbm>>)
    %dma_start3A_1987 = arith.constant 41 : i32
    %dma_start3A_1988 = arith.constant 1 : i32
    %dma_start3A_1989 = arith.constant 0 : i32
    %dma_start3A_1990 = arith.constant 0 : i32
    %dma_start3A_1991 = tpu.memref_slice %arg6[%dma_start3A_1988, %dma_start3A_1989, %dma_start3A_1990] : memref<4x128x64xf32, #tpu.memory_space<vmem>> -> memref<1x128x64xf32, #tpu.memory_space<vmem>>
    %dma_start3A_1992 = tpu.memref_squeeze %dma_start3A_1991 : memref<1x128x64xf32, #tpu.memory_space<vmem>> -> memref<128x64xf32, #tpu.memory_space<vmem>>
    %dma_start3A_1993 = arith.constant 0 : i32
    %dma_start3A_1994 = tpu.memref_slice %arg5[%dma_start3A_1987, %dma_start3A_1993] : memref<50x128xi32, #tpu.memory_space<vmem>> -> memref<1x128xi32, #tpu.memory_space<vmem>>
    %dma_start3A_1995 = tpu.memref_squeeze %dma_start3A_1994 : memref<1x128xi32, #tpu.memory_space<vmem>> -> memref<128xi32, #tpu.memory_space<vmem>>
    %dma_start3A_1996 = arith.constant 0 : i32
    %dma_start3A_1997 = arith.constant 0 : i32
    %dma_start3A_1998 = tpu.memref_slice %arg3[%dma_start3A_1996, %dma_start3A_1997] : memref<1000000x64xf32, #tpu.memory_space<hbm>> -> memref<1000000x64xf32, #tpu.memory_space<hbm>>
    tpu.enqueue_indirect_dma source(%dma_start3A_1998 : memref<1000000x64xf32, #tpu.memory_space<hbm>>) target(%dma_start3A_1992 : memref<128x64xf32, #tpu.memory_space<vmem>>) offsets(%dma_start3A_1995 : memref<128xi32, #tpu.memory_space<vmem>>) semaphore(%arg7 : memref<!tpu.dma_semaphore, #tpu.memory_space<semaphore_mem>>)
    %dma_wait3A_1999 = arith.constant 40 : i32
    %dma_wait3A_2000 = arith.constant 0 : i32
    %dma_wait3A_2001 = arith.constant 0 : i32
    %dma_wait3A_2002 = arith.constant 0 : i32
    %dma_wait3A_2003 = tpu.memref_slice %arg6[%dma_wait3A_2000, %dma_wait3A_2001, %dma_wait3A_2002] : memref<4x128x64xf32, #tpu.memory_space<vmem>> -> memref<1x128x64xf32, #tpu.memory_space<vmem>>
    %dma_wait3A_2004 = tpu.memref_squeeze %dma_wait3A_2003 : memref<1x128x64xf32, #tpu.memory_space<vmem>> -> memref<128x64xf32, #tpu.memory_space<vmem>>
    %dma_wait3A_2005 = arith.constant 0 : i32
    %dma_wait3A_2006 = tpu.memref_slice %arg5[%dma_wait3A_1999, %dma_wait3A_2005] : memref<50x128xi32, #tpu.memory_space<vmem>> -> memref<1x128xi32, #tpu.memory_space<vmem>>
    %dma_wait3A_2007 = tpu.memref_squeeze %dma_wait3A_2006 : memref<1x128xi32, #tpu.memory_space<vmem>> -> memref<128xi32, #tpu.memory_space<vmem>>
    %dma_wait3A_2008 = arith.constant 0 : i32
    %dma_wait3A_2009 = arith.constant 0 : i32
    %dma_wait3A_2010 = tpu.memref_slice %arg3[%dma_wait3A_2008, %dma_wait3A_2009] : memref<1000000x64xf32, #tpu.memory_space<hbm>> -> memref<1000000x64xf32, #tpu.memory_space<hbm>>
    tpu.wait_indirect_dma semaphore(%arg7 : memref<!tpu.dma_semaphore, #tpu.memory_space<semaphore_mem>>) src(%dma_wait3A_2010 : memref<1000000x64xf32, #tpu.memory_space<hbm>>) dst(%dma_wait3A_2004 : memref<128x64xf32, #tpu.memory_space<vmem>>)
    %dma_start3A_2011 = arith.constant 0 : i32
    %dma_start3A_2012 = arith.constant 0 : i32
    %dma_start3A_2013 = arith.constant 0 : i32
    %dma_start3A_2014 = tpu.memref_slice %arg6[%dma_start3A_2011, %dma_start3A_2012, %dma_start3A_2013] : memref<4x128x64xf32, #tpu.memory_space<vmem>> -> memref<1x128x64xf32, #tpu.memory_space<vmem>>
    %dma_start3A_2015 = tpu.memref_squeeze %dma_start3A_2014 : memref<1x128x64xf32, #tpu.memory_space<vmem>> -> memref<128x64xf32, #tpu.memory_space<vmem>>
    %dma_start3A_2016 = arith.constant 2560 : i32
    %dma_start3A_2017 = tpu.memref_slice %arg4[%mul3A_2, %dma_start3A_2016] : memref<4096x3200xf32, #tpu.memory_space<hbm>> -> memref<128x64xf32, #tpu.memory_space<hbm>>
    %dma_start3A_2018 = arith.constant 2560 : i32
    %dma_start3A_2019 = tpu.memref_slice %arg4[%mul3A_2, %dma_start3A_2018] : memref<4096x3200xf32, #tpu.memory_space<hbm>> -> memref<128x64xf32, #tpu.memory_space<hbm>>
    %dma_start3A_2020 = arith.constant 0 : i32
    %dma_start3A_2021 = arith.constant 0 : i32
    %dma_start3A_2022 = tpu.memref_slice %arg6[%dma_start3A_2011, %dma_start3A_2020, %dma_start3A_2021] : memref<4x128x64xf32, #tpu.memory_space<vmem>> -> memref<1x128x64xf32, #tpu.memory_space<vmem>>
    %dma_start3A_2023 = tpu.memref_squeeze %dma_start3A_2022 : memref<1x128x64xf32, #tpu.memory_space<vmem>> -> memref<128x64xf32, #tpu.memory_space<vmem>>
    tpu.enqueue_dma source(%dma_start3A_2023 : memref<128x64xf32, #tpu.memory_space<vmem>>) target(%dma_start3A_2019 : memref<128x64xf32, #tpu.memory_space<hbm>>) target_semaphore(%arg8 : memref<!tpu.dma_semaphore, #tpu.memory_space<semaphore_mem>>)
    %dma_wait3A_2024 = arith.constant 2 : i32
    %dma_wait3A_2025 = arith.constant 0 : i32
    %dma_wait3A_2026 = arith.constant 0 : i32
    %dma_wait3A_2027 = tpu.memref_slice %arg6[%dma_wait3A_2024, %dma_wait3A_2025, %dma_wait3A_2026] : memref<4x128x64xf32, #tpu.memory_space<vmem>> -> memref<1x128x64xf32, #tpu.memory_space<vmem>>
    %dma_wait3A_2028 = tpu.memref_squeeze %dma_wait3A_2027 : memref<1x128x64xf32, #tpu.memory_space<vmem>> -> memref<128x64xf32, #tpu.memory_space<vmem>>
    %dma_wait3A_2029 = arith.constant 2432 : i32
    %dma_wait3A_2030 = tpu.memref_slice %arg4[%mul3A_2, %dma_wait3A_2029] : memref<4096x3200xf32, #tpu.memory_space<hbm>> -> memref<128x64xf32, #tpu.memory_space<hbm>>
    %dma_wait3A_2031 = arith.constant 2432 : i32
    %dma_wait3A_2032 = tpu.memref_slice %arg4[%mul3A_2, %dma_wait3A_2031] : memref<4096x3200xf32, #tpu.memory_space<hbm>> -> memref<128x64xf32, #tpu.memory_space<hbm>>
    %dma_wait3A_2033 = arith.constant 0 : i32
    %dma_wait3A_2034 = arith.constant 0 : i32
    %dma_wait3A_2035 = tpu.memref_slice %arg6[%dma_wait3A_2024, %dma_wait3A_2033, %dma_wait3A_2034] : memref<4x128x64xf32, #tpu.memory_space<vmem>> -> memref<1x128x64xf32, #tpu.memory_space<vmem>>
    %dma_wait3A_2036 = tpu.memref_squeeze %dma_wait3A_2035 : memref<1x128x64xf32, #tpu.memory_space<vmem>> -> memref<128x64xf32, #tpu.memory_space<vmem>>
    tpu.wait_dma2 semaphore(%arg8 : memref<!tpu.dma_semaphore, #tpu.memory_space<semaphore_mem>>) src(%dma_wait3A_2036 : memref<128x64xf32, #tpu.memory_space<vmem>>) dst(%dma_wait3A_2032 : memref<128x64xf32, #tpu.memory_space<hbm>>)
    %dma_start3A_2037 = arith.constant 42 : i32
    %dma_start3A_2038 = arith.constant 2 : i32
    %dma_start3A_2039 = arith.constant 0 : i32
    %dma_start3A_2040 = arith.constant 0 : i32
    %dma_start3A_2041 = tpu.memref_slice %arg6[%dma_start3A_2038, %dma_start3A_2039, %dma_start3A_2040] : memref<4x128x64xf32, #tpu.memory_space<vmem>> -> memref<1x128x64xf32, #tpu.memory_space<vmem>>
    %dma_start3A_2042 = tpu.memref_squeeze %dma_start3A_2041 : memref<1x128x64xf32, #tpu.memory_space<vmem>> -> memref<128x64xf32, #tpu.memory_space<vmem>>
    %dma_start3A_2043 = arith.constant 0 : i32
    %dma_start3A_2044 = tpu.memref_slice %arg5[%dma_start3A_2037, %dma_start3A_2043] : memref<50x128xi32, #tpu.memory_space<vmem>> -> memref<1x128xi32, #tpu.memory_space<vmem>>
    %dma_start3A_2045 = tpu.memref_squeeze %dma_start3A_2044 : memref<1x128xi32, #tpu.memory_space<vmem>> -> memref<128xi32, #tpu.memory_space<vmem>>
    %dma_start3A_2046 = arith.constant 0 : i32
    %dma_start3A_2047 = arith.constant 0 : i32
    %dma_start3A_2048 = tpu.memref_slice %arg3[%dma_start3A_2046, %dma_start3A_2047] : memref<1000000x64xf32, #tpu.memory_space<hbm>> -> memref<1000000x64xf32, #tpu.memory_space<hbm>>
    tpu.enqueue_indirect_dma source(%dma_start3A_2048 : memref<1000000x64xf32, #tpu.memory_space<hbm>>) target(%dma_start3A_2042 : memref<128x64xf32, #tpu.memory_space<vmem>>) offsets(%dma_start3A_2045 : memref<128xi32, #tpu.memory_space<vmem>>) semaphore(%arg7 : memref<!tpu.dma_semaphore, #tpu.memory_space<semaphore_mem>>)
    %dma_wait3A_2049 = arith.constant 41 : i32
    %dma_wait3A_2050 = arith.constant 1 : i32
    %dma_wait3A_2051 = arith.constant 0 : i32
    %dma_wait3A_2052 = arith.constant 0 : i32
    %dma_wait3A_2053 = tpu.memref_slice %arg6[%dma_wait3A_2050, %dma_wait3A_2051, %dma_wait3A_2052] : memref<4x128x64xf32, #tpu.memory_space<vmem>> -> memref<1x128x64xf32, #tpu.memory_space<vmem>>
    %dma_wait3A_2054 = tpu.memref_squeeze %dma_wait3A_2053 : memref<1x128x64xf32, #tpu.memory_space<vmem>> -> memref<128x64xf32, #tpu.memory_space<vmem>>
    %dma_wait3A_2055 = arith.constant 0 : i32
    %dma_wait3A_2056 = tpu.memref_slice %arg5[%dma_wait3A_2049, %dma_wait3A_2055] : memref<50x128xi32, #tpu.memory_space<vmem>> -> memref<1x128xi32, #tpu.memory_space<vmem>>
    %dma_wait3A_2057 = tpu.memref_squeeze %dma_wait3A_2056 : memref<1x128xi32, #tpu.memory_space<vmem>> -> memref<128xi32, #tpu.memory_space<vmem>>
    %dma_wait3A_2058 = arith.constant 0 : i32
    %dma_wait3A_2059 = arith.constant 0 : i32
    %dma_wait3A_2060 = tpu.memref_slice %arg3[%dma_wait3A_2058, %dma_wait3A_2059] : memref<1000000x64xf32, #tpu.memory_space<hbm>> -> memref<1000000x64xf32, #tpu.memory_space<hbm>>
    tpu.wait_indirect_dma semaphore(%arg7 : memref<!tpu.dma_semaphore, #tpu.memory_space<semaphore_mem>>) src(%dma_wait3A_2060 : memref<1000000x64xf32, #tpu.memory_space<hbm>>) dst(%dma_wait3A_2054 : memref<128x64xf32, #tpu.memory_space<vmem>>)
    %dma_start3A_2061 = arith.constant 1 : i32
    %dma_start3A_2062 = arith.constant 0 : i32
    %dma_start3A_2063 = arith.constant 0 : i32
    %dma_start3A_2064 = tpu.memref_slice %arg6[%dma_start3A_2061, %dma_start3A_2062, %dma_start3A_2063] : memref<4x128x64xf32, #tpu.memory_space<vmem>> -> memref<1x128x64xf32, #tpu.memory_space<vmem>>
    %dma_start3A_2065 = tpu.memref_squeeze %dma_start3A_2064 : memref<1x128x64xf32, #tpu.memory_space<vmem>> -> memref<128x64xf32, #tpu.memory_space<vmem>>
    %dma_start3A_2066 = arith.constant 2624 : i32
    %dma_start3A_2067 = tpu.memref_slice %arg4[%mul3A_2, %dma_start3A_2066] : memref<4096x3200xf32, #tpu.memory_space<hbm>> -> memref<128x64xf32, #tpu.memory_space<hbm>>
    %dma_start3A_2068 = arith.constant 2624 : i32
    %dma_start3A_2069 = tpu.memref_slice %arg4[%mul3A_2, %dma_start3A_2068] : memref<4096x3200xf32, #tpu.memory_space<hbm>> -> memref<128x64xf32, #tpu.memory_space<hbm>>
    %dma_start3A_2070 = arith.constant 0 : i32
    %dma_start3A_2071 = arith.constant 0 : i32
    %dma_start3A_2072 = tpu.memref_slice %arg6[%dma_start3A_2061, %dma_start3A_2070, %dma_start3A_2071] : memref<4x128x64xf32, #tpu.memory_space<vmem>> -> memref<1x128x64xf32, #tpu.memory_space<vmem>>
    %dma_start3A_2073 = tpu.memref_squeeze %dma_start3A_2072 : memref<1x128x64xf32, #tpu.memory_space<vmem>> -> memref<128x64xf32, #tpu.memory_space<vmem>>
    tpu.enqueue_dma source(%dma_start3A_2073 : memref<128x64xf32, #tpu.memory_space<vmem>>) target(%dma_start3A_2069 : memref<128x64xf32, #tpu.memory_space<hbm>>) target_semaphore(%arg8 : memref<!tpu.dma_semaphore, #tpu.memory_space<semaphore_mem>>)
    %dma_wait3A_2074 = arith.constant 3 : i32
    %dma_wait3A_2075 = arith.constant 0 : i32
    %dma_wait3A_2076 = arith.constant 0 : i32
    %dma_wait3A_2077 = tpu.memref_slice %arg6[%dma_wait3A_2074, %dma_wait3A_2075, %dma_wait3A_2076] : memref<4x128x64xf32, #tpu.memory_space<vmem>> -> memref<1x128x64xf32, #tpu.memory_space<vmem>>
    %dma_wait3A_2078 = tpu.memref_squeeze %dma_wait3A_2077 : memref<1x128x64xf32, #tpu.memory_space<vmem>> -> memref<128x64xf32, #tpu.memory_space<vmem>>
    %dma_wait3A_2079 = arith.constant 2496 : i32
    %dma_wait3A_2080 = tpu.memref_slice %arg4[%mul3A_2, %dma_wait3A_2079] : memref<4096x3200xf32, #tpu.memory_space<hbm>> -> memref<128x64xf32, #tpu.memory_space<hbm>>
    %dma_wait3A_2081 = arith.constant 2496 : i32
    %dma_wait3A_2082 = tpu.memref_slice %arg4[%mul3A_2, %dma_wait3A_2081] : memref<4096x3200xf32, #tpu.memory_space<hbm>> -> memref<128x64xf32, #tpu.memory_space<hbm>>
    %dma_wait3A_2083 = arith.constant 0 : i32
    %dma_wait3A_2084 = arith.constant 0 : i32
    %dma_wait3A_2085 = tpu.memref_slice %arg6[%dma_wait3A_2074, %dma_wait3A_2083, %dma_wait3A_2084] : memref<4x128x64xf32, #tpu.memory_space<vmem>> -> memref<1x128x64xf32, #tpu.memory_space<vmem>>
    %dma_wait3A_2086 = tpu.memref_squeeze %dma_wait3A_2085 : memref<1x128x64xf32, #tpu.memory_space<vmem>> -> memref<128x64xf32, #tpu.memory_space<vmem>>
    tpu.wait_dma2 semaphore(%arg8 : memref<!tpu.dma_semaphore, #tpu.memory_space<semaphore_mem>>) src(%dma_wait3A_2086 : memref<128x64xf32, #tpu.memory_space<vmem>>) dst(%dma_wait3A_2082 : memref<128x64xf32, #tpu.memory_space<hbm>>)
    %dma_start3A_2087 = arith.constant 43 : i32
    %dma_start3A_2088 = arith.constant 3 : i32
    %dma_start3A_2089 = arith.constant 0 : i32
    %dma_start3A_2090 = arith.constant 0 : i32
    %dma_start3A_2091 = tpu.memref_slice %arg6[%dma_start3A_2088, %dma_start3A_2089, %dma_start3A_2090] : memref<4x128x64xf32, #tpu.memory_space<vmem>> -> memref<1x128x64xf32, #tpu.memory_space<vmem>>
    %dma_start3A_2092 = tpu.memref_squeeze %dma_start3A_2091 : memref<1x128x64xf32, #tpu.memory_space<vmem>> -> memref<128x64xf32, #tpu.memory_space<vmem>>
    %dma_start3A_2093 = arith.constant 0 : i32
    %dma_start3A_2094 = tpu.memref_slice %arg5[%dma_start3A_2087, %dma_start3A_2093] : memref<50x128xi32, #tpu.memory_space<vmem>> -> memref<1x128xi32, #tpu.memory_space<vmem>>
    %dma_start3A_2095 = tpu.memref_squeeze %dma_start3A_2094 : memref<1x128xi32, #tpu.memory_space<vmem>> -> memref<128xi32, #tpu.memory_space<vmem>>
    %dma_start3A_2096 = arith.constant 0 : i32
    %dma_start3A_2097 = arith.constant 0 : i32
    %dma_start3A_2098 = tpu.memref_slice %arg3[%dma_start3A_2096, %dma_start3A_2097] : memref<1000000x64xf32, #tpu.memory_space<hbm>> -> memref<1000000x64xf32, #tpu.memory_space<hbm>>
    tpu.enqueue_indirect_dma source(%dma_start3A_2098 : memref<1000000x64xf32, #tpu.memory_space<hbm>>) target(%dma_start3A_2092 : memref<128x64xf32, #tpu.memory_space<vmem>>) offsets(%dma_start3A_2095 : memref<128xi32, #tpu.memory_space<vmem>>) semaphore(%arg7 : memref<!tpu.dma_semaphore, #tpu.memory_space<semaphore_mem>>)
    %dma_wait3A_2099 = arith.constant 42 : i32
    %dma_wait3A_2100 = arith.constant 2 : i32
    %dma_wait3A_2101 = arith.constant 0 : i32
    %dma_wait3A_2102 = arith.constant 0 : i32
    %dma_wait3A_2103 = tpu.memref_slice %arg6[%dma_wait3A_2100, %dma_wait3A_2101, %dma_wait3A_2102] : memref<4x128x64xf32, #tpu.memory_space<vmem>> -> memref<1x128x64xf32, #tpu.memory_space<vmem>>
    %dma_wait3A_2104 = tpu.memref_squeeze %dma_wait3A_2103 : memref<1x128x64xf32, #tpu.memory_space<vmem>> -> memref<128x64xf32, #tpu.memory_space<vmem>>
    %dma_wait3A_2105 = arith.constant 0 : i32
    %dma_wait3A_2106 = tpu.memref_slice %arg5[%dma_wait3A_2099, %dma_wait3A_2105] : memref<50x128xi32, #tpu.memory_space<vmem>> -> memref<1x128xi32, #tpu.memory_space<vmem>>
    %dma_wait3A_2107 = tpu.memref_squeeze %dma_wait3A_2106 : memref<1x128xi32, #tpu.memory_space<vmem>> -> memref<128xi32, #tpu.memory_space<vmem>>
    %dma_wait3A_2108 = arith.constant 0 : i32
    %dma_wait3A_2109 = arith.constant 0 : i32
    %dma_wait3A_2110 = tpu.memref_slice %arg3[%dma_wait3A_2108, %dma_wait3A_2109] : memref<1000000x64xf32, #tpu.memory_space<hbm>> -> memref<1000000x64xf32, #tpu.memory_space<hbm>>
    tpu.wait_indirect_dma semaphore(%arg7 : memref<!tpu.dma_semaphore, #tpu.memory_space<semaphore_mem>>) src(%dma_wait3A_2110 : memref<1000000x64xf32, #tpu.memory_space<hbm>>) dst(%dma_wait3A_2104 : memref<128x64xf32, #tpu.memory_space<vmem>>)
    %dma_start3A_2111 = arith.constant 2 : i32
    %dma_start3A_2112 = arith.constant 0 : i32
    %dma_start3A_2113 = arith.constant 0 : i32
    %dma_start3A_2114 = tpu.memref_slice %arg6[%dma_start3A_2111, %dma_start3A_2112, %dma_start3A_2113] : memref<4x128x64xf32, #tpu.memory_space<vmem>> -> memref<1x128x64xf32, #tpu.memory_space<vmem>>
    %dma_start3A_2115 = tpu.memref_squeeze %dma_start3A_2114 : memref<1x128x64xf32, #tpu.memory_space<vmem>> -> memref<128x64xf32, #tpu.memory_space<vmem>>
    %dma_start3A_2116 = arith.constant 2688 : i32
    %dma_start3A_2117 = tpu.memref_slice %arg4[%mul3A_2, %dma_start3A_2116] : memref<4096x3200xf32, #tpu.memory_space<hbm>> -> memref<128x64xf32, #tpu.memory_space<hbm>>
    %dma_start3A_2118 = arith.constant 2688 : i32
    %dma_start3A_2119 = tpu.memref_slice %arg4[%mul3A_2, %dma_start3A_2118] : memref<4096x3200xf32, #tpu.memory_space<hbm>> -> memref<128x64xf32, #tpu.memory_space<hbm>>
    %dma_start3A_2120 = arith.constant 0 : i32
    %dma_start3A_2121 = arith.constant 0 : i32
    %dma_start3A_2122 = tpu.memref_slice %arg6[%dma_start3A_2111, %dma_start3A_2120, %dma_start3A_2121] : memref<4x128x64xf32, #tpu.memory_space<vmem>> -> memref<1x128x64xf32, #tpu.memory_space<vmem>>
    %dma_start3A_2123 = tpu.memref_squeeze %dma_start3A_2122 : memref<1x128x64xf32, #tpu.memory_space<vmem>> -> memref<128x64xf32, #tpu.memory_space<vmem>>
    tpu.enqueue_dma source(%dma_start3A_2123 : memref<128x64xf32, #tpu.memory_space<vmem>>) target(%dma_start3A_2119 : memref<128x64xf32, #tpu.memory_space<hbm>>) target_semaphore(%arg8 : memref<!tpu.dma_semaphore, #tpu.memory_space<semaphore_mem>>)
    %dma_wait3A_2124 = arith.constant 0 : i32
    %dma_wait3A_2125 = arith.constant 0 : i32
    %dma_wait3A_2126 = arith.constant 0 : i32
    %dma_wait3A_2127 = tpu.memref_slice %arg6[%dma_wait3A_2124, %dma_wait3A_2125, %dma_wait3A_2126] : memref<4x128x64xf32, #tpu.memory_space<vmem>> -> memref<1x128x64xf32, #tpu.memory_space<vmem>>
    %dma_wait3A_2128 = tpu.memref_squeeze %dma_wait3A_2127 : memref<1x128x64xf32, #tpu.memory_space<vmem>> -> memref<128x64xf32, #tpu.memory_space<vmem>>
    %dma_wait3A_2129 = arith.constant 2560 : i32
    %dma_wait3A_2130 = tpu.memref_slice %arg4[%mul3A_2, %dma_wait3A_2129] : memref<4096x3200xf32, #tpu.memory_space<hbm>> -> memref<128x64xf32, #tpu.memory_space<hbm>>
    %dma_wait3A_2131 = arith.constant 2560 : i32
    %dma_wait3A_2132 = tpu.memref_slice %arg4[%mul3A_2, %dma_wait3A_2131] : memref<4096x3200xf32, #tpu.memory_space<hbm>> -> memref<128x64xf32, #tpu.memory_space<hbm>>
    %dma_wait3A_2133 = arith.constant 0 : i32
    %dma_wait3A_2134 = arith.constant 0 : i32
    %dma_wait3A_2135 = tpu.memref_slice %arg6[%dma_wait3A_2124, %dma_wait3A_2133, %dma_wait3A_2134] : memref<4x128x64xf32, #tpu.memory_space<vmem>> -> memref<1x128x64xf32, #tpu.memory_space<vmem>>
    %dma_wait3A_2136 = tpu.memref_squeeze %dma_wait3A_2135 : memref<1x128x64xf32, #tpu.memory_space<vmem>> -> memref<128x64xf32, #tpu.memory_space<vmem>>
    tpu.wait_dma2 semaphore(%arg8 : memref<!tpu.dma_semaphore, #tpu.memory_space<semaphore_mem>>) src(%dma_wait3A_2136 : memref<128x64xf32, #tpu.memory_space<vmem>>) dst(%dma_wait3A_2132 : memref<128x64xf32, #tpu.memory_space<hbm>>)
    %dma_start3A_2137 = arith.constant 44 : i32
    %dma_start3A_2138 = arith.constant 0 : i32
    %dma_start3A_2139 = arith.constant 0 : i32
    %dma_start3A_2140 = arith.constant 0 : i32
    %dma_start3A_2141 = tpu.memref_slice %arg6[%dma_start3A_2138, %dma_start3A_2139, %dma_start3A_2140] : memref<4x128x64xf32, #tpu.memory_space<vmem>> -> memref<1x128x64xf32, #tpu.memory_space<vmem>>
    %dma_start3A_2142 = tpu.memref_squeeze %dma_start3A_2141 : memref<1x128x64xf32, #tpu.memory_space<vmem>> -> memref<128x64xf32, #tpu.memory_space<vmem>>
    %dma_start3A_2143 = arith.constant 0 : i32
    %dma_start3A_2144 = tpu.memref_slice %arg5[%dma_start3A_2137, %dma_start3A_2143] : memref<50x128xi32, #tpu.memory_space<vmem>> -> memref<1x128xi32, #tpu.memory_space<vmem>>
    %dma_start3A_2145 = tpu.memref_squeeze %dma_start3A_2144 : memref<1x128xi32, #tpu.memory_space<vmem>> -> memref<128xi32, #tpu.memory_space<vmem>>
    %dma_start3A_2146 = arith.constant 0 : i32
    %dma_start3A_2147 = arith.constant 0 : i32
    %dma_start3A_2148 = tpu.memref_slice %arg3[%dma_start3A_2146, %dma_start3A_2147] : memref<1000000x64xf32, #tpu.memory_space<hbm>> -> memref<1000000x64xf32, #tpu.memory_space<hbm>>
    tpu.enqueue_indirect_dma source(%dma_start3A_2148 : memref<1000000x64xf32, #tpu.memory_space<hbm>>) target(%dma_start3A_2142 : memref<128x64xf32, #tpu.memory_space<vmem>>) offsets(%dma_start3A_2145 : memref<128xi32, #tpu.memory_space<vmem>>) semaphore(%arg7 : memref<!tpu.dma_semaphore, #tpu.memory_space<semaphore_mem>>)
    %dma_wait3A_2149 = arith.constant 43 : i32
    %dma_wait3A_2150 = arith.constant 3 : i32
    %dma_wait3A_2151 = arith.constant 0 : i32
    %dma_wait3A_2152 = arith.constant 0 : i32
    %dma_wait3A_2153 = tpu.memref_slice %arg6[%dma_wait3A_2150, %dma_wait3A_2151, %dma_wait3A_2152] : memref<4x128x64xf32, #tpu.memory_space<vmem>> -> memref<1x128x64xf32, #tpu.memory_space<vmem>>
    %dma_wait3A_2154 = tpu.memref_squeeze %dma_wait3A_2153 : memref<1x128x64xf32, #tpu.memory_space<vmem>> -> memref<128x64xf32, #tpu.memory_space<vmem>>
    %dma_wait3A_2155 = arith.constant 0 : i32
    %dma_wait3A_2156 = tpu.memref_slice %arg5[%dma_wait3A_2149, %dma_wait3A_2155] : memref<50x128xi32, #tpu.memory_space<vmem>> -> memref<1x128xi32, #tpu.memory_space<vmem>>
    %dma_wait3A_2157 = tpu.memref_squeeze %dma_wait3A_2156 : memref<1x128xi32, #tpu.memory_space<vmem>> -> memref<128xi32, #tpu.memory_space<vmem>>
    %dma_wait3A_2158 = arith.constant 0 : i32
    %dma_wait3A_2159 = arith.constant 0 : i32
    %dma_wait3A_2160 = tpu.memref_slice %arg3[%dma_wait3A_2158, %dma_wait3A_2159] : memref<1000000x64xf32, #tpu.memory_space<hbm>> -> memref<1000000x64xf32, #tpu.memory_space<hbm>>
    tpu.wait_indirect_dma semaphore(%arg7 : memref<!tpu.dma_semaphore, #tpu.memory_space<semaphore_mem>>) src(%dma_wait3A_2160 : memref<1000000x64xf32, #tpu.memory_space<hbm>>) dst(%dma_wait3A_2154 : memref<128x64xf32, #tpu.memory_space<vmem>>)
    %dma_start3A_2161 = arith.constant 3 : i32
    %dma_start3A_2162 = arith.constant 0 : i32
    %dma_start3A_2163 = arith.constant 0 : i32
    %dma_start3A_2164 = tpu.memref_slice %arg6[%dma_start3A_2161, %dma_start3A_2162, %dma_start3A_2163] : memref<4x128x64xf32, #tpu.memory_space<vmem>> -> memref<1x128x64xf32, #tpu.memory_space<vmem>>
    %dma_start3A_2165 = tpu.memref_squeeze %dma_start3A_2164 : memref<1x128x64xf32, #tpu.memory_space<vmem>> -> memref<128x64xf32, #tpu.memory_space<vmem>>
    %dma_start3A_2166 = arith.constant 2752 : i32
    %dma_start3A_2167 = tpu.memref_slice %arg4[%mul3A_2, %dma_start3A_2166] : memref<4096x3200xf32, #tpu.memory_space<hbm>> -> memref<128x64xf32, #tpu.memory_space<hbm>>
    %dma_start3A_2168 = arith.constant 2752 : i32
    %dma_start3A_2169 = tpu.memref_slice %arg4[%mul3A_2, %dma_start3A_2168] : memref<4096x3200xf32, #tpu.memory_space<hbm>> -> memref<128x64xf32, #tpu.memory_space<hbm>>
    %dma_start3A_2170 = arith.constant 0 : i32
    %dma_start3A_2171 = arith.constant 0 : i32
    %dma_start3A_2172 = tpu.memref_slice %arg6[%dma_start3A_2161, %dma_start3A_2170, %dma_start3A_2171] : memref<4x128x64xf32, #tpu.memory_space<vmem>> -> memref<1x128x64xf32, #tpu.memory_space<vmem>>
    %dma_start3A_2173 = tpu.memref_squeeze %dma_start3A_2172 : memref<1x128x64xf32, #tpu.memory_space<vmem>> -> memref<128x64xf32, #tpu.memory_space<vmem>>
    tpu.enqueue_dma source(%dma_start3A_2173 : memref<128x64xf32, #tpu.memory_space<vmem>>) target(%dma_start3A_2169 : memref<128x64xf32, #tpu.memory_space<hbm>>) target_semaphore(%arg8 : memref<!tpu.dma_semaphore, #tpu.memory_space<semaphore_mem>>)
    %dma_wait3A_2174 = arith.constant 1 : i32
    %dma_wait3A_2175 = arith.constant 0 : i32
    %dma_wait3A_2176 = arith.constant 0 : i32
    %dma_wait3A_2177 = tpu.memref_slice %arg6[%dma_wait3A_2174, %dma_wait3A_2175, %dma_wait3A_2176] : memref<4x128x64xf32, #tpu.memory_space<vmem>> -> memref<1x128x64xf32, #tpu.memory_space<vmem>>
    %dma_wait3A_2178 = tpu.memref_squeeze %dma_wait3A_2177 : memref<1x128x64xf32, #tpu.memory_space<vmem>> -> memref<128x64xf32, #tpu.memory_space<vmem>>
    %dma_wait3A_2179 = arith.constant 2624 : i32
    %dma_wait3A_2180 = tpu.memref_slice %arg4[%mul3A_2, %dma_wait3A_2179] : memref<4096x3200xf32, #tpu.memory_space<hbm>> -> memref<128x64xf32, #tpu.memory_space<hbm>>
    %dma_wait3A_2181 = arith.constant 2624 : i32
    %dma_wait3A_2182 = tpu.memref_slice %arg4[%mul3A_2, %dma_wait3A_2181] : memref<4096x3200xf32, #tpu.memory_space<hbm>> -> memref<128x64xf32, #tpu.memory_space<hbm>>
    %dma_wait3A_2183 = arith.constant 0 : i32
    %dma_wait3A_2184 = arith.constant 0 : i32
    %dma_wait3A_2185 = tpu.memref_slice %arg6[%dma_wait3A_2174, %dma_wait3A_2183, %dma_wait3A_2184] : memref<4x128x64xf32, #tpu.memory_space<vmem>> -> memref<1x128x64xf32, #tpu.memory_space<vmem>>
    %dma_wait3A_2186 = tpu.memref_squeeze %dma_wait3A_2185 : memref<1x128x64xf32, #tpu.memory_space<vmem>> -> memref<128x64xf32, #tpu.memory_space<vmem>>
    tpu.wait_dma2 semaphore(%arg8 : memref<!tpu.dma_semaphore, #tpu.memory_space<semaphore_mem>>) src(%dma_wait3A_2186 : memref<128x64xf32, #tpu.memory_space<vmem>>) dst(%dma_wait3A_2182 : memref<128x64xf32, #tpu.memory_space<hbm>>)
    %dma_start3A_2187 = arith.constant 45 : i32
    %dma_start3A_2188 = arith.constant 1 : i32
    %dma_start3A_2189 = arith.constant 0 : i32
    %dma_start3A_2190 = arith.constant 0 : i32
    %dma_start3A_2191 = tpu.memref_slice %arg6[%dma_start3A_2188, %dma_start3A_2189, %dma_start3A_2190] : memref<4x128x64xf32, #tpu.memory_space<vmem>> -> memref<1x128x64xf32, #tpu.memory_space<vmem>>
    %dma_start3A_2192 = tpu.memref_squeeze %dma_start3A_2191 : memref<1x128x64xf32, #tpu.memory_space<vmem>> -> memref<128x64xf32, #tpu.memory_space<vmem>>
    %dma_start3A_2193 = arith.constant 0 : i32
    %dma_start3A_2194 = tpu.memref_slice %arg5[%dma_start3A_2187, %dma_start3A_2193] : memref<50x128xi32, #tpu.memory_space<vmem>> -> memref<1x128xi32, #tpu.memory_space<vmem>>
    %dma_start3A_2195 = tpu.memref_squeeze %dma_start3A_2194 : memref<1x128xi32, #tpu.memory_space<vmem>> -> memref<128xi32, #tpu.memory_space<vmem>>
    %dma_start3A_2196 = arith.constant 0 : i32
    %dma_start3A_2197 = arith.constant 0 : i32
    %dma_start3A_2198 = tpu.memref_slice %arg3[%dma_start3A_2196, %dma_start3A_2197] : memref<1000000x64xf32, #tpu.memory_space<hbm>> -> memref<1000000x64xf32, #tpu.memory_space<hbm>>
    tpu.enqueue_indirect_dma source(%dma_start3A_2198 : memref<1000000x64xf32, #tpu.memory_space<hbm>>) target(%dma_start3A_2192 : memref<128x64xf32, #tpu.memory_space<vmem>>) offsets(%dma_start3A_2195 : memref<128xi32, #tpu.memory_space<vmem>>) semaphore(%arg7 : memref<!tpu.dma_semaphore, #tpu.memory_space<semaphore_mem>>)
    %dma_wait3A_2199 = arith.constant 44 : i32
    %dma_wait3A_2200 = arith.constant 0 : i32
    %dma_wait3A_2201 = arith.constant 0 : i32
    %dma_wait3A_2202 = arith.constant 0 : i32
    %dma_wait3A_2203 = tpu.memref_slice %arg6[%dma_wait3A_2200, %dma_wait3A_2201, %dma_wait3A_2202] : memref<4x128x64xf32, #tpu.memory_space<vmem>> -> memref<1x128x64xf32, #tpu.memory_space<vmem>>
    %dma_wait3A_2204 = tpu.memref_squeeze %dma_wait3A_2203 : memref<1x128x64xf32, #tpu.memory_space<vmem>> -> memref<128x64xf32, #tpu.memory_space<vmem>>
    %dma_wait3A_2205 = arith.constant 0 : i32
    %dma_wait3A_2206 = tpu.memref_slice %arg5[%dma_wait3A_2199, %dma_wait3A_2205] : memref<50x128xi32, #tpu.memory_space<vmem>> -> memref<1x128xi32, #tpu.memory_space<vmem>>
    %dma_wait3A_2207 = tpu.memref_squeeze %dma_wait3A_2206 : memref<1x128xi32, #tpu.memory_space<vmem>> -> memref<128xi32, #tpu.memory_space<vmem>>
    %dma_wait3A_2208 = arith.constant 0 : i32
    %dma_wait3A_2209 = arith.constant 0 : i32
    %dma_wait3A_2210 = tpu.memref_slice %arg3[%dma_wait3A_2208, %dma_wait3A_2209] : memref<1000000x64xf32, #tpu.memory_space<hbm>> -> memref<1000000x64xf32, #tpu.memory_space<hbm>>
    tpu.wait_indirect_dma semaphore(%arg7 : memref<!tpu.dma_semaphore, #tpu.memory_space<semaphore_mem>>) src(%dma_wait3A_2210 : memref<1000000x64xf32, #tpu.memory_space<hbm>>) dst(%dma_wait3A_2204 : memref<128x64xf32, #tpu.memory_space<vmem>>)
    %dma_start3A_2211 = arith.constant 0 : i32
    %dma_start3A_2212 = arith.constant 0 : i32
    %dma_start3A_2213 = arith.constant 0 : i32
    %dma_start3A_2214 = tpu.memref_slice %arg6[%dma_start3A_2211, %dma_start3A_2212, %dma_start3A_2213] : memref<4x128x64xf32, #tpu.memory_space<vmem>> -> memref<1x128x64xf32, #tpu.memory_space<vmem>>
    %dma_start3A_2215 = tpu.memref_squeeze %dma_start3A_2214 : memref<1x128x64xf32, #tpu.memory_space<vmem>> -> memref<128x64xf32, #tpu.memory_space<vmem>>
    %dma_start3A_2216 = arith.constant 2816 : i32
    %dma_start3A_2217 = tpu.memref_slice %arg4[%mul3A_2, %dma_start3A_2216] : memref<4096x3200xf32, #tpu.memory_space<hbm>> -> memref<128x64xf32, #tpu.memory_space<hbm>>
    %dma_start3A_2218 = arith.constant 2816 : i32
    %dma_start3A_2219 = tpu.memref_slice %arg4[%mul3A_2, %dma_start3A_2218] : memref<4096x3200xf32, #tpu.memory_space<hbm>> -> memref<128x64xf32, #tpu.memory_space<hbm>>
    %dma_start3A_2220 = arith.constant 0 : i32
    %dma_start3A_2221 = arith.constant 0 : i32
    %dma_start3A_2222 = tpu.memref_slice %arg6[%dma_start3A_2211, %dma_start3A_2220, %dma_start3A_2221] : memref<4x128x64xf32, #tpu.memory_space<vmem>> -> memref<1x128x64xf32, #tpu.memory_space<vmem>>
    %dma_start3A_2223 = tpu.memref_squeeze %dma_start3A_2222 : memref<1x128x64xf32, #tpu.memory_space<vmem>> -> memref<128x64xf32, #tpu.memory_space<vmem>>
    tpu.enqueue_dma source(%dma_start3A_2223 : memref<128x64xf32, #tpu.memory_space<vmem>>) target(%dma_start3A_2219 : memref<128x64xf32, #tpu.memory_space<hbm>>) target_semaphore(%arg8 : memref<!tpu.dma_semaphore, #tpu.memory_space<semaphore_mem>>)
    %dma_wait3A_2224 = arith.constant 2 : i32
    %dma_wait3A_2225 = arith.constant 0 : i32
    %dma_wait3A_2226 = arith.constant 0 : i32
    %dma_wait3A_2227 = tpu.memref_slice %arg6[%dma_wait3A_2224, %dma_wait3A_2225, %dma_wait3A_2226] : memref<4x128x64xf32, #tpu.memory_space<vmem>> -> memref<1x128x64xf32, #tpu.memory_space<vmem>>
    %dma_wait3A_2228 = tpu.memref_squeeze %dma_wait3A_2227 : memref<1x128x64xf32, #tpu.memory_space<vmem>> -> memref<128x64xf32, #tpu.memory_space<vmem>>
    %dma_wait3A_2229 = arith.constant 2688 : i32
    %dma_wait3A_2230 = tpu.memref_slice %arg4[%mul3A_2, %dma_wait3A_2229] : memref<4096x3200xf32, #tpu.memory_space<hbm>> -> memref<128x64xf32, #tpu.memory_space<hbm>>
    %dma_wait3A_2231 = arith.constant 2688 : i32
    %dma_wait3A_2232 = tpu.memref_slice %arg4[%mul3A_2, %dma_wait3A_2231] : memref<4096x3200xf32, #tpu.memory_space<hbm>> -> memref<128x64xf32, #tpu.memory_space<hbm>>
    %dma_wait3A_2233 = arith.constant 0 : i32
    %dma_wait3A_2234 = arith.constant 0 : i32
    %dma_wait3A_2235 = tpu.memref_slice %arg6[%dma_wait3A_2224, %dma_wait3A_2233, %dma_wait3A_2234] : memref<4x128x64xf32, #tpu.memory_space<vmem>> -> memref<1x128x64xf32, #tpu.memory_space<vmem>>
    %dma_wait3A_2236 = tpu.memref_squeeze %dma_wait3A_2235 : memref<1x128x64xf32, #tpu.memory_space<vmem>> -> memref<128x64xf32, #tpu.memory_space<vmem>>
    tpu.wait_dma2 semaphore(%arg8 : memref<!tpu.dma_semaphore, #tpu.memory_space<semaphore_mem>>) src(%dma_wait3A_2236 : memref<128x64xf32, #tpu.memory_space<vmem>>) dst(%dma_wait3A_2232 : memref<128x64xf32, #tpu.memory_space<hbm>>)
    %dma_start3A_2237 = arith.constant 46 : i32
    %dma_start3A_2238 = arith.constant 2 : i32
    %dma_start3A_2239 = arith.constant 0 : i32
    %dma_start3A_2240 = arith.constant 0 : i32
    %dma_start3A_2241 = tpu.memref_slice %arg6[%dma_start3A_2238, %dma_start3A_2239, %dma_start3A_2240] : memref<4x128x64xf32, #tpu.memory_space<vmem>> -> memref<1x128x64xf32, #tpu.memory_space<vmem>>
    %dma_start3A_2242 = tpu.memref_squeeze %dma_start3A_2241 : memref<1x128x64xf32, #tpu.memory_space<vmem>> -> memref<128x64xf32, #tpu.memory_space<vmem>>
    %dma_start3A_2243 = arith.constant 0 : i32
    %dma_start3A_2244 = tpu.memref_slice %arg5[%dma_start3A_2237, %dma_start3A_2243] : memref<50x128xi32, #tpu.memory_space<vmem>> -> memref<1x128xi32, #tpu.memory_space<vmem>>
    %dma_start3A_2245 = tpu.memref_squeeze %dma_start3A_2244 : memref<1x128xi32, #tpu.memory_space<vmem>> -> memref<128xi32, #tpu.memory_space<vmem>>
    %dma_start3A_2246 = arith.constant 0 : i32
    %dma_start3A_2247 = arith.constant 0 : i32
    %dma_start3A_2248 = tpu.memref_slice %arg3[%dma_start3A_2246, %dma_start3A_2247] : memref<1000000x64xf32, #tpu.memory_space<hbm>> -> memref<1000000x64xf32, #tpu.memory_space<hbm>>
    tpu.enqueue_indirect_dma source(%dma_start3A_2248 : memref<1000000x64xf32, #tpu.memory_space<hbm>>) target(%dma_start3A_2242 : memref<128x64xf32, #tpu.memory_space<vmem>>) offsets(%dma_start3A_2245 : memref<128xi32, #tpu.memory_space<vmem>>) semaphore(%arg7 : memref<!tpu.dma_semaphore, #tpu.memory_space<semaphore_mem>>)
    %dma_wait3A_2249 = arith.constant 45 : i32
    %dma_wait3A_2250 = arith.constant 1 : i32
    %dma_wait3A_2251 = arith.constant 0 : i32
    %dma_wait3A_2252 = arith.constant 0 : i32
    %dma_wait3A_2253 = tpu.memref_slice %arg6[%dma_wait3A_2250, %dma_wait3A_2251, %dma_wait3A_2252] : memref<4x128x64xf32, #tpu.memory_space<vmem>> -> memref<1x128x64xf32, #tpu.memory_space<vmem>>
    %dma_wait3A_2254 = tpu.memref_squeeze %dma_wait3A_2253 : memref<1x128x64xf32, #tpu.memory_space<vmem>> -> memref<128x64xf32, #tpu.memory_space<vmem>>
    %dma_wait3A_2255 = arith.constant 0 : i32
    %dma_wait3A_2256 = tpu.memref_slice %arg5[%dma_wait3A_2249, %dma_wait3A_2255] : memref<50x128xi32, #tpu.memory_space<vmem>> -> memref<1x128xi32, #tpu.memory_space<vmem>>
    %dma_wait3A_2257 = tpu.memref_squeeze %dma_wait3A_2256 : memref<1x128xi32, #tpu.memory_space<vmem>> -> memref<128xi32, #tpu.memory_space<vmem>>
    %dma_wait3A_2258 = arith.constant 0 : i32
    %dma_wait3A_2259 = arith.constant 0 : i32
    %dma_wait3A_2260 = tpu.memref_slice %arg3[%dma_wait3A_2258, %dma_wait3A_2259] : memref<1000000x64xf32, #tpu.memory_space<hbm>> -> memref<1000000x64xf32, #tpu.memory_space<hbm>>
    tpu.wait_indirect_dma semaphore(%arg7 : memref<!tpu.dma_semaphore, #tpu.memory_space<semaphore_mem>>) src(%dma_wait3A_2260 : memref<1000000x64xf32, #tpu.memory_space<hbm>>) dst(%dma_wait3A_2254 : memref<128x64xf32, #tpu.memory_space<vmem>>)
    %dma_start3A_2261 = arith.constant 1 : i32
    %dma_start3A_2262 = arith.constant 0 : i32
    %dma_start3A_2263 = arith.constant 0 : i32
    %dma_start3A_2264 = tpu.memref_slice %arg6[%dma_start3A_2261, %dma_start3A_2262, %dma_start3A_2263] : memref<4x128x64xf32, #tpu.memory_space<vmem>> -> memref<1x128x64xf32, #tpu.memory_space<vmem>>
    %dma_start3A_2265 = tpu.memref_squeeze %dma_start3A_2264 : memref<1x128x64xf32, #tpu.memory_space<vmem>> -> memref<128x64xf32, #tpu.memory_space<vmem>>
    %dma_start3A_2266 = arith.constant 2880 : i32
    %dma_start3A_2267 = tpu.memref_slice %arg4[%mul3A_2, %dma_start3A_2266] : memref<4096x3200xf32, #tpu.memory_space<hbm>> -> memref<128x64xf32, #tpu.memory_space<hbm>>
    %dma_start3A_2268 = arith.constant 2880 : i32
    %dma_start3A_2269 = tpu.memref_slice %arg4[%mul3A_2, %dma_start3A_2268] : memref<4096x3200xf32, #tpu.memory_space<hbm>> -> memref<128x64xf32, #tpu.memory_space<hbm>>
    %dma_start3A_2270 = arith.constant 0 : i32
    %dma_start3A_2271 = arith.constant 0 : i32
    %dma_start3A_2272 = tpu.memref_slice %arg6[%dma_start3A_2261, %dma_start3A_2270, %dma_start3A_2271] : memref<4x128x64xf32, #tpu.memory_space<vmem>> -> memref<1x128x64xf32, #tpu.memory_space<vmem>>
    %dma_start3A_2273 = tpu.memref_squeeze %dma_start3A_2272 : memref<1x128x64xf32, #tpu.memory_space<vmem>> -> memref<128x64xf32, #tpu.memory_space<vmem>>
    tpu.enqueue_dma source(%dma_start3A_2273 : memref<128x64xf32, #tpu.memory_space<vmem>>) target(%dma_start3A_2269 : memref<128x64xf32, #tpu.memory_space<hbm>>) target_semaphore(%arg8 : memref<!tpu.dma_semaphore, #tpu.memory_space<semaphore_mem>>)
    %dma_wait3A_2274 = arith.constant 3 : i32
    %dma_wait3A_2275 = arith.constant 0 : i32
    %dma_wait3A_2276 = arith.constant 0 : i32
    %dma_wait3A_2277 = tpu.memref_slice %arg6[%dma_wait3A_2274, %dma_wait3A_2275, %dma_wait3A_2276] : memref<4x128x64xf32, #tpu.memory_space<vmem>> -> memref<1x128x64xf32, #tpu.memory_space<vmem>>
    %dma_wait3A_2278 = tpu.memref_squeeze %dma_wait3A_2277 : memref<1x128x64xf32, #tpu.memory_space<vmem>> -> memref<128x64xf32, #tpu.memory_space<vmem>>
    %dma_wait3A_2279 = arith.constant 2752 : i32
    %dma_wait3A_2280 = tpu.memref_slice %arg4[%mul3A_2, %dma_wait3A_2279] : memref<4096x3200xf32, #tpu.memory_space<hbm>> -> memref<128x64xf32, #tpu.memory_space<hbm>>
    %dma_wait3A_2281 = arith.constant 2752 : i32
    %dma_wait3A_2282 = tpu.memref_slice %arg4[%mul3A_2, %dma_wait3A_2281] : memref<4096x3200xf32, #tpu.memory_space<hbm>> -> memref<128x64xf32, #tpu.memory_space<hbm>>
    %dma_wait3A_2283 = arith.constant 0 : i32
    %dma_wait3A_2284 = arith.constant 0 : i32
    %dma_wait3A_2285 = tpu.memref_slice %arg6[%dma_wait3A_2274, %dma_wait3A_2283, %dma_wait3A_2284] : memref<4x128x64xf32, #tpu.memory_space<vmem>> -> memref<1x128x64xf32, #tpu.memory_space<vmem>>
    %dma_wait3A_2286 = tpu.memref_squeeze %dma_wait3A_2285 : memref<1x128x64xf32, #tpu.memory_space<vmem>> -> memref<128x64xf32, #tpu.memory_space<vmem>>
    tpu.wait_dma2 semaphore(%arg8 : memref<!tpu.dma_semaphore, #tpu.memory_space<semaphore_mem>>) src(%dma_wait3A_2286 : memref<128x64xf32, #tpu.memory_space<vmem>>) dst(%dma_wait3A_2282 : memref<128x64xf32, #tpu.memory_space<hbm>>)
    %dma_start3A_2287 = arith.constant 47 : i32
    %dma_start3A_2288 = arith.constant 3 : i32
    %dma_start3A_2289 = arith.constant 0 : i32
    %dma_start3A_2290 = arith.constant 0 : i32
    %dma_start3A_2291 = tpu.memref_slice %arg6[%dma_start3A_2288, %dma_start3A_2289, %dma_start3A_2290] : memref<4x128x64xf32, #tpu.memory_space<vmem>> -> memref<1x128x64xf32, #tpu.memory_space<vmem>>
    %dma_start3A_2292 = tpu.memref_squeeze %dma_start3A_2291 : memref<1x128x64xf32, #tpu.memory_space<vmem>> -> memref<128x64xf32, #tpu.memory_space<vmem>>
    %dma_start3A_2293 = arith.constant 0 : i32
    %dma_start3A_2294 = tpu.memref_slice %arg5[%dma_start3A_2287, %dma_start3A_2293] : memref<50x128xi32, #tpu.memory_space<vmem>> -> memref<1x128xi32, #tpu.memory_space<vmem>>
    %dma_start3A_2295 = tpu.memref_squeeze %dma_start3A_2294 : memref<1x128xi32, #tpu.memory_space<vmem>> -> memref<128xi32, #tpu.memory_space<vmem>>
    %dma_start3A_2296 = arith.constant 0 : i32
    %dma_start3A_2297 = arith.constant 0 : i32
    %dma_start3A_2298 = tpu.memref_slice %arg3[%dma_start3A_2296, %dma_start3A_2297] : memref<1000000x64xf32, #tpu.memory_space<hbm>> -> memref<1000000x64xf32, #tpu.memory_space<hbm>>
    tpu.enqueue_indirect_dma source(%dma_start3A_2298 : memref<1000000x64xf32, #tpu.memory_space<hbm>>) target(%dma_start3A_2292 : memref<128x64xf32, #tpu.memory_space<vmem>>) offsets(%dma_start3A_2295 : memref<128xi32, #tpu.memory_space<vmem>>) semaphore(%arg7 : memref<!tpu.dma_semaphore, #tpu.memory_space<semaphore_mem>>)
    %dma_wait3A_2299 = arith.constant 46 : i32
    %dma_wait3A_2300 = arith.constant 2 : i32
    %dma_wait3A_2301 = arith.constant 0 : i32
    %dma_wait3A_2302 = arith.constant 0 : i32
    %dma_wait3A_2303 = tpu.memref_slice %arg6[%dma_wait3A_2300, %dma_wait3A_2301, %dma_wait3A_2302] : memref<4x128x64xf32, #tpu.memory_space<vmem>> -> memref<1x128x64xf32, #tpu.memory_space<vmem>>
    %dma_wait3A_2304 = tpu.memref_squeeze %dma_wait3A_2303 : memref<1x128x64xf32, #tpu.memory_space<vmem>> -> memref<128x64xf32, #tpu.memory_space<vmem>>
    %dma_wait3A_2305 = arith.constant 0 : i32
    %dma_wait3A_2306 = tpu.memref_slice %arg5[%dma_wait3A_2299, %dma_wait3A_2305] : memref<50x128xi32, #tpu.memory_space<vmem>> -> memref<1x128xi32, #tpu.memory_space<vmem>>
    %dma_wait3A_2307 = tpu.memref_squeeze %dma_wait3A_2306 : memref<1x128xi32, #tpu.memory_space<vmem>> -> memref<128xi32, #tpu.memory_space<vmem>>
    %dma_wait3A_2308 = arith.constant 0 : i32
    %dma_wait3A_2309 = arith.constant 0 : i32
    %dma_wait3A_2310 = tpu.memref_slice %arg3[%dma_wait3A_2308, %dma_wait3A_2309] : memref<1000000x64xf32, #tpu.memory_space<hbm>> -> memref<1000000x64xf32, #tpu.memory_space<hbm>>
    tpu.wait_indirect_dma semaphore(%arg7 : memref<!tpu.dma_semaphore, #tpu.memory_space<semaphore_mem>>) src(%dma_wait3A_2310 : memref<1000000x64xf32, #tpu.memory_space<hbm>>) dst(%dma_wait3A_2304 : memref<128x64xf32, #tpu.memory_space<vmem>>)
    %dma_start3A_2311 = arith.constant 2 : i32
    %dma_start3A_2312 = arith.constant 0 : i32
    %dma_start3A_2313 = arith.constant 0 : i32
    %dma_start3A_2314 = tpu.memref_slice %arg6[%dma_start3A_2311, %dma_start3A_2312, %dma_start3A_2313] : memref<4x128x64xf32, #tpu.memory_space<vmem>> -> memref<1x128x64xf32, #tpu.memory_space<vmem>>
    %dma_start3A_2315 = tpu.memref_squeeze %dma_start3A_2314 : memref<1x128x64xf32, #tpu.memory_space<vmem>> -> memref<128x64xf32, #tpu.memory_space<vmem>>
    %dma_start3A_2316 = arith.constant 2944 : i32
    %dma_start3A_2317 = tpu.memref_slice %arg4[%mul3A_2, %dma_start3A_2316] : memref<4096x3200xf32, #tpu.memory_space<hbm>> -> memref<128x64xf32, #tpu.memory_space<hbm>>
    %dma_start3A_2318 = arith.constant 2944 : i32
    %dma_start3A_2319 = tpu.memref_slice %arg4[%mul3A_2, %dma_start3A_2318] : memref<4096x3200xf32, #tpu.memory_space<hbm>> -> memref<128x64xf32, #tpu.memory_space<hbm>>
    %dma_start3A_2320 = arith.constant 0 : i32
    %dma_start3A_2321 = arith.constant 0 : i32
    %dma_start3A_2322 = tpu.memref_slice %arg6[%dma_start3A_2311, %dma_start3A_2320, %dma_start3A_2321] : memref<4x128x64xf32, #tpu.memory_space<vmem>> -> memref<1x128x64xf32, #tpu.memory_space<vmem>>
    %dma_start3A_2323 = tpu.memref_squeeze %dma_start3A_2322 : memref<1x128x64xf32, #tpu.memory_space<vmem>> -> memref<128x64xf32, #tpu.memory_space<vmem>>
    tpu.enqueue_dma source(%dma_start3A_2323 : memref<128x64xf32, #tpu.memory_space<vmem>>) target(%dma_start3A_2319 : memref<128x64xf32, #tpu.memory_space<hbm>>) target_semaphore(%arg8 : memref<!tpu.dma_semaphore, #tpu.memory_space<semaphore_mem>>)
    %dma_wait3A_2324 = arith.constant 0 : i32
    %dma_wait3A_2325 = arith.constant 0 : i32
    %dma_wait3A_2326 = arith.constant 0 : i32
    %dma_wait3A_2327 = tpu.memref_slice %arg6[%dma_wait3A_2324, %dma_wait3A_2325, %dma_wait3A_2326] : memref<4x128x64xf32, #tpu.memory_space<vmem>> -> memref<1x128x64xf32, #tpu.memory_space<vmem>>
    %dma_wait3A_2328 = tpu.memref_squeeze %dma_wait3A_2327 : memref<1x128x64xf32, #tpu.memory_space<vmem>> -> memref<128x64xf32, #tpu.memory_space<vmem>>
    %dma_wait3A_2329 = arith.constant 2816 : i32
    %dma_wait3A_2330 = tpu.memref_slice %arg4[%mul3A_2, %dma_wait3A_2329] : memref<4096x3200xf32, #tpu.memory_space<hbm>> -> memref<128x64xf32, #tpu.memory_space<hbm>>
    %dma_wait3A_2331 = arith.constant 2816 : i32
    %dma_wait3A_2332 = tpu.memref_slice %arg4[%mul3A_2, %dma_wait3A_2331] : memref<4096x3200xf32, #tpu.memory_space<hbm>> -> memref<128x64xf32, #tpu.memory_space<hbm>>
    %dma_wait3A_2333 = arith.constant 0 : i32
    %dma_wait3A_2334 = arith.constant 0 : i32
    %dma_wait3A_2335 = tpu.memref_slice %arg6[%dma_wait3A_2324, %dma_wait3A_2333, %dma_wait3A_2334] : memref<4x128x64xf32, #tpu.memory_space<vmem>> -> memref<1x128x64xf32, #tpu.memory_space<vmem>>
    %dma_wait3A_2336 = tpu.memref_squeeze %dma_wait3A_2335 : memref<1x128x64xf32, #tpu.memory_space<vmem>> -> memref<128x64xf32, #tpu.memory_space<vmem>>
    tpu.wait_dma2 semaphore(%arg8 : memref<!tpu.dma_semaphore, #tpu.memory_space<semaphore_mem>>) src(%dma_wait3A_2336 : memref<128x64xf32, #tpu.memory_space<vmem>>) dst(%dma_wait3A_2332 : memref<128x64xf32, #tpu.memory_space<hbm>>)
    %dma_start3A_2337 = arith.constant 48 : i32
    %dma_start3A_2338 = arith.constant 0 : i32
    %dma_start3A_2339 = arith.constant 0 : i32
    %dma_start3A_2340 = arith.constant 0 : i32
    %dma_start3A_2341 = tpu.memref_slice %arg6[%dma_start3A_2338, %dma_start3A_2339, %dma_start3A_2340] : memref<4x128x64xf32, #tpu.memory_space<vmem>> -> memref<1x128x64xf32, #tpu.memory_space<vmem>>
    %dma_start3A_2342 = tpu.memref_squeeze %dma_start3A_2341 : memref<1x128x64xf32, #tpu.memory_space<vmem>> -> memref<128x64xf32, #tpu.memory_space<vmem>>
    %dma_start3A_2343 = arith.constant 0 : i32
    %dma_start3A_2344 = tpu.memref_slice %arg5[%dma_start3A_2337, %dma_start3A_2343] : memref<50x128xi32, #tpu.memory_space<vmem>> -> memref<1x128xi32, #tpu.memory_space<vmem>>
    %dma_start3A_2345 = tpu.memref_squeeze %dma_start3A_2344 : memref<1x128xi32, #tpu.memory_space<vmem>> -> memref<128xi32, #tpu.memory_space<vmem>>
    %dma_start3A_2346 = arith.constant 0 : i32
    %dma_start3A_2347 = arith.constant 0 : i32
    %dma_start3A_2348 = tpu.memref_slice %arg3[%dma_start3A_2346, %dma_start3A_2347] : memref<1000000x64xf32, #tpu.memory_space<hbm>> -> memref<1000000x64xf32, #tpu.memory_space<hbm>>
    tpu.enqueue_indirect_dma source(%dma_start3A_2348 : memref<1000000x64xf32, #tpu.memory_space<hbm>>) target(%dma_start3A_2342 : memref<128x64xf32, #tpu.memory_space<vmem>>) offsets(%dma_start3A_2345 : memref<128xi32, #tpu.memory_space<vmem>>) semaphore(%arg7 : memref<!tpu.dma_semaphore, #tpu.memory_space<semaphore_mem>>)
    %dma_wait3A_2349 = arith.constant 47 : i32
    %dma_wait3A_2350 = arith.constant 3 : i32
    %dma_wait3A_2351 = arith.constant 0 : i32
    %dma_wait3A_2352 = arith.constant 0 : i32
    %dma_wait3A_2353 = tpu.memref_slice %arg6[%dma_wait3A_2350, %dma_wait3A_2351, %dma_wait3A_2352] : memref<4x128x64xf32, #tpu.memory_space<vmem>> -> memref<1x128x64xf32, #tpu.memory_space<vmem>>
    %dma_wait3A_2354 = tpu.memref_squeeze %dma_wait3A_2353 : memref<1x128x64xf32, #tpu.memory_space<vmem>> -> memref<128x64xf32, #tpu.memory_space<vmem>>
    %dma_wait3A_2355 = arith.constant 0 : i32
    %dma_wait3A_2356 = tpu.memref_slice %arg5[%dma_wait3A_2349, %dma_wait3A_2355] : memref<50x128xi32, #tpu.memory_space<vmem>> -> memref<1x128xi32, #tpu.memory_space<vmem>>
    %dma_wait3A_2357 = tpu.memref_squeeze %dma_wait3A_2356 : memref<1x128xi32, #tpu.memory_space<vmem>> -> memref<128xi32, #tpu.memory_space<vmem>>
    %dma_wait3A_2358 = arith.constant 0 : i32
    %dma_wait3A_2359 = arith.constant 0 : i32
    %dma_wait3A_2360 = tpu.memref_slice %arg3[%dma_wait3A_2358, %dma_wait3A_2359] : memref<1000000x64xf32, #tpu.memory_space<hbm>> -> memref<1000000x64xf32, #tpu.memory_space<hbm>>
    tpu.wait_indirect_dma semaphore(%arg7 : memref<!tpu.dma_semaphore, #tpu.memory_space<semaphore_mem>>) src(%dma_wait3A_2360 : memref<1000000x64xf32, #tpu.memory_space<hbm>>) dst(%dma_wait3A_2354 : memref<128x64xf32, #tpu.memory_space<vmem>>)
    %dma_start3A_2361 = arith.constant 3 : i32
    %dma_start3A_2362 = arith.constant 0 : i32
    %dma_start3A_2363 = arith.constant 0 : i32
    %dma_start3A_2364 = tpu.memref_slice %arg6[%dma_start3A_2361, %dma_start3A_2362, %dma_start3A_2363] : memref<4x128x64xf32, #tpu.memory_space<vmem>> -> memref<1x128x64xf32, #tpu.memory_space<vmem>>
    %dma_start3A_2365 = tpu.memref_squeeze %dma_start3A_2364 : memref<1x128x64xf32, #tpu.memory_space<vmem>> -> memref<128x64xf32, #tpu.memory_space<vmem>>
    %dma_start3A_2366 = arith.constant 3008 : i32
    %dma_start3A_2367 = tpu.memref_slice %arg4[%mul3A_2, %dma_start3A_2366] : memref<4096x3200xf32, #tpu.memory_space<hbm>> -> memref<128x64xf32, #tpu.memory_space<hbm>>
    %dma_start3A_2368 = arith.constant 3008 : i32
    %dma_start3A_2369 = tpu.memref_slice %arg4[%mul3A_2, %dma_start3A_2368] : memref<4096x3200xf32, #tpu.memory_space<hbm>> -> memref<128x64xf32, #tpu.memory_space<hbm>>
    %dma_start3A_2370 = arith.constant 0 : i32
    %dma_start3A_2371 = arith.constant 0 : i32
    %dma_start3A_2372 = tpu.memref_slice %arg6[%dma_start3A_2361, %dma_start3A_2370, %dma_start3A_2371] : memref<4x128x64xf32, #tpu.memory_space<vmem>> -> memref<1x128x64xf32, #tpu.memory_space<vmem>>
    %dma_start3A_2373 = tpu.memref_squeeze %dma_start3A_2372 : memref<1x128x64xf32, #tpu.memory_space<vmem>> -> memref<128x64xf32, #tpu.memory_space<vmem>>
    tpu.enqueue_dma source(%dma_start3A_2373 : memref<128x64xf32, #tpu.memory_space<vmem>>) target(%dma_start3A_2369 : memref<128x64xf32, #tpu.memory_space<hbm>>) target_semaphore(%arg8 : memref<!tpu.dma_semaphore, #tpu.memory_space<semaphore_mem>>)
    %dma_wait3A_2374 = arith.constant 1 : i32
    %dma_wait3A_2375 = arith.constant 0 : i32
    %dma_wait3A_2376 = arith.constant 0 : i32
    %dma_wait3A_2377 = tpu.memref_slice %arg6[%dma_wait3A_2374, %dma_wait3A_2375, %dma_wait3A_2376] : memref<4x128x64xf32, #tpu.memory_space<vmem>> -> memref<1x128x64xf32, #tpu.memory_space<vmem>>
    %dma_wait3A_2378 = tpu.memref_squeeze %dma_wait3A_2377 : memref<1x128x64xf32, #tpu.memory_space<vmem>> -> memref<128x64xf32, #tpu.memory_space<vmem>>
    %dma_wait3A_2379 = arith.constant 2880 : i32
    %dma_wait3A_2380 = tpu.memref_slice %arg4[%mul3A_2, %dma_wait3A_2379] : memref<4096x3200xf32, #tpu.memory_space<hbm>> -> memref<128x64xf32, #tpu.memory_space<hbm>>
    %dma_wait3A_2381 = arith.constant 2880 : i32
    %dma_wait3A_2382 = tpu.memref_slice %arg4[%mul3A_2, %dma_wait3A_2381] : memref<4096x3200xf32, #tpu.memory_space<hbm>> -> memref<128x64xf32, #tpu.memory_space<hbm>>
    %dma_wait3A_2383 = arith.constant 0 : i32
    %dma_wait3A_2384 = arith.constant 0 : i32
    %dma_wait3A_2385 = tpu.memref_slice %arg6[%dma_wait3A_2374, %dma_wait3A_2383, %dma_wait3A_2384] : memref<4x128x64xf32, #tpu.memory_space<vmem>> -> memref<1x128x64xf32, #tpu.memory_space<vmem>>
    %dma_wait3A_2386 = tpu.memref_squeeze %dma_wait3A_2385 : memref<1x128x64xf32, #tpu.memory_space<vmem>> -> memref<128x64xf32, #tpu.memory_space<vmem>>
    tpu.wait_dma2 semaphore(%arg8 : memref<!tpu.dma_semaphore, #tpu.memory_space<semaphore_mem>>) src(%dma_wait3A_2386 : memref<128x64xf32, #tpu.memory_space<vmem>>) dst(%dma_wait3A_2382 : memref<128x64xf32, #tpu.memory_space<hbm>>)
    %dma_start3A_2387 = arith.constant 49 : i32
    %dma_start3A_2388 = arith.constant 1 : i32
    %dma_start3A_2389 = arith.constant 0 : i32
    %dma_start3A_2390 = arith.constant 0 : i32
    %dma_start3A_2391 = tpu.memref_slice %arg6[%dma_start3A_2388, %dma_start3A_2389, %dma_start3A_2390] : memref<4x128x64xf32, #tpu.memory_space<vmem>> -> memref<1x128x64xf32, #tpu.memory_space<vmem>>
    %dma_start3A_2392 = tpu.memref_squeeze %dma_start3A_2391 : memref<1x128x64xf32, #tpu.memory_space<vmem>> -> memref<128x64xf32, #tpu.memory_space<vmem>>
    %dma_start3A_2393 = arith.constant 0 : i32
    %dma_start3A_2394 = tpu.memref_slice %arg5[%dma_start3A_2387, %dma_start3A_2393] : memref<50x128xi32, #tpu.memory_space<vmem>> -> memref<1x128xi32, #tpu.memory_space<vmem>>
    %dma_start3A_2395 = tpu.memref_squeeze %dma_start3A_2394 : memref<1x128xi32, #tpu.memory_space<vmem>> -> memref<128xi32, #tpu.memory_space<vmem>>
    %dma_start3A_2396 = arith.constant 0 : i32
    %dma_start3A_2397 = arith.constant 0 : i32
    %dma_start3A_2398 = tpu.memref_slice %arg3[%dma_start3A_2396, %dma_start3A_2397] : memref<1000000x64xf32, #tpu.memory_space<hbm>> -> memref<1000000x64xf32, #tpu.memory_space<hbm>>
    tpu.enqueue_indirect_dma source(%dma_start3A_2398 : memref<1000000x64xf32, #tpu.memory_space<hbm>>) target(%dma_start3A_2392 : memref<128x64xf32, #tpu.memory_space<vmem>>) offsets(%dma_start3A_2395 : memref<128xi32, #tpu.memory_space<vmem>>) semaphore(%arg7 : memref<!tpu.dma_semaphore, #tpu.memory_space<semaphore_mem>>)
    %dma_wait3A_2399 = arith.constant 48 : i32
    %dma_wait3A_2400 = arith.constant 0 : i32
    %dma_wait3A_2401 = arith.constant 0 : i32
    %dma_wait3A_2402 = arith.constant 0 : i32
    %dma_wait3A_2403 = tpu.memref_slice %arg6[%dma_wait3A_2400, %dma_wait3A_2401, %dma_wait3A_2402] : memref<4x128x64xf32, #tpu.memory_space<vmem>> -> memref<1x128x64xf32, #tpu.memory_space<vmem>>
    %dma_wait3A_2404 = tpu.memref_squeeze %dma_wait3A_2403 : memref<1x128x64xf32, #tpu.memory_space<vmem>> -> memref<128x64xf32, #tpu.memory_space<vmem>>
    %dma_wait3A_2405 = arith.constant 0 : i32
    %dma_wait3A_2406 = tpu.memref_slice %arg5[%dma_wait3A_2399, %dma_wait3A_2405] : memref<50x128xi32, #tpu.memory_space<vmem>> -> memref<1x128xi32, #tpu.memory_space<vmem>>
    %dma_wait3A_2407 = tpu.memref_squeeze %dma_wait3A_2406 : memref<1x128xi32, #tpu.memory_space<vmem>> -> memref<128xi32, #tpu.memory_space<vmem>>
    %dma_wait3A_2408 = arith.constant 0 : i32
    %dma_wait3A_2409 = arith.constant 0 : i32
    %dma_wait3A_2410 = tpu.memref_slice %arg3[%dma_wait3A_2408, %dma_wait3A_2409] : memref<1000000x64xf32, #tpu.memory_space<hbm>> -> memref<1000000x64xf32, #tpu.memory_space<hbm>>
    tpu.wait_indirect_dma semaphore(%arg7 : memref<!tpu.dma_semaphore, #tpu.memory_space<semaphore_mem>>) src(%dma_wait3A_2410 : memref<1000000x64xf32, #tpu.memory_space<hbm>>) dst(%dma_wait3A_2404 : memref<128x64xf32, #tpu.memory_space<vmem>>)
    %dma_start3A_2411 = arith.constant 0 : i32
    %dma_start3A_2412 = arith.constant 0 : i32
    %dma_start3A_2413 = arith.constant 0 : i32
    %dma_start3A_2414 = tpu.memref_slice %arg6[%dma_start3A_2411, %dma_start3A_2412, %dma_start3A_2413] : memref<4x128x64xf32, #tpu.memory_space<vmem>> -> memref<1x128x64xf32, #tpu.memory_space<vmem>>
    %dma_start3A_2415 = tpu.memref_squeeze %dma_start3A_2414 : memref<1x128x64xf32, #tpu.memory_space<vmem>> -> memref<128x64xf32, #tpu.memory_space<vmem>>
    %dma_start3A_2416 = arith.constant 3072 : i32
    %dma_start3A_2417 = tpu.memref_slice %arg4[%mul3A_2, %dma_start3A_2416] : memref<4096x3200xf32, #tpu.memory_space<hbm>> -> memref<128x64xf32, #tpu.memory_space<hbm>>
    %dma_start3A_2418 = arith.constant 3072 : i32
    %dma_start3A_2419 = tpu.memref_slice %arg4[%mul3A_2, %dma_start3A_2418] : memref<4096x3200xf32, #tpu.memory_space<hbm>> -> memref<128x64xf32, #tpu.memory_space<hbm>>
    %dma_start3A_2420 = arith.constant 0 : i32
    %dma_start3A_2421 = arith.constant 0 : i32
    %dma_start3A_2422 = tpu.memref_slice %arg6[%dma_start3A_2411, %dma_start3A_2420, %dma_start3A_2421] : memref<4x128x64xf32, #tpu.memory_space<vmem>> -> memref<1x128x64xf32, #tpu.memory_space<vmem>>
    %dma_start3A_2423 = tpu.memref_squeeze %dma_start3A_2422 : memref<1x128x64xf32, #tpu.memory_space<vmem>> -> memref<128x64xf32, #tpu.memory_space<vmem>>
    tpu.enqueue_dma source(%dma_start3A_2423 : memref<128x64xf32, #tpu.memory_space<vmem>>) target(%dma_start3A_2419 : memref<128x64xf32, #tpu.memory_space<hbm>>) target_semaphore(%arg8 : memref<!tpu.dma_semaphore, #tpu.memory_space<semaphore_mem>>)
    %dma_wait3A_2424 = arith.constant 49 : i32
    %dma_wait3A_2425 = arith.constant 1 : i32
    %dma_wait3A_2426 = arith.constant 0 : i32
    %dma_wait3A_2427 = arith.constant 0 : i32
    %dma_wait3A_2428 = tpu.memref_slice %arg6[%dma_wait3A_2425, %dma_wait3A_2426, %dma_wait3A_2427] : memref<4x128x64xf32, #tpu.memory_space<vmem>> -> memref<1x128x64xf32, #tpu.memory_space<vmem>>
    %dma_wait3A_2429 = tpu.memref_squeeze %dma_wait3A_2428 : memref<1x128x64xf32, #tpu.memory_space<vmem>> -> memref<128x64xf32, #tpu.memory_space<vmem>>
    %dma_wait3A_2430 = arith.constant 0 : i32
    %dma_wait3A_2431 = tpu.memref_slice %arg5[%dma_wait3A_2424, %dma_wait3A_2430] : memref<50x128xi32, #tpu.memory_space<vmem>> -> memref<1x128xi32, #tpu.memory_space<vmem>>
    %dma_wait3A_2432 = tpu.memref_squeeze %dma_wait3A_2431 : memref<1x128xi32, #tpu.memory_space<vmem>> -> memref<128xi32, #tpu.memory_space<vmem>>
    %dma_wait3A_2433 = arith.constant 0 : i32
    %dma_wait3A_2434 = arith.constant 0 : i32
    %dma_wait3A_2435 = tpu.memref_slice %arg3[%dma_wait3A_2433, %dma_wait3A_2434] : memref<1000000x64xf32, #tpu.memory_space<hbm>> -> memref<1000000x64xf32, #tpu.memory_space<hbm>>
    tpu.wait_indirect_dma semaphore(%arg7 : memref<!tpu.dma_semaphore, #tpu.memory_space<semaphore_mem>>) src(%dma_wait3A_2435 : memref<1000000x64xf32, #tpu.memory_space<hbm>>) dst(%dma_wait3A_2429 : memref<128x64xf32, #tpu.memory_space<vmem>>)
    %dma_start3A_2436 = arith.constant 1 : i32
    %dma_start3A_2437 = arith.constant 0 : i32
    %dma_start3A_2438 = arith.constant 0 : i32
    %dma_start3A_2439 = tpu.memref_slice %arg6[%dma_start3A_2436, %dma_start3A_2437, %dma_start3A_2438] : memref<4x128x64xf32, #tpu.memory_space<vmem>> -> memref<1x128x64xf32, #tpu.memory_space<vmem>>
    %dma_start3A_2440 = tpu.memref_squeeze %dma_start3A_2439 : memref<1x128x64xf32, #tpu.memory_space<vmem>> -> memref<128x64xf32, #tpu.memory_space<vmem>>
    %dma_start3A_2441 = arith.constant 3136 : i32
    %dma_start3A_2442 = tpu.memref_slice %arg4[%mul3A_2, %dma_start3A_2441] : memref<4096x3200xf32, #tpu.memory_space<hbm>> -> memref<128x64xf32, #tpu.memory_space<hbm>>
    %dma_start3A_2443 = arith.constant 3136 : i32
    %dma_start3A_2444 = tpu.memref_slice %arg4[%mul3A_2, %dma_start3A_2443] : memref<4096x3200xf32, #tpu.memory_space<hbm>> -> memref<128x64xf32, #tpu.memory_space<hbm>>
    %dma_start3A_2445 = arith.constant 0 : i32
    %dma_start3A_2446 = arith.constant 0 : i32
    %dma_start3A_2447 = tpu.memref_slice %arg6[%dma_start3A_2436, %dma_start3A_2445, %dma_start3A_2446] : memref<4x128x64xf32, #tpu.memory_space<vmem>> -> memref<1x128x64xf32, #tpu.memory_space<vmem>>
    %dma_start3A_2448 = tpu.memref_squeeze %dma_start3A_2447 : memref<1x128x64xf32, #tpu.memory_space<vmem>> -> memref<128x64xf32, #tpu.memory_space<vmem>>
    tpu.enqueue_dma source(%dma_start3A_2448 : memref<128x64xf32, #tpu.memory_space<vmem>>) target(%dma_start3A_2444 : memref<128x64xf32, #tpu.memory_space<hbm>>) target_semaphore(%arg8 : memref<!tpu.dma_semaphore, #tpu.memory_space<semaphore_mem>>)
    %dma_wait3A_2449 = arith.constant 2 : i32
    %dma_wait3A_2450 = arith.constant 0 : i32
    %dma_wait3A_2451 = arith.constant 0 : i32
    %dma_wait3A_2452 = tpu.memref_slice %arg6[%dma_wait3A_2449, %dma_wait3A_2450, %dma_wait3A_2451] : memref<4x128x64xf32, #tpu.memory_space<vmem>> -> memref<1x128x64xf32, #tpu.memory_space<vmem>>
    %dma_wait3A_2453 = tpu.memref_squeeze %dma_wait3A_2452 : memref<1x128x64xf32, #tpu.memory_space<vmem>> -> memref<128x64xf32, #tpu.memory_space<vmem>>
    %dma_wait3A_2454 = arith.constant 2944 : i32
    %dma_wait3A_2455 = tpu.memref_slice %arg4[%mul3A_2, %dma_wait3A_2454] : memref<4096x3200xf32, #tpu.memory_space<hbm>> -> memref<128x64xf32, #tpu.memory_space<hbm>>
    %dma_wait3A_2456 = arith.constant 2944 : i32
    %dma_wait3A_2457 = tpu.memref_slice %arg4[%mul3A_2, %dma_wait3A_2456] : memref<4096x3200xf32, #tpu.memory_space<hbm>> -> memref<128x64xf32, #tpu.memory_space<hbm>>
    %dma_wait3A_2458 = arith.constant 0 : i32
    %dma_wait3A_2459 = arith.constant 0 : i32
    %dma_wait3A_2460 = tpu.memref_slice %arg6[%dma_wait3A_2449, %dma_wait3A_2458, %dma_wait3A_2459] : memref<4x128x64xf32, #tpu.memory_space<vmem>> -> memref<1x128x64xf32, #tpu.memory_space<vmem>>
    %dma_wait3A_2461 = tpu.memref_squeeze %dma_wait3A_2460 : memref<1x128x64xf32, #tpu.memory_space<vmem>> -> memref<128x64xf32, #tpu.memory_space<vmem>>
    tpu.wait_dma2 semaphore(%arg8 : memref<!tpu.dma_semaphore, #tpu.memory_space<semaphore_mem>>) src(%dma_wait3A_2461 : memref<128x64xf32, #tpu.memory_space<vmem>>) dst(%dma_wait3A_2457 : memref<128x64xf32, #tpu.memory_space<hbm>>)
    %dma_wait3A_2462 = arith.constant 3 : i32
    %dma_wait3A_2463 = arith.constant 0 : i32
    %dma_wait3A_2464 = arith.constant 0 : i32
    %dma_wait3A_2465 = tpu.memref_slice %arg6[%dma_wait3A_2462, %dma_wait3A_2463, %dma_wait3A_2464] : memref<4x128x64xf32, #tpu.memory_space<vmem>> -> memref<1x128x64xf32, #tpu.memory_space<vmem>>
    %dma_wait3A_2466 = tpu.memref_squeeze %dma_wait3A_2465 : memref<1x128x64xf32, #tpu.memory_space<vmem>> -> memref<128x64xf32, #tpu.memory_space<vmem>>
    %dma_wait3A_2467 = arith.constant 3008 : i32
    %dma_wait3A_2468 = tpu.memref_slice %arg4[%mul3A_2, %dma_wait3A_2467] : memref<4096x3200xf32, #tpu.memory_space<hbm>> -> memref<128x64xf32, #tpu.memory_space<hbm>>
    %dma_wait3A_2469 = arith.constant 3008 : i32
    %dma_wait3A_2470 = tpu.memref_slice %arg4[%mul3A_2, %dma_wait3A_2469] : memref<4096x3200xf32, #tpu.memory_space<hbm>> -> memref<128x64xf32, #tpu.memory_space<hbm>>
    %dma_wait3A_2471 = arith.constant 0 : i32
    %dma_wait3A_2472 = arith.constant 0 : i32
    %dma_wait3A_2473 = tpu.memref_slice %arg6[%dma_wait3A_2462, %dma_wait3A_2471, %dma_wait3A_2472] : memref<4x128x64xf32, #tpu.memory_space<vmem>> -> memref<1x128x64xf32, #tpu.memory_space<vmem>>
    %dma_wait3A_2474 = tpu.memref_squeeze %dma_wait3A_2473 : memref<1x128x64xf32, #tpu.memory_space<vmem>> -> memref<128x64xf32, #tpu.memory_space<vmem>>
    tpu.wait_dma2 semaphore(%arg8 : memref<!tpu.dma_semaphore, #tpu.memory_space<semaphore_mem>>) src(%dma_wait3A_2474 : memref<128x64xf32, #tpu.memory_space<vmem>>) dst(%dma_wait3A_2470 : memref<128x64xf32, #tpu.memory_space<hbm>>)
    %dma_wait3A_2475 = arith.constant 0 : i32
    %dma_wait3A_2476 = arith.constant 0 : i32
    %dma_wait3A_2477 = arith.constant 0 : i32
    %dma_wait3A_2478 = tpu.memref_slice %arg6[%dma_wait3A_2475, %dma_wait3A_2476, %dma_wait3A_2477] : memref<4x128x64xf32, #tpu.memory_space<vmem>> -> memref<1x128x64xf32, #tpu.memory_space<vmem>>
    %dma_wait3A_2479 = tpu.memref_squeeze %dma_wait3A_2478 : memref<1x128x64xf32, #tpu.memory_space<vmem>> -> memref<128x64xf32, #tpu.memory_space<vmem>>
    %dma_wait3A_2480 = arith.constant 3072 : i32
    %dma_wait3A_2481 = tpu.memref_slice %arg4[%mul3A_2, %dma_wait3A_2480] : memref<4096x3200xf32, #tpu.memory_space<hbm>> -> memref<128x64xf32, #tpu.memory_space<hbm>>
    %dma_wait3A_2482 = arith.constant 3072 : i32
    %dma_wait3A_2483 = tpu.memref_slice %arg4[%mul3A_2, %dma_wait3A_2482] : memref<4096x3200xf32, #tpu.memory_space<hbm>> -> memref<128x64xf32, #tpu.memory_space<hbm>>
    %dma_wait3A_2484 = arith.constant 0 : i32
    %dma_wait3A_2485 = arith.constant 0 : i32
    %dma_wait3A_2486 = tpu.memref_slice %arg6[%dma_wait3A_2475, %dma_wait3A_2484, %dma_wait3A_2485] : memref<4x128x64xf32, #tpu.memory_space<vmem>> -> memref<1x128x64xf32, #tpu.memory_space<vmem>>
    %dma_wait3A_2487 = tpu.memref_squeeze %dma_wait3A_2486 : memref<1x128x64xf32, #tpu.memory_space<vmem>> -> memref<128x64xf32, #tpu.memory_space<vmem>>
    tpu.wait_dma2 semaphore(%arg8 : memref<!tpu.dma_semaphore, #tpu.memory_space<semaphore_mem>>) src(%dma_wait3A_2487 : memref<128x64xf32, #tpu.memory_space<vmem>>) dst(%dma_wait3A_2483 : memref<128x64xf32, #tpu.memory_space<hbm>>)
    %dma_wait3A_2488 = arith.constant 1 : i32
    %dma_wait3A_2489 = arith.constant 0 : i32
    %dma_wait3A_2490 = arith.constant 0 : i32
    %dma_wait3A_2491 = tpu.memref_slice %arg6[%dma_wait3A_2488, %dma_wait3A_2489, %dma_wait3A_2490] : memref<4x128x64xf32, #tpu.memory_space<vmem>> -> memref<1x128x64xf32, #tpu.memory_space<vmem>>
    %dma_wait3A_2492 = tpu.memref_squeeze %dma_wait3A_2491 : memref<1x128x64xf32, #tpu.memory_space<vmem>> -> memref<128x64xf32, #tpu.memory_space<vmem>>
    %dma_wait3A_2493 = arith.constant 3136 : i32
    %dma_wait3A_2494 = tpu.memref_slice %arg4[%mul3A_2, %dma_wait3A_2493] : memref<4096x3200xf32, #tpu.memory_space<hbm>> -> memref<128x64xf32, #tpu.memory_space<hbm>>
    %dma_wait3A_2495 = arith.constant 3136 : i32
    %dma_wait3A_2496 = tpu.memref_slice %arg4[%mul3A_2, %dma_wait3A_2495] : memref<4096x3200xf32, #tpu.memory_space<hbm>> -> memref<128x64xf32, #tpu.memory_space<hbm>>
    %dma_wait3A_2497 = arith.constant 0 : i32
    %dma_wait3A_2498 = arith.constant 0 : i32
    %dma_wait3A_2499 = tpu.memref_slice %arg6[%dma_wait3A_2488, %dma_wait3A_2497, %dma_wait3A_2498] : memref<4x128x64xf32, #tpu.memory_space<vmem>> -> memref<1x128x64xf32, #tpu.memory_space<vmem>>
    %dma_wait3A_2500 = tpu.memref_squeeze %dma_wait3A_2499 : memref<1x128x64xf32, #tpu.memory_space<vmem>> -> memref<128x64xf32, #tpu.memory_space<vmem>>
    tpu.wait_dma2 semaphore(%arg8 : memref<!tpu.dma_semaphore, #tpu.memory_space<semaphore_mem>>) src(%dma_wait3A_2500 : memref<128x64xf32, #tpu.memory_space<vmem>>) dst(%dma_wait3A_2496 : memref<128x64xf32, #tpu.memory_space<hbm>>)
    return
  }
}

</mosaic_0001>

<sc_bundles>
// kernel: _gather_rows.3.cloned.1.call-start
scs
__scs_entry_jumppad:
0x0: {  	(pc) =	sbr.rel $0x88, $3  }
0x1: {  	(tag) =	ssettag $0x0;
	lr =	simm.s32 $0x1  }
0x2: {  	[smem:$0x3F9F] =	sst lr;
	_ =	strace $0xD0000000  }
0x3: {  	_ = 	snop  }
0x4: {  	_ = 	snop  }
0x5: {  	_ = 	snop  }
0x6: {  	_ = 	snop  }
0x7: {  	_ = 	snop  }
__scs_overlays_trampoline_lowered:
0x8: {  	[smem:$0x3FAE] =	sst s0  }
0x9: {  	[smem:$0x3FAF] =	sst s1  }
0xa: {  	[smem:$0x3FB0] =	sst s2  }
0xb: {  	[smem:$0x3FB1] =	sst s3  }
0xc: {  	[smem:$0x3FB2] =	sst s4  }
0xd: {  	[smem:$0x3FB3] =	sst s5  }
0xe: {  	[smem:$0x3FB4] =	sst s6  }
0xf: {  	[smem:$0x3FB5] =	sst s7  }
0x10: {  	[smem:$0x3FB6] =	sst s8  }
0x11: {  	[smem:$0x3FB7] =	sst s9;
	s0 =	simm.s32 @!p0 $0x0  }
0x12: {  	s1 =	sld [smem:$0x3F9D];
	s0 =	simm.s32 @p0 $0x1  }
0x13: {  	[smem:$0x3FB8] =	sst s0;
	s0 =	simm.s32 @!p1 $0x0  }
0x14: {  	s2 =	sld [smem:$0x3F9C];
	s0 =	simm.s32 @p1 $0x1  }
0x15: {  	[smem:$0x3FB9] =	sst s0;
	s0 =	simm.s32 @!p2 $0x0  }
0x16: {  	s3 =	sld [smem:$0x3FDB];
	s0 =	simm.s32 @p2 $0x1  }
0x17: {  	s4 =	simm.s32 $0x1BF5;
	[smem:$0x3FBB] =	sst s0  }
0x18: {  	s0 =	sld [smem:$0x3F9E];
	_ =	swait.ge [sflag:s4], $0x0  }
0x19: {  	s7 =	sld [smem:$0x3F9F]  }
0x1a: {  	s8 =	sadd.s32 $0xFFFFE003, lr  }
0x1b: {  	s9 =	sadd.s32 $0xFFFFFEF7, lr;
	s5 =	simm.s32 $0xFFFFFFFF;
	p2 =	slt.u32 s8, $0xFFFFF086  }
0x1c: {  	p1 =	slt.u32 s9, $0xF7A;
	s5 =	simm.s32 @!p2 $0x0  }
0x1d: {  	s5 =	simm.s32 @p1 $0x1;
	p0 =	seq.s32 s7, s2  }
0x1e: {  	s7 =	smul.u32 @!p0 $0xF7A, s2;
	p2 =	seq.s32 @!p0 s5, $0x0  }
0x1f: {  	s9 =	smul.u32 $0xF7A, s1;
	s8 =	simm.s32 @!p0 $0x1BF5;
	p2 =	por !p2, p0  }
0x20: {  	[sflag:s8] =	ssyncset.s32 @!p0 $0xFFFFF086;
	s6 =	sadd.s32 @!p0 s3, s7;
	s7 =	simm.s32 @!p0 $0x108  }
0x21: {  	s3 =	sadd.s32 s3, s9;
	s6 =	sadd.s32 @!p0 $0x88, s6;
	s7 =	simm.s32 @p2 $0x1082  }
0x22: {  	[simem:s7], [sflag:s8] =	dma.local @!p0 [hbm:s6], $0xF7A  }
0x23: {  	s9 =	sor.u32 $0xD0000000, s2;
	s6 =	simm.s32 $0x108;
	_ =	swait.ge @!p0 [sflag:s8], $0x0  }
0x24: {  	s3 =	sadd.s32 $0x88, s3;
	s6 =	simm.s32 @!p1 $0x1082;
	[sflag:s4] =	ssyncset.s32 $0xFFFFF086  }
0x25: {  	[simem:s6], [sflag:s4] =	dma.local [hbm:s3], $0xF7A  }
0x26: {  	[smem:$0x3F9F] =	sst s1;
	(tag) =	ssettag s2;
	_ =	strace s9  }
0x27: {  	s1 =	sld [smem:$0x3FAF]  }
0x28: {  	s2 =	sld [smem:$0x3FB0]  }
0x29: {  	s4 =	sld [smem:$0x3FB2]  }
0x2a: {  	p0 =	seq.s32 s5, $0x0;
	s5 =	sld [smem:$0x3FB3]  }
0x2b: {  	s6 =	sld [smem:$0x3FB4]  }
0x2c: {  	s7 =	sld [smem:$0x3FB5]  }
0x2d: {  	s3 =	simm.s32 $0x108;
	s8 =	sld [smem:$0x3FB6]  }
0x2e: {  	s3 =	simm.s32 @!p0 $0x1082;
	s9 =	sld [smem:$0x3FB7]  }
0x2f: {  	lr =	sadd.s32 s0, s3;
	s0 =	sld [smem:$0x3FAE]  }
0x30: {  	s3 =	sld [smem:$0x3FB1]  }
0x31: {  	[smem:$0x3FBA] =	sst s10  }
0x32: {  	s10 =	sld [smem:$0x3FB8];
	_ =	sdelay $0x3  }
0x33: {  	p0 =	seq.s32 s10, $0x1;
	s10 =	sld [smem:$0x3FBA];
	_ =	sdelay $0x3  }
0x34: {  	[smem:$0x3FBA] =	sst s10  }
0x35: {  	s10 =	sld [smem:$0x3FB9];
	_ =	sdelay $0x3  }
0x36: {  	p1 =	seq.s32 s10, $0x1;
	s10 =	sld [smem:$0x3FBA];
	_ =	sdelay $0x3  }
0x37: {  	[smem:$0x3FBA] =	sst s10  }
0x38: {  	s10 =	sld [smem:$0x3FBB]  }
0x39: {  	_ = 	snop;
	(pc) =	sbr.ind lr, $3  }
0x3a: {  	_ = 	snop  }
0x3b: {  	_ = 	snop  }
0x3c: {  	p2 =	seq.s32 s10, $0x1;
	s10 =	sld [smem:$0x3FBA]  }
0x3d: {  	_ =	shalt  }
0x3e: {  	_ =	shalt  }
0x3f: {  	_ =	shalt  }
0x40: {  	_ =	shalt  }
0x41: {  	_ =	shalt  }
0x42: {  	_ =	shalt  }
0x43: {  	_ =	shalt  }
0x44: {  	_ =	shalt  }
0x45: {  	_ =	shalt  }
0x46: {  	_ =	shalt  }
0x47: {  	_ =	shalt  }
0x48: {  	_ =	shalt  }
0x49: {  	_ =	shalt  }
0x4a: {  	_ =	shalt  }
0x4b: {  	_ =	shalt  }
0x4c: {  	_ =	shalt  }
0x4d: {  	_ =	shalt  }
0x4e: {  	_ =	shalt  }
0x4f: {  	_ =	shalt  }
0x50: {  	_ =	shalt  }
0x51: {  	_ =	shalt  }
0x52: {  	_ =	shalt  }
0x53: {  	_ =	shalt  }
0x54: {  	_ =	shalt  }
0x55: {  	_ =	shalt  }
0x56: {  	_ =	shalt  }
0x57: {  	_ =	shalt  }
0x58: {  	_ =	shalt  }
0x59: {  	_ =	shalt  }
0x5a: {  	_ =	shalt  }
0x5b: {  	_ =	shalt  }
0x5c: {  	_ =	shalt  }
0x5d: {  	_ =	shalt  }
0x5e: {  	_ =	shalt  }
0x5f: {  	_ =	shalt  }
0x60: {  	_ =	shalt  }
0x61: {  	_ =	shalt  }
0x62: {  	_ =	shalt  }
0x63: {  	_ =	shalt  }
0x64: {  	_ =	shalt  }
0x65: {  	_ =	shalt  }
0x66: {  	_ =	shalt  }
0x67: {  	_ =	shalt  }
0x68: {  	_ =	shalt  }
0x69: {  	_ =	shalt  }
0x6a: {  	_ =	shalt  }
0x6b: {  	_ =	shalt  }
0x6c: {  	_ =	shalt  }
0x6d: {  	_ =	shalt  }
0x6e: {  	_ =	shalt  }
0x6f: {  	_ =	shalt  }
0x70: {  	_ =	shalt  }
0x71: {  	_ =	shalt  }
0x72: {  	_ =	shalt  }
0x73: {  	_ =	shalt  }
0x74: {  	_ =	shalt  }
0x75: {  	_ =	shalt  }
0x76: {  	_ =	shalt  }
0x77: {  	_ =	shalt  }
0x78: {  	_ =	shalt  }
0x79: {  	_ =	shalt  }
0x7a: {  	_ =	shalt  }
0x7b: {  	_ =	shalt  }
0x7c: {  	_ =	shalt  }
0x7d: {  	_ =	shalt  }
0x7e: {  	_ =	shalt  }
0x7f: {  	_ =	shalt  }
0x80: {  	_ =	shalt  }
0x81: {  	_ =	shalt  }
0x82: {  	_ =	shalt  }
0x83: {  	_ =	shalt  }
0x84: {  	_ =	shalt  }
0x85: {  	_ =	shalt  }
0x86: {  	_ =	shalt  }
0x87: {  	_ =	shalt  }
.Lfunc_end0:
.L_simem_size_0:
called_computation_lowered:
.L_overlay_start_0:
0x88: {  	s2 =	sld [smem:$0x3FD9]  }
0x89: {  	s3 =	sld [smem:$0x3FFE];
	_ =	sdelay $0x1  }
0x8a: {  	s1 =	srdreg.scid  }
0x8b: {  	s0 =	sand.u32 $0x1, s1  }
0x8c: {  	s17 =	sshll.u32 s0, $0xA;
	s2 =	sadd.s32 s3, s2  }
0x8d: {  	s2 =	sadd.s32 s2, s17  }
0x8e: {  	[smem:$0x3FC6] =	sst s2  }
0x8f: {  	_ = 	snop  }
0x90: {  	s2 =	sld [smem:$0x3FD0];
	(tm) =	ssettm $0x1  }
0x91: {  	s18 =	sld [smem:$0x3FFB];
	_ =	sdelay $0x3  }
0x92: {  	_ =	strace s18  }
0x93: {  	s3 =	sld [smem:$0x3FFC];
	_ =	sdelay $0x3  }
0x94: {  	_ =	strace s3  }
0x95: {  	s3 =	sld [smem:$0x3FFD];
	_ =	sdelay $0x3  }
0x96: {  	_ =	strace s3  }
0x97: {  	_ =	strace $0x8FFFFFFF  }
0x98: {  	s19 =	sld [smem:$0x3FDB];
	_ =	sdelay $0x1  }
0x99: {  	s4 =	simm.s32 $_scs_section_size  }
0x9a: {  	s5 =	simm.s32 $_size__tile_overlayer_lowered;
	s6 =	simm.s32 $_tile_overlayer_lowered  }
0x9b: {  	s22 =	simm.s32 $0x1BFF;
	s21 =	sshll.u32 s6, $0x1;
	s3 =	sadd.s32 s4, s19  }
0x9c: {  	s7 =	simm.s32 $0x0;
	s20 =	sshll.u32 s5, $0x1;
	s5 =	sadd.s32 s21, s3  }
0x9d: {  	[timem:s7], [sflag:s22] =	dma.local [hbm:s5], s20  }
0x9e: {  	_ =	swait.ge [sflag:s22], s20  }
0x9f: {  	s4 =	ssub.s32 $0x0, s20;
	[sflag:s22] =	ssyncset.done $0x0  }
0xa0: {  	[sflag:s22] =	ssyncadd.s32 s4;
	_ =	sdelay $0x1  }
0xa1: {  	s23 =	simm.s32 $0x1B8B  }
0xa2: {  	_ =	swait.ge [sflag:s23], $0x1  }
0xa3: {  	[sflag:s23] =	ssyncset.done $0x0  }
0xa4: {  	s25 =	simm.s32 $0x1B8E;
	s24 =	sld [smem:$0x3FFE];
	[sflag:s23] =	ssyncadd.s32 $0xFFFFFFFF  }
0xa5: {  	s26 =	simm.s32 $execute0_lowered;
	[smem:$0x3FD2] =	sst s25  }
0xa6: {  	s5 =	sshll.u32 s26, $0x1;
	_ =	strace $0x80000046;
	[dreg:$0x1] =	wrdreg $0xFFFFFFFF  }
0xa7: {  	s28 =	simm.s32 $_size_execute0_lowered;
	s3 =	sadd.s32 s3, s5;
	[dreg:$0x0] =	wrdreg $0x0  }
0xa8: {  	s5 =	sshll.u32 s28, $0x1;
	[dreg:$0x2] =	wrdreg s3  }
0xa9: {  	[dreg:$0x3] =	wrdreg s5  }
0xaa: {  	[dreg:$0x4] =	wrdreg $0xC0  }
0xab: {  	_ =	task [dreg:s7], $0x5FFFF  }
0xac: {  	[dreg:$0x1] =	wrdreg $0xFFFFFFFF  }
0xad: {  	[dreg:$0x0] =	wrdreg $0x60  }
0xae: {  	[dreg:$0x2] =	wrdreg s2  }
0xaf: {  	[dreg:$0x3] =	wrdreg s24  }
0xb0: {  	[dreg:$0x4] =	wrdreg $0x9  }
0xb1: {  	_ =	task.clear_ibuf [dreg:s7], $0x5FFFF;
	_ =	strace $0x90000046  }
0xb2: {  	s29 =	simm.s32 $0x9;
	_ =	strace $0x80000048  }
0xb3: {  	_ =	swait.ge [sflag:s29], $0x1  }
0xb4: {  	[sflag:s29] =	ssyncadd.s32 $0xFFFFFFFF  }
0xb5: {  	_ =	strace $0x90000048  }
0xb6: {  	_ =	sfence  }
0xb7: {  	s30 =	sld [smem:$0x0];
	_ =	sdelay $0x2  }
0xb8: {  	s31 =	sshll.u32 s1, $0xD;
	s1 =	sshrl.u32 s1, $0x2  }
0xb9: {  	s3 =	sand.u32 $0x4000, s31;
	s1 =	sadd.s32 s1, s30  }
0xba: {  	s0 =	sor.u32 s3, s0;
	s1 =	sshll.u32 s1, $0x11  }
0xbb: {  	s0 =	sor.u32 s1, s0  }
0xbc: {  	s0 =	sadd.s32 $0x8F2B, s0  }
0xbd: {  	[sflag:s0] =	ssyncadd.remote.s32 $0x1  }
0xbe: {  	_ =	sfence.sel $0xFFFF  }
0xbf: {  	[dreg:$0x0] =	wrdreg $0xFFFFFFFF;
	(pc) =	sbr.abs _section_cstart, $3  }
0xc0: {  	[dreg:$0x1] =	wrdreg $0xFFFFFFFF  }
0xc1: {  	_ =	task.clear_ibuf [dreg:s7], $0x2FFFF;
	_ =	strace $0x9FFFFFFF  }
0xc2: {  	(tm) =	ssettm $0x7FFFFFFF  }
0xc3: {  	_ =	shalt  }
tec
execute0_lowered:
.L_overlay_start_1:
0x0: {  	(tag) =	ssettag $0x1  }
0x1: {  	s0 =	srdreg.scid  }
0x2: {  	s12 =	stileid.u32;
	s1 =	sand.u32 $0x1, s0  }
0x3: {  	s10 =	rddreg [dreg:$0x0];
	s3 =	sshll.u32 s12, $0x8;
	s4 =	sshll.u32 s1, $0x7  }
0x4: {  	s2 =	rddreg [dreg:$0x1];
	s3 =	sor.u32 s4, s3  }
0x5: {  	s30 =	simm.s32 $0x0;
	s4 =	smul.u32 $0x190, s3;
	s5 =	sshrl.u32 s3, $0x3  }
0x6: {  	[smem:$0x7FF] =	sst s30;
	s0 =	sadd.s32 s10, s5  }
0x7: {  	_ =	strace $0x80000047;
	s3 =	sadd.s32 s4, s2;
	[dreg:$0x3] =	wrdreg s0  }
0x8: {  	s11 =	sadd.s32 $0x600, s3;
	s0 =	rddreg [dreg:$0x3]  }
0x9: {  	s13 =	sadd.s32 $0x608, s3;
	[dreg:$0x4] =	wrdreg s11  }
0xa: {  	s14 =	sadd.s32 $0x610, s3;
	[dreg:$0x5] =	wrdreg s13  }
0xb: {  	s15 =	sadd.s32 $0x618, s3;
	[dreg:$0x6] =	wrdreg s14  }
0xc: {  	s16 =	sadd.s32 $0x620, s3;
	[dreg:$0x7] =	wrdreg s15  }
0xd: {  	s17 =	sadd.s32 $0x628, s3;
	[dreg:$0x8] =	wrdreg s16  }
0xe: {  	s18 =	sadd.s32 $0x630, s3;
	[dreg:$0x9] =	wrdreg s17  }
0xf: {  	s19 =	sadd.s32 $0x638, s3;
	[dreg:$0xa] =	wrdreg s18  }
0x10: {  	s20 =	sadd.s32 $0x640, s3;
	[dreg:$0xb] =	wrdreg s19  }
0x11: {  	s21 =	sadd.s32 $0x648, s3;
	[dreg:$0xc] =	wrdreg s20  }
0x12: {  	s22 =	sadd.s32 $0x650, s3;
	[dreg:$0xd] =	wrdreg s21  }
0x13: {  	s23 =	sadd.s32 $0x658, s3;
	[dreg:$0xe] =	wrdreg s22  }
0x14: {  	s24 =	sadd.s32 $0x660, s3;
	[dreg:$0xf] =	wrdreg s23  }
0x15: {  	s25 =	sadd.s32 $0x668, s3;
	[dreg:$0x10] =	wrdreg s24  }
0x16: {  	s26 =	sadd.s32 $0x670, s3;
	[dreg:$0x11] =	wrdreg s25  }
0x17: {  	s4 =	sadd.s32 $0x678, s3;
	[dreg:$0x12] =	wrdreg s26  }
0x18: {  	s5 =	sadd.s32 $0x680, s3;
	[dreg:$0x13] =	wrdreg s4  }
0x19: {  	s6 =	sadd.s32 $0x688, s3;
	[dreg:$0x14] =	wrdreg s5  }
0x1a: {  	s7 =	sadd.s32 $0x690, s3;
	[dreg:$0x15] =	wrdreg s6  }
0x1b: {  	s8 =	sadd.s32 $0x698, s3;
	[dreg:$0x16] =	wrdreg s7  }
0x1c: {  	s9 =	sadd.s32 $0x6A0, s3;
	[dreg:$0x17] =	wrdreg s8  }
0x1d: {  	s10 =	sadd.s32 $0x6A8, s3;
	[dreg:$0x18] =	wrdreg s9  }
0x1e: {  	[dreg:$0x19] =	wrdreg s10;
	s11 =	sadd.s32 $0x6B0, s3  }
0x1f: {  	s13 =	sadd.s32 $0x6B8, s3;
	[dreg:$0x1a] =	wrdreg s11  }
0x20: {  	s14 =	sadd.s32 $0x6C0, s3;
	[dreg:$0x1b] =	wrdreg s13  }
0x21: {  	s15 =	sadd.s32 $0x6C8, s3;
	[dreg:$0x1c] =	wrdreg s14  }
0x22: {  	s16 =	sadd.s32 $0x6D0, s3;
	[dreg:$0x1d] =	wrdreg s15  }
0x23: {  	s17 =	sadd.s32 $0x6D8, s3;
	[dreg:$0x1e] =	wrdreg s16  }
0x24: {  	s18 =	sadd.s32 $0x6E0, s3;
	[dreg:$0x1f] =	wrdreg s17  }
0x25: {  	s19 =	sadd.s32 $0x6E8, s3;
	[smem:$0x7CA] =	sst s18  }
0x26: {  	s20 =	sadd.s32 $0x6F0, s3;
	[smem:$0x7CB] =	sst s19  }
0x27: {  	s21 =	sadd.s32 $0x6F8, s3;
	[smem:$0x7CC] =	sst s20  }
0x28: {  	s22 =	sadd.s32 $0x700, s3;
	[smem:$0x7CD] =	sst s21  }
0x29: {  	s23 =	sadd.s32 $0x708, s3;
	[smem:$0x7CE] =	sst s22  }
0x2a: {  	s24 =	sadd.s32 $0x710, s3;
	[smem:$0x7CF] =	sst s23  }
0x2b: {  	s25 =	sadd.s32 $0x718, s3;
	[smem:$0x7D0] =	sst s24  }
0x2c: {  	s26 =	sadd.s32 $0x720, s3;
	[smem:$0x7D1] =	sst s25  }
0x2d: {  	s4 =	sadd.s32 $0x728, s3;
	[smem:$0x7D2] =	sst s26  }
0x2e: {  	s5 =	sadd.s32 $0x730, s3;
	[smem:$0x7D3] =	sst s4  }
0x2f: {  	s6 =	sadd.s32 $0x738, s3;
	[smem:$0x7D4] =	sst s5  }
0x30: {  	s7 =	sadd.s32 $0x740, s3;
	[smem:$0x7D5] =	sst s6  }
0x31: {  	s8 =	sadd.s32 $0x748, s3;
	[smem:$0x7D6] =	sst s7  }
0x32: {  	s9 =	sadd.s32 $0x750, s3;
	[smem:$0x7D7] =	sst s8  }
0x33: {  	s10 =	sadd.s32 $0x758, s3;
	[smem:$0x7D8] =	sst s9  }
0x34: {  	[smem:$0x7D9] =	sst s10;
	s11 =	sadd.s32 $0x760, s3  }
0x35: {  	s13 =	sadd.s32 $0x768, s3;
	[smem:$0x7DA] =	sst s11  }
0x36: {  	s14 =	sadd.s32 $0x770, s3;
	[smem:$0x7DB] =	sst s13  }
0x37: {  	s15 =	sadd.s32 $0x778, s3;
	[smem:$0x7DC] =	sst s14  }
0x38: {  	s16 =	sadd.s32 $0x780, s3;
	[smem:$0x7DD] =	sst s15  }
0x39: {  	s17 =	sadd.s32 $0x788, s3;
	[smem:$0x7DE] =	sst s16  }
0x3a: {  	s18 =	simm.s32 $0x100;
	[smem:$0x7DF] =	sst s17  }
0x3b: {  	s19 =	simm.s32 $0x180;
	[smem:$0x7E0] =	sst s18  }
0x3c: {  	s20 =	simm.s32 $0x200;
	[smem:$0x7E1] =	sst s19  }
0x3d: {  	s21 =	simm.s32 $0x280;
	[smem:$0x7E2] =	sst s20  }
0x3e: {  	s22 =	simm.s32 $0x300;
	[smem:$0x7E3] =	sst s21  }
0x3f: {  	s23 =	simm.s32 $0x380;
	[smem:$0x7E4] =	sst s22  }
0x40: {  	s24 =	simm.s32 $0x400;
	[smem:$0x7E5] =	sst s23  }
0x41: {  	s25 =	simm.s32 $0x480;
	[smem:$0x7E6] =	sst s24  }
0x42: {  	s26 =	simm.s32 $0x500;
	[smem:$0x7E7] =	sst s25  }
0x43: {  	s3 =	simm.s32 $0x580;
	[smem:$0x7E8] =	sst s26  }
0x44: {  	s4 =	simm.s32 $0x600;
	[smem:$0x7E9] =	sst s3  }
0x45: {  	s5 =	simm.s32 $0x680;
	[smem:$0x7EA] =	sst s4  }
0x46: {  	s31 =	simm.s32 $0x3;
	s6 =	simm.s32 $0x700;
	[smem:$0x7EB] =	sst s5  }
0x47: {  	s29 =	simm.s32 $0x1180;
	s7 =	simm.s32 $0x780;
	[smem:$0x7EC] =	sst s6  }
0x48: {  	s28 =	simm.s32 $0x1200;
	s8 =	simm.s32 $0x800;
	[smem:$0x7ED] =	sst s7  }
0x49: {  	p0 =	por $0x0, $0x0;
	s9 =	simm.s32 $0x880;
	[smem:$0x7EE] =	sst s8  }
0x4a: {  	s1 =	ssub.s32 $0x2, s1;
	[smem:$0x7EF] =	sst s9;
	s11 =	simm.s32 $0x900  }
0x4b: {  	s2 =	sadd.s32 $0xF42A00, s2;
	s13 =	simm.s32 $0x980;
	[smem:$0x7F0] =	sst s11  }
0x4c: {  	s10 =	sshrl.u32 s1, $0x1;
	s14 =	simm.s32 $0xA00;
	[smem:$0x7F1] =	sst s13  }
0x4d: {  	s1 =	ssub.s32 s1, s10;
	s15 =	simm.s32 $0xA80;
	[smem:$0x7F2] =	sst s14  }
0x4e: {  	s3 =	simm.s32 $0x80;
	s16 =	simm.s32 $0xB00;
	[smem:$0x7F3] =	sst s15  }
0x4f: {  	s26 =	simm.s32 $0x1000;
	s17 =	simm.s32 $0xB80;
	[smem:$0x7F4] =	sst s16  }
0x50: {  	s5 =	simm.s32 $0x1900;
	s18 =	simm.s32 $0xC00;
	[smem:$0x7F5] =	sst s17  }
0x51: {  	s4 =	simm.s32 $0x3900;
	s19 =	simm.s32 $0xD00;
	[smem:$0x7F6] =	sst s18  }
0x52: {  	s6 =	simm.s32 $0x1;
	s20 =	simm.s32 $0xD80;
	[smem:$0x7F7] =	sst s19  }
0x53: {  	s7 =	simm.s32 $0x40;
	s21 =	simm.s32 $0xE00;
	[smem:$0x7F8] =	sst s20  }
0x54: {  	s9 =	simm.s32 $0xC80;
	s22 =	simm.s32 $0xE80;
	[smem:$0x7F9] =	sst s21  }
0x55: {  	s23 =	simm.s32 $0xF00;
	s10 =	simm.s32 $0x7900;
	[smem:$0x7FA] =	sst s22  }
0x56: {  	s24 =	simm.s32 $0xF80;
	s8 =	simm.s32 $0x2;
	[smem:$0x7FB] =	sst s23  }
0x57: {  	s25 =	simm.s32 $0x1080;
	s1 =	smax.u32 s1, $0x1;
	[smem:$0x7FC] =	sst s24  }
0x58: {  	s11 =	simm.s32 $0x5900;
	[smem:$0x7FD] =	sst s25;
	p1 =	sne.s32 s1, $0x1  }
.Ltmp0:
0x59: {  	s25 =	simm.s32 $0x1280;
	s24 =	simm.s32 $0x1300;
	(pc) =	sbr.rel @!p1 .LBB2_1-.Ltmp0, $4  }
0x5a: {  	s23 =	simm.s32 $0x1380;
	s22 =	simm.s32 $0x1400;
	s21 =	simm.s32 $0x1480  }
0x5b: {  	s20 =	simm.s32 $0x1500;
	s19 =	simm.s32 $0x1580;
	s18 =	simm.s32 $0x1600  }
0x5c: {  	s17 =	simm.s32 $0x1680;
	s16 =	simm.s32 $0x1700;
	s15 =	simm.s32 $0x1780  }
0x5d: {  	s14 =	simm.s32 $0x1800;
	s13 =	simm.s32 $0x1880;
	s1 =	sadd.s32 $0xFFFFFFFF, s1  }
0x5e: {  	[tilespmem:s30], [sflag:$0x3] =	stream.strided.gather [hbm4b:s0+s3], $0x1900, s26, s3, $0x38;
	[tilespmem:$0x9900] =	vst v63  }
0x5f: {  	_ =	swait.ge [sflag:s31], $0x1900  }
0x60: {  	[sflag:s31] =	ssyncset.done $0x0  }
0x61: {  	[sflag:s31] =	ssyncadd.s32 $0xFFFFE700  }
0x62: {  	[tilespmem:s5], [sflag:$0x1] =	stream.indirect.gather [hbm4b:s2+s3], $0x40, s30, s3, $0xb8;
	[tilespmem:$0x9900] =	vst v63  }
0x63: {  	_ = 	snop  }
0x64: {  	[tilespmem:s4], [sflag:$0x1] =	stream.indirect.gather [hbm4b:s2+s3], $0x40, s3, s3, $0xb8;
	[tilespmem:$0x9900] =	vst v63  }
0x65: {  	_ =	swait.ge [sflag:s6], $0x2000  }
0x66: {  	s0 =	rddreg [dreg:$0x4];
	[sflag:s6] =	ssyncset.done $0x0  }
0x67: {  	s12 =	smov.u32 s1;
	s1 =	sld [smem:$0x7E0];
	[sflag:s6] =	ssyncadd.s32 $0xFFFFE000  }
0x68: {  	[hbm4b:s0+s7] =	stream.strided.scatter [tilespmem:s5], [sflag:$0x2], $0x2000, s9, s7, $0x38;
	[tilespmem:$0x9900] =	vst v63  }
0x69: {  	_ = 	snop  }
0x6a: {  	[tilespmem:s11], [sflag:$0x1] =	stream.indirect.gather [hbm4b:s2+s3], $0x40, s1, s3, $0xb8;
	[tilespmem:$0x9900] =	vst v63  }
0x6b: {  	_ =	swait.ge [sflag:s6], $0x2000  }
0x6c: {  	s0 =	rddreg [dreg:$0x5];
	[sflag:s6] =	ssyncset.done $0x0  }
0x6d: {  	s1 =	sld [smem:$0x7E1];
	[sflag:s6] =	ssyncadd.s32 $0xFFFFE000  }
0x6e: {  	[hbm4b:s0+s7] =	stream.strided.scatter [tilespmem:s4], [sflag:$0x2], $0x2000, s9, s7, $0x38;
	[tilespmem:$0x9900] =	vst v63  }
0x6f: {  	_ = 	snop  }
0x70: {  	[tilespmem:s10], [sflag:$0x1] =	stream.indirect.gather [hbm4b:s2+s3], $0x40, s1, s3, $0xb8;
	[tilespmem:$0x9900] =	vst v63  }
0x71: {  	_ =	swait.ge [sflag:s6], $0x2000  }
0x72: {  	[sflag:s6] =	ssyncset.done $0x0  }
0x73: {  	s1 =	rddreg [dreg:$0x6];
	[sflag:s6] =	ssyncadd.s32 $0xFFFFE000  }
0x74: {  	[hbm4b:s1+s7] =	stream.strided.scatter [tilespmem:s11], [sflag:$0x2], $0x2000, s9, s7, $0x38;
	[tilespmem:$0x9900] =	vst v63  }
0x75: {  	_ =	swait.ge [sflag:s8], $0x2000  }
0x76: {  	s1 =	sld [smem:$0x7E2]  }
0x77: {  	[sflag:s8] =	ssyncset.done $0x0  }
0x78: {  	[sflag:s8] =	ssyncadd.s32 $0xFFFFE000  }
0x79: {  	[tilespmem:s5], [sflag:$0x1] =	stream.indirect.gather [hbm4b:s2+s3], $0x40, s1, s3, $0xb8;
	[tilespmem:$0x9900] =	vst v63  }
0x7a: {  	_ =	swait.ge [sflag:s6], $0x2000  }
0x7b: {  	[sflag:s6] =	ssyncset.done $0x0  }
0x7c: {  	s1 =	rddreg [dreg:$0x7];
	[sflag:s6] =	ssyncadd.s32 $0xFFFFE000  }
0x7d: {  	[hbm4b:s1+s7] =	stream.strided.scatter [tilespmem:s10], [sflag:$0x2], $0x2000, s9, s7, $0x38;
	[tilespmem:$0x9900] =	vst v63  }
0x7e: {  	_ =	swait.ge [sflag:s8], $0x2000  }
0x7f: {  	s1 =	sld [smem:$0x7E3]  }
0x80: {  	[sflag:s8] =	ssyncset.done $0x0  }
0x81: {  	[sflag:s8] =	ssyncadd.s32 $0xFFFFE000  }
0x82: {  	[tilespmem:s4], [sflag:$0x1] =	stream.indirect.gather [hbm4b:s2+s3], $0x40, s1, s3, $0xb8;
	[tilespmem:$0x9900] =	vst v63  }
0x83: {  	_ =	swait.ge [sflag:s6], $0x2000  }
0x84: {  	[sflag:s6] =	ssyncset.done $0x0  }
0x85: {  	s1 =	rddreg [dreg:$0x8];
	[sflag:s6] =	ssyncadd.s32 $0xFFFFE000  }
0x86: {  	[hbm4b:s1+s7] =	stream.strided.scatter [tilespmem:s5], [sflag:$0x2], $0x2000, s9, s7, $0x38;
	[tilespmem:$0x9900] =	vst v63  }
0x87: {  	_ =	swait.ge [sflag:s8], $0x2000  }
0x88: {  	s1 =	sld [smem:$0x7E4]  }
0x89: {  	[sflag:s8] =	ssyncset.done $0x0  }
0x8a: {  	[sflag:s8] =	ssyncadd.s32 $0xFFFFE000  }
0x8b: {  	[tilespmem:s11], [sflag:$0x1] =	stream.indirect.gather [hbm4b:s2+s3], $0x40, s1, s3, $0xb8;
	[tilespmem:$0x9900] =	vst v63  }
0x8c: {  	_ =	swait.ge [sflag:s6], $0x2000  }
0x8d: {  	[sflag:s6] =	ssyncset.done $0x0  }
0x8e: {  	s1 =	rddreg [dreg:$0x9];
	[sflag:s6] =	ssyncadd.s32 $0xFFFFE000  }
0x8f: {  	[hbm4b:s1+s7] =	stream.strided.scatter [tilespmem:s4], [sflag:$0x2], $0x2000, s9, s7, $0x38;
	[tilespmem:$0x9900] =	vst v63  }
0x90: {  	_ =	swait.ge [sflag:s8], $0x2000  }
0x91: {  	s1 =	sld [smem:$0x7E5]  }
0x92: {  	[sflag:s8] =	ssyncset.done $0x0  }
0x93: {  	[sflag:s8] =	ssyncadd.s32 $0xFFFFE000  }
0x94: {  	[tilespmem:s10], [sflag:$0x1] =	stream.indirect.gather [hbm4b:s2+s3], $0x40, s1, s3, $0xb8;
	[tilespmem:$0x9900] =	vst v63  }
0x95: {  	_ =	swait.ge [sflag:s6], $0x2000  }
0x96: {  	[sflag:s6] =	ssyncset.done $0x0  }
0x97: {  	s1 =	rddreg [dreg:$0xa];
	[sflag:s6] =	ssyncadd.s32 $0xFFFFE000  }
0x98: {  	[hbm4b:s1+s7] =	stream.strided.scatter [tilespmem:s11], [sflag:$0x2], $0x2000, s9, s7, $0x38;
	[tilespmem:$0x9900] =	vst v63  }
0x99: {  	_ =	swait.ge [sflag:s8], $0x2000  }
0x9a: {  	s1 =	sld [smem:$0x7E6]  }
0x9b: {  	[sflag:s8] =	ssyncset.done $0x0  }
0x9c: {  	[sflag:s8] =	ssyncadd.s32 $0xFFFFE000  }
0x9d: {  	[tilespmem:s5], [sflag:$0x1] =	stream.indirect.gather [hbm4b:s2+s3], $0x40, s1, s3, $0xb8;
	[tilespmem:$0x9900] =	vst v63  }
0x9e: {  	_ =	swait.ge [sflag:s6], $0x2000  }
0x9f: {  	[sflag:s6] =	ssyncset.done $0x0  }
0xa0: {  	s1 =	rddreg [dreg:$0xb];
	[sflag:s6] =	ssyncadd.s32 $0xFFFFE000  }
0xa1: {  	[hbm4b:s1+s7] =	stream.strided.scatter [tilespmem:s10], [sflag:$0x2], $0x2000, s9, s7, $0x38;
	[tilespmem:$0x9900] =	vst v63  }
0xa2: {  	_ =	swait.ge [sflag:s8], $0x2000  }
0xa3: {  	s1 =	sld [smem:$0x7E7]  }
0xa4: {  	[sflag:s8] =	ssyncset.done $0x0  }
0xa5: {  	[sflag:s8] =	ssyncadd.s32 $0xFFFFE000  }
0xa6: {  	[tilespmem:s4], [sflag:$0x1] =	stream.indirect.gather [hbm4b:s2+s3], $0x40, s1, s3, $0xb8;
	[tilespmem:$0x9900] =	vst v63  }
0xa7: {  	_ =	swait.ge [sflag:s6], $0x2000  }
0xa8: {  	[sflag:s6] =	ssyncset.done $0x0  }
0xa9: {  	s1 =	rddreg [dreg:$0xc];
	[sflag:s6] =	ssyncadd.s32 $0xFFFFE000  }
0xaa: {  	[hbm4b:s1+s7] =	stream.strided.scatter [tilespmem:s5], [sflag:$0x2], $0x2000, s9, s7, $0x38;
	[tilespmem:$0x9900] =	vst v63  }
0xab: {  	_ =	swait.ge [sflag:s8], $0x2000  }
0xac: {  	s1 =	sld [smem:$0x7E8]  }
0xad: {  	[sflag:s8] =	ssyncset.done $0x0  }
0xae: {  	[sflag:s8] =	ssyncadd.s32 $0xFFFFE000  }
0xaf: {  	[tilespmem:s11], [sflag:$0x1] =	stream.indirect.gather [hbm4b:s2+s3], $0x40, s1, s3, $0xb8;
	[tilespmem:$0x9900] =	vst v63  }
0xb0: {  	_ =	swait.ge [sflag:s6], $0x2000  }
0xb1: {  	[sflag:s6] =	ssyncset.done $0x0  }
0xb2: {  	s1 =	rddreg [dreg:$0xd];
	[sflag:s6] =	ssyncadd.s32 $0xFFFFE000  }
0xb3: {  	[hbm4b:s1+s7] =	stream.strided.scatter [tilespmem:s4], [sflag:$0x2], $0x2000, s9, s7, $0x38;
	[tilespmem:$0x9900] =	vst v63  }
0xb4: {  	_ =	swait.ge [sflag:s8], $0x2000  }
0xb5: {  	s1 =	sld [smem:$0x7E9]  }
0xb6: {  	[sflag:s8] =	ssyncset.done $0x0  }
0xb7: {  	[sflag:s8] =	ssyncadd.s32 $0xFFFFE000  }
0xb8: {  	[tilespmem:s10], [sflag:$0x1] =	stream.indirect.gather [hbm4b:s2+s3], $0x40, s1, s3, $0xb8;
	[tilespmem:$0x9900] =	vst v63  }
0xb9: {  	_ =	swait.ge [sflag:s6], $0x2000  }
0xba: {  	[sflag:s6] =	ssyncset.done $0x0  }
0xbb: {  	s1 =	rddreg [dreg:$0xe];
	[sflag:s6] =	ssyncadd.s32 $0xFFFFE000  }
0xbc: {  	[hbm4b:s1+s7] =	stream.strided.scatter [tilespmem:s11], [sflag:$0x2], $0x2000, s9, s7, $0x38;
	[tilespmem:$0x9900] =	vst v63  }
0xbd: {  	_ =	swait.ge [sflag:s8], $0x2000  }
0xbe: {  	s1 =	sld [smem:$0x7EA]  }
0xbf: {  	[sflag:s8] =	ssyncset.done $0x0  }
0xc0: {  	[sflag:s8] =	ssyncadd.s32 $0xFFFFE000  }
0xc1: {  	[tilespmem:s5], [sflag:$0x1] =	stream.indirect.gather [hbm4b:s2+s3], $0x40, s1, s3, $0xb8;
	[tilespmem:$0x9900] =	vst v63  }
0xc2: {  	_ =	swait.ge [sflag:s6], $0x2000  }
0xc3: {  	[sflag:s6] =	ssyncset.done $0x0  }
0xc4: {  	s1 =	rddreg [dreg:$0xf];
	[sflag:s6] =	ssyncadd.s32 $0xFFFFE000  }
0xc5: {  	[hbm4b:s1+s7] =	stream.strided.scatter [tilespmem:s10], [sflag:$0x2], $0x2000, s9, s7, $0x38;
	[tilespmem:$0x9900] =	vst v63  }
0xc6: {  	_ =	swait.ge [sflag:s8], $0x2000  }
0xc7: {  	s1 =	sld [smem:$0x7EB]  }
0xc8: {  	[sflag:s8] =	ssyncset.done $0x0  }
0xc9: {  	[sflag:s8] =	ssyncadd.s32 $0xFFFFE000  }
0xca: {  	[tilespmem:s4], [sflag:$0x1] =	stream.indirect.gather [hbm4b:s2+s3], $0x40, s1, s3, $0xb8;
	[tilespmem:$0x9900] =	vst v63  }
0xcb: {  	_ =	swait.ge [sflag:s6], $0x2000  }
0xcc: {  	[sflag:s6] =	ssyncset.done $0x0  }
0xcd: {  	s1 =	rddreg [dreg:$0x10];
	[sflag:s6] =	ssyncadd.s32 $0xFFFFE000  }
0xce: {  	[hbm4b:s1+s7] =	stream.strided.scatter [tilespmem:s5], [sflag:$0x2], $0x2000, s9, s7, $0x38;
	[tilespmem:$0x9900] =	vst v63  }
0xcf: {  	_ =	swait.ge [sflag:s8], $0x2000  }
0xd0: {  	s1 =	sld [smem:$0x7EC]  }
0xd1: {  	[sflag:s8] =	ssyncset.done $0x0  }
0xd2: {  	[sflag:s8] =	ssyncadd.s32 $0xFFFFE000  }
0xd3: {  	[tilespmem:s11], [sflag:$0x1] =	stream.indirect.gather [hbm4b:s2+s3], $0x40, s1, s3, $0xb8;
	[tilespmem:$0x9900] =	vst v63  }
0xd4: {  	_ =	swait.ge [sflag:s6], $0x2000  }
0xd5: {  	[sflag:s6] =	ssyncset.done $0x0  }
0xd6: {  	s1 =	rddreg [dreg:$0x11];
	[sflag:s6] =	ssyncadd.s32 $0xFFFFE000  }
0xd7: {  	[hbm4b:s1+s7] =	stream.strided.scatter [tilespmem:s4], [sflag:$0x2], $0x2000, s9, s7, $0x38;
	[tilespmem:$0x9900] =	vst v63  }
0xd8: {  	_ =	swait.ge [sflag:s8], $0x2000  }
0xd9: {  	s1 =	sld [smem:$0x7ED]  }
0xda: {  	[sflag:s8] =	ssyncset.done $0x0  }
0xdb: {  	[sflag:s8] =	ssyncadd.s32 $0xFFFFE000  }
0xdc: {  	[tilespmem:s10], [sflag:$0x1] =	stream.indirect.gather [hbm4b:s2+s3], $0x40, s1, s3, $0xb8;
	[tilespmem:$0x9900] =	vst v63  }
0xdd: {  	_ =	swait.ge [sflag:s6], $0x2000  }
0xde: {  	[sflag:s6] =	ssyncset.done $0x0  }
0xdf: {  	s1 =	rddreg [dreg:$0x12];
	[sflag:s6] =	ssyncadd.s32 $0xFFFFE000  }
0xe0: {  	[hbm4b:s1+s7] =	stream.strided.scatter [tilespmem:s11], [sflag:$0x2], $0x2000, s9, s7, $0x38;
	[tilespmem:$0x9900] =	vst v63  }
0xe1: {  	_ =	swait.ge [sflag:s8], $0x2000  }
0xe2: {  	s1 =	sld [smem:$0x7EE]  }
0xe3: {  	[sflag:s8] =	ssyncset.done $0x0  }
0xe4: {  	[sflag:s8] =	ssyncadd.s32 $0xFFFFE000  }
0xe5: {  	[tilespmem:s5], [sflag:$0x1] =	stream.indirect.gather [hbm4b:s2+s3], $0x40, s1, s3, $0xb8;
	[tilespmem:$0x9900] =	vst v63  }
0xe6: {  	_ =	swait.ge [sflag:s6], $0x2000  }
0xe7: {  	[sflag:s6] =	ssyncset.done $0x0  }
0xe8: {  	s1 =	rddreg [dreg:$0x13];
	[sflag:s6] =	ssyncadd.s32 $0xFFFFE000  }
0xe9: {  	[hbm4b:s1+s7] =	stream.strided.scatter [tilespmem:s10], [sflag:$0x2], $0x2000, s9, s7, $0x38;
	[tilespmem:$0x9900] =	vst v63  }
0xea: {  	_ =	swait.ge [sflag:s8], $0x2000  }
0xeb: {  	s1 =	sld [smem:$0x7EF]  }
0xec: {  	[sflag:s8] =	ssyncset.done $0x0  }
0xed: {  	[sflag:s8] =	ssyncadd.s32 $0xFFFFE000  }
0xee: {  	[tilespmem:s4], [sflag:$0x1] =	stream.indirect.gather [hbm4b:s2+s3], $0x40, s1, s3, $0xb8;
	[tilespmem:$0x9900] =	vst v63  }
0xef: {  	_ =	swait.ge [sflag:s6], $0x2000  }
0xf0: {  	[sflag:s6] =	ssyncset.done $0x0  }
0xf1: {  	s1 =	rddreg [dreg:$0x14];
	[sflag:s6] =	ssyncadd.s32 $0xFFFFE000  }
0xf2: {  	[hbm4b:s1+s7] =	stream.strided.scatter [tilespmem:s5], [sflag:$0x2], $0x2000, s9, s7, $0x38;
	[tilespmem:$0x9900] =	vst v63  }
0xf3: {  	_ =	swait.ge [sflag:s8], $0x2000  }
0xf4: {  	s1 =	sld [smem:$0x7F0]  }
0xf5: {  	[sflag:s8] =	ssyncset.done $0x0  }
0xf6: {  	[sflag:s8] =	ssyncadd.s32 $0xFFFFE000  }
0xf7: {  	[tilespmem:s11], [sflag:$0x1] =	stream.indirect.gather [hbm4b:s2+s3], $0x40, s1, s3, $0xb8;
	[tilespmem:$0x9900] =	vst v63  }
0xf8: {  	_ =	swait.ge [sflag:s6], $0x2000  }
0xf9: {  	[sflag:s6] =	ssyncset.done $0x0  }
0xfa: {  	s1 =	rddreg [dreg:$0x15];
	[sflag:s6] =	ssyncadd.s32 $0xFFFFE000  }
0xfb: {  	[hbm4b:s1+s7] =	stream.strided.scatter [tilespmem:s4], [sflag:$0x2], $0x2000, s9, s7, $0x38;
	[tilespmem:$0x9900] =	vst v63  }
0xfc: {  	_ =	swait.ge [sflag:s8], $0x2000  }
0xfd: {  	s1 =	sld [smem:$0x7F1]  }
0xfe: {  	[sflag:s8] =	ssyncset.done $0x0  }
0xff: {  	[sflag:s8] =	ssyncadd.s32 $0xFFFFE000  }
0x100: {  	[tilespmem:s10], [sflag:$0x1] =	stream.indirect.gather [hbm4b:s2+s3], $0x40, s1, s3, $0xb8;
	[tilespmem:$0x9900] =	vst v63  }
0x101: {  	_ =	swait.ge [sflag:s6], $0x2000  }
0x102: {  	[sflag:s6] =	ssyncset.done $0x0  }
0x103: {  	s1 =	rddreg [dreg:$0x16];
	[sflag:s6] =	ssyncadd.s32 $0xFFFFE000  }
0x104: {  	[hbm4b:s1+s7] =	stream.strided.scatter [tilespmem:s11], [sflag:$0x2], $0x2000, s9, s7, $0x38;
	[tilespmem:$0x9900] =	vst v63  }
0x105: {  	_ =	swait.ge [sflag:s8], $0x2000  }
0x106: {  	s1 =	sld [smem:$0x7F2]  }
0x107: {  	[sflag:s8] =	ssyncset.done $0x0  }
0x108: {  	[sflag:s8] =	ssyncadd.s32 $0xFFFFE000  }
0x109: {  	[tilespmem:s5], [sflag:$0x1] =	stream.indirect.gather [hbm4b:s2+s3], $0x40, s1, s3, $0xb8;
	[tilespmem:$0x9900] =	vst v63  }
0x10a: {  	_ =	swait.ge [sflag:s6], $0x2000  }
0x10b: {  	[sflag:s6] =	ssyncset.done $0x0  }
0x10c: {  	s1 =	rddreg [dreg:$0x17];
	[sflag:s6] =	ssyncadd.s32 $0xFFFFE000  }
0x10d: {  	[hbm4b:s1+s7] =	stream.strided.scatter [tilespmem:s10], [sflag:$0x2], $0x2000, s9, s7, $0x38;
	[tilespmem:$0x9900] =	vst v63  }
0x10e: {  	_ =	swait.ge [sflag:s8], $0x2000  }
0x10f: {  	s1 =	sld [smem:$0x7F3]  }
0x110: {  	[sflag:s8] =	ssyncset.done $0x0  }
0x111: {  	[sflag:s8] =	ssyncadd.s32 $0xFFFFE000  }
0x112: {  	[tilespmem:s4], [sflag:$0x1] =	stream.indirect.gather [hbm4b:s2+s3], $0x40, s1, s3, $0xb8;
	[tilespmem:$0x9900] =	vst v63  }
0x113: {  	_ =	swait.ge [sflag:s6], $0x2000  }
0x114: {  	[sflag:s6] =	ssyncset.done $0x0  }
0x115: {  	s1 =	rddreg [dreg:$0x18];
	[sflag:s6] =	ssyncadd.s32 $0xFFFFE000  }
0x116: {  	[hbm4b:s1+s7] =	stream.strided.scatter [tilespmem:s5], [sflag:$0x2], $0x2000, s9, s7, $0x38;
	[tilespmem:$0x9900] =	vst v63  }
0x117: {  	_ =	swait.ge [sflag:s8], $0x2000  }
0x118: {  	s1 =	sld [smem:$0x7F4]  }
0x119: {  	[sflag:s8] =	ssyncset.done $0x0  }
0x11a: {  	[sflag:s8] =	ssyncadd.s32 $0xFFFFE000  }
0x11b: {  	[tilespmem:s11], [sflag:$0x1] =	stream.indirect.gather [hbm4b:s2+s3], $0x40, s1, s3, $0xb8;
	[tilespmem:$0x9900] =	vst v63  }
0x11c: {  	_ =	swait.ge [sflag:s6], $0x2000  }
0x11d: {  	[sflag:s6] =	ssyncset.done $0x0  }
0x11e: {  	s1 =	rddreg [dreg:$0x19];
	[sflag:s6] =	ssyncadd.s32 $0xFFFFE000  }
0x11f: {  	[hbm4b:s1+s7] =	stream.strided.scatter [tilespmem:s4], [sflag:$0x2], $0x2000, s9, s7, $0x38;
	[tilespmem:$0x9900] =	vst v63  }
0x120: {  	_ =	swait.ge [sflag:s8], $0x2000  }
0x121: {  	s1 =	sld [smem:$0x7F5]  }
0x122: {  	[sflag:s8] =	ssyncset.done $0x0  }
0x123: {  	[sflag:s8] =	ssyncadd.s32 $0xFFFFE000  }
0x124: {  	[tilespmem:s10], [sflag:$0x1] =	stream.indirect.gather [hbm4b:s2+s3], $0x40, s1, s3, $0xb8;
	[tilespmem:$0x9900] =	vst v63  }
0x125: {  	_ =	swait.ge [sflag:s6], $0x2000  }
0x126: {  	[sflag:s6] =	ssyncset.done $0x0  }
0x127: {  	s1 =	rddreg [dreg:$0x1a];
	[sflag:s6] =	ssyncadd.s32 $0xFFFFE000  }
0x128: {  	[hbm4b:s1+s7] =	stream.strided.scatter [tilespmem:s11], [sflag:$0x2], $0x2000, s9, s7, $0x38;
	[tilespmem:$0x9900] =	vst v63  }
0x129: {  	_ =	swait.ge [sflag:s8], $0x2000  }
0x12a: {  	s1 =	sld [smem:$0x7F6]  }
0x12b: {  	[sflag:s8] =	ssyncset.done $0x0  }
0x12c: {  	[sflag:s8] =	ssyncadd.s32 $0xFFFFE000  }
0x12d: {  	[tilespmem:s5], [sflag:$0x1] =	stream.indirect.gather [hbm4b:s2+s3], $0x40, s1, s3, $0xb8;
	[tilespmem:$0x9900] =	vst v63  }
0x12e: {  	_ =	swait.ge [sflag:s6], $0x2000  }
0x12f: {  	[sflag:s6] =	ssyncset.done $0x0  }
0x130: {  	s1 =	rddreg [dreg:$0x1b];
	[sflag:s6] =	ssyncadd.s32 $0xFFFFE000  }
0x131: {  	[hbm4b:s1+s7] =	stream.strided.scatter [tilespmem:s10], [sflag:$0x2], $0x2000, s9, s7, $0x38;
	[tilespmem:$0x9900] =	vst v63  }
0x132: {  	_ =	swait.ge [sflag:s8], $0x2000  }
0x133: {  	[sflag:s8] =	ssyncset.done $0x0  }
0x134: {  	[sflag:s8] =	ssyncadd.s32 $0xFFFFE000  }
0x135: {  	[tilespmem:s4], [sflag:$0x1] =	stream.indirect.gather [hbm4b:s2+s3], $0x40, s9, s3, $0xb8;
	[tilespmem:$0x9900] =	vst v63  }
0x136: {  	_ =	swait.ge [sflag:s6], $0x2000  }
0x137: {  	[sflag:s6] =	ssyncset.done $0x0  }
0x138: {  	s1 =	rddreg [dreg:$0x1c];
	[sflag:s6] =	ssyncadd.s32 $0xFFFFE000  }
0x139: {  	[hbm4b:s1+s7] =	stream.strided.scatter [tilespmem:s5], [sflag:$0x2], $0x2000, s9, s7, $0x38;
	[tilespmem:$0x9900] =	vst v63  }
0x13a: {  	_ =	swait.ge [sflag:s8], $0x2000  }
0x13b: {  	s1 =	sld [smem:$0x7F7]  }
0x13c: {  	[sflag:s8] =	ssyncset.done $0x0  }
0x13d: {  	[sflag:s8] =	ssyncadd.s32 $0xFFFFE000  }
0x13e: {  	[tilespmem:s11], [sflag:$0x1] =	stream.indirect.gather [hbm4b:s2+s3], $0x40, s1, s3, $0xb8;
	[tilespmem:$0x9900] =	vst v63  }
0x13f: {  	_ =	swait.ge [sflag:s6], $0x2000  }
0x140: {  	[sflag:s6] =	ssyncset.done $0x0  }
0x141: {  	s1 =	rddreg [dreg:$0x1d];
	[sflag:s6] =	ssyncadd.s32 $0xFFFFE000  }
0x142: {  	[hbm4b:s1+s7] =	stream.strided.scatter [tilespmem:s4], [sflag:$0x2], $0x2000, s9, s7, $0x38;
	[tilespmem:$0x9900] =	vst v63  }
0x143: {  	_ =	swait.ge [sflag:s8], $0x2000  }
0x144: {  	s1 =	sld [smem:$0x7F8]  }
0x145: {  	[sflag:s8] =	ssyncset.done $0x0  }
0x146: {  	[sflag:s8] =	ssyncadd.s32 $0xFFFFE000  }
0x147: {  	[tilespmem:s10], [sflag:$0x1] =	stream.indirect.gather [hbm4b:s2+s3], $0x40, s1, s3, $0xb8;
	[tilespmem:$0x9900] =	vst v63  }
0x148: {  	_ =	swait.ge [sflag:s6], $0x2000  }
0x149: {  	[sflag:s6] =	ssyncset.done $0x0  }
0x14a: {  	s1 =	rddreg [dreg:$0x1e];
	[sflag:s6] =	ssyncadd.s32 $0xFFFFE000  }
0x14b: {  	[hbm4b:s1+s7] =	stream.strided.scatter [tilespmem:s11], [sflag:$0x2], $0x2000, s9, s7, $0x38;
	[tilespmem:$0x9900] =	vst v63  }
0x14c: {  	_ =	swait.ge [sflag:s8], $0x2000  }
0x14d: {  	s1 =	sld [smem:$0x7F9]  }
0x14e: {  	[sflag:s8] =	ssyncset.done $0x0  }
0x14f: {  	[sflag:s8] =	ssyncadd.s32 $0xFFFFE000  }
0x150: {  	[tilespmem:s5], [sflag:$0x1] =	stream.indirect.gather [hbm4b:s2+s3], $0x40, s1, s3, $0xb8;
	[tilespmem:$0x9900] =	vst v63  }
0x151: {  	_ =	swait.ge [sflag:s6], $0x2000  }
0x152: {  	[sflag:s6] =	ssyncset.done $0x0  }
0x153: {  	s1 =	rddreg [dreg:$0x1f];
	[sflag:s6] =	ssyncadd.s32 $0xFFFFE000  }
0x154: {  	[hbm4b:s1+s7] =	stream.strided.scatter [tilespmem:s10], [sflag:$0x2], $0x2000, s9, s7, $0x38;
	[tilespmem:$0x9900] =	vst v63  }
0x155: {  	_ =	swait.ge [sflag:s8], $0x2000  }
0x156: {  	s1 =	sld [smem:$0x7FA]  }
0x157: {  	[sflag:s8] =	ssyncset.done $0x0  }
0x158: {  	[sflag:s8] =	ssyncadd.s32 $0xFFFFE000  }
0x159: {  	[tilespmem:s4], [sflag:$0x1] =	stream.indirect.gather [hbm4b:s2+s3], $0x40, s1, s3, $0xb8;
	[tilespmem:$0x9900] =	vst v63  }
0x15a: {  	_ =	swait.ge [sflag:s6], $0x2000  }
0x15b: {  	s1 =	sld [smem:$0x7CA]  }
0x15c: {  	[sflag:s6] =	ssyncset.done $0x0  }
0x15d: {  	[sflag:s6] =	ssyncadd.s32 $0xFFFFE000  }
0x15e: {  	[hbm4b:s1+s7] =	stream.strided.scatter [tilespmem:s5], [sflag:$0x2], $0x2000, s9, s7, $0x38;
	[tilespmem:$0x9900] =	vst v63  }
0x15f: {  	_ =	swait.ge [sflag:s8], $0x2000  }
0x160: {  	s1 =	sld [smem:$0x7FB]  }
0x161: {  	[sflag:s8] =	ssyncset.done $0x0  }
0x162: {  	[sflag:s8] =	ssyncadd.s32 $0xFFFFE000  }
0x163: {  	[tilespmem:s11], [sflag:$0x1] =	stream.indirect.gather [hbm4b:s2+s3], $0x40, s1, s3, $0xb8;
	[tilespmem:$0x9900] =	vst v63  }
0x164: {  	_ =	swait.ge [sflag:s6], $0x2000  }
0x165: {  	s1 =	sld [smem:$0x7CB]  }
0x166: {  	[sflag:s6] =	ssyncset.done $0x0  }
0x167: {  	[sflag:s6] =	ssyncadd.s32 $0xFFFFE000  }
0x168: {  	[hbm4b:s1+s7] =	stream.strided.scatter [tilespmem:s4], [sflag:$0x2], $0x2000, s9, s7, $0x38;
	[tilespmem:$0x9900] =	vst v63  }
0x169: {  	_ =	swait.ge [sflag:s8], $0x2000  }
0x16a: {  	s1 =	sld [smem:$0x7FC]  }
0x16b: {  	[sflag:s8] =	ssyncset.done $0x0  }
0x16c: {  	[sflag:s8] =	ssyncadd.s32 $0xFFFFE000  }
0x16d: {  	[tilespmem:s10], [sflag:$0x1] =	stream.indirect.gather [hbm4b:s2+s3], $0x40, s1, s3, $0xb8;
	[tilespmem:$0x9900] =	vst v63  }
0x16e: {  	_ =	swait.ge [sflag:s6], $0x2000  }
0x16f: {  	s1 =	sld [smem:$0x7CC]  }
0x170: {  	[sflag:s6] =	ssyncset.done $0x0  }
0x171: {  	[sflag:s6] =	ssyncadd.s32 $0xFFFFE000  }
0x172: {  	[hbm4b:s1+s7] =	stream.strided.scatter [tilespmem:s11], [sflag:$0x2], $0x2000, s9, s7, $0x38;
	[tilespmem:$0x9900] =	vst v63  }
0x173: {  	_ =	swait.ge [sflag:s8], $0x2000  }
0x174: {  	[sflag:s8] =	ssyncset.done $0x0  }
0x175: {  	[sflag:s8] =	ssyncadd.s32 $0xFFFFE000  }
0x176: {  	[tilespmem:s5], [sflag:$0x1] =	stream.indirect.gather [hbm4b:s2+s3], $0x40, s26, s3, $0xb8;
	[tilespmem:$0x9900] =	vst v63  }
0x177: {  	_ =	swait.ge [sflag:s6], $0x2000  }
0x178: {  	s1 =	sld [smem:$0x7CD]  }
0x179: {  	[sflag:s6] =	ssyncset.done $0x0  }
0x17a: {  	[sflag:s6] =	ssyncadd.s32 $0xFFFFE000  }
0x17b: {  	[hbm4b:s1+s7] =	stream.strided.scatter [tilespmem:s10], [sflag:$0x2], $0x2000, s9, s7, $0x38;
	[tilespmem:$0x9900] =	vst v63  }
0x17c: {  	_ =	swait.ge [sflag:s8], $0x2000  }
0x17d: {  	s1 =	sld [smem:$0x7FD]  }
0x17e: {  	[sflag:s8] =	ssyncset.done $0x0  }
0x17f: {  	[sflag:s8] =	ssyncadd.s32 $0xFFFFE000  }
0x180: {  	[tilespmem:s4], [sflag:$0x1] =	stream.indirect.gather [hbm4b:s2+s3], $0x40, s1, s3, $0xb8;
	[tilespmem:$0x9900] =	vst v63  }
0x181: {  	_ =	swait.ge [sflag:s6], $0x2000  }
0x182: {  	s1 =	sld [smem:$0x7CE]  }
0x183: {  	[sflag:s6] =	ssyncset.done $0x0  }
0x184: {  	[sflag:s6] =	ssyncadd.s32 $0xFFFFE000  }
0x185: {  	[hbm4b:s1+s7] =	stream.strided.scatter [tilespmem:s5], [sflag:$0x2], $0x2000, s9, s7, $0x38;
	[tilespmem:$0x9900] =	vst v63  }
0x186: {  	_ =	swait.ge [sflag:s8], $0x2000  }
0x187: {  	[sflag:s8] =	ssyncset.done $0x0  }
0x188: {  	s1 =	simm.s32 $0x1100;
	[sflag:s8] =	ssyncadd.s32 $0xFFFFE000  }
0x189: {  	[tilespmem:s11], [sflag:$0x1] =	stream.indirect.gather [hbm4b:s2+s3], $0x40, s1, s3, $0xb8;
	[tilespmem:$0x9900] =	vst v63  }
0x18a: {  	_ =	swait.ge [sflag:s6], $0x2000  }
0x18b: {  	s1 =	sld [smem:$0x7CF]  }
0x18c: {  	[sflag:s6] =	ssyncset.done $0x0  }
0x18d: {  	[sflag:s6] =	ssyncadd.s32 $0xFFFFE000  }
0x18e: {  	[hbm4b:s1+s7] =	stream.strided.scatter [tilespmem:s4], [sflag:$0x2], $0x2000, s9, s7, $0x38;
	[tilespmem:$0x9900] =	vst v63  }
0x18f: {  	_ =	swait.ge [sflag:s8], $0x2000  }
0x190: {  	[sflag:s8] =	ssyncset.done $0x0  }
0x191: {  	[sflag:s8] =	ssyncadd.s32 $0xFFFFE000  }
0x192: {  	[tilespmem:s10], [sflag:$0x1] =	stream.indirect.gather [hbm4b:s2+s3], $0x40, s29, s3, $0xb8;
	[tilespmem:$0x9900] =	vst v63  }
0x193: {  	_ =	swait.ge [sflag:s6], $0x2000  }
0x194: {  	s1 =	sld [smem:$0x7D0]  }
0x195: {  	[sflag:s6] =	ssyncset.done $0x0  }
0x196: {  	[sflag:s6] =	ssyncadd.s32 $0xFFFFE000  }
0x197: {  	[hbm4b:s1+s7] =	stream.strided.scatter [tilespmem:s11], [sflag:$0x2], $0x2000, s9, s7, $0x38;
	[tilespmem:$0x9900] =	vst v63  }
0x198: {  	_ =	swait.ge [sflag:s8], $0x2000  }
0x199: {  	[sflag:s8] =	ssyncset.done $0x0  }
0x19a: {  	[sflag:s8] =	ssyncadd.s32 $0xFFFFE000  }
0x19b: {  	[tilespmem:s5], [sflag:$0x1] =	stream.indirect.gather [hbm4b:s2+s3], $0x40, s28, s3, $0xb8;
	[tilespmem:$0x9900] =	vst v63  }
0x19c: {  	_ =	swait.ge [sflag:s6], $0x2000  }
0x19d: {  	s1 =	sld [smem:$0x7D1]  }
0x19e: {  	[sflag:s6] =	ssyncset.done $0x0  }
0x19f: {  	[sflag:s6] =	ssyncadd.s32 $0xFFFFE000  }
0x1a0: {  	[hbm4b:s1+s7] =	stream.strided.scatter [tilespmem:s10], [sflag:$0x2], $0x2000, s9, s7, $0x38;
	[tilespmem:$0x9900] =	vst v63  }
0x1a1: {  	_ =	swait.ge [sflag:s8], $0x2000  }
0x1a2: {  	[sflag:s8] =	ssyncset.done $0x0  }
0x1a3: {  	[sflag:s8] =	ssyncadd.s32 $0xFFFFE000  }
0x1a4: {  	[tilespmem:s4], [sflag:$0x1] =	stream.indirect.gather [hbm4b:s2+s3], $0x40, s25, s3, $0xb8;
	[tilespmem:$0x9900] =	vst v63  }
0x1a5: {  	_ =	swait.ge [sflag:s6], $0x2000  }
0x1a6: {  	s1 =	sld [smem:$0x7D2]  }
0x1a7: {  	[sflag:s6] =	ssyncset.done $0x0  }
0x1a8: {  	[sflag:s6] =	ssyncadd.s32 $0xFFFFE000  }
0x1a9: {  	[hbm4b:s1+s7] =	stream.strided.scatter [tilespmem:s5], [sflag:$0x2], $0x2000, s9, s7, $0x38;
	[tilespmem:$0x9900] =	vst v63  }
0x1aa: {  	_ =	swait.ge [sflag:s8], $0x2000  }
0x1ab: {  	[sflag:s8] =	ssyncset.done $0x0  }
0x1ac: {  	[sflag:s8] =	ssyncadd.s32 $0xFFFFE000  }
0x1ad: {  	[tilespmem:s11], [sflag:$0x1] =	stream.indirect.gather [hbm4b:s2+s3], $0x40, s24, s3, $0xb8;
	[tilespmem:$0x9900] =	vst v63  }
0x1ae: {  	_ =	swait.ge [sflag:s6], $0x2000  }
0x1af: {  	s1 =	sld [smem:$0x7D3]  }
0x1b0: {  	[sflag:s6] =	ssyncset.done $0x0  }
0x1b1: {  	[sflag:s6] =	ssyncadd.s32 $0xFFFFE000  }
0x1b2: {  	[hbm4b:s1+s7] =	stream.strided.scatter [tilespmem:s4], [sflag:$0x2], $0x2000, s9, s7, $0x38;
	[tilespmem:$0x9900] =	vst v63  }
0x1b3: {  	_ =	swait.ge [sflag:s8], $0x2000  }
0x1b4: {  	[sflag:s8] =	ssyncset.done $0x0  }
0x1b5: {  	[sflag:s8] =	ssyncadd.s32 $0xFFFFE000  }
0x1b6: {  	[tilespmem:s10], [sflag:$0x1] =	stream.indirect.gather [hbm4b:s2+s3], $0x40, s23, s3, $0xb8;
	[tilespmem:$0x9900] =	vst v63  }
0x1b7: {  	_ =	swait.ge [sflag:s6], $0x2000  }
0x1b8: {  	s1 =	sld [smem:$0x7D4]  }
0x1b9: {  	[sflag:s6] =	ssyncset.done $0x0  }
0x1ba: {  	[sflag:s6] =	ssyncadd.s32 $0xFFFFE000  }
0x1bb: {  	[hbm4b:s1+s7] =	stream.strided.scatter [tilespmem:s11], [sflag:$0x2], $0x2000, s9, s7, $0x38;
	[tilespmem:$0x9900] =	vst v63  }
0x1bc: {  	_ =	swait.ge [sflag:s8], $0x2000  }
0x1bd: {  	[sflag:s8] =	ssyncset.done $0x0  }
0x1be: {  	[sflag:s8] =	ssyncadd.s32 $0xFFFFE000  }
0x1bf: {  	[tilespmem:s5], [sflag:$0x1] =	stream.indirect.gather [hbm4b:s2+s3], $0x40, s22, s3, $0xb8;
	[tilespmem:$0x9900] =	vst v63  }
0x1c0: {  	_ =	swait.ge [sflag:s6], $0x2000  }
0x1c1: {  	s1 =	sld [smem:$0x7D5]  }
0x1c2: {  	[sflag:s6] =	ssyncset.done $0x0  }
0x1c3: {  	[sflag:s6] =	ssyncadd.s32 $0xFFFFE000  }
0x1c4: {  	[hbm4b:s1+s7] =	stream.strided.scatter [tilespmem:s10], [sflag:$0x2], $0x2000, s9, s7, $0x38;
	[tilespmem:$0x9900] =	vst v63  }
0x1c5: {  	_ =	swait.ge [sflag:s8], $0x2000  }
0x1c6: {  	[sflag:s8] =	ssyncset.done $0x0  }
0x1c7: {  	[sflag:s8] =	ssyncadd.s32 $0xFFFFE000  }
0x1c8: {  	[tilespmem:s4], [sflag:$0x1] =	stream.indirect.gather [hbm4b:s2+s3], $0x40, s21, s3, $0xb8;
	[tilespmem:$0x9900] =	vst v63  }
0x1c9: {  	_ =	swait.ge [sflag:s6], $0x2000  }
0x1ca: {  	s1 =	sld [smem:$0x7D6]  }
0x1cb: {  	[sflag:s6] =	ssyncset.done $0x0  }
0x1cc: {  	[sflag:s6] =	ssyncadd.s32 $0xFFFFE000  }
0x1cd: {  	[hbm4b:s1+s7] =	stream.strided.scatter [tilespmem:s5], [sflag:$0x2], $0x2000, s9, s7, $0x38;
	[tilespmem:$0x9900] =	vst v63  }
0x1ce: {  	_ =	swait.ge [sflag:s8], $0x2000  }
0x1cf: {  	[sflag:s8] =	ssyncset.done $0x0  }
0x1d0: {  	[sflag:s8] =	ssyncadd.s32 $0xFFFFE000  }
0x1d1: {  	[tilespmem:s11], [sflag:$0x1] =	stream.indirect.gather [hbm4b:s2+s3], $0x40, s20, s3, $0xb8;
	[tilespmem:$0x9900] =	vst v63  }
0x1d2: {  	_ =	swait.ge [sflag:s6], $0x2000  }
0x1d3: {  	s1 =	sld [smem:$0x7D7]  }
0x1d4: {  	[sflag:s6] =	ssyncset.done $0x0  }
0x1d5: {  	[sflag:s6] =	ssyncadd.s32 $0xFFFFE000  }
0x1d6: {  	[hbm4b:s1+s7] =	stream.strided.scatter [tilespmem:s4], [sflag:$0x2], $0x2000, s9, s7, $0x38;
	[tilespmem:$0x9900] =	vst v63  }
0x1d7: {  	_ =	swait.ge [sflag:s8], $0x2000  }
0x1d8: {  	[sflag:s8] =	ssyncset.done $0x0  }
0x1d9: {  	[sflag:s8] =	ssyncadd.s32 $0xFFFFE000  }
0x1da: {  	[tilespmem:s10], [sflag:$0x1] =	stream.indirect.gather [hbm4b:s2+s3], $0x40, s19, s3, $0xb8;
	[tilespmem:$0x9900] =	vst v63  }
0x1db: {  	_ =	swait.ge [sflag:s6], $0x2000  }
0x1dc: {  	s1 =	sld [smem:$0x7D8]  }
0x1dd: {  	[sflag:s6] =	ssyncset.done $0x0  }
0x1de: {  	[sflag:s6] =	ssyncadd.s32 $0xFFFFE000  }
0x1df: {  	[hbm4b:s1+s7] =	stream.strided.scatter [tilespmem:s11], [sflag:$0x2], $0x2000, s9, s7, $0x38;
	[tilespmem:$0x9900] =	vst v63  }
0x1e0: {  	_ =	swait.ge [sflag:s8], $0x2000  }
0x1e1: {  	[sflag:s8] =	ssyncset.done $0x0  }
0x1e2: {  	[sflag:s8] =	ssyncadd.s32 $0xFFFFE000  }
0x1e3: {  	[tilespmem:s5], [sflag:$0x1] =	stream.indirect.gather [hbm4b:s2+s3], $0x40, s18, s3, $0xb8;
	[tilespmem:$0x9900] =	vst v63  }
0x1e4: {  	_ =	swait.ge [sflag:s6], $0x2000  }
0x1e5: {  	s1 =	sld [smem:$0x7D9]  }
0x1e6: {  	[sflag:s6] =	ssyncset.done $0x0  }
0x1e7: {  	[sflag:s6] =	ssyncadd.s32 $0xFFFFE000  }
0x1e8: {  	[hbm4b:s1+s7] =	stream.strided.scatter [tilespmem:s10], [sflag:$0x2], $0x2000, s9, s7, $0x38;
	[tilespmem:$0x9900] =	vst v63  }
0x1e9: {  	_ =	swait.ge [sflag:s8], $0x2000  }
0x1ea: {  	[sflag:s8] =	ssyncset.done $0x0  }
0x1eb: {  	[sflag:s8] =	ssyncadd.s32 $0xFFFFE000  }
0x1ec: {  	[tilespmem:s4], [sflag:$0x1] =	stream.indirect.gather [hbm4b:s2+s3], $0x40, s17, s3, $0xb8;
	[tilespmem:$0x9900] =	vst v63  }
0x1ed: {  	_ =	swait.ge [sflag:s6], $0x2000  }
0x1ee: {  	s1 =	sld [smem:$0x7DA]  }
0x1ef: {  	[sflag:s6] =	ssyncset.done $0x0  }
0x1f0: {  	[sflag:s6] =	ssyncadd.s32 $0xFFFFE000  }
0x1f1: {  	[hbm4b:s1+s7] =	stream.strided.scatter [tilespmem:s5], [sflag:$0x2], $0x2000, s9, s7, $0x38;
	[tilespmem:$0x9900] =	vst v63  }
0x1f2: {  	_ =	swait.ge [sflag:s8], $0x2000  }
0x1f3: {  	[sflag:s8] =	ssyncset.done $0x0  }
0x1f4: {  	[sflag:s8] =	ssyncadd.s32 $0xFFFFE000  }
0x1f5: {  	[tilespmem:s11], [sflag:$0x1] =	stream.indirect.gather [hbm4b:s2+s3], $0x40, s16, s3, $0xb8;
	[tilespmem:$0x9900] =	vst v63  }
0x1f6: {  	_ =	swait.ge [sflag:s6], $0x2000  }
0x1f7: {  	s1 =	sld [smem:$0x7DB]  }
0x1f8: {  	[sflag:s6] =	ssyncset.done $0x0  }
0x1f9: {  	[sflag:s6] =	ssyncadd.s32 $0xFFFFE000  }
0x1fa: {  	[hbm4b:s1+s7] =	stream.strided.scatter [tilespmem:s4], [sflag:$0x2], $0x2000, s9, s7, $0x38;
	[tilespmem:$0x9900] =	vst v63  }
0x1fb: {  	_ =	swait.ge [sflag:s8], $0x2000  }
0x1fc: {  	[sflag:s8] =	ssyncset.done $0x0  }
0x1fd: {  	[sflag:s8] =	ssyncadd.s32 $0xFFFFE000  }
0x1fe: {  	[tilespmem:s10], [sflag:$0x1] =	stream.indirect.gather [hbm4b:s2+s3], $0x40, s15, s3, $0xb8;
	[tilespmem:$0x9900] =	vst v63  }
0x1ff: {  	_ =	swait.ge [sflag:s6], $0x2000  }
0x200: {  	s1 =	sld [smem:$0x7DC]  }
0x201: {  	[sflag:s6] =	ssyncset.done $0x0  }
0x202: {  	[sflag:s6] =	ssyncadd.s32 $0xFFFFE000  }
0x203: {  	[hbm4b:s1+s7] =	stream.strided.scatter [tilespmem:s11], [sflag:$0x2], $0x2000, s9, s7, $0x38;
	[tilespmem:$0x9900] =	vst v63  }
0x204: {  	_ =	swait.ge [sflag:s8], $0x2000  }
0x205: {  	[sflag:s8] =	ssyncset.done $0x0  }
0x206: {  	[sflag:s8] =	ssyncadd.s32 $0xFFFFE000  }
0x207: {  	[tilespmem:s5], [sflag:$0x1] =	stream.indirect.gather [hbm4b:s2+s3], $0x40, s14, s3, $0xb8;
	[tilespmem:$0x9900] =	vst v63  }
0x208: {  	_ =	swait.ge [sflag:s6], $0x2000  }
0x209: {  	s1 =	sld [smem:$0x7DD]  }
0x20a: {  	[sflag:s6] =	ssyncset.done $0x0  }
0x20b: {  	[sflag:s6] =	ssyncadd.s32 $0xFFFFE000  }
0x20c: {  	[hbm4b:s1+s7] =	stream.strided.scatter [tilespmem:s10], [sflag:$0x2], $0x2000, s9, s7, $0x38;
	[tilespmem:$0x9900] =	vst v63  }
0x20d: {  	_ =	swait.ge [sflag:s8], $0x2000  }
0x20e: {  	[sflag:s8] =	ssyncset.done $0x0  }
0x20f: {  	[sflag:s8] =	ssyncadd.s32 $0xFFFFE000  }
0x210: {  	[tilespmem:s4], [sflag:$0x1] =	stream.indirect.gather [hbm4b:s2+s3], $0x40, s13, s3, $0xb8;
	[tilespmem:$0x9900] =	vst v63  }
0x211: {  	_ =	swait.ge [sflag:s6], $0x2000  }
0x212: {  	s1 =	sld [smem:$0x7DE]  }
0x213: {  	[sflag:s6] =	ssyncset.done $0x0  }
0x214: {  	[sflag:s6] =	ssyncadd.s32 $0xFFFFE000  }
0x215: {  	[hbm4b:s1+s7] =	stream.strided.scatter [tilespmem:s5], [sflag:$0x2], $0x2000, s9, s7, $0x38;
	[tilespmem:$0x9900] =	vst v63  }
0x216: {  	_ =	swait.ge [sflag:s6], $0x2000  }
0x217: {  	s1 =	sld [smem:$0x7DF]  }
0x218: {  	[sflag:s6] =	ssyncset.done $0x0  }
0x219: {  	[sflag:s6] =	ssyncadd.s32 $0xFFFFE000  }
0x21a: {  	[hbm4b:s1+s7] =	stream.strided.scatter [tilespmem:s4], [sflag:$0x2], $0x2000, s9, s7, $0x38;
	[tilespmem:$0x9900] =	vst v63  }
0x21b: {  	_ =	swait.ge [sflag:s8], $0x2000  }
0x21c: {  	[sflag:s8] =	ssyncset.done $0x0  }
0x21d: {  	[sflag:s8] =	ssyncadd.s32 $0xFFFFE000  }
0x21e: {  	_ =	swait.ge [sflag:s8], $0x2000  }
0x21f: {  	[sflag:s8] =	ssyncset.done $0x0  }
0x220: {  	p1 =	sne.s32 s12, $0x1;
	[sflag:s8] =	ssyncadd.s32 $0xFFFFE000  }
.Ltmp1:
0x221: {  	_ =	swait.ge [sflag:s8], $0x2000;
	(pc) =	sbr.rel @!p1 .LBB2_3-.Ltmp1, $4  }
0x222: {  	[sflag:s8] =	ssyncset.done $0x0  }
0x223: {  	[sflag:s8] =	ssyncadd.s32 $0xFFFFE000  }
0x224: {  	p0 =	por $0x1, $0x1;
	_ =	swait.ge [sflag:s8], $0x2000  }
0x225: {  	s1 =	sadd.s32 $0xFFFFFFFF, s12;
	s0 =	rddreg [dreg:$0x3];
	[sflag:s8] =	ssyncset.done $0x0  }
.LBB2_4:
0x226: {  	[sflag:s8] =	ssyncadd.s32 $0xFFFFE000  }
0x227: {  	[tilespmem:s30], [sflag:$0x3] =	stream.strided.gather [hbm4b:s0+s3], $0x1900, s26, s3, $0x38;
	[tilespmem:$0x9900] =	vst v63  }
0x228: {  	_ =	swait.ge [sflag:s31], $0x1900  }
0x229: {  	[sflag:s31] =	ssyncset.done $0x0  }
0x22a: {  	[sflag:s31] =	ssyncadd.s32 $0xFFFFE700  }
0x22b: {  	[tilespmem:s5], [sflag:$0x1] =	stream.indirect.gather [hbm4b:s2+s3], $0x40, s30, s3, $0xb8;
	[tilespmem:$0x9900] =	vst v63  }
0x22c: {  	_ = 	snop  }
0x22d: {  	[tilespmem:s4], [sflag:$0x1] =	stream.indirect.gather [hbm4b:s2+s3], $0x40, s3, s3, $0xb8;
	[tilespmem:$0x9900] =	vst v63  }
0x22e: {  	_ =	swait.ge [sflag:s6], $0x2000  }
0x22f: {  	s0 =	rddreg [dreg:$0x4];
	[sflag:s6] =	ssyncset.done $0x0  }
0x230: {  	s12 =	sld [smem:$0x7E0];
	[sflag:s6] =	ssyncadd.s32 $0xFFFFE000  }
0x231: {  	[hbm4b:s0+s7] =	stream.strided.scatter [tilespmem:s5], [sflag:$0x2], $0x2000, s9, s7, $0x38;
	[tilespmem:$0x9900] =	vst v63  }
0x232: {  	_ = 	snop  }
0x233: {  	[tilespmem:s11], [sflag:$0x1] =	stream.indirect.gather [hbm4b:s2+s3], $0x40, s12, s3, $0xb8;
	[tilespmem:$0x9900] =	vst v63  }
0x234: {  	_ =	swait.ge [sflag:s6], $0x2000  }
0x235: {  	s0 =	rddreg [dreg:$0x5];
	[sflag:s6] =	ssyncset.done $0x0  }
0x236: {  	s12 =	sld [smem:$0x7E1];
	[sflag:s6] =	ssyncadd.s32 $0xFFFFE000  }
0x237: {  	[hbm4b:s0+s7] =	stream.strided.scatter [tilespmem:s4], [sflag:$0x2], $0x2000, s9, s7, $0x38;
	[tilespmem:$0x9900] =	vst v63  }
0x238: {  	_ = 	snop  }
0x239: {  	[tilespmem:s10], [sflag:$0x1] =	stream.indirect.gather [hbm4b:s2+s3], $0x40, s12, s3, $0xb8;
	[tilespmem:$0x9900] =	vst v63  }
0x23a: {  	_ =	swait.ge [sflag:s6], $0x2000  }
0x23b: {  	[sflag:s6] =	ssyncset.done $0x0  }
0x23c: {  	s12 =	rddreg [dreg:$0x6];
	[sflag:s6] =	ssyncadd.s32 $0xFFFFE000  }
0x23d: {  	[hbm4b:s12+s7] =	stream.strided.scatter [tilespmem:s11], [sflag:$0x2], $0x2000, s9, s7, $0x38;
	[tilespmem:$0x9900] =	vst v63  }
0x23e: {  	_ =	swait.ge [sflag:s8], $0x2000  }
0x23f: {  	s12 =	sld [smem:$0x7E2]  }
0x240: {  	[sflag:s8] =	ssyncset.done $0x0  }
0x241: {  	[sflag:s8] =	ssyncadd.s32 $0xFFFFE000  }
0x242: {  	[tilespmem:s5], [sflag:$0x1] =	stream.indirect.gather [hbm4b:s2+s3], $0x40, s12, s3, $0xb8;
	[tilespmem:$0x9900] =	vst v63  }
0x243: {  	_ =	swait.ge [sflag:s6], $0x2000  }
0x244: {  	[sflag:s6] =	ssyncset.done $0x0  }
0x245: {  	s12 =	rddreg [dreg:$0x7];
	[sflag:s6] =	ssyncadd.s32 $0xFFFFE000  }
0x246: {  	[hbm4b:s12+s7] =	stream.strided.scatter [tilespmem:s10], [sflag:$0x2], $0x2000, s9, s7, $0x38;
	[tilespmem:$0x9900] =	vst v63  }
0x247: {  	_ =	swait.ge [sflag:s8], $0x2000  }
0x248: {  	s12 =	sld [smem:$0x7E3]  }
0x249: {  	[sflag:s8] =	ssyncset.done $0x0  }
0x24a: {  	[sflag:s8] =	ssyncadd.s32 $0xFFFFE000  }
0x24b: {  	[tilespmem:s4], [sflag:$0x1] =	stream.indirect.gather [hbm4b:s2+s3], $0x40, s12, s3, $0xb8;
	[tilespmem:$0x9900] =	vst v63  }
0x24c: {  	_ =	swait.ge [sflag:s6], $0x2000  }
0x24d: {  	[sflag:s6] =	ssyncset.done $0x0  }
0x24e: {  	s12 =	rddreg [dreg:$0x8];
	[sflag:s6] =	ssyncadd.s32 $0xFFFFE000  }
0x24f: {  	[hbm4b:s12+s7] =	stream.strided.scatter [tilespmem:s5], [sflag:$0x2], $0x2000, s9, s7, $0x38;
	[tilespmem:$0x9900] =	vst v63  }
0x250: {  	_ =	swait.ge [sflag:s8], $0x2000  }
0x251: {  	s12 =	sld [smem:$0x7E4]  }
0x252: {  	[sflag:s8] =	ssyncset.done $0x0  }
0x253: {  	[sflag:s8] =	ssyncadd.s32 $0xFFFFE000  }
0x254: {  	[tilespmem:s11], [sflag:$0x1] =	stream.indirect.gather [hbm4b:s2+s3], $0x40, s12, s3, $0xb8;
	[tilespmem:$0x9900] =	vst v63  }
0x255: {  	_ =	swait.ge [sflag:s6], $0x2000  }
0x256: {  	[sflag:s6] =	ssyncset.done $0x0  }
0x257: {  	s12 =	rddreg [dreg:$0x9];
	[sflag:s6] =	ssyncadd.s32 $0xFFFFE000  }
0x258: {  	[hbm4b:s12+s7] =	stream.strided.scatter [tilespmem:s4], [sflag:$0x2], $0x2000, s9, s7, $0x38;
	[tilespmem:$0x9900] =	vst v63  }
0x259: {  	_ =	swait.ge [sflag:s8], $0x2000  }
0x25a: {  	s12 =	sld [smem:$0x7E5]  }
0x25b: {  	[sflag:s8] =	ssyncset.done $0x0  }
0x25c: {  	[sflag:s8] =	ssyncadd.s32 $0xFFFFE000  }
0x25d: {  	[tilespmem:s10], [sflag:$0x1] =	stream.indirect.gather [hbm4b:s2+s3], $0x40, s12, s3, $0xb8;
	[tilespmem:$0x9900] =	vst v63  }
0x25e: {  	_ =	swait.ge [sflag:s6], $0x2000  }
0x25f: {  	[sflag:s6] =	ssyncset.done $0x0  }
0x260: {  	s12 =	rddreg [dreg:$0xa];
	[sflag:s6] =	ssyncadd.s32 $0xFFFFE000  }
0x261: {  	[hbm4b:s12+s7] =	stream.strided.scatter [tilespmem:s11], [sflag:$0x2], $0x2000, s9, s7, $0x38;
	[tilespmem:$0x9900] =	vst v63  }
0x262: {  	_ =	swait.ge [sflag:s8], $0x2000  }
0x263: {  	s12 =	sld [smem:$0x7E6]  }
0x264: {  	[sflag:s8] =	ssyncset.done $0x0  }
0x265: {  	[sflag:s8] =	ssyncadd.s32 $0xFFFFE000  }
0x266: {  	[tilespmem:s5], [sflag:$0x1] =	stream.indirect.gather [hbm4b:s2+s3], $0x40, s12, s3, $0xb8;
	[tilespmem:$0x9900] =	vst v63  }
0x267: {  	_ =	swait.ge [sflag:s6], $0x2000  }
0x268: {  	[sflag:s6] =	ssyncset.done $0x0  }
0x269: {  	s12 =	rddreg [dreg:$0xb];
	[sflag:s6] =	ssyncadd.s32 $0xFFFFE000  }
0x26a: {  	[hbm4b:s12+s7] =	stream.strided.scatter [tilespmem:s10], [sflag:$0x2], $0x2000, s9, s7, $0x38;
	[tilespmem:$0x9900] =	vst v63  }
0x26b: {  	_ =	swait.ge [sflag:s8], $0x2000  }
0x26c: {  	s12 =	sld [smem:$0x7E7]  }
0x26d: {  	[sflag:s8] =	ssyncset.done $0x0  }
0x26e: {  	[sflag:s8] =	ssyncadd.s32 $0xFFFFE000  }
0x26f: {  	[tilespmem:s4], [sflag:$0x1] =	stream.indirect.gather [hbm4b:s2+s3], $0x40, s12, s3, $0xb8;
	[tilespmem:$0x9900] =	vst v63  }
0x270: {  	_ =	swait.ge [sflag:s6], $0x2000  }
0x271: {  	[sflag:s6] =	ssyncset.done $0x0  }
0x272: {  	s12 =	rddreg [dreg:$0xc];
	[sflag:s6] =	ssyncadd.s32 $0xFFFFE000  }
0x273: {  	[hbm4b:s12+s7] =	stream.strided.scatter [tilespmem:s5], [sflag:$0x2], $0x2000, s9, s7, $0x38;
	[tilespmem:$0x9900] =	vst v63  }
0x274: {  	_ =	swait.ge [sflag:s8], $0x2000  }
0x275: {  	s12 =	sld [smem:$0x7E8]  }
0x276: {  	[sflag:s8] =	ssyncset.done $0x0  }
0x277: {  	[sflag:s8] =	ssyncadd.s32 $0xFFFFE000  }
0x278: {  	[tilespmem:s11], [sflag:$0x1] =	stream.indirect.gather [hbm4b:s2+s3], $0x40, s12, s3, $0xb8;
	[tilespmem:$0x9900] =	vst v63  }
0x279: {  	_ =	swait.ge [sflag:s6], $0x2000  }
0x27a: {  	[sflag:s6] =	ssyncset.done $0x0  }
0x27b: {  	s12 =	rddreg [dreg:$0xd];
	[sflag:s6] =	ssyncadd.s32 $0xFFFFE000  }
0x27c: {  	[hbm4b:s12+s7] =	stream.strided.scatter [tilespmem:s4], [sflag:$0x2], $0x2000, s9, s7, $0x38;
	[tilespmem:$0x9900] =	vst v63  }
0x27d: {  	_ =	swait.ge [sflag:s8], $0x2000  }
0x27e: {  	s12 =	sld [smem:$0x7E9]  }
0x27f: {  	[sflag:s8] =	ssyncset.done $0x0  }
0x280: {  	[sflag:s8] =	ssyncadd.s32 $0xFFFFE000  }
0x281: {  	[tilespmem:s10], [sflag:$0x1] =	stream.indirect.gather [hbm4b:s2+s3], $0x40, s12, s3, $0xb8;
	[tilespmem:$0x9900] =	vst v63  }
0x282: {  	_ =	swait.ge [sflag:s6], $0x2000  }
0x283: {  	[sflag:s6] =	ssyncset.done $0x0  }
0x284: {  	s12 =	rddreg [dreg:$0xe];
	[sflag:s6] =	ssyncadd.s32 $0xFFFFE000  }
0x285: {  	[hbm4b:s12+s7] =	stream.strided.scatter [tilespmem:s11], [sflag:$0x2], $0x2000, s9, s7, $0x38;
	[tilespmem:$0x9900] =	vst v63  }
0x286: {  	_ =	swait.ge [sflag:s8], $0x2000  }
0x287: {  	s12 =	sld [smem:$0x7EA]  }
0x288: {  	[sflag:s8] =	ssyncset.done $0x0  }
0x289: {  	[sflag:s8] =	ssyncadd.s32 $0xFFFFE000  }
0x28a: {  	[tilespmem:s5], [sflag:$0x1] =	stream.indirect.gather [hbm4b:s2+s3], $0x40, s12, s3, $0xb8;
	[tilespmem:$0x9900] =	vst v63  }
0x28b: {  	_ =	swait.ge [sflag:s6], $0x2000  }
0x28c: {  	[sflag:s6] =	ssyncset.done $0x0  }
0x28d: {  	s12 =	rddreg [dreg:$0xf];
	[sflag:s6] =	ssyncadd.s32 $0xFFFFE000  }
0x28e: {  	[hbm4b:s12+s7] =	stream.strided.scatter [tilespmem:s10], [sflag:$0x2], $0x2000, s9, s7, $0x38;
	[tilespmem:$0x9900] =	vst v63  }
0x28f: {  	_ =	swait.ge [sflag:s8], $0x2000  }
0x290: {  	s12 =	sld [smem:$0x7EB]  }
0x291: {  	[sflag:s8] =	ssyncset.done $0x0  }
0x292: {  	[sflag:s8] =	ssyncadd.s32 $0xFFFFE000  }
0x293: {  	[tilespmem:s4], [sflag:$0x1] =	stream.indirect.gather [hbm4b:s2+s3], $0x40, s12, s3, $0xb8;
	[tilespmem:$0x9900] =	vst v63  }
0x294: {  	_ =	swait.ge [sflag:s6], $0x2000  }
0x295: {  	[sflag:s6] =	ssyncset.done $0x0  }
0x296: {  	s12 =	rddreg [dreg:$0x10];
	[sflag:s6] =	ssyncadd.s32 $0xFFFFE000  }
0x297: {  	[hbm4b:s12+s7] =	stream.strided.scatter [tilespmem:s5], [sflag:$0x2], $0x2000, s9, s7, $0x38;
	[tilespmem:$0x9900] =	vst v63  }
0x298: {  	_ =	swait.ge [sflag:s8], $0x2000  }
0x299: {  	s12 =	sld [smem:$0x7EC]  }
0x29a: {  	[sflag:s8] =	ssyncset.done $0x0  }
0x29b: {  	[sflag:s8] =	ssyncadd.s32 $0xFFFFE000  }
0x29c: {  	[tilespmem:s11], [sflag:$0x1] =	stream.indirect.gather [hbm4b:s2+s3], $0x40, s12, s3, $0xb8;
	[tilespmem:$0x9900] =	vst v63  }
0x29d: {  	_ =	swait.ge [sflag:s6], $0x2000  }
0x29e: {  	[sflag:s6] =	ssyncset.done $0x0  }
0x29f: {  	s12 =	rddreg [dreg:$0x11];
	[sflag:s6] =	ssyncadd.s32 $0xFFFFE000  }
0x2a0: {  	[hbm4b:s12+s7] =	stream.strided.scatter [tilespmem:s4], [sflag:$0x2], $0x2000, s9, s7, $0x38;
	[tilespmem:$0x9900] =	vst v63  }
0x2a1: {  	_ =	swait.ge [sflag:s8], $0x2000  }
0x2a2: {  	s12 =	sld [smem:$0x7ED]  }
0x2a3: {  	[sflag:s8] =	ssyncset.done $0x0  }
0x2a4: {  	[sflag:s8] =	ssyncadd.s32 $0xFFFFE000  }
0x2a5: {  	[tilespmem:s10], [sflag:$0x1] =	stream.indirect.gather [hbm4b:s2+s3], $0x40, s12, s3, $0xb8;
	[tilespmem:$0x9900] =	vst v63  }
0x2a6: {  	_ =	swait.ge [sflag:s6], $0x2000  }
0x2a7: {  	[sflag:s6] =	ssyncset.done $0x0  }
0x2a8: {  	s12 =	rddreg [dreg:$0x12];
	[sflag:s6] =	ssyncadd.s32 $0xFFFFE000  }
0x2a9: {  	[hbm4b:s12+s7] =	stream.strided.scatter [tilespmem:s11], [sflag:$0x2], $0x2000, s9, s7, $0x38;
	[tilespmem:$0x9900] =	vst v63  }
0x2aa: {  	_ =	swait.ge [sflag:s8], $0x2000  }
0x2ab: {  	s12 =	sld [smem:$0x7EE]  }
0x2ac: {  	[sflag:s8] =	ssyncset.done $0x0  }
0x2ad: {  	[sflag:s8] =	ssyncadd.s32 $0xFFFFE000  }
0x2ae: {  	[tilespmem:s5], [sflag:$0x1] =	stream.indirect.gather [hbm4b:s2+s3], $0x40, s12, s3, $0xb8;
	[tilespmem:$0x9900] =	vst v63  }
0x2af: {  	_ =	swait.ge [sflag:s6], $0x2000  }
0x2b0: {  	[sflag:s6] =	ssyncset.done $0x0  }
0x2b1: {  	s12 =	rddreg [dreg:$0x13];
	[sflag:s6] =	ssyncadd.s32 $0xFFFFE000  }
0x2b2: {  	[hbm4b:s12+s7] =	stream.strided.scatter [tilespmem:s10], [sflag:$0x2], $0x2000, s9, s7, $0x38;
	[tilespmem:$0x9900] =	vst v63  }
0x2b3: {  	_ =	swait.ge [sflag:s8], $0x2000  }
0x2b4: {  	s12 =	sld [smem:$0x7EF]  }
0x2b5: {  	[sflag:s8] =	ssyncset.done $0x0  }
0x2b6: {  	[sflag:s8] =	ssyncadd.s32 $0xFFFFE000  }
0x2b7: {  	[tilespmem:s4], [sflag:$0x1] =	stream.indirect.gather [hbm4b:s2+s3], $0x40, s12, s3, $0xb8;
	[tilespmem:$0x9900] =	vst v63  }
0x2b8: {  	_ =	swait.ge [sflag:s6], $0x2000  }
0x2b9: {  	[sflag:s6] =	ssyncset.done $0x0  }
0x2ba: {  	s12 =	rddreg [dreg:$0x14];
	[sflag:s6] =	ssyncadd.s32 $0xFFFFE000  }
0x2bb: {  	[hbm4b:s12+s7] =	stream.strided.scatter [tilespmem:s5], [sflag:$0x2], $0x2000, s9, s7, $0x38;
	[tilespmem:$0x9900] =	vst v63  }
0x2bc: {  	_ =	swait.ge [sflag:s8], $0x2000  }
0x2bd: {  	s12 =	sld [smem:$0x7F0]  }
0x2be: {  	[sflag:s8] =	ssyncset.done $0x0  }
0x2bf: {  	[sflag:s8] =	ssyncadd.s32 $0xFFFFE000  }
0x2c0: {  	[tilespmem:s11], [sflag:$0x1] =	stream.indirect.gather [hbm4b:s2+s3], $0x40, s12, s3, $0xb8;
	[tilespmem:$0x9900] =	vst v63  }
0x2c1: {  	_ =	swait.ge [sflag:s6], $0x2000  }
0x2c2: {  	[sflag:s6] =	ssyncset.done $0x0  }
0x2c3: {  	s12 =	rddreg [dreg:$0x15];
	[sflag:s6] =	ssyncadd.s32 $0xFFFFE000  }
0x2c4: {  	[hbm4b:s12+s7] =	stream.strided.scatter [tilespmem:s4], [sflag:$0x2], $0x2000, s9, s7, $0x38;
	[tilespmem:$0x9900] =	vst v63  }
0x2c5: {  	_ =	swait.ge [sflag:s8], $0x2000  }
0x2c6: {  	s12 =	sld [smem:$0x7F1]  }
0x2c7: {  	[sflag:s8] =	ssyncset.done $0x0  }
0x2c8: {  	[sflag:s8] =	ssyncadd.s32 $0xFFFFE000  }
0x2c9: {  	[tilespmem:s10], [sflag:$0x1] =	stream.indirect.gather [hbm4b:s2+s3], $0x40, s12, s3, $0xb8;
	[tilespmem:$0x9900] =	vst v63  }
0x2ca: {  	_ =	swait.ge [sflag:s6], $0x2000  }
0x2cb: {  	[sflag:s6] =	ssyncset.done $0x0  }
0x2cc: {  	s12 =	rddreg [dreg:$0x16];
	[sflag:s6] =	ssyncadd.s32 $0xFFFFE000  }
0x2cd: {  	[hbm4b:s12+s7] =	stream.strided.scatter [tilespmem:s11], [sflag:$0x2], $0x2000, s9, s7, $0x38;
	[tilespmem:$0x9900] =	vst v63  }
0x2ce: {  	_ =	swait.ge [sflag:s8], $0x2000  }
0x2cf: {  	s12 =	sld [smem:$0x7F2]  }
0x2d0: {  	[sflag:s8] =	ssyncset.done $0x0  }
0x2d1: {  	[sflag:s8] =	ssyncadd.s32 $0xFFFFE000  }
0x2d2: {  	[tilespmem:s5], [sflag:$0x1] =	stream.indirect.gather [hbm4b:s2+s3], $0x40, s12, s3, $0xb8;
	[tilespmem:$0x9900] =	vst v63  }
0x2d3: {  	_ =	swait.ge [sflag:s6], $0x2000  }
0x2d4: {  	[sflag:s6] =	ssyncset.done $0x0  }
0x2d5: {  	s12 =	rddreg [dreg:$0x17];
	[sflag:s6] =	ssyncadd.s32 $0xFFFFE000  }
0x2d6: {  	[hbm4b:s12+s7] =	stream.strided.scatter [tilespmem:s10], [sflag:$0x2], $0x2000, s9, s7, $0x38;
	[tilespmem:$0x9900] =	vst v63  }
0x2d7: {  	_ =	swait.ge [sflag:s8], $0x2000  }
0x2d8: {  	s12 =	sld [smem:$0x7F3]  }
0x2d9: {  	[sflag:s8] =	ssyncset.done $0x0  }
0x2da: {  	[sflag:s8] =	ssyncadd.s32 $0xFFFFE000  }
0x2db: {  	[tilespmem:s4], [sflag:$0x1] =	stream.indirect.gather [hbm4b:s2+s3], $0x40, s12, s3, $0xb8;
	[tilespmem:$0x9900] =	vst v63  }
0x2dc: {  	_ =	swait.ge [sflag:s6], $0x2000  }
0x2dd: {  	[sflag:s6] =	ssyncset.done $0x0  }
0x2de: {  	s12 =	rddreg [dreg:$0x18];
	[sflag:s6] =	ssyncadd.s32 $0xFFFFE000  }
0x2df: {  	[hbm4b:s12+s7] =	stream.strided.scatter [tilespmem:s5], [sflag:$0x2], $0x2000, s9, s7, $0x38;
	[tilespmem:$0x9900] =	vst v63  }
0x2e0: {  	_ =	swait.ge [sflag:s8], $0x2000  }
0x2e1: {  	s12 =	sld [smem:$0x7F4]  }
0x2e2: {  	[sflag:s8] =	ssyncset.done $0x0  }
0x2e3: {  	[sflag:s8] =	ssyncadd.s32 $0xFFFFE000  }
0x2e4: {  	[tilespmem:s11], [sflag:$0x1] =	stream.indirect.gather [hbm4b:s2+s3], $0x40, s12, s3, $0xb8;
	[tilespmem:$0x9900] =	vst v63  }
0x2e5: {  	_ =	swait.ge [sflag:s6], $0x2000  }
0x2e6: {  	[sflag:s6] =	ssyncset.done $0x0  }
0x2e7: {  	s12 =	rddreg [dreg:$0x19];
	[sflag:s6] =	ssyncadd.s32 $0xFFFFE000  }
0x2e8: {  	[hbm4b:s12+s7] =	stream.strided.scatter [tilespmem:s4], [sflag:$0x2], $0x2000, s9, s7, $0x38;
	[tilespmem:$0x9900] =	vst v63  }
0x2e9: {  	_ =	swait.ge [sflag:s8], $0x2000  }
0x2ea: {  	s12 =	sld [smem:$0x7F5]  }
0x2eb: {  	[sflag:s8] =	ssyncset.done $0x0  }
0x2ec: {  	[sflag:s8] =	ssyncadd.s32 $0xFFFFE000  }
0x2ed: {  	[tilespmem:s10], [sflag:$0x1] =	stream.indirect.gather [hbm4b:s2+s3], $0x40, s12, s3, $0xb8;
	[tilespmem:$0x9900] =	vst v63  }
0x2ee: {  	_ =	swait.ge [sflag:s6], $0x2000  }
0x2ef: {  	[sflag:s6] =	ssyncset.done $0x0  }
0x2f0: {  	s12 =	rddreg [dreg:$0x1a];
	[sflag:s6] =	ssyncadd.s32 $0xFFFFE000  }
0x2f1: {  	[hbm4b:s12+s7] =	stream.strided.scatter [tilespmem:s11], [sflag:$0x2], $0x2000, s9, s7, $0x38;
	[tilespmem:$0x9900] =	vst v63  }
0x2f2: {  	_ =	swait.ge [sflag:s8], $0x2000  }
0x2f3: {  	s12 =	sld [smem:$0x7F6]  }
0x2f4: {  	[sflag:s8] =	ssyncset.done $0x0  }
0x2f5: {  	[sflag:s8] =	ssyncadd.s32 $0xFFFFE000  }
0x2f6: {  	[tilespmem:s5], [sflag:$0x1] =	stream.indirect.gather [hbm4b:s2+s3], $0x40, s12, s3, $0xb8;
	[tilespmem:$0x9900] =	vst v63  }
0x2f7: {  	_ =	swait.ge [sflag:s6], $0x2000  }
0x2f8: {  	[sflag:s6] =	ssyncset.done $0x0  }
0x2f9: {  	s12 =	rddreg [dreg:$0x1b];
	[sflag:s6] =	ssyncadd.s32 $0xFFFFE000  }
0x2fa: {  	[hbm4b:s12+s7] =	stream.strided.scatter [tilespmem:s10], [sflag:$0x2], $0x2000, s9, s7, $0x38;
	[tilespmem:$0x9900] =	vst v63  }
0x2fb: {  	_ =	swait.ge [sflag:s8], $0x2000  }
0x2fc: {  	[sflag:s8] =	ssyncset.done $0x0  }
0x2fd: {  	[sflag:s8] =	ssyncadd.s32 $0xFFFFE000  }
0x2fe: {  	[tilespmem:s4], [sflag:$0x1] =	stream.indirect.gather [hbm4b:s2+s3], $0x40, s9, s3, $0xb8;
	[tilespmem:$0x9900] =	vst v63  }
0x2ff: {  	_ =	swait.ge [sflag:s6], $0x2000  }
0x300: {  	[sflag:s6] =	ssyncset.done $0x0  }
0x301: {  	s12 =	rddreg [dreg:$0x1c];
	[sflag:s6] =	ssyncadd.s32 $0xFFFFE000  }
0x302: {  	[hbm4b:s12+s7] =	stream.strided.scatter [tilespmem:s5], [sflag:$0x2], $0x2000, s9, s7, $0x38;
	[tilespmem:$0x9900] =	vst v63  }
0x303: {  	_ =	swait.ge [sflag:s8], $0x2000  }
0x304: {  	s12 =	sld [smem:$0x7F7]  }
0x305: {  	[sflag:s8] =	ssyncset.done $0x0  }
0x306: {  	[sflag:s8] =	ssyncadd.s32 $0xFFFFE000  }
0x307: {  	[tilespmem:s11], [sflag:$0x1] =	stream.indirect.gather [hbm4b:s2+s3], $0x40, s12, s3, $0xb8;
	[tilespmem:$0x9900] =	vst v63  }
0x308: {  	_ =	swait.ge [sflag:s6], $0x2000  }
0x309: {  	[sflag:s6] =	ssyncset.done $0x0  }
0x30a: {  	s12 =	rddreg [dreg:$0x1d];
	[sflag:s6] =	ssyncadd.s32 $0xFFFFE000  }
0x30b: {  	[hbm4b:s12+s7] =	stream.strided.scatter [tilespmem:s4], [sflag:$0x2], $0x2000, s9, s7, $0x38;
	[tilespmem:$0x9900] =	vst v63  }
0x30c: {  	_ =	swait.ge [sflag:s8], $0x2000  }
0x30d: {  	s12 =	sld [smem:$0x7F8]  }
0x30e: {  	[sflag:s8] =	ssyncset.done $0x0  }
0x30f: {  	[sflag:s8] =	ssyncadd.s32 $0xFFFFE000  }
0x310: {  	[tilespmem:s10], [sflag:$0x1] =	stream.indirect.gather [hbm4b:s2+s3], $0x40, s12, s3, $0xb8;
	[tilespmem:$0x9900] =	vst v63  }
0x311: {  	_ =	swait.ge [sflag:s6], $0x2000  }
0x312: {  	[sflag:s6] =	ssyncset.done $0x0  }
0x313: {  	s12 =	rddreg [dreg:$0x1e];
	[sflag:s6] =	ssyncadd.s32 $0xFFFFE000  }
0x314: {  	[hbm4b:s12+s7] =	stream.strided.scatter [tilespmem:s11], [sflag:$0x2], $0x2000, s9, s7, $0x38;
	[tilespmem:$0x9900] =	vst v63  }
0x315: {  	_ =	swait.ge [sflag:s8], $0x2000  }
0x316: {  	s12 =	sld [smem:$0x7F9]  }
0x317: {  	[sflag:s8] =	ssyncset.done $0x0  }
0x318: {  	[sflag:s8] =	ssyncadd.s32 $0xFFFFE000  }
0x319: {  	[tilespmem:s5], [sflag:$0x1] =	stream.indirect.gather [hbm4b:s2+s3], $0x40, s12, s3, $0xb8;
	[tilespmem:$0x9900] =	vst v63  }
0x31a: {  	_ =	swait.ge [sflag:s6], $0x2000  }
0x31b: {  	[sflag:s6] =	ssyncset.done $0x0  }
0x31c: {  	s12 =	rddreg [dreg:$0x1f];
	[sflag:s6] =	ssyncadd.s32 $0xFFFFE000  }
0x31d: {  	[hbm4b:s12+s7] =	stream.strided.scatter [tilespmem:s10], [sflag:$0x2], $0x2000, s9, s7, $0x38;
	[tilespmem:$0x9900] =	vst v63  }
0x31e: {  	_ =	swait.ge [sflag:s8], $0x2000  }
0x31f: {  	s12 =	sld [smem:$0x7FA]  }
0x320: {  	[sflag:s8] =	ssyncset.done $0x0  }
0x321: {  	[sflag:s8] =	ssyncadd.s32 $0xFFFFE000  }
0x322: {  	[tilespmem:s4], [sflag:$0x1] =	stream.indirect.gather [hbm4b:s2+s3], $0x40, s12, s3, $0xb8;
	[tilespmem:$0x9900] =	vst v63  }
0x323: {  	_ =	swait.ge [sflag:s6], $0x2000  }
0x324: {  	s12 =	sld [smem:$0x7CA]  }
0x325: {  	[sflag:s6] =	ssyncset.done $0x0  }
0x326: {  	[sflag:s6] =	ssyncadd.s32 $0xFFFFE000  }
0x327: {  	[hbm4b:s12+s7] =	stream.strided.scatter [tilespmem:s5], [sflag:$0x2], $0x2000, s9, s7, $0x38;
	[tilespmem:$0x9900] =	vst v63  }
0x328: {  	_ =	swait.ge [sflag:s8], $0x2000  }
0x329: {  	s12 =	sld [smem:$0x7FB]  }
0x32a: {  	[sflag:s8] =	ssyncset.done $0x0  }
0x32b: {  	[sflag:s8] =	ssyncadd.s32 $0xFFFFE000  }
0x32c: {  	[tilespmem:s11], [sflag:$0x1] =	stream.indirect.gather [hbm4b:s2+s3], $0x40, s12, s3, $0xb8;
	[tilespmem:$0x9900] =	vst v63  }
0x32d: {  	_ =	swait.ge [sflag:s6], $0x2000  }
0x32e: {  	s12 =	sld [smem:$0x7CB]  }
0x32f: {  	[sflag:s6] =	ssyncset.done $0x0  }
0x330: {  	[sflag:s6] =	ssyncadd.s32 $0xFFFFE000  }
0x331: {  	[hbm4b:s12+s7] =	stream.strided.scatter [tilespmem:s4], [sflag:$0x2], $0x2000, s9, s7, $0x38;
	[tilespmem:$0x9900] =	vst v63  }
0x332: {  	_ =	swait.ge [sflag:s8], $0x2000  }
0x333: {  	s12 =	sld [smem:$0x7FC]  }
0x334: {  	[sflag:s8] =	ssyncset.done $0x0  }
0x335: {  	[sflag:s8] =	ssyncadd.s32 $0xFFFFE000  }
0x336: {  	[tilespmem:s10], [sflag:$0x1] =	stream.indirect.gather [hbm4b:s2+s3], $0x40, s12, s3, $0xb8;
	[tilespmem:$0x9900] =	vst v63  }
0x337: {  	_ =	swait.ge [sflag:s6], $0x2000  }
0x338: {  	s12 =	sld [smem:$0x7CC]  }
0x339: {  	[sflag:s6] =	ssyncset.done $0x0  }
0x33a: {  	[sflag:s6] =	ssyncadd.s32 $0xFFFFE000  }
0x33b: {  	[hbm4b:s12+s7] =	stream.strided.scatter [tilespmem:s11], [sflag:$0x2], $0x2000, s9, s7, $0x38;
	[tilespmem:$0x9900] =	vst v63  }
0x33c: {  	_ =	swait.ge [sflag:s8], $0x2000  }
0x33d: {  	[sflag:s8] =	ssyncset.done $0x0  }
0x33e: {  	[sflag:s8] =	ssyncadd.s32 $0xFFFFE000  }
0x33f: {  	[tilespmem:s5], [sflag:$0x1] =	stream.indirect.gather [hbm4b:s2+s3], $0x40, s26, s3, $0xb8;
	[tilespmem:$0x9900] =	vst v63  }
0x340: {  	_ =	swait.ge [sflag:s6], $0x2000  }
0x341: {  	s12 =	sld [smem:$0x7CD]  }
0x342: {  	[sflag:s6] =	ssyncset.done $0x0  }
0x343: {  	[sflag:s6] =	ssyncadd.s32 $0xFFFFE000  }
0x344: {  	[hbm4b:s12+s7] =	stream.strided.scatter [tilespmem:s10], [sflag:$0x2], $0x2000, s9, s7, $0x38;
	[tilespmem:$0x9900] =	vst v63  }
0x345: {  	_ =	swait.ge [sflag:s8], $0x2000  }
0x346: {  	s12 =	sld [smem:$0x7FD]  }
0x347: {  	[sflag:s8] =	ssyncset.done $0x0  }
0x348: {  	[sflag:s8] =	ssyncadd.s32 $0xFFFFE000  }
0x349: {  	[tilespmem:s4], [sflag:$0x1] =	stream.indirect.gather [hbm4b:s2+s3], $0x40, s12, s3, $0xb8;
	[tilespmem:$0x9900] =	vst v63  }
0x34a: {  	_ =	swait.ge [sflag:s6], $0x2000  }
0x34b: {  	s12 =	sld [smem:$0x7CE]  }
0x34c: {  	[sflag:s6] =	ssyncset.done $0x0  }
0x34d: {  	[sflag:s6] =	ssyncadd.s32 $0xFFFFE000  }
0x34e: {  	[hbm4b:s12+s7] =	stream.strided.scatter [tilespmem:s5], [sflag:$0x2], $0x2000, s9, s7, $0x38;
	[tilespmem:$0x9900] =	vst v63  }
0x34f: {  	_ =	swait.ge [sflag:s8], $0x2000  }
0x350: {  	[sflag:s8] =	ssyncset.done $0x0  }
0x351: {  	s12 =	simm.s32 $0x1100;
	[sflag:s8] =	ssyncadd.s32 $0xFFFFE000  }
0x352: {  	[tilespmem:s11], [sflag:$0x1] =	stream.indirect.gather [hbm4b:s2+s3], $0x40, s12, s3, $0xb8;
	[tilespmem:$0x9900] =	vst v63  }
0x353: {  	_ =	swait.ge [sflag:s6], $0x2000  }
0x354: {  	s12 =	sld [smem:$0x7CF]  }
0x355: {  	[sflag:s6] =	ssyncset.done $0x0  }
0x356: {  	[sflag:s6] =	ssyncadd.s32 $0xFFFFE000  }
0x357: {  	[hbm4b:s12+s7] =	stream.strided.scatter [tilespmem:s4], [sflag:$0x2], $0x2000, s9, s7, $0x38;
	[tilespmem:$0x9900] =	vst v63  }
0x358: {  	_ =	swait.ge [sflag:s8], $0x2000  }
0x359: {  	[sflag:s8] =	ssyncset.done $0x0  }
0x35a: {  	[sflag:s8] =	ssyncadd.s32 $0xFFFFE000  }
0x35b: {  	[tilespmem:s10], [sflag:$0x1] =	stream.indirect.gather [hbm4b:s2+s3], $0x40, s29, s3, $0xb8;
	[tilespmem:$0x9900] =	vst v63  }
0x35c: {  	_ =	swait.ge [sflag:s6], $0x2000  }
0x35d: {  	s12 =	sld [smem:$0x7D0]  }
0x35e: {  	[sflag:s6] =	ssyncset.done $0x0  }
0x35f: {  	[sflag:s6] =	ssyncadd.s32 $0xFFFFE000  }
0x360: {  	[hbm4b:s12+s7] =	stream.strided.scatter [tilespmem:s11], [sflag:$0x2], $0x2000, s9, s7, $0x38;
	[tilespmem:$0x9900] =	vst v63  }
0x361: {  	_ =	swait.ge [sflag:s8], $0x2000  }
0x362: {  	[sflag:s8] =	ssyncset.done $0x0  }
0x363: {  	[sflag:s8] =	ssyncadd.s32 $0xFFFFE000  }
0x364: {  	[tilespmem:s5], [sflag:$0x1] =	stream.indirect.gather [hbm4b:s2+s3], $0x40, s28, s3, $0xb8;
	[tilespmem:$0x9900] =	vst v63  }
0x365: {  	_ =	swait.ge [sflag:s6], $0x2000  }
0x366: {  	s12 =	sld [smem:$0x7D1]  }
0x367: {  	[sflag:s6] =	ssyncset.done $0x0  }
0x368: {  	[sflag:s6] =	ssyncadd.s32 $0xFFFFE000  }
0x369: {  	[hbm4b:s12+s7] =	stream.strided.scatter [tilespmem:s10], [sflag:$0x2], $0x2000, s9, s7, $0x38;
	[tilespmem:$0x9900] =	vst v63  }
0x36a: {  	_ =	swait.ge [sflag:s8], $0x2000  }
0x36b: {  	[sflag:s8] =	ssyncset.done $0x0  }
0x36c: {  	[sflag:s8] =	ssyncadd.s32 $0xFFFFE000  }
0x36d: {  	[tilespmem:s4], [sflag:$0x1] =	stream.indirect.gather [hbm4b:s2+s3], $0x40, s25, s3, $0xb8;
	[tilespmem:$0x9900] =	vst v63  }
0x36e: {  	_ =	swait.ge [sflag:s6], $0x2000  }
0x36f: {  	s12 =	sld [smem:$0x7D2]  }
0x370: {  	[sflag:s6] =	ssyncset.done $0x0  }
0x371: {  	[sflag:s6] =	ssyncadd.s32 $0xFFFFE000  }
0x372: {  	[hbm4b:s12+s7] =	stream.strided.scatter [tilespmem:s5], [sflag:$0x2], $0x2000, s9, s7, $0x38;
	[tilespmem:$0x9900] =	vst v63  }
0x373: {  	_ =	swait.ge [sflag:s8], $0x2000  }
0x374: {  	[sflag:s8] =	ssyncset.done $0x0  }
0x375: {  	[sflag:s8] =	ssyncadd.s32 $0xFFFFE000  }
0x376: {  	[tilespmem:s11], [sflag:$0x1] =	stream.indirect.gather [hbm4b:s2+s3], $0x40, s24, s3, $0xb8;
	[tilespmem:$0x9900] =	vst v63  }
0x377: {  	_ =	swait.ge [sflag:s6], $0x2000  }
0x378: {  	s12 =	sld [smem:$0x7D3]  }
0x379: {  	[sflag:s6] =	ssyncset.done $0x0  }
0x37a: {  	[sflag:s6] =	ssyncadd.s32 $0xFFFFE000  }
0x37b: {  	[hbm4b:s12+s7] =	stream.strided.scatter [tilespmem:s4], [sflag:$0x2], $0x2000, s9, s7, $0x38;
	[tilespmem:$0x9900] =	vst v63  }
0x37c: {  	_ =	swait.ge [sflag:s8], $0x2000  }
0x37d: {  	[sflag:s8] =	ssyncset.done $0x0  }
0x37e: {  	[sflag:s8] =	ssyncadd.s32 $0xFFFFE000  }
0x37f: {  	[tilespmem:s10], [sflag:$0x1] =	stream.indirect.gather [hbm4b:s2+s3], $0x40, s23, s3, $0xb8;
	[tilespmem:$0x9900] =	vst v63  }
0x380: {  	_ =	swait.ge [sflag:s6], $0x2000  }
0x381: {  	s12 =	sld [smem:$0x7D4]  }
0x382: {  	[sflag:s6] =	ssyncset.done $0x0  }
0x383: {  	[sflag:s6] =	ssyncadd.s32 $0xFFFFE000  }
0x384: {  	[hbm4b:s12+s7] =	stream.strided.scatter [tilespmem:s11], [sflag:$0x2], $0x2000, s9, s7, $0x38;
	[tilespmem:$0x9900] =	vst v63  }
0x385: {  	_ =	swait.ge [sflag:s8], $0x2000  }
0x386: {  	[sflag:s8] =	ssyncset.done $0x0  }
0x387: {  	[sflag:s8] =	ssyncadd.s32 $0xFFFFE000  }
0x388: {  	[tilespmem:s5], [sflag:$0x1] =	stream.indirect.gather [hbm4b:s2+s3], $0x40, s22, s3, $0xb8;
	[tilespmem:$0x9900] =	vst v63  }
0x389: {  	_ =	swait.ge [sflag:s6], $0x2000  }
0x38a: {  	s12 =	sld [smem:$0x7D5]  }
0x38b: {  	[sflag:s6] =	ssyncset.done $0x0  }
0x38c: {  	[sflag:s6] =	ssyncadd.s32 $0xFFFFE000  }
0x38d: {  	[hbm4b:s12+s7] =	stream.strided.scatter [tilespmem:s10], [sflag:$0x2], $0x2000, s9, s7, $0x38;
	[tilespmem:$0x9900] =	vst v63  }
0x38e: {  	_ =	swait.ge [sflag:s8], $0x2000  }
0x38f: {  	[sflag:s8] =	ssyncset.done $0x0  }
0x390: {  	[sflag:s8] =	ssyncadd.s32 $0xFFFFE000  }
0x391: {  	[tilespmem:s4], [sflag:$0x1] =	stream.indirect.gather [hbm4b:s2+s3], $0x40, s21, s3, $0xb8;
	[tilespmem:$0x9900] =	vst v63  }
0x392: {  	_ =	swait.ge [sflag:s6], $0x2000  }
0x393: {  	s12 =	sld [smem:$0x7D6]  }
0x394: {  	[sflag:s6] =	ssyncset.done $0x0  }
0x395: {  	[sflag:s6] =	ssyncadd.s32 $0xFFFFE000  }
0x396: {  	[hbm4b:s12+s7] =	stream.strided.scatter [tilespmem:s5], [sflag:$0x2], $0x2000, s9, s7, $0x38;
	[tilespmem:$0x9900] =	vst v63  }
0x397: {  	_ =	swait.ge [sflag:s8], $0x2000  }
0x398: {  	[sflag:s8] =	ssyncset.done $0x0  }
0x399: {  	[sflag:s8] =	ssyncadd.s32 $0xFFFFE000  }
0x39a: {  	[tilespmem:s11], [sflag:$0x1] =	stream.indirect.gather [hbm4b:s2+s3], $0x40, s20, s3, $0xb8;
	[tilespmem:$0x9900] =	vst v63  }
0x39b: {  	_ =	swait.ge [sflag:s6], $0x2000  }
0x39c: {  	s12 =	sld [smem:$0x7D7]  }
0x39d: {  	[sflag:s6] =	ssyncset.done $0x0  }
0x39e: {  	[sflag:s6] =	ssyncadd.s32 $0xFFFFE000  }
0x39f: {  	[hbm4b:s12+s7] =	stream.strided.scatter [tilespmem:s4], [sflag:$0x2], $0x2000, s9, s7, $0x38;
	[tilespmem:$0x9900] =	vst v63  }
0x3a0: {  	_ =	swait.ge [sflag:s8], $0x2000  }
0x3a1: {  	[sflag:s8] =	ssyncset.done $0x0  }
0x3a2: {  	[sflag:s8] =	ssyncadd.s32 $0xFFFFE000  }
0x3a3: {  	[tilespmem:s10], [sflag:$0x1] =	stream.indirect.gather [hbm4b:s2+s3], $0x40, s19, s3, $0xb8;
	[tilespmem:$0x9900] =	vst v63  }
0x3a4: {  	_ =	swait.ge [sflag:s6], $0x2000  }
0x3a5: {  	s12 =	sld [smem:$0x7D8]  }
0x3a6: {  	[sflag:s6] =	ssyncset.done $0x0  }
0x3a7: {  	[sflag:s6] =	ssyncadd.s32 $0xFFFFE000  }
0x3a8: {  	[hbm4b:s12+s7] =	stream.strided.scatter [tilespmem:s11], [sflag:$0x2], $0x2000, s9, s7, $0x38;
	[tilespmem:$0x9900] =	vst v63  }
0x3a9: {  	_ =	swait.ge [sflag:s8], $0x2000  }
0x3aa: {  	[sflag:s8] =	ssyncset.done $0x0  }
0x3ab: {  	[sflag:s8] =	ssyncadd.s32 $0xFFFFE000  }
0x3ac: {  	[tilespmem:s5], [sflag:$0x1] =	stream.indirect.gather [hbm4b:s2+s3], $0x40, s18, s3, $0xb8;
	[tilespmem:$0x9900] =	vst v63  }
0x3ad: {  	_ =	swait.ge [sflag:s6], $0x2000  }
0x3ae: {  	s12 =	sld [smem:$0x7D9]  }
0x3af: {  	[sflag:s6] =	ssyncset.done $0x0  }
0x3b0: {  	[sflag:s6] =	ssyncadd.s32 $0xFFFFE000  }
0x3b1: {  	[hbm4b:s12+s7] =	stream.strided.scatter [tilespmem:s10], [sflag:$0x2], $0x2000, s9, s7, $0x38;
	[tilespmem:$0x9900] =	vst v63  }
0x3b2: {  	_ =	swait.ge [sflag:s8], $0x2000  }
0x3b3: {  	[sflag:s8] =	ssyncset.done $0x0  }
0x3b4: {  	[sflag:s8] =	ssyncadd.s32 $0xFFFFE000  }
0x3b5: {  	[tilespmem:s4], [sflag:$0x1] =	stream.indirect.gather [hbm4b:s2+s3], $0x40, s17, s3, $0xb8;
	[tilespmem:$0x9900] =	vst v63  }
0x3b6: {  	_ =	swait.ge [sflag:s6], $0x2000  }
0x3b7: {  	s12 =	sld [smem:$0x7DA]  }
0x3b8: {  	[sflag:s6] =	ssyncset.done $0x0  }
0x3b9: {  	[sflag:s6] =	ssyncadd.s32 $0xFFFFE000  }
0x3ba: {  	[hbm4b:s12+s7] =	stream.strided.scatter [tilespmem:s5], [sflag:$0x2], $0x2000, s9, s7, $0x38;
	[tilespmem:$0x9900] =	vst v63  }
0x3bb: {  	_ =	swait.ge [sflag:s8], $0x2000  }
0x3bc: {  	[sflag:s8] =	ssyncset.done $0x0  }
0x3bd: {  	[sflag:s8] =	ssyncadd.s32 $0xFFFFE000  }
0x3be: {  	[tilespmem:s11], [sflag:$0x1] =	stream.indirect.gather [hbm4b:s2+s3], $0x40, s16, s3, $0xb8;
	[tilespmem:$0x9900] =	vst v63  }
0x3bf: {  	_ =	swait.ge [sflag:s6], $0x2000  }
0x3c0: {  	s12 =	sld [smem:$0x7DB]  }
0x3c1: {  	[sflag:s6] =	ssyncset.done $0x0  }
0x3c2: {  	[sflag:s6] =	ssyncadd.s32 $0xFFFFE000  }
0x3c3: {  	[hbm4b:s12+s7] =	stream.strided.scatter [tilespmem:s4], [sflag:$0x2], $0x2000, s9, s7, $0x38;
	[tilespmem:$0x9900] =	vst v63  }
0x3c4: {  	_ =	swait.ge [sflag:s8], $0x2000  }
0x3c5: {  	[sflag:s8] =	ssyncset.done $0x0  }
0x3c6: {  	[sflag:s8] =	ssyncadd.s32 $0xFFFFE000  }
0x3c7: {  	[tilespmem:s10], [sflag:$0x1] =	stream.indirect.gather [hbm4b:s2+s3], $0x40, s15, s3, $0xb8;
	[tilespmem:$0x9900] =	vst v63  }
0x3c8: {  	_ =	swait.ge [sflag:s6], $0x2000  }
0x3c9: {  	s12 =	sld [smem:$0x7DC]  }
0x3ca: {  	[sflag:s6] =	ssyncset.done $0x0  }
0x3cb: {  	[sflag:s6] =	ssyncadd.s32 $0xFFFFE000  }
0x3cc: {  	[hbm4b:s12+s7] =	stream.strided.scatter [tilespmem:s11], [sflag:$0x2], $0x2000, s9, s7, $0x38;
	[tilespmem:$0x9900] =	vst v63  }
0x3cd: {  	_ =	swait.ge [sflag:s8], $0x2000  }
0x3ce: {  	[sflag:s8] =	ssyncset.done $0x0  }
0x3cf: {  	[sflag:s8] =	ssyncadd.s32 $0xFFFFE000  }
0x3d0: {  	[tilespmem:s5], [sflag:$0x1] =	stream.indirect.gather [hbm4b:s2+s3], $0x40, s14, s3, $0xb8;
	[tilespmem:$0x9900] =	vst v63  }
0x3d1: {  	_ =	swait.ge [sflag:s6], $0x2000  }
0x3d2: {  	s12 =	sld [smem:$0x7DD]  }
0x3d3: {  	[sflag:s6] =	ssyncset.done $0x0  }
0x3d4: {  	[sflag:s6] =	ssyncadd.s32 $0xFFFFE000  }
0x3d5: {  	[hbm4b:s12+s7] =	stream.strided.scatter [tilespmem:s10], [sflag:$0x2], $0x2000, s9, s7, $0x38;
	[tilespmem:$0x9900] =	vst v63  }
0x3d6: {  	_ =	swait.ge [sflag:s8], $0x2000  }
0x3d7: {  	[sflag:s8] =	ssyncset.done $0x0  }
0x3d8: {  	[sflag:s8] =	ssyncadd.s32 $0xFFFFE000  }
0x3d9: {  	[tilespmem:s4], [sflag:$0x1] =	stream.indirect.gather [hbm4b:s2+s3], $0x40, s13, s3, $0xb8;
	[tilespmem:$0x9900] =	vst v63  }
0x3da: {  	_ =	swait.ge [sflag:s6], $0x2000  }
0x3db: {  	s12 =	sld [smem:$0x7DE]  }
0x3dc: {  	[sflag:s6] =	ssyncset.done $0x0  }
0x3dd: {  	[sflag:s6] =	ssyncadd.s32 $0xFFFFE000  }
0x3de: {  	[hbm4b:s12+s7] =	stream.strided.scatter [tilespmem:s5], [sflag:$0x2], $0x2000, s9, s7, $0x38;
	[tilespmem:$0x9900] =	vst v63  }
0x3df: {  	_ =	swait.ge [sflag:s6], $0x2000  }
0x3e0: {  	s12 =	sld [smem:$0x7DF]  }
0x3e1: {  	[sflag:s6] =	ssyncset.done $0x0  }
0x3e2: {  	[sflag:s6] =	ssyncadd.s32 $0xFFFFE000  }
0x3e3: {  	[hbm4b:s12+s7] =	stream.strided.scatter [tilespmem:s4], [sflag:$0x2], $0x2000, s9, s7, $0x38;
	[tilespmem:$0x9900] =	vst v63  }
0x3e4: {  	_ =	swait.ge [sflag:s8], $0x2000  }
0x3e5: {  	[sflag:s8] =	ssyncset.done $0x0  }
0x3e6: {  	[sflag:s8] =	ssyncadd.s32 $0xFFFFE000  }
0x3e7: {  	_ =	swait.ge [sflag:s8], $0x2000  }
0x3e8: {  	[sflag:s8] =	ssyncset.done $0x0  }
0x3e9: {  	p1 =	sne.s32 s1, $0x1;
	[sflag:s8] =	ssyncadd.s32 $0xFFFFE000  }
.Ltmp2:
0x3ea: {  	_ =	swait.ge [sflag:s8], $0x2000;
	(pc) =	sbr.rel @p1 .LBB2_4-.Ltmp2, $4  }
0x3eb: {  	[sflag:s8] =	ssyncset.done $0x0  }
0x3ec: {  	[sflag:s8] =	ssyncadd.s32 $0xFFFFE000  }
0x3ed: {  	_ =	swait.ge [sflag:s8], $0x2000  }
0x3ee: {  	s1 =	sadd.s32 $0xFFFFFFFF, s1;
	s0 =	rddreg [dreg:$0x3];
	[sflag:s8] =	ssyncset.done $0x0  }
0x3ef: {  	s13 =	simm.s32 $0x1100  }
0x3f0: {  	s29 =	simm.s32 $0x1180;
	s28 =	simm.s32 $0x1200;
	s25 =	simm.s32 $0x1280  }
0x3f1: {  	s24 =	simm.s32 $0x1300;
	s23 =	simm.s32 $0x1380;
	s22 =	simm.s32 $0x1400  }
0x3f2: {  	s21 =	simm.s32 $0x1480;
	s20 =	simm.s32 $0x1500;
	s19 =	simm.s32 $0x1580  }
0x3f3: {  	s18 =	simm.s32 $0x1600;
	s17 =	simm.s32 $0x1680;
	s16 =	simm.s32 $0x1700  }
0x3f4: {  	s15 =	simm.s32 $0x1780;
	s14 =	simm.s32 $0x1800;
	s12 =	stileid.u32  }
.LBB2_6:
0x3f5: {  	[sflag:s8] =	ssyncadd.s32 @p0 $0xFFFFE000  }
0x3f6: {  	[tilespmem:s30], [sflag:$0x3] =	stream.strided.gather [hbm4b:s0+s3], $0x1900, s26, s3, $0x38;
	[tilespmem:$0x9900] =	vst v63  }
0x3f7: {  	_ =	swait.ge [sflag:s31], $0x1900  }
0x3f8: {  	[sflag:s31] =	ssyncset.done $0x0  }
0x3f9: {  	[sflag:s31] =	ssyncadd.s32 $0xFFFFE700  }
0x3fa: {  	[tilespmem:s5], [sflag:$0x1] =	stream.indirect.gather [hbm4b:s2+s3], $0x40, s30, s3, $0xb8;
	[tilespmem:$0x9900] =	vst v63  }
0x3fb: {  	_ = 	snop  }
0x3fc: {  	[tilespmem:s4], [sflag:$0x1] =	stream.indirect.gather [hbm4b:s2+s3], $0x40, s3, s3, $0xb8;
	[tilespmem:$0x9900] =	vst v63  }
0x3fd: {  	_ =	swait.ge [sflag:s6], $0x2000  }
0x3fe: {  	s31 =	rddreg [dreg:$0x4];
	[sflag:s6] =	ssyncset.done $0x0  }
0x3ff: {  	s1 =	sld [smem:$0x7E0];
	[sflag:s6] =	ssyncadd.s32 $0xFFFFE000  }
0x400: {  	[hbm4b:s31+s7] =	stream.strided.scatter [tilespmem:s5], [sflag:$0x2], $0x2000, s9, s7, $0x38;
	[tilespmem:$0x9900] =	vst v63  }
0x401: {  	_ = 	snop  }
0x402: {  	[tilespmem:s11], [sflag:$0x1] =	stream.indirect.gather [hbm4b:s2+s3], $0x40, s1, s3, $0xb8;
	[tilespmem:$0x9900] =	vst v63  }
0x403: {  	_ =	swait.ge [sflag:s6], $0x2000  }
0x404: {  	s1 =	rddreg [dreg:$0x5];
	[sflag:s6] =	ssyncset.done $0x0  }
0x405: {  	s30 =	sld [smem:$0x7E1];
	[sflag:s6] =	ssyncadd.s32 $0xFFFFE000  }
0x406: {  	[hbm4b:s1+s7] =	stream.strided.scatter [tilespmem:s4], [sflag:$0x2], $0x2000, s9, s7, $0x38;
	[tilespmem:$0x9900] =	vst v63  }
0x407: {  	_ = 	snop  }
0x408: {  	[tilespmem:s10], [sflag:$0x1] =	stream.indirect.gather [hbm4b:s2+s3], $0x40, s30, s3, $0xb8;
	[tilespmem:$0x9900] =	vst v63  }
0x409: {  	_ =	swait.ge [sflag:s6], $0x2000  }
0x40a: {  	[sflag:s6] =	ssyncset.done $0x0  }
0x40b: {  	s31 =	rddreg [dreg:$0x6];
	[sflag:s6] =	ssyncadd.s32 $0xFFFFE000  }
0x40c: {  	[hbm4b:s31+s7] =	stream.strided.scatter [tilespmem:s11], [sflag:$0x2], $0x2000, s9, s7, $0x38;
	[tilespmem:$0x9900] =	vst v63  }
0x40d: {  	_ =	swait.ge [sflag:s8], $0x2000  }
0x40e: {  	s1 =	sld [smem:$0x7E2]  }
0x40f: {  	[sflag:s8] =	ssyncset.done $0x0  }
0x410: {  	[sflag:s8] =	ssyncadd.s32 $0xFFFFE000  }
0x411: {  	[tilespmem:s5], [sflag:$0x1] =	stream.indirect.gather [hbm4b:s2+s3], $0x40, s1, s3, $0xb8;
	[tilespmem:$0x9900] =	vst v63  }
0x412: {  	_ =	swait.ge [sflag:s6], $0x2000  }
0x413: {  	[sflag:s6] =	ssyncset.done $0x0  }
0x414: {  	s30 =	rddreg [dreg:$0x7];
	[sflag:s6] =	ssyncadd.s32 $0xFFFFE000  }
0x415: {  	[hbm4b:s30+s7] =	stream.strided.scatter [tilespmem:s10], [sflag:$0x2], $0x2000, s9, s7, $0x38;
	[tilespmem:$0x9900] =	vst v63  }
0x416: {  	_ =	swait.ge [sflag:s8], $0x2000  }
0x417: {  	s31 =	sld [smem:$0x7E3]  }
0x418: {  	[sflag:s8] =	ssyncset.done $0x0  }
0x419: {  	[sflag:s8] =	ssyncadd.s32 $0xFFFFE000  }
0x41a: {  	[tilespmem:s4], [sflag:$0x1] =	stream.indirect.gather [hbm4b:s2+s3], $0x40, s31, s3, $0xb8;
	[tilespmem:$0x9900] =	vst v63  }
0x41b: {  	_ =	swait.ge [sflag:s6], $0x2000  }
0x41c: {  	[sflag:s6] =	ssyncset.done $0x0  }
0x41d: {  	s1 =	rddreg [dreg:$0x8];
	[sflag:s6] =	ssyncadd.s32 $0xFFFFE000  }
0x41e: {  	[hbm4b:s1+s7] =	stream.strided.scatter [tilespmem:s5], [sflag:$0x2], $0x2000, s9, s7, $0x38;
	[tilespmem:$0x9900] =	vst v63  }
0x41f: {  	_ =	swait.ge [sflag:s8], $0x2000  }
0x420: {  	s30 =	sld [smem:$0x7E4]  }
0x421: {  	[sflag:s8] =	ssyncset.done $0x0  }
0x422: {  	[sflag:s8] =	ssyncadd.s32 $0xFFFFE000  }
0x423: {  	[tilespmem:s11], [sflag:$0x1] =	stream.indirect.gather [hbm4b:s2+s3], $0x40, s30, s3, $0xb8;
	[tilespmem:$0x9900] =	vst v63  }
0x424: {  	_ =	swait.ge [sflag:s6], $0x2000  }
0x425: {  	[sflag:s6] =	ssyncset.done $0x0  }
0x426: {  	s31 =	rddreg [dreg:$0x9];
	[sflag:s6] =	ssyncadd.s32 $0xFFFFE000  }
0x427: {  	[hbm4b:s31+s7] =	stream.strided.scatter [tilespmem:s4], [sflag:$0x2], $0x2000, s9, s7, $0x38;
	[tilespmem:$0x9900] =	vst v63  }
0x428: {  	_ =	swait.ge [sflag:s8], $0x2000  }
0x429: {  	s1 =	sld [smem:$0x7E5]  }
0x42a: {  	[sflag:s8] =	ssyncset.done $0x0  }
0x42b: {  	[sflag:s8] =	ssyncadd.s32 $0xFFFFE000  }
0x42c: {  	[tilespmem:s10], [sflag:$0x1] =	stream.indirect.gather [hbm4b:s2+s3], $0x40, s1, s3, $0xb8;
	[tilespmem:$0x9900] =	vst v63  }
0x42d: {  	_ =	swait.ge [sflag:s6], $0x2000  }
0x42e: {  	[sflag:s6] =	ssyncset.done $0x0  }
0x42f: {  	s30 =	rddreg [dreg:$0xa];
	[sflag:s6] =	ssyncadd.s32 $0xFFFFE000  }
0x430: {  	[hbm4b:s30+s7] =	stream.strided.scatter [tilespmem:s11], [sflag:$0x2], $0x2000, s9, s7, $0x38;
	[tilespmem:$0x9900] =	vst v63  }
0x431: {  	_ =	swait.ge [sflag:s8], $0x2000  }
0x432: {  	s31 =	sld [smem:$0x7E6]  }
0x433: {  	[sflag:s8] =	ssyncset.done $0x0  }
0x434: {  	[sflag:s8] =	ssyncadd.s32 $0xFFFFE000  }
0x435: {  	[tilespmem:s5], [sflag:$0x1] =	stream.indirect.gather [hbm4b:s2+s3], $0x40, s31, s3, $0xb8;
	[tilespmem:$0x9900] =	vst v63  }
0x436: {  	_ =	swait.ge [sflag:s6], $0x2000  }
0x437: {  	[sflag:s6] =	ssyncset.done $0x0  }
0x438: {  	s1 =	rddreg [dreg:$0xb];
	[sflag:s6] =	ssyncadd.s32 $0xFFFFE000  }
0x439: {  	[hbm4b:s1+s7] =	stream.strided.scatter [tilespmem:s10], [sflag:$0x2], $0x2000, s9, s7, $0x38;
	[tilespmem:$0x9900] =	vst v63  }
0x43a: {  	_ =	swait.ge [sflag:s8], $0x2000  }
0x43b: {  	s30 =	sld [smem:$0x7E7]  }
0x43c: {  	[sflag:s8] =	ssyncset.done $0x0  }
0x43d: {  	[sflag:s8] =	ssyncadd.s32 $0xFFFFE000  }
0x43e: {  	[tilespmem:s4], [sflag:$0x1] =	stream.indirect.gather [hbm4b:s2+s3], $0x40, s30, s3, $0xb8;
	[tilespmem:$0x9900] =	vst v63  }
0x43f: {  	_ =	swait.ge [sflag:s6], $0x2000  }
0x440: {  	[sflag:s6] =	ssyncset.done $0x0  }
0x441: {  	s31 =	rddreg [dreg:$0xc];
	[sflag:s6] =	ssyncadd.s32 $0xFFFFE000  }
0x442: {  	[hbm4b:s31+s7] =	stream.strided.scatter [tilespmem:s5], [sflag:$0x2], $0x2000, s9, s7, $0x38;
	[tilespmem:$0x9900] =	vst v63  }
0x443: {  	_ =	swait.ge [sflag:s8], $0x2000  }
0x444: {  	s1 =	sld [smem:$0x7E8]  }
0x445: {  	[sflag:s8] =	ssyncset.done $0x0  }
0x446: {  	[sflag:s8] =	ssyncadd.s32 $0xFFFFE000  }
0x447: {  	[tilespmem:s11], [sflag:$0x1] =	stream.indirect.gather [hbm4b:s2+s3], $0x40, s1, s3, $0xb8;
	[tilespmem:$0x9900] =	vst v63  }
0x448: {  	_ =	swait.ge [sflag:s6], $0x2000  }
0x449: {  	[sflag:s6] =	ssyncset.done $0x0  }
0x44a: {  	s30 =	rddreg [dreg:$0xd];
	[sflag:s6] =	ssyncadd.s32 $0xFFFFE000  }
0x44b: {  	[hbm4b:s30+s7] =	stream.strided.scatter [tilespmem:s4], [sflag:$0x2], $0x2000, s9, s7, $0x38;
	[tilespmem:$0x9900] =	vst v63  }
0x44c: {  	_ =	swait.ge [sflag:s8], $0x2000  }
0x44d: {  	s31 =	sld [smem:$0x7E9]  }
0x44e: {  	[sflag:s8] =	ssyncset.done $0x0  }
0x44f: {  	[sflag:s8] =	ssyncadd.s32 $0xFFFFE000  }
0x450: {  	[tilespmem:s10], [sflag:$0x1] =	stream.indirect.gather [hbm4b:s2+s3], $0x40, s31, s3, $0xb8;
	[tilespmem:$0x9900] =	vst v63  }
0x451: {  	_ =	swait.ge [sflag:s6], $0x2000  }
0x452: {  	[sflag:s6] =	ssyncset.done $0x0  }
0x453: {  	s1 =	rddreg [dreg:$0xe];
	[sflag:s6] =	ssyncadd.s32 $0xFFFFE000  }
0x454: {  	[hbm4b:s1+s7] =	stream.strided.scatter [tilespmem:s11], [sflag:$0x2], $0x2000, s9, s7, $0x38;
	[tilespmem:$0x9900] =	vst v63  }
0x455: {  	_ =	swait.ge [sflag:s8], $0x2000  }
0x456: {  	s30 =	sld [smem:$0x7EA]  }
0x457: {  	[sflag:s8] =	ssyncset.done $0x0  }
0x458: {  	[sflag:s8] =	ssyncadd.s32 $0xFFFFE000  }
0x459: {  	[tilespmem:s5], [sflag:$0x1] =	stream.indirect.gather [hbm4b:s2+s3], $0x40, s30, s3, $0xb8;
	[tilespmem:$0x9900] =	vst v63  }
0x45a: {  	_ =	swait.ge [sflag:s6], $0x2000  }
0x45b: {  	[sflag:s6] =	ssyncset.done $0x0  }
0x45c: {  	s31 =	rddreg [dreg:$0xf];
	[sflag:s6] =	ssyncadd.s32 $0xFFFFE000  }
0x45d: {  	[hbm4b:s31+s7] =	stream.strided.scatter [tilespmem:s10], [sflag:$0x2], $0x2000, s9, s7, $0x38;
	[tilespmem:$0x9900] =	vst v63  }
0x45e: {  	_ =	swait.ge [sflag:s8], $0x2000  }
0x45f: {  	s1 =	sld [smem:$0x7EB]  }
0x460: {  	[sflag:s8] =	ssyncset.done $0x0  }
0x461: {  	[sflag:s8] =	ssyncadd.s32 $0xFFFFE000  }
0x462: {  	[tilespmem:s4], [sflag:$0x1] =	stream.indirect.gather [hbm4b:s2+s3], $0x40, s1, s3, $0xb8;
	[tilespmem:$0x9900] =	vst v63  }
0x463: {  	_ =	swait.ge [sflag:s6], $0x2000  }
0x464: {  	[sflag:s6] =	ssyncset.done $0x0  }
0x465: {  	s30 =	rddreg [dreg:$0x10];
	[sflag:s6] =	ssyncadd.s32 $0xFFFFE000  }
0x466: {  	[hbm4b:s30+s7] =	stream.strided.scatter [tilespmem:s5], [sflag:$0x2], $0x2000, s9, s7, $0x38;
	[tilespmem:$0x9900] =	vst v63  }
0x467: {  	_ =	swait.ge [sflag:s8], $0x2000  }
0x468: {  	s31 =	sld [smem:$0x7EC]  }
0x469: {  	[sflag:s8] =	ssyncset.done $0x0  }
0x46a: {  	[sflag:s8] =	ssyncadd.s32 $0xFFFFE000  }
0x46b: {  	[tilespmem:s11], [sflag:$0x1] =	stream.indirect.gather [hbm4b:s2+s3], $0x40, s31, s3, $0xb8;
	[tilespmem:$0x9900] =	vst v63  }
0x46c: {  	_ =	swait.ge [sflag:s6], $0x2000  }
0x46d: {  	[sflag:s6] =	ssyncset.done $0x0  }
0x46e: {  	s1 =	rddreg [dreg:$0x11];
	[sflag:s6] =	ssyncadd.s32 $0xFFFFE000  }
0x46f: {  	[hbm4b:s1+s7] =	stream.strided.scatter [tilespmem:s4], [sflag:$0x2], $0x2000, s9, s7, $0x38;
	[tilespmem:$0x9900] =	vst v63  }
0x470: {  	_ =	swait.ge [sflag:s8], $0x2000  }
0x471: {  	s30 =	sld [smem:$0x7ED]  }
0x472: {  	[sflag:s8] =	ssyncset.done $0x0  }
0x473: {  	[sflag:s8] =	ssyncadd.s32 $0xFFFFE000  }
0x474: {  	[tilespmem:s10], [sflag:$0x1] =	stream.indirect.gather [hbm4b:s2+s3], $0x40, s30, s3, $0xb8;
	[tilespmem:$0x9900] =	vst v63  }
0x475: {  	_ =	swait.ge [sflag:s6], $0x2000  }
0x476: {  	[sflag:s6] =	ssyncset.done $0x0  }
0x477: {  	s31 =	rddreg [dreg:$0x12];
	[sflag:s6] =	ssyncadd.s32 $0xFFFFE000  }
0x478: {  	[hbm4b:s31+s7] =	stream.strided.scatter [tilespmem:s11], [sflag:$0x2], $0x2000, s9, s7, $0x38;
	[tilespmem:$0x9900] =	vst v63  }
0x479: {  	_ =	swait.ge [sflag:s8], $0x2000  }
0x47a: {  	s1 =	sld [smem:$0x7EE]  }
0x47b: {  	[sflag:s8] =	ssyncset.done $0x0  }
0x47c: {  	[sflag:s8] =	ssyncadd.s32 $0xFFFFE000  }
0x47d: {  	[tilespmem:s5], [sflag:$0x1] =	stream.indirect.gather [hbm4b:s2+s3], $0x40, s1, s3, $0xb8;
	[tilespmem:$0x9900] =	vst v63  }
0x47e: {  	_ =	swait.ge [sflag:s6], $0x2000  }
0x47f: {  	[sflag:s6] =	ssyncset.done $0x0  }
0x480: {  	s30 =	rddreg [dreg:$0x13];
	[sflag:s6] =	ssyncadd.s32 $0xFFFFE000  }
0x481: {  	[hbm4b:s30+s7] =	stream.strided.scatter [tilespmem:s10], [sflag:$0x2], $0x2000, s9, s7, $0x38;
	[tilespmem:$0x9900] =	vst v63  }
0x482: {  	_ =	swait.ge [sflag:s8], $0x2000  }
0x483: {  	s31 =	sld [smem:$0x7EF]  }
0x484: {  	[sflag:s8] =	ssyncset.done $0x0  }
0x485: {  	[sflag:s8] =	ssyncadd.s32 $0xFFFFE000  }
0x486: {  	[tilespmem:s4], [sflag:$0x1] =	stream.indirect.gather [hbm4b:s2+s3], $0x40, s31, s3, $0xb8;
	[tilespmem:$0x9900] =	vst v63  }
0x487: {  	_ =	swait.ge [sflag:s6], $0x2000  }
0x488: {  	[sflag:s6] =	ssyncset.done $0x0  }
0x489: {  	s1 =	rddreg [dreg:$0x14];
	[sflag:s6] =	ssyncadd.s32 $0xFFFFE000  }
0x48a: {  	[hbm4b:s1+s7] =	stream.strided.scatter [tilespmem:s5], [sflag:$0x2], $0x2000, s9, s7, $0x38;
	[tilespmem:$0x9900] =	vst v63  }
0x48b: {  	_ =	swait.ge [sflag:s8], $0x2000  }
0x48c: {  	s30 =	sld [smem:$0x7F0]  }
0x48d: {  	[sflag:s8] =	ssyncset.done $0x0  }
0x48e: {  	[sflag:s8] =	ssyncadd.s32 $0xFFFFE000  }
0x48f: {  	[tilespmem:s11], [sflag:$0x1] =	stream.indirect.gather [hbm4b:s2+s3], $0x40, s30, s3, $0xb8;
	[tilespmem:$0x9900] =	vst v63  }
0x490: {  	_ =	swait.ge [sflag:s6], $0x2000  }
0x491: {  	[sflag:s6] =	ssyncset.done $0x0  }
0x492: {  	s31 =	rddreg [dreg:$0x15];
	[sflag:s6] =	ssyncadd.s32 $0xFFFFE000  }
0x493: {  	[hbm4b:s31+s7] =	stream.strided.scatter [tilespmem:s4], [sflag:$0x2], $0x2000, s9, s7, $0x38;
	[tilespmem:$0x9900] =	vst v63  }
0x494: {  	_ =	swait.ge [sflag:s8], $0x2000  }
0x495: {  	s1 =	sld [smem:$0x7F1]  }
0x496: {  	[sflag:s8] =	ssyncset.done $0x0  }
0x497: {  	[sflag:s8] =	ssyncadd.s32 $0xFFFFE000  }
0x498: {  	[tilespmem:s10], [sflag:$0x1] =	stream.indirect.gather [hbm4b:s2+s3], $0x40, s1, s3, $0xb8;
	[tilespmem:$0x9900] =	vst v63  }
0x499: {  	_ =	swait.ge [sflag:s6], $0x2000  }
0x49a: {  	[sflag:s6] =	ssyncset.done $0x0  }
0x49b: {  	s30 =	rddreg [dreg:$0x16];
	[sflag:s6] =	ssyncadd.s32 $0xFFFFE000  }
0x49c: {  	[hbm4b:s30+s7] =	stream.strided.scatter [tilespmem:s11], [sflag:$0x2], $0x2000, s9, s7, $0x38;
	[tilespmem:$0x9900] =	vst v63  }
0x49d: {  	_ =	swait.ge [sflag:s8], $0x2000  }
0x49e: {  	s31 =	sld [smem:$0x7F2]  }
0x49f: {  	[sflag:s8] =	ssyncset.done $0x0  }
0x4a0: {  	[sflag:s8] =	ssyncadd.s32 $0xFFFFE000  }
0x4a1: {  	[tilespmem:s5], [sflag:$0x1] =	stream.indirect.gather [hbm4b:s2+s3], $0x40, s31, s3, $0xb8;
	[tilespmem:$0x9900] =	vst v63  }
0x4a2: {  	_ =	swait.ge [sflag:s6], $0x2000  }
0x4a3: {  	[sflag:s6] =	ssyncset.done $0x0  }
0x4a4: {  	s1 =	rddreg [dreg:$0x17];
	[sflag:s6] =	ssyncadd.s32 $0xFFFFE000  }
0x4a5: {  	[hbm4b:s1+s7] =	stream.strided.scatter [tilespmem:s10], [sflag:$0x2], $0x2000, s9, s7, $0x38;
	[tilespmem:$0x9900] =	vst v63  }
0x4a6: {  	_ =	swait.ge [sflag:s8], $0x2000  }
0x4a7: {  	s30 =	sld [smem:$0x7F3]  }
0x4a8: {  	[sflag:s8] =	ssyncset.done $0x0  }
0x4a9: {  	[sflag:s8] =	ssyncadd.s32 $0xFFFFE000  }
0x4aa: {  	[tilespmem:s4], [sflag:$0x1] =	stream.indirect.gather [hbm4b:s2+s3], $0x40, s30, s3, $0xb8;
	[tilespmem:$0x9900] =	vst v63  }
0x4ab: {  	_ =	swait.ge [sflag:s6], $0x2000  }
0x4ac: {  	[sflag:s6] =	ssyncset.done $0x0  }
0x4ad: {  	s31 =	rddreg [dreg:$0x18];
	[sflag:s6] =	ssyncadd.s32 $0xFFFFE000  }
0x4ae: {  	[hbm4b:s31+s7] =	stream.strided.scatter [tilespmem:s5], [sflag:$0x2], $0x2000, s9, s7, $0x38;
	[tilespmem:$0x9900] =	vst v63  }
0x4af: {  	_ =	swait.ge [sflag:s8], $0x2000  }
0x4b0: {  	s1 =	sld [smem:$0x7F4]  }
0x4b1: {  	[sflag:s8] =	ssyncset.done $0x0  }
0x4b2: {  	[sflag:s8] =	ssyncadd.s32 $0xFFFFE000  }
0x4b3: {  	[tilespmem:s11], [sflag:$0x1] =	stream.indirect.gather [hbm4b:s2+s3], $0x40, s1, s3, $0xb8;
	[tilespmem:$0x9900] =	vst v63  }
0x4b4: {  	_ =	swait.ge [sflag:s6], $0x2000  }
0x4b5: {  	[sflag:s6] =	ssyncset.done $0x0  }
0x4b6: {  	s30 =	rddreg [dreg:$0x19];
	[sflag:s6] =	ssyncadd.s32 $0xFFFFE000  }
0x4b7: {  	[hbm4b:s30+s7] =	stream.strided.scatter [tilespmem:s4], [sflag:$0x2], $0x2000, s9, s7, $0x38;
	[tilespmem:$0x9900] =	vst v63  }
0x4b8: {  	_ =	swait.ge [sflag:s8], $0x2000  }
0x4b9: {  	s31 =	sld [smem:$0x7F5]  }
0x4ba: {  	[sflag:s8] =	ssyncset.done $0x0  }
0x4bb: {  	[sflag:s8] =	ssyncadd.s32 $0xFFFFE000  }
0x4bc: {  	[tilespmem:s10], [sflag:$0x1] =	stream.indirect.gather [hbm4b:s2+s3], $0x40, s31, s3, $0xb8;
	[tilespmem:$0x9900] =	vst v63  }
0x4bd: {  	_ =	swait.ge [sflag:s6], $0x2000  }
0x4be: {  	[sflag:s6] =	ssyncset.done $0x0  }
0x4bf: {  	s1 =	rddreg [dreg:$0x1a];
	[sflag:s6] =	ssyncadd.s32 $0xFFFFE000  }
0x4c0: {  	[hbm4b:s1+s7] =	stream.strided.scatter [tilespmem:s11], [sflag:$0x2], $0x2000, s9, s7, $0x38;
	[tilespmem:$0x9900] =	vst v63  }
0x4c1: {  	_ =	swait.ge [sflag:s8], $0x2000  }
0x4c2: {  	s30 =	sld [smem:$0x7F6]  }
0x4c3: {  	[sflag:s8] =	ssyncset.done $0x0  }
0x4c4: {  	[sflag:s8] =	ssyncadd.s32 $0xFFFFE000  }
0x4c5: {  	[tilespmem:s5], [sflag:$0x1] =	stream.indirect.gather [hbm4b:s2+s3], $0x40, s30, s3, $0xb8;
	[tilespmem:$0x9900] =	vst v63  }
0x4c6: {  	_ =	swait.ge [sflag:s6], $0x2000  }
0x4c7: {  	[sflag:s6] =	ssyncset.done $0x0  }
0x4c8: {  	s31 =	rddreg [dreg:$0x1b];
	[sflag:s6] =	ssyncadd.s32 $0xFFFFE000  }
0x4c9: {  	[hbm4b:s31+s7] =	stream.strided.scatter [tilespmem:s10], [sflag:$0x2], $0x2000, s9, s7, $0x38;
	[tilespmem:$0x9900] =	vst v63  }
0x4ca: {  	_ =	swait.ge [sflag:s8], $0x2000  }
0x4cb: {  	[sflag:s8] =	ssyncset.done $0x0  }
0x4cc: {  	[sflag:s8] =	ssyncadd.s32 $0xFFFFE000  }
0x4cd: {  	[tilespmem:s4], [sflag:$0x1] =	stream.indirect.gather [hbm4b:s2+s3], $0x40, s9, s3, $0xb8;
	[tilespmem:$0x9900] =	vst v63  }
0x4ce: {  	_ =	swait.ge [sflag:s6], $0x2000  }
0x4cf: {  	[sflag:s6] =	ssyncset.done $0x0  }
0x4d0: {  	s1 =	rddreg [dreg:$0x1c];
	[sflag:s6] =	ssyncadd.s32 $0xFFFFE000  }
0x4d1: {  	[hbm4b:s1+s7] =	stream.strided.scatter [tilespmem:s5], [sflag:$0x2], $0x2000, s9, s7, $0x38;
	[tilespmem:$0x9900] =	vst v63  }
0x4d2: {  	_ =	swait.ge [sflag:s8], $0x2000  }
0x4d3: {  	s30 =	sld [smem:$0x7F7]  }
0x4d4: {  	[sflag:s8] =	ssyncset.done $0x0  }
0x4d5: {  	[sflag:s8] =	ssyncadd.s32 $0xFFFFE000  }
0x4d6: {  	[tilespmem:s11], [sflag:$0x1] =	stream.indirect.gather [hbm4b:s2+s3], $0x40, s30, s3, $0xb8;
	[tilespmem:$0x9900] =	vst v63  }
0x4d7: {  	_ =	swait.ge [sflag:s6], $0x2000  }
0x4d8: {  	[sflag:s6] =	ssyncset.done $0x0  }
0x4d9: {  	s31 =	rddreg [dreg:$0x1d];
	[sflag:s6] =	ssyncadd.s32 $0xFFFFE000  }
0x4da: {  	[hbm4b:s31+s7] =	stream.strided.scatter [tilespmem:s4], [sflag:$0x2], $0x2000, s9, s7, $0x38;
	[tilespmem:$0x9900] =	vst v63  }
0x4db: {  	_ =	swait.ge [sflag:s8], $0x2000  }
0x4dc: {  	s1 =	sld [smem:$0x7F8]  }
0x4dd: {  	[sflag:s8] =	ssyncset.done $0x0  }
0x4de: {  	[sflag:s8] =	ssyncadd.s32 $0xFFFFE000  }
0x4df: {  	[tilespmem:s10], [sflag:$0x1] =	stream.indirect.gather [hbm4b:s2+s3], $0x40, s1, s3, $0xb8;
	[tilespmem:$0x9900] =	vst v63  }
0x4e0: {  	_ =	swait.ge [sflag:s6], $0x2000  }
0x4e1: {  	[sflag:s6] =	ssyncset.done $0x0  }
0x4e2: {  	s30 =	rddreg [dreg:$0x1e];
	[sflag:s6] =	ssyncadd.s32 $0xFFFFE000  }
0x4e3: {  	[hbm4b:s30+s7] =	stream.strided.scatter [tilespmem:s11], [sflag:$0x2], $0x2000, s9, s7, $0x38;
	[tilespmem:$0x9900] =	vst v63  }
0x4e4: {  	_ =	swait.ge [sflag:s8], $0x2000  }
0x4e5: {  	s31 =	sld [smem:$0x7F9]  }
0x4e6: {  	[sflag:s8] =	ssyncset.done $0x0  }
0x4e7: {  	[sflag:s8] =	ssyncadd.s32 $0xFFFFE000  }
0x4e8: {  	[tilespmem:s5], [sflag:$0x1] =	stream.indirect.gather [hbm4b:s2+s3], $0x40, s31, s3, $0xb8;
	[tilespmem:$0x9900] =	vst v63  }
0x4e9: {  	_ =	swait.ge [sflag:s6], $0x2000  }
0x4ea: {  	[sflag:s6] =	ssyncset.done $0x0  }
0x4eb: {  	s1 =	rddreg [dreg:$0x1f];
	[sflag:s6] =	ssyncadd.s32 $0xFFFFE000  }
0x4ec: {  	[hbm4b:s1+s7] =	stream.strided.scatter [tilespmem:s10], [sflag:$0x2], $0x2000, s9, s7, $0x38;
	[tilespmem:$0x9900] =	vst v63  }
0x4ed: {  	_ =	swait.ge [sflag:s8], $0x2000  }
0x4ee: {  	s30 =	sld [smem:$0x7FA]  }
0x4ef: {  	[sflag:s8] =	ssyncset.done $0x0  }
0x4f0: {  	[sflag:s8] =	ssyncadd.s32 $0xFFFFE000  }
0x4f1: {  	[tilespmem:s4], [sflag:$0x1] =	stream.indirect.gather [hbm4b:s2+s3], $0x40, s30, s3, $0xb8;
	[tilespmem:$0x9900] =	vst v63  }
0x4f2: {  	_ =	swait.ge [sflag:s6], $0x2000  }
0x4f3: {  	s31 =	sld [smem:$0x7CA]  }
0x4f4: {  	[sflag:s6] =	ssyncset.done $0x0  }
0x4f5: {  	[sflag:s6] =	ssyncadd.s32 $0xFFFFE000  }
0x4f6: {  	[hbm4b:s31+s7] =	stream.strided.scatter [tilespmem:s5], [sflag:$0x2], $0x2000, s9, s7, $0x38;
	[tilespmem:$0x9900] =	vst v63  }
0x4f7: {  	_ =	swait.ge [sflag:s8], $0x2000  }
0x4f8: {  	s1 =	sld [smem:$0x7FB]  }
0x4f9: {  	[sflag:s8] =	ssyncset.done $0x0  }
0x4fa: {  	[sflag:s8] =	ssyncadd.s32 $0xFFFFE000  }
0x4fb: {  	[tilespmem:s11], [sflag:$0x1] =	stream.indirect.gather [hbm4b:s2+s3], $0x40, s1, s3, $0xb8;
	[tilespmem:$0x9900] =	vst v63  }
0x4fc: {  	_ =	swait.ge [sflag:s6], $0x2000  }
0x4fd: {  	s30 =	sld [smem:$0x7CB]  }
0x4fe: {  	[sflag:s6] =	ssyncset.done $0x0  }
0x4ff: {  	[sflag:s6] =	ssyncadd.s32 $0xFFFFE000  }
0x500: {  	[hbm4b:s30+s7] =	stream.strided.scatter [tilespmem:s4], [sflag:$0x2], $0x2000, s9, s7, $0x38;
	[tilespmem:$0x9900] =	vst v63  }
0x501: {  	_ =	swait.ge [sflag:s8], $0x2000  }
0x502: {  	s31 =	sld [smem:$0x7FC]  }
0x503: {  	[sflag:s8] =	ssyncset.done $0x0  }
0x504: {  	[sflag:s8] =	ssyncadd.s32 $0xFFFFE000  }
0x505: {  	[tilespmem:s10], [sflag:$0x1] =	stream.indirect.gather [hbm4b:s2+s3], $0x40, s31, s3, $0xb8;
	[tilespmem:$0x9900] =	vst v63  }
0x506: {  	_ =	swait.ge [sflag:s6], $0x2000  }
0x507: {  	s1 =	sld [smem:$0x7CC]  }
0x508: {  	[sflag:s6] =	ssyncset.done $0x0  }
0x509: {  	[sflag:s6] =	ssyncadd.s32 $0xFFFFE000  }
0x50a: {  	[hbm4b:s1+s7] =	stream.strided.scatter [tilespmem:s11], [sflag:$0x2], $0x2000, s9, s7, $0x38;
	[tilespmem:$0x9900] =	vst v63  }
0x50b: {  	_ =	swait.ge [sflag:s8], $0x2000  }
0x50c: {  	[sflag:s8] =	ssyncset.done $0x0  }
0x50d: {  	[sflag:s8] =	ssyncadd.s32 $0xFFFFE000  }
0x50e: {  	[tilespmem:s5], [sflag:$0x1] =	stream.indirect.gather [hbm4b:s2+s3], $0x40, s26, s3, $0xb8;
	[tilespmem:$0x9900] =	vst v63  }
0x50f: {  	_ =	swait.ge [sflag:s6], $0x2000  }
0x510: {  	s30 =	sld [smem:$0x7CD]  }
0x511: {  	[sflag:s6] =	ssyncset.done $0x0  }
0x512: {  	[sflag:s6] =	ssyncadd.s32 $0xFFFFE000  }
0x513: {  	[hbm4b:s30+s7] =	stream.strided.scatter [tilespmem:s10], [sflag:$0x2], $0x2000, s9, s7, $0x38;
	[tilespmem:$0x9900] =	vst v63  }
0x514: {  	_ =	swait.ge [sflag:s8], $0x2000  }
0x515: {  	s31 =	sld [smem:$0x7FD]  }
0x516: {  	[sflag:s8] =	ssyncset.done $0x0  }
0x517: {  	[sflag:s8] =	ssyncadd.s32 $0xFFFFE000  }
0x518: {  	[tilespmem:s4], [sflag:$0x1] =	stream.indirect.gather [hbm4b:s2+s3], $0x40, s31, s3, $0xb8;
	[tilespmem:$0x9900] =	vst v63  }
0x519: {  	_ =	swait.ge [sflag:s6], $0x2000  }
0x51a: {  	s1 =	sld [smem:$0x7CE]  }
0x51b: {  	[sflag:s6] =	ssyncset.done $0x0  }
0x51c: {  	[sflag:s6] =	ssyncadd.s32 $0xFFFFE000  }
0x51d: {  	[hbm4b:s1+s7] =	stream.strided.scatter [tilespmem:s5], [sflag:$0x2], $0x2000, s9, s7, $0x38;
	[tilespmem:$0x9900] =	vst v63  }
0x51e: {  	_ =	swait.ge [sflag:s8], $0x2000  }
0x51f: {  	[sflag:s8] =	ssyncset.done $0x0  }
0x520: {  	[sflag:s8] =	ssyncadd.s32 $0xFFFFE000  }
0x521: {  	[tilespmem:s11], [sflag:$0x1] =	stream.indirect.gather [hbm4b:s2+s3], $0x40, s13, s3, $0xb8;
	[tilespmem:$0x9900] =	vst v63  }
0x522: {  	_ =	swait.ge [sflag:s6], $0x2000  }
0x523: {  	s13 =	sld [smem:$0x7CF]  }
0x524: {  	[sflag:s6] =	ssyncset.done $0x0  }
0x525: {  	[sflag:s6] =	ssyncadd.s32 $0xFFFFE000  }
0x526: {  	[hbm4b:s13+s7] =	stream.strided.scatter [tilespmem:s4], [sflag:$0x2], $0x2000, s9, s7, $0x38;
	[tilespmem:$0x9900] =	vst v63  }
0x527: {  	_ =	swait.ge [sflag:s8], $0x2000  }
0x528: {  	[sflag:s8] =	ssyncset.done $0x0  }
0x529: {  	[sflag:s8] =	ssyncadd.s32 $0xFFFFE000  }
0x52a: {  	[tilespmem:s10], [sflag:$0x1] =	stream.indirect.gather [hbm4b:s2+s3], $0x40, s29, s3, $0xb8;
	[tilespmem:$0x9900] =	vst v63  }
0x52b: {  	_ =	swait.ge [sflag:s6], $0x2000  }
0x52c: {  	s26 =	sld [smem:$0x7D0]  }
0x52d: {  	[sflag:s6] =	ssyncset.done $0x0  }
0x52e: {  	[sflag:s6] =	ssyncadd.s32 $0xFFFFE000  }
0x52f: {  	[hbm4b:s26+s7] =	stream.strided.scatter [tilespmem:s11], [sflag:$0x2], $0x2000, s9, s7, $0x38;
	[tilespmem:$0x9900] =	vst v63  }
0x530: {  	_ =	swait.ge [sflag:s8], $0x2000  }
0x531: {  	[sflag:s8] =	ssyncset.done $0x0  }
0x532: {  	[sflag:s8] =	ssyncadd.s32 $0xFFFFE000  }
0x533: {  	[tilespmem:s5], [sflag:$0x1] =	stream.indirect.gather [hbm4b:s2+s3], $0x40, s28, s3, $0xb8;
	[tilespmem:$0x9900] =	vst v63  }
0x534: {  	_ =	swait.ge [sflag:s6], $0x2000  }
0x535: {  	s28 =	sld [smem:$0x7D1]  }
0x536: {  	[sflag:s6] =	ssyncset.done $0x0  }
0x537: {  	[sflag:s6] =	ssyncadd.s32 $0xFFFFE000  }
0x538: {  	[hbm4b:s28+s7] =	stream.strided.scatter [tilespmem:s10], [sflag:$0x2], $0x2000, s9, s7, $0x38;
	[tilespmem:$0x9900] =	vst v63  }
0x539: {  	_ =	swait.ge [sflag:s8], $0x2000  }
0x53a: {  	[sflag:s8] =	ssyncset.done $0x0  }
0x53b: {  	[sflag:s8] =	ssyncadd.s32 $0xFFFFE000  }
0x53c: {  	[tilespmem:s4], [sflag:$0x1] =	stream.indirect.gather [hbm4b:s2+s3], $0x40, s25, s3, $0xb8;
	[tilespmem:$0x9900] =	vst v63  }
0x53d: {  	_ =	swait.ge [sflag:s6], $0x2000  }
0x53e: {  	s29 =	sld [smem:$0x7D2]  }
0x53f: {  	[sflag:s6] =	ssyncset.done $0x0  }
0x540: {  	[sflag:s6] =	ssyncadd.s32 $0xFFFFE000  }
0x541: {  	[hbm4b:s29+s7] =	stream.strided.scatter [tilespmem:s5], [sflag:$0x2], $0x2000, s9, s7, $0x38;
	[tilespmem:$0x9900] =	vst v63  }
0x542: {  	_ =	swait.ge [sflag:s8], $0x2000  }
0x543: {  	[sflag:s8] =	ssyncset.done $0x0  }
0x544: {  	[sflag:s8] =	ssyncadd.s32 $0xFFFFE000  }
0x545: {  	[tilespmem:s11], [sflag:$0x1] =	stream.indirect.gather [hbm4b:s2+s3], $0x40, s24, s3, $0xb8;
	[tilespmem:$0x9900] =	vst v63  }
0x546: {  	_ =	swait.ge [sflag:s6], $0x2000  }
0x547: {  	s30 =	sld [smem:$0x7D3]  }
0x548: {  	[sflag:s6] =	ssyncset.done $0x0  }
0x549: {  	[sflag:s6] =	ssyncadd.s32 $0xFFFFE000  }
0x54a: {  	[hbm4b:s30+s7] =	stream.strided.scatter [tilespmem:s4], [sflag:$0x2], $0x2000, s9, s7, $0x38;
	[tilespmem:$0x9900] =	vst v63  }
0x54b: {  	_ =	swait.ge [sflag:s8], $0x2000  }
0x54c: {  	[sflag:s8] =	ssyncset.done $0x0  }
0x54d: {  	[sflag:s8] =	ssyncadd.s32 $0xFFFFE000  }
0x54e: {  	[tilespmem:s10], [sflag:$0x1] =	stream.indirect.gather [hbm4b:s2+s3], $0x40, s23, s3, $0xb8;
	[tilespmem:$0x9900] =	vst v63  }
0x54f: {  	_ =	swait.ge [sflag:s6], $0x2000  }
0x550: {  	s31 =	sld [smem:$0x7D4]  }
0x551: {  	[sflag:s6] =	ssyncset.done $0x0  }
0x552: {  	[sflag:s6] =	ssyncadd.s32 $0xFFFFE000  }
0x553: {  	[hbm4b:s31+s7] =	stream.strided.scatter [tilespmem:s11], [sflag:$0x2], $0x2000, s9, s7, $0x38;
	[tilespmem:$0x9900] =	vst v63  }
0x554: {  	_ =	swait.ge [sflag:s8], $0x2000  }
0x555: {  	[sflag:s8] =	ssyncset.done $0x0  }
0x556: {  	[sflag:s8] =	ssyncadd.s32 $0xFFFFE000  }
0x557: {  	[tilespmem:s5], [sflag:$0x1] =	stream.indirect.gather [hbm4b:s2+s3], $0x40, s22, s3, $0xb8;
	[tilespmem:$0x9900] =	vst v63  }
0x558: {  	_ =	swait.ge [sflag:s6], $0x2000  }
0x559: {  	s1 =	sld [smem:$0x7D5]  }
0x55a: {  	[sflag:s6] =	ssyncset.done $0x0  }
0x55b: {  	[sflag:s6] =	ssyncadd.s32 $0xFFFFE000  }
0x55c: {  	[hbm4b:s1+s7] =	stream.strided.scatter [tilespmem:s10], [sflag:$0x2], $0x2000, s9, s7, $0x38;
	[tilespmem:$0x9900] =	vst v63  }
0x55d: {  	_ =	swait.ge [sflag:s8], $0x2000  }
0x55e: {  	[sflag:s8] =	ssyncset.done $0x0  }
0x55f: {  	[sflag:s8] =	ssyncadd.s32 $0xFFFFE000  }
0x560: {  	[tilespmem:s4], [sflag:$0x1] =	stream.indirect.gather [hbm4b:s2+s3], $0x40, s21, s3, $0xb8;
	[tilespmem:$0x9900] =	vst v63  }
0x561: {  	_ =	swait.ge [sflag:s6], $0x2000  }
0x562: {  	s13 =	sld [smem:$0x7D6]  }
0x563: {  	[sflag:s6] =	ssyncset.done $0x0  }
0x564: {  	[sflag:s6] =	ssyncadd.s32 $0xFFFFE000  }
0x565: {  	[hbm4b:s13+s7] =	stream.strided.scatter [tilespmem:s5], [sflag:$0x2], $0x2000, s9, s7, $0x38;
	[tilespmem:$0x9900] =	vst v63  }
0x566: {  	_ =	swait.ge [sflag:s8], $0x2000  }
0x567: {  	[sflag:s8] =	ssyncset.done $0x0  }
0x568: {  	[sflag:s8] =	ssyncadd.s32 $0xFFFFE000  }
0x569: {  	[tilespmem:s11], [sflag:$0x1] =	stream.indirect.gather [hbm4b:s2+s3], $0x40, s20, s3, $0xb8;
	[tilespmem:$0x9900] =	vst v63  }
0x56a: {  	_ =	swait.ge [sflag:s6], $0x2000  }
0x56b: {  	s21 =	sld [smem:$0x7D7]  }
0x56c: {  	[sflag:s6] =	ssyncset.done $0x0  }
0x56d: {  	[sflag:s6] =	ssyncadd.s32 $0xFFFFE000  }
0x56e: {  	[hbm4b:s21+s7] =	stream.strided.scatter [tilespmem:s4], [sflag:$0x2], $0x2000, s9, s7, $0x38;
	[tilespmem:$0x9900] =	vst v63  }
0x56f: {  	_ =	swait.ge [sflag:s8], $0x2000  }
0x570: {  	[sflag:s8] =	ssyncset.done $0x0  }
0x571: {  	[sflag:s8] =	ssyncadd.s32 $0xFFFFE000  }
0x572: {  	[tilespmem:s10], [sflag:$0x1] =	stream.indirect.gather [hbm4b:s2+s3], $0x40, s19, s3, $0xb8;
	[tilespmem:$0x9900] =	vst v63  }
0x573: {  	_ =	swait.ge [sflag:s6], $0x2000  }
0x574: {  	s22 =	sld [smem:$0x7D8]  }
0x575: {  	[sflag:s6] =	ssyncset.done $0x0  }
0x576: {  	[sflag:s6] =	ssyncadd.s32 $0xFFFFE000  }
0x577: {  	[hbm4b:s22+s7] =	stream.strided.scatter [tilespmem:s11], [sflag:$0x2], $0x2000, s9, s7, $0x38;
	[tilespmem:$0x9900] =	vst v63  }
0x578: {  	_ =	swait.ge [sflag:s8], $0x2000  }
0x579: {  	[sflag:s8] =	ssyncset.done $0x0  }
0x57a: {  	[sflag:s8] =	ssyncadd.s32 $0xFFFFE000  }
0x57b: {  	[tilespmem:s5], [sflag:$0x1] =	stream.indirect.gather [hbm4b:s2+s3], $0x40, s18, s3, $0xb8;
	[tilespmem:$0x9900] =	vst v63  }
0x57c: {  	_ =	swait.ge [sflag:s6], $0x2000  }
0x57d: {  	s23 =	sld [smem:$0x7D9]  }
0x57e: {  	[sflag:s6] =	ssyncset.done $0x0  }
0x57f: {  	[sflag:s6] =	ssyncadd.s32 $0xFFFFE000  }
0x580: {  	[hbm4b:s23+s7] =	stream.strided.scatter [tilespmem:s10], [sflag:$0x2], $0x2000, s9, s7, $0x38;
	[tilespmem:$0x9900] =	vst v63  }
0x581: {  	_ =	swait.ge [sflag:s8], $0x2000  }
0x582: {  	[sflag:s8] =	ssyncset.done $0x0  }
0x583: {  	[sflag:s8] =	ssyncadd.s32 $0xFFFFE000  }
0x584: {  	[tilespmem:s4], [sflag:$0x1] =	stream.indirect.gather [hbm4b:s2+s3], $0x40, s17, s3, $0xb8;
	[tilespmem:$0x9900] =	vst v63  }
0x585: {  	_ =	swait.ge [sflag:s6], $0x2000  }
0x586: {  	s24 =	sld [smem:$0x7DA]  }
0x587: {  	[sflag:s6] =	ssyncset.done $0x0  }
0x588: {  	[sflag:s6] =	ssyncadd.s32 $0xFFFFE000  }
0x589: {  	[hbm4b:s24+s7] =	stream.strided.scatter [tilespmem:s5], [sflag:$0x2], $0x2000, s9, s7, $0x38;
	[tilespmem:$0x9900] =	vst v63  }
0x58a: {  	_ =	swait.ge [sflag:s8], $0x2000  }
0x58b: {  	[sflag:s8] =	ssyncset.done $0x0  }
0x58c: {  	[sflag:s8] =	ssyncadd.s32 $0xFFFFE000  }
0x58d: {  	[tilespmem:s11], [sflag:$0x1] =	stream.indirect.gather [hbm4b:s2+s3], $0x40, s16, s3, $0xb8;
	[tilespmem:$0x9900] =	vst v63  }
0x58e: {  	_ =	swait.ge [sflag:s6], $0x2000  }
0x58f: {  	s25 =	sld [smem:$0x7DB]  }
0x590: {  	[sflag:s6] =	ssyncset.done $0x0  }
0x591: {  	[sflag:s6] =	ssyncadd.s32 $0xFFFFE000  }
0x592: {  	[hbm4b:s25+s7] =	stream.strided.scatter [tilespmem:s4], [sflag:$0x2], $0x2000, s9, s7, $0x38;
	[tilespmem:$0x9900] =	vst v63  }
0x593: {  	_ =	swait.ge [sflag:s8], $0x2000  }
0x594: {  	[sflag:s8] =	ssyncset.done $0x0  }
0x595: {  	[sflag:s8] =	ssyncadd.s32 $0xFFFFE000  }
0x596: {  	[tilespmem:s10], [sflag:$0x1] =	stream.indirect.gather [hbm4b:s2+s3], $0x40, s15, s3, $0xb8;
	[tilespmem:$0x9900] =	vst v63  }
0x597: {  	_ =	swait.ge [sflag:s6], $0x2000  }
0x598: {  	s26 =	sld [smem:$0x7DC]  }
0x599: {  	[sflag:s6] =	ssyncset.done $0x0  }
0x59a: {  	[sflag:s6] =	ssyncadd.s32 $0xFFFFE000  }
0x59b: {  	[hbm4b:s26+s7] =	stream.strided.scatter [tilespmem:s11], [sflag:$0x2], $0x2000, s9, s7, $0x38;
	[tilespmem:$0x9900] =	vst v63  }
0x59c: {  	_ =	swait.ge [sflag:s8], $0x2000  }
0x59d: {  	[sflag:s8] =	ssyncset.done $0x0  }
0x59e: {  	[sflag:s8] =	ssyncadd.s32 $0xFFFFE000  }
0x59f: {  	[tilespmem:s5], [sflag:$0x1] =	stream.indirect.gather [hbm4b:s2+s3], $0x40, s14, s3, $0xb8;
	[tilespmem:$0x9900] =	vst v63  }
0x5a0: {  	_ =	swait.ge [sflag:s6], $0x2000  }
0x5a1: {  	s28 =	sld [smem:$0x7DD]  }
0x5a2: {  	[sflag:s6] =	ssyncset.done $0x0  }
0x5a3: {  	[sflag:s6] =	ssyncadd.s32 $0xFFFFE000  }
0x5a4: {  	[hbm4b:s28+s7] =	stream.strided.scatter [tilespmem:s10], [sflag:$0x2], $0x2000, s9, s7, $0x38;
	[tilespmem:$0x9900] =	vst v63  }
0x5a5: {  	_ =	swait.ge [sflag:s8], $0x2000  }
0x5a6: {  	[sflag:s8] =	ssyncset.done $0x0  }
0x5a7: {  	s29 =	simm.s32 $0x1880;
	[sflag:s8] =	ssyncadd.s32 $0xFFFFE000  }
0x5a8: {  	[tilespmem:s4], [sflag:$0x1] =	stream.indirect.gather [hbm4b:s2+s3], $0x40, s29, s3, $0xb8;
	[tilespmem:$0x9900] =	vst v63  }
0x5a9: {  	_ =	swait.ge [sflag:s6], $0x2000  }
0x5aa: {  	s30 =	sld [smem:$0x7DE]  }
0x5ab: {  	[sflag:s6] =	ssyncset.done $0x0  }
0x5ac: {  	[sflag:s6] =	ssyncadd.s32 $0xFFFFE000  }
0x5ad: {  	[hbm4b:s30+s7] =	stream.strided.scatter [tilespmem:s5], [sflag:$0x2], $0x2000, s9, s7, $0x38;
	[tilespmem:$0x9900] =	vst v63  }
0x5ae: {  	_ =	swait.ge [sflag:s6], $0x2000  }
0x5af: {  	s31 =	sld [smem:$0x7DF]  }
0x5b0: {  	[sflag:s6] =	ssyncset.done $0x0  }
0x5b1: {  	[sflag:s6] =	ssyncadd.s32 $0xFFFFE000  }
0x5b2: {  	[hbm4b:s31+s7] =	stream.strided.scatter [tilespmem:s4], [sflag:$0x2], $0x2000, s9, s7, $0x38;
	[tilespmem:$0x9900] =	vst v63  }
0x5b3: {  	_ =	swait.ge [sflag:s8], $0x2000  }
0x5b4: {  	[sflag:s8] =	ssyncset.done $0x0  }
0x5b5: {  	[sflag:s8] =	ssyncadd.s32 $0xFFFFE000  }
0x5b6: {  	_ =	swait.ge [sflag:s8], $0x2000  }
0x5b7: {  	[sflag:s8] =	ssyncset.done $0x0  }
0x5b8: {  	[sflag:s8] =	ssyncadd.s32 $0xFFFFE000  }
0x5b9: {  	_ =	swait.ge [sflag:s8], $0x2000  }
0x5ba: {  	[sflag:s8] =	ssyncset.done $0x0  }
0x5bb: {  	[sflag:s8] =	ssyncadd.s32 $0xFFFFE000  }
0x5bc: {  	_ =	swait.ge [sflag:s8], $0x2000  }
0x5bd: {  	[sflag:s8] =	ssyncset.done $0x0  }
0x5be: {  	[sflag:s8] =	ssyncadd.s32 $0xFFFFE000  }
0x5bf: {  	_ =	sfence.sel $0x180000  }
0x5c0: {  	[bflag:$0x0] =	sbarrier.arrive $0xFFFF  }
0x5c1: {  	_ =	strace $0x90000047  }
0x5c2: {  	[bflag:$0x2] =	sbarrier.arrive $0xFFFF  }
0x5c3: {  	p0 =	sne.s32 s12, $0x0;
	s0 =	rddreg [dreg:$0x2]  }
0x5c4: {  	s0 =	sadd.s32 @!p0 $0x100000, s0  }
0x5c5: {  	[sflag:s0] =	ssyncadd.tile.s32 @!p0 $0x1;
	_ =	shalt  }
.LBB2_1:
0x5c6: {  	s13 =	simm.s32 $0x1100  }
.Ltmp3:
0x5c7: {  	s29 =	simm.s32 $0x1180;
	s28 =	simm.s32 $0x1200;
	(pc) =	sbr.rel .LBB2_6-.Ltmp3, $4  }
0x5c8: {  	s25 =	simm.s32 $0x1280;
	s24 =	simm.s32 $0x1300;
	s23 =	simm.s32 $0x1380  }
0x5c9: {  	s22 =	simm.s32 $0x1400;
	s21 =	simm.s32 $0x1480;
	s20 =	simm.s32 $0x1500  }
0x5ca: {  	s19 =	simm.s32 $0x1580;
	s18 =	simm.s32 $0x1600;
	s17 =	simm.s32 $0x1680  }
0x5cb: {  	s16 =	simm.s32 $0x1700;
	s15 =	simm.s32 $0x1780;
	s14 =	simm.s32 $0x1800  }
.LBB2_3:
0x5cc: {  	s13 =	simm.s32 $0x1100;
	s29 =	simm.s32 $0x1180  }
.Ltmp4:
0x5cd: {  	s28 =	simm.s32 $0x1200;
	s25 =	simm.s32 $0x1280;
	(pc) =	sbr.rel .LBB2_6-.Ltmp4, $4  }
0x5ce: {  	s24 =	simm.s32 $0x1300;
	s23 =	simm.s32 $0x1380;
	s22 =	simm.s32 $0x1400  }
0x5cf: {  	s21 =	simm.s32 $0x1480;
	s20 =	simm.s32 $0x1500;
	s19 =	simm.s32 $0x1580  }
0x5d0: {  	s18 =	simm.s32 $0x1600;
	s17 =	simm.s32 $0x1680;
	s16 =	simm.s32 $0x1700  }
0x5d1: {  	s15 =	simm.s32 $0x1780;
	s14 =	simm.s32 $0x1800;
	s12 =	stileid.u32  }
.Lfunc_end2:
_tile_overlayer_lowered:
.L_overlay_start_2:
0x5d2: {  	(tag) =	ssettag $0x2  }
0x5d3: {  	s0 =	rddreg [dreg:$0x0];
	s2 =	stileid.u32  }
0x5d4: {  	s1 =	rddreg [dreg:$0x1];
	p0 =	sne.s32 s2, $0x0  }
0x5d5: {  	s3 =	rddreg [dreg:$0x2];
	[bflag:$0x3] =	sbarrier.arrive $0xFFFF;
	s2 =	simm.s32 @!p0 $0x1C03  }
0x5d6: {  	[timem:s3], [sflag:s2] =	dma.local @!p0 [hbm:s0], s1  }
0x5d7: {  	s0 =	simm.s32 @!p0 $0x3  }
0x5d8: {  	_ =	swait.ge @!p0 [sflag:s0], s1  }
0x5d9: {  	s1 =	ssub.s32 @!p0 $0x0, s1;
	[sflag:s0] =	ssyncset.done @!p0 $0x0  }
0x5da: {  	[sflag:s0] =	ssyncadd.s32 @!p0 s1  }
0x5db: {  	[bflag:$0x3] =	sbarrier.arrive $0xFFFF  }
0x5dc: {  	_ =	shalt  }

</sc_bundles>
